<compile_context>
chip_gen: v7x
topology: tpu7x:2x2x1
jax: 0.10.2.dev20260603
libtpu: 0.0.44.dev20260713+nightly
codegen_flags: <defaults>
</compile_context>

<pallas_src>
import functools

import jax
import jax.numpy as jnp
from jax import lax
from jax.experimental import pallas as pl
from jax.experimental.pallas import tpu as pltpu
from jax.experimental.pallas import tpu_sc as plsc

_M, _H, _K = 160000, 128, 6
_DEPTH = 2
_NLOG2E = -1.0
_HW = _H // 2

_BM = 2000
_NBLK = _M // _BM

_NC, _NS = 2, 16
_NW = _NC * _NS
_ROWS_W = _M // _NW
_CH = 20
_GI = _CH * _K
_NCH = _ROWS_W // _CH


def _dotT(x, w):
    return lax.dot_general(x, w, (((1,), (1,)), ((), ())),
                           preferred_element_type=jnp.float32)


def _exp_neg(x):
    return jnp.exp(jnp.minimum(-x, 20.0))


def _pack_words(x):
    rn = lambda v: v.astype(jnp.bfloat16).astype(jnp.float32)
    return pltpu.pack_elementwise(
        [rn(x[:, :_HW]), rn(x[:, _HW:])], packed_dtype=jnp.bfloat16)


def _unpack_words(x):
    un = lambda i: pltpu.unpack_elementwise(
        x, index=i, packed_dtype=jnp.bfloat16, unpacked_dtype=jnp.float32)
    return jnp.concatenate([un(0), un(1)], axis=1)


def _pre_body(lf_ref, msg_ref, wz_ref, wr_ref, ur_ref, urb_ref, wh_ref,
              r1_ref, lfzh_ref, mcat_ref):
    lf = lf_ref[...]
    msg = msg_ref[...]
    wz = wz_ref[...]
    wh = wh_ref[...]
    r1_ref[...] = _pack_words(_exp_neg(_dotT(lf, wr_ref[...])))
    lfzh_ref[...] = jnp.concatenate(
        [_dotT(lf, wz[:, :_H]), _dotT(lf, wh[:, :_H])], axis=1)
    mcat_ref[...] = jnp.concatenate(
        [_pack_words(msg),
         _pack_words(_exp_neg(_dotT(msg, ur_ref[...]) + urb_ref[...]))],
        axis=1)


def _tc_pre(lf, msgs, Wz_w, Wr_w, Ur_w, Ur_b2, Wh_w):
    row = lambda i: (i, 0)
    rep = lambda i: (0, 0)
    return pl.pallas_call(
        _pre_body,
        grid=(_NBLK,),
        in_specs=[
            pl.BlockSpec((_BM, _H), row),
            pl.BlockSpec((_BM, _H), row),
            pl.BlockSpec((_H, 2 * _H), rep),
            pl.BlockSpec((_H, _H), rep),
            pl.BlockSpec((_H, _H), rep),
            pl.BlockSpec((1, _H), rep),
            pl.BlockSpec((_H, 2 * _H), rep),
        ],
        out_specs=[
            pl.BlockSpec((_BM, _HW), row),
            pl.BlockSpec((_BM, 2 * _H), row),
            pl.BlockSpec((_BM, _H), row),
        ],
        out_shape=[
            jax.ShapeDtypeStruct((_M, _HW), jnp.int32),
            jax.ShapeDtypeStruct((_M, 2 * _H), jnp.float32),
            jax.ShapeDtypeStruct((_M, _H), jnp.int32),
        ],
    )(lf, msgs, Wz_w, Wr_w, Ur_w, Ur_b2, Wh_w)


def _post_body(with_mu, sums_ref, lfzh_ref, wz_ref, wh_ref, ur_ref,
               wzb_ref, whb_ref, urb_ref, out_ref):
    sums = sums_ref[...]
    sm = _unpack_words(sums[:, :_HW])
    sg = _unpack_words(sums[:, _HW:])
    lfzh = lfzh_ref[...]
    z = jax.nn.sigmoid(lfzh[:, :_H] + _dotT(sm, wz_ref[...][:, _H:])
                       + wzb_ref[...])
    pre = jnp.tanh(lfzh[:, _H:] + _dotT(sg, wh_ref[...][:, _H:])
                   + whb_ref[...])
    mnew = (1.0 - z) * sm + z * pre
    rows = lax.broadcasted_iota(jnp.int32, (_BM, 1), 0)
    mnew = jnp.where((pl.program_id(0) == 0) & (rows == 0), 0.0, mnew)
    if with_mu:
        out_ref[...] = jnp.concatenate(
            [_pack_words(mnew),
             _pack_words(_exp_neg(_dotT(mnew, ur_ref[...])
                                  + urb_ref[...]))], axis=1)
    else:
        out_ref[...] = mnew


def _tc_post(sums, lfzh, Wz_w, Wh_w, Ur_w, Wz_b2, Wh_b2, Ur_b2, with_mu):
    row = lambda i: (i, 0)
    rep = lambda i: (0, 0)
    out_w = _H if with_mu else _H
    return pl.pallas_call(
        functools.partial(_post_body, with_mu),
        grid=(_NBLK,),
        in_specs=[
            pl.BlockSpec((_BM, _H), row),
            pl.BlockSpec((_BM, 2 * _H), row),
            pl.BlockSpec((_H, 2 * _H), rep),
            pl.BlockSpec((_H, 2 * _H), rep),
            pl.BlockSpec((_H, _H), rep),
            pl.BlockSpec((1, _H), rep),
            pl.BlockSpec((1, _H), rep),
            pl.BlockSpec((1, _H), rep),
        ],
        out_specs=pl.BlockSpec((_BM, out_w), row),
        out_shape=jax.ShapeDtypeStruct(
            (_M, out_w), jnp.int32 if with_mu else jnp.float32),
    )(sums, lfzh, Wz_w, Wh_w, Ur_w, Wz_b2, Wh_b2, Ur_b2)


def _sc_body(mcat_hbm, r1_hbm, idx_hbm, out_hbm,
             idx_all, rows0, rows1, r1b0, r1b1, sums0, sums1,
             g0, g1, r0, r1s, s0, s1):
    wid = lax.axis_index("s") * _NC + lax.axis_index("c")
    wbase = wid * _ROWS_W
    pltpu.sync_copy(idx_hbm.at[pl.ds(wbase * _K, _ROWS_W * _K)], idx_all)

    def fetch(c, rows_b, r1_b, gsem, rsem):
        pltpu.async_copy(
            r1_hbm.at[pl.ds((wbase + c * _CH) * _HW, _CH * _HW)], r1_b,
            rsem)
        pltpu.async_copy(
            mcat_hbm.at[idx_all.at[pl.ds(c * _GI, _GI)]], rows_b, gsem)

    def wait_fetch(c, rows_b, r1_b, gsem, rsem):
        pltpu.make_async_copy(
            r1_hbm.at[pl.ds((wbase + c * _CH) * _HW, _CH * _HW)], r1_b,
            rsem).wait()
        pltpu.make_async_copy(
            mcat_hbm.at[idx_all.at[pl.ds(c * _GI, _GI)]], rows_b,
            gsem).wait()

    def compute(c, rows_b, r1_b, sums_b):
        bf = jnp.bfloat16

        def rowfn(i2, carry2):
            for r in range(2):
                i = 2 * i2 + r
                i6 = i * _K
                for g in range(_H // 32):
                    sl = pl.ds(g * 16, 16)
                    slu = pl.ds(_HW + g * 16, 16)
                    r1v = plsc.bitcast(
                        r1_b[pl.ds(i * _HW + g * 16, 16)], bf)
                    mvs = [plsc.bitcast(rows_b[i6 + k, sl], bf)
                           for k in range(_K)]
                    uvs = [plsc.bitcast(rows_b[i6 + k, slu], bf)
                           for k in range(_K)]
                    gs = [mvs[k] / (1.0 + r1v * uvs[k])
                          for k in range(_K)]
                    acc_m = ((mvs[0] + mvs[1]) + (mvs[2] + mvs[3])
                             + (mvs[4] + mvs[5]))
                    acc_g = ((gs[0] + gs[1]) + (gs[2] + gs[3])
                             + (gs[4] + gs[5]))
                    base = i * _H + g * 16
                    sums_b[pl.ds(base, 16)] = plsc.bitcast(acc_m, jnp.int32)
                    sums_b[pl.ds(base + _HW, 16)] = (
                        plsc.bitcast(acc_g, jnp.int32))
            return carry2
        lax.fori_loop(0, _CH // 2, rowfn, 0)

    def store(c, sums_b, ssem):
        pltpu.async_copy(
            sums_b,
            out_hbm.at[pl.ds((wbase + c * _CH) * _H, _CH * _H)],
            ssem)

    def wait_store(c, sums_b, ssem):
        pltpu.make_async_copy(
            sums_b,
            out_hbm.at[pl.ds((wbase + c * _CH) * _H, _CH * _H)],
            ssem).wait()

    fetch(0, rows0, r1b0, g0, r0)
    fetch(1, rows1, r1b1, g1, r1s)

    def pair(t, carry):
        c0 = 2 * t
        c1 = c0 + 1
        wait_fetch(c0, rows0, r1b0, g0, r0)

        @pl.when(t > 0)
        def _():
            wait_store(c0 - 2, sums0, s0)

        compute(c0, rows0, r1b0, sums0)
        store(c0, sums0, s0)

        @pl.when(t < _NCH // 2 - 1)
        def _():
            fetch(c0 + 2, rows0, r1b0, g0, r0)

        wait_fetch(c1, rows1, r1b1, g1, r1s)

        @pl.when(t > 0)
        def _():
            wait_store(c1 - 2, sums1, s1)

        compute(c1, rows1, r1b1, sums1)
        store(c1, sums1, s1)

        @pl.when(t < _NCH // 2 - 1)
        def _():
            fetch(c1 + 2, rows1, r1b1, g1, r1s)

        return carry

    lax.fori_loop(0, _NCH // 2, pair, 0)
    wait_store(_NCH - 2, sums0, s0)
    wait_store(_NCH - 1, sums1, s1)


def _sc_gate(mcat, r1, idx):
    fn = functools.partial(
        pl.kernel,
        mesh=plsc.VectorSubcoreMesh(core_axis_name="c", subcore_axis_name="s"),
        compiler_params=pltpu.CompilerParams(needs_layout_passes=False),
        out_type=jax.ShapeDtypeStruct((_M * _H,), jnp.int32),
        scratch_types=[
            pltpu.VMEM((_ROWS_W * _K,), jnp.int32),
            pltpu.VMEM((_GI, _H), jnp.int32),
            pltpu.VMEM((_GI, _H), jnp.int32),
            pltpu.VMEM((_CH * _HW,), jnp.int32),
            pltpu.VMEM((_CH * _HW,), jnp.int32),
            pltpu.VMEM((_CH * _H,), jnp.int32),
            pltpu.VMEM((_CH * _H,), jnp.int32),
            pltpu.SemaphoreType.DMA,
            pltpu.SemaphoreType.DMA,
            pltpu.SemaphoreType.DMA,
            pltpu.SemaphoreType.DMA,
            pltpu.SemaphoreType.DMA,
            pltpu.SemaphoreType.DMA,
        ],
    )(_sc_body)
    return fn(mcat, r1.reshape(-1), idx).reshape(_M, _H)


def kernel(messages, local_field, mess_graph, Wz_w, Wz_b, Wr_w, Ur_w, Ur_b,
           Wh_w, Wh_b):
    Wz_b2 = Wz_b.reshape(1, _H)
    Wh_b2 = Wh_b.reshape(1, _H)
    Ur_b2 = Ur_b.reshape(1, _H)
    idx = mess_graph.reshape(-1)

    r1, lfzh, mcat = _tc_pre(local_field, messages, Wz_w, Wr_w, Ur_w,
                             Ur_b2, Wh_w)
    for d in range(_DEPTH):
        sums = _sc_gate(mcat, r1, idx)
        with_mu = d < _DEPTH - 1
        mcat = _tc_post(sums, lfzh, Wz_w, Wh_w, Ur_w, Wz_b2, Wh_b2, Ur_b2,
                        with_mu)
    return mcat

# --- scband reference (transcript-rebuilt; emitter-appended) ---
"""Pipeline reference for scband-graph-gru-12721693130980 (READ-ONLY COPY).

The authoritative reference and input builder live on the scoring server;
editing this copy changes nothing except your own understanding.
"""

import jax, jax.numpy as jnp
import numpy as np

DEPTH = 2
M, H, K = 160000, 128, 6

def setup_inputs(seed: int = 0):
    key = jax.random.key(seed)
    ks = jax.random.split(key, 12)
    messages = jax.random.normal(ks[0], (M, H), dtype=jnp.float32)
    local_field = jax.random.normal(ks[1], (M, H), dtype=jnp.float32)
    mess_graph = jax.random.randint(ks[2], (M, K), 0, M, dtype=jnp.int32)
    s2h = 1.0 / np.sqrt(2 * H)
    sh = 1.0 / np.sqrt(H)
    Wz_w = jax.random.uniform(ks[3], (H, 2 * H), minval=-s2h, maxval=s2h, dtype=jnp.float32)
    Wz_b = jax.random.uniform(ks[4], (H,), minval=-s2h, maxval=s2h, dtype=jnp.float32)
    Wr_w = jax.random.uniform(ks[5], (H, H), minval=-sh, maxval=sh, dtype=jnp.float32)
    Ur_w = jax.random.uniform(ks[6], (H, H), minval=-sh, maxval=sh, dtype=jnp.float32)
    Ur_b = jax.random.uniform(ks[7], (H,), minval=-sh, maxval=sh, dtype=jnp.float32)
    Wh_w = jax.random.uniform(ks[8], (H, 2 * H), minval=-s2h, maxval=s2h, dtype=jnp.float32)
    Wh_b = jax.random.uniform(ks[9], (H,), minval=-s2h, maxval=s2h, dtype=jnp.float32)
    return {"messages": messages, "local_field": local_field, "mess_graph": mess_graph,
            "Wz_w": Wz_w, "Wz_b": Wz_b, "Wr_w": Wr_w, "Ur_w": Ur_w, "Ur_b": Ur_b,
            "Wh_w": Wh_w, "Wh_b": Wh_b}

def reference(messages, local_field, mess_graph, Wz_w, Wz_b, Wr_w, Ur_w, Ur_b, Wh_w, Wh_b):
    mask = jnp.ones((messages.shape[0], 1), dtype=messages.dtype).at[0, 0].set(0.0)
    m = messages
    for _ in range(DEPTH):
        msg_nei = jnp.take(m, mess_graph, axis=0)            # [M, K, H] gather (index_select_ND)
        sum_msg = msg_nei.sum(axis=1)                        # [M, H]
        z_input = jnp.concatenate([local_field, sum_msg], axis=1)
        z = jax.nn.sigmoid(z_input @ Wz_w.T + Wz_b)
        r_1 = (local_field @ Wr_w.T)[:, None, :]             # [M, 1, H]
        r_2 = msg_nei @ Ur_w.T + Ur_b                        # [M, K, H]
        r = jax.nn.sigmoid(r_1 + r_2)
        sum_gated = (r * msg_nei).sum(axis=1)                # [M, H]
        msg_input = jnp.concatenate([local_field, sum_gated], axis=1)
        pre_msg = jnp.tanh(msg_input @ Wh_w.T + Wh_b)
        m = (1.0 - z) * sum_msg + z * pre_msg
        m = m * mask
    return m

if __name__ == "__main__":
    import jax
    _d = setup_inputs()
    print(jax.jit(kernel)(*tuple(_d.values())))

</pallas_src>

<mosaic_0001>
#map = affine_map<(d0, d1) -> (0, 0)>
#map1 = affine_map<(d0, d1) -> (0)>
module attributes {stable_mosaic.version = 14 : i64} {
  func.func @_sc_body(%arg0: i32, %arg1: i32, %arg2: memref<160000x128xi32, #tpu.memory_space<hbm>>, %arg3: memref<10240000xi32, #tpu.memory_space<hbm>>, %arg4: memref<960000xi32, #tpu.memory_space<hbm>>, %arg5: memref<20480000xi32, #tpu.memory_space<hbm>>, %arg6: memref<30000xi32, #tpu.memory_space<vmem>>, %arg7: memref<120x128xi32, #tpu.memory_space<vmem>>, %arg8: memref<120x128xi32, #tpu.memory_space<vmem>>, %arg9: memref<1280xi32, #tpu.memory_space<vmem>>, %arg10: memref<1280xi32, #tpu.memory_space<vmem>>, %arg11: memref<2560xi32, #tpu.memory_space<vmem>>, %arg12: memref<2560xi32, #tpu.memory_space<vmem>>, %arg13: memref<!tpu.dma_semaphore, #tpu.memory_space<semaphore_mem>>, %arg14: memref<!tpu.dma_semaphore, #tpu.memory_space<semaphore_mem>>, %arg15: memref<!tpu.dma_semaphore, #tpu.memory_space<semaphore_mem>>, %arg16: memref<!tpu.dma_semaphore, #tpu.memory_space<semaphore_mem>>, %arg17: memref<!tpu.dma_semaphore, #tpu.memory_space<semaphore_mem>>, %arg18: memref<!tpu.dma_semaphore, #tpu.memory_space<semaphore_mem>>) attributes {dimension_semantics = [#tpu.dimension_semantics<core_parallel>, #tpu.dimension_semantics<subcore_parallel>], iteration_bounds = array<i64: 2, 16>, scalar_prefetch = 0 : i64, scratch_operands = 13 : i64, tpu.core_type = #tpu.core_type<sc_vector_subcore>, window_params = [{transform_indices = #map}, {transform_indices = #map1}, {transform_indices = #map1}, {transform_indices = #map1}]} {
    %mul3A = arith.constant 2 : i32
    %mul3A_0 = arith.muli %arg1, %mul3A : i32
    %add3A = arith.addi %mul3A_0, %arg0 : i32
    %mul3A_1 = arith.constant 5000 : i32
    %mul3A_2 = arith.muli %add3A, %mul3A_1 : i32
    %mul3A_3 = arith.constant 6 : i32
    %mul3A_4 = arith.muli %mul3A_2, %mul3A_3 : i32
    "tpu.region"() ({
      %run_scoped3A = tpu.sem_alloc : memref<!tpu.dma_semaphore, #tpu.memory_space<semaphore_mem>>
      %dma_start3A_42 = tpu.memref_slice %arg4[%mul3A_4] : memref<960000xi32, #tpu.memory_space<hbm>> -> memref<30000xi32, #tpu.memory_space<hbm>>
      %dma_start3A_43 = tpu.memref_slice %arg4[%mul3A_4] : memref<960000xi32, #tpu.memory_space<hbm>> -> memref<30000xi32, #tpu.memory_space<hbm>>
      tpu.enqueue_dma source(%dma_start3A_43 : memref<30000xi32, #tpu.memory_space<hbm>>) target(%arg6 : memref<30000xi32, #tpu.memory_space<vmem>>) target_semaphore(%run_scoped3A : memref<!tpu.dma_semaphore, #tpu.memory_space<semaphore_mem>>)
      %dma_wait3A_44 = tpu.memref_slice %arg4[%mul3A_4] : memref<960000xi32, #tpu.memory_space<hbm>> -> memref<30000xi32, #tpu.memory_space<hbm>>
      %dma_wait3A_45 = tpu.memref_slice %arg4[%mul3A_4] : memref<960000xi32, #tpu.memory_space<hbm>> -> memref<30000xi32, #tpu.memory_space<hbm>>
      tpu.wait_dma2 semaphore(%run_scoped3A : memref<!tpu.dma_semaphore, #tpu.memory_space<semaphore_mem>>) src(%dma_wait3A_45 : memref<30000xi32, #tpu.memory_space<hbm>>) dst(%arg6 : memref<30000xi32, #tpu.memory_space<vmem>>)
      tpu.yield
    }) : () -> ()
    %add3A_5 = arith.constant 0 : i32
    %add3A_6 = arith.addi %mul3A_2, %add3A_5 : i32
    %mul3A_7 = arith.constant 64 : i32
    %mul3A_8 = arith.muli %add3A_6, %mul3A_7 : i32
    %dma_start3A = tpu.memref_slice %arg3[%mul3A_8] : memref<10240000xi32, #tpu.memory_space<hbm>> -> memref<1280xi32, #tpu.memory_space<hbm>>
    %dma_start3A_9 = tpu.memref_slice %arg3[%mul3A_8] : memref<10240000xi32, #tpu.memory_space<hbm>> -> memref<1280xi32, #tpu.memory_space<hbm>>
    tpu.enqueue_dma source(%dma_start3A_9 : memref<1280xi32, #tpu.memory_space<hbm>>) target(%arg9 : memref<1280xi32, #tpu.memory_space<vmem>>) target_semaphore(%arg15 : memref<!tpu.dma_semaphore, #tpu.memory_space<semaphore_mem>>)
    %dma_start3A_10 = arith.constant 0 : i32
    %dma_start3A_11 = tpu.memref_slice %arg6[%dma_start3A_10] : memref<30000xi32, #tpu.memory_space<vmem>> -> memref<120xi32, #tpu.memory_space<vmem>>
    %dma_start3A_12 = arith.constant 0 : i32
    %dma_start3A_13 = arith.constant 0 : i32
    %dma_start3A_14 = tpu.memref_slice %arg2[%dma_start3A_12, %dma_start3A_13] : memref<160000x128xi32, #tpu.memory_space<hbm>> -> memref<160000x128xi32, #tpu.memory_space<hbm>>
    tpu.enqueue_indirect_dma source(%dma_start3A_14 : memref<160000x128xi32, #tpu.memory_space<hbm>>) target(%arg7 : memref<120x128xi32, #tpu.memory_space<vmem>>) offsets(%dma_start3A_11 : memref<120xi32, #tpu.memory_space<vmem>>) semaphore(%arg13 : memref<!tpu.dma_semaphore, #tpu.memory_space<semaphore_mem>>)
    %add3A_15 = arith.constant 20 : i32
    %add3A_16 = arith.addi %mul3A_2, %add3A_15 : i32
    %mul3A_17 = arith.constant 64 : i32
    %mul3A_18 = arith.muli %add3A_16, %mul3A_17 : i32
    %dma_start3A_19 = tpu.memref_slice %arg3[%mul3A_18] : memref<10240000xi32, #tpu.memory_space<hbm>> -> memref<1280xi32, #tpu.memory_space<hbm>>
    %dma_start3A_20 = tpu.memref_slice %arg3[%mul3A_18] : memref<10240000xi32, #tpu.memory_space<hbm>> -> memref<1280xi32, #tpu.memory_space<hbm>>
    tpu.enqueue_dma source(%dma_start3A_20 : memref<1280xi32, #tpu.memory_space<hbm>>) target(%arg10 : memref<1280xi32, #tpu.memory_space<vmem>>) target_semaphore(%arg16 : memref<!tpu.dma_semaphore, #tpu.memory_space<semaphore_mem>>)
    %dma_start3A_21 = arith.constant 120 : i32
    %dma_start3A_22 = tpu.memref_slice %arg6[%dma_start3A_21] : memref<30000xi32, #tpu.memory_space<vmem>> -> memref<120xi32, #tpu.memory_space<vmem>>
    %dma_start3A_23 = arith.constant 0 : i32
    %dma_start3A_24 = arith.constant 0 : i32
    %dma_start3A_25 = tpu.memref_slice %arg2[%dma_start3A_23, %dma_start3A_24] : memref<160000x128xi32, #tpu.memory_space<hbm>> -> memref<160000x128xi32, #tpu.memory_space<hbm>>
    tpu.enqueue_indirect_dma source(%dma_start3A_25 : memref<160000x128xi32, #tpu.memory_space<hbm>>) target(%arg8 : memref<120x128xi32, #tpu.memory_space<vmem>>) offsets(%dma_start3A_22 : memref<120xi32, #tpu.memory_space<vmem>>) semaphore(%arg14 : memref<!tpu.dma_semaphore, #tpu.memory_space<semaphore_mem>>)
    %scan3A = arith.constant 0 : i32
    %scan3A_26 = arith.constant 0 : i32
    %scan3A_27 = arith.constant 125 : i32
    %scan3A_28 = arith.addi %scan3A_26, %scan3A_27 : i32
    %scan3A_29 = arith.constant 1 : i32
    scf.for %scan3A_42 = %scan3A_26 to %scan3A_28 step %scan3A_29  : i32 {
      %mul3A_43 = arith.constant 2 : i32
      %mul3A_44 = arith.muli %mul3A_43, %scan3A_42 : i32
      %add3A_45 = arith.constant 1 : i32
      %add3A_46 = arith.addi %mul3A_44, %add3A_45 : i32
      %mul3A_47 = arith.constant 20 : i32
      %mul3A_48 = arith.muli %mul3A_44, %mul3A_47 : i32
      %add3A_49 = arith.addi %mul3A_2, %mul3A_48 : i32
      %mul3A_50 = arith.constant 64 : i32
      %mul3A_51 = arith.muli %add3A_49, %mul3A_50 : i32
      %dma_wait3A_52 = tpu.memref_slice %arg3[%mul3A_51] : memref<10240000xi32, #tpu.memory_space<hbm>> -> memref<1280xi32, #tpu.memory_space<hbm>>
      %dma_wait3A_53 = tpu.memref_slice %arg3[%mul3A_51] : memref<10240000xi32, #tpu.memory_space<hbm>> -> memref<1280xi32, #tpu.memory_space<hbm>>
      tpu.wait_dma2 semaphore(%arg15 : memref<!tpu.dma_semaphore, #tpu.memory_space<semaphore_mem>>) src(%dma_wait3A_53 : memref<1280xi32, #tpu.memory_space<hbm>>) dst(%arg9 : memref<1280xi32, #tpu.memory_space<vmem>>)
      %mul3A_54 = arith.constant 120 : i32
      %mul3A_55 = arith.muli %mul3A_44, %mul3A_54 : i32
      %dma_wait3A_56 = tpu.memref_slice %arg6[%mul3A_55] : memref<30000xi32, #tpu.memory_space<vmem>> -> memref<120xi32, #tpu.memory_space<vmem>>
      %dma_wait3A_57 = arith.constant 0 : i32
      %dma_wait3A_58 = arith.constant 0 : i32
      %dma_wait3A_59 = tpu.memref_slice %arg2[%dma_wait3A_57, %dma_wait3A_58] : memref<160000x128xi32, #tpu.memory_space<hbm>> -> memref<160000x128xi32, #tpu.memory_space<hbm>>
      tpu.wait_indirect_dma semaphore(%arg13 : memref<!tpu.dma_semaphore, #tpu.memory_space<semaphore_mem>>) src(%dma_wait3A_59 : memref<160000x128xi32, #tpu.memory_space<hbm>>) dst(%arg7 : memref<120x128xi32, #tpu.memory_space<vmem>>)
      %gt3A = arith.constant 0 : i32
      %gt3A_60 = arith.cmpi sgt, %scan3A_42, %gt3A : i32
      %convert_element_type3A = arith.extui %gt3A_60 : i1 to i32
      %cond3A = arith.constant 0 : i32
      %cond3A_61 = arith.cmpi ne, %convert_element_type3A, %cond3A : i32
      scf.if %cond3A_61 {
        %sub3A = arith.constant 2 : i32
        %sub3A_115 = arith.subi %mul3A_44, %sub3A : i32
        %mul3A_116 = arith.constant 20 : i32
        %mul3A_117 = arith.muli %sub3A_115, %mul3A_116 : i32
        %add3A_118 = arith.addi %mul3A_2, %mul3A_117 : i32
        %mul3A_119 = arith.constant 128 : i32
        %mul3A_120 = arith.muli %add3A_118, %mul3A_119 : i32
        %dma_wait3A_121 = tpu.memref_slice %arg5[%mul3A_120] : memref<20480000xi32, #tpu.memory_space<hbm>> -> memref<2560xi32, #tpu.memory_space<hbm>>
        %dma_wait3A_122 = tpu.memref_slice %arg5[%mul3A_120] : memref<20480000xi32, #tpu.memory_space<hbm>> -> memref<2560xi32, #tpu.memory_space<hbm>>
        tpu.wait_dma2 semaphore(%arg17 : memref<!tpu.dma_semaphore, #tpu.memory_space<semaphore_mem>>) src(%arg11 : memref<2560xi32, #tpu.memory_space<vmem>>) dst(%dma_wait3A_122 : memref<2560xi32, #tpu.memory_space<hbm>>)
      } else {
      }
      %scan3A_62 = arith.constant 0 : i32
      %scan3A_63 = arith.constant 0 : i32
      %scan3A_64 = arith.constant 10 : i32
      %scan3A_65 = arith.addi %scan3A_63, %scan3A_64 : i32
      %scan3A_66 = arith.constant 1 : i32
      scf.for %scan3A_115 = %scan3A_63 to %scan3A_65 step %scan3A_66  : i32 {
        %mul3A_116 = arith.constant 2 : i32
        %mul3A_117 = arith.muli %mul3A_116, %scan3A_115 : i32
        %add3A_118 = arith.constant 0 : i32
        %add3A_119 = arith.addi %mul3A_117, %add3A_118 : i32
        %mul3A_120 = arith.constant 6 : i32
        %mul3A_121 = arith.muli %add3A_119, %mul3A_120 : i32
        %mul3A_122 = arith.constant 64 : i32
        %mul3A_123 = arith.muli %add3A_119, %mul3A_122 : i32
        %add3A_124 = arith.constant 0 : i32
        %add3A_125 = arith.addi %mul3A_123, %add3A_124 : i32
        %get3A = arith.index_cast %add3A_125 : i32 to index
        %get3A_126 = tpu.vector_load %arg9[%get3A] {strides = array<i32>} : memref<1280xi32, #tpu.memory_space<vmem>>, vector<16xi32>,
        %bitcast3A = vector.bitcast %get3A_126 : vector<16xi32> to vector<32xbf16>
        %add3A_127 = arith.constant 0 : i32
        %add3A_128 = arith.addi %mul3A_121, %add3A_127 : i32
        %get3A_129 = arith.index_cast %add3A_128 : i32 to index
        %get3A_130 = arith.constant 0 : index
        %get3A_131 = tpu.vector_load %arg7[%get3A_129, %get3A_130] {strides = array<i32>} : memref<120x128xi32, #tpu.memory_space<vmem>>, vector<16xi32>,
        %bitcast3A_132 = vector.bitcast %get3A_131 : vector<16xi32> to vector<32xbf16>
        %add3A_133 = arith.constant 1 : i32
        %add3A_134 = arith.addi %mul3A_121, %add3A_133 : i32
        %get3A_135 = arith.index_cast %add3A_134 : i32 to index
        %get3A_136 = arith.constant 0 : index
        %get3A_137 = tpu.vector_load %arg7[%get3A_135, %get3A_136] {strides = array<i32>} : memref<120x128xi32, #tpu.memory_space<vmem>>, vector<16xi32>,
        %bitcast3A_138 = vector.bitcast %get3A_137 : vector<16xi32> to vector<32xbf16>
        %add3A_139 = arith.constant 2 : i32
        %add3A_140 = arith.addi %mul3A_121, %add3A_139 : i32
        %get3A_141 = arith.index_cast %add3A_140 : i32 to index
        %get3A_142 = arith.constant 0 : index
        %get3A_143 = tpu.vector_load %arg7[%get3A_141, %get3A_142] {strides = array<i32>} : memref<120x128xi32, #tpu.memory_space<vmem>>, vector<16xi32>,
        %bitcast3A_144 = vector.bitcast %get3A_143 : vector<16xi32> to vector<32xbf16>
        %add3A_145 = arith.constant 3 : i32
        %add3A_146 = arith.addi %mul3A_121, %add3A_145 : i32
        %get3A_147 = arith.index_cast %add3A_146 : i32 to index
        %get3A_148 = arith.constant 0 : index
        %get3A_149 = tpu.vector_load %arg7[%get3A_147, %get3A_148] {strides = array<i32>} : memref<120x128xi32, #tpu.memory_space<vmem>>, vector<16xi32>,
        %bitcast3A_150 = vector.bitcast %get3A_149 : vector<16xi32> to vector<32xbf16>
        %add3A_151 = arith.constant 4 : i32
        %add3A_152 = arith.addi %mul3A_121, %add3A_151 : i32
        %get3A_153 = arith.index_cast %add3A_152 : i32 to index
        %get3A_154 = arith.constant 0 : index
        %get3A_155 = tpu.vector_load %arg7[%get3A_153, %get3A_154] {strides = array<i32>} : memref<120x128xi32, #tpu.memory_space<vmem>>, vector<16xi32>,
        %bitcast3A_156 = vector.bitcast %get3A_155 : vector<16xi32> to vector<32xbf16>
        %add3A_157 = arith.constant 5 : i32
        %add3A_158 = arith.addi %mul3A_121, %add3A_157 : i32
        %get3A_159 = arith.index_cast %add3A_158 : i32 to index
        %get3A_160 = arith.constant 0 : index
        %get3A_161 = tpu.vector_load %arg7[%get3A_159, %get3A_160] {strides = array<i32>} : memref<120x128xi32, #tpu.memory_space<vmem>>, vector<16xi32>,
        %bitcast3A_162 = vector.bitcast %get3A_161 : vector<16xi32> to vector<32xbf16>
        %add3A_163 = arith.constant 0 : i32
        %add3A_164 = arith.addi %mul3A_121, %add3A_163 : i32
        %get3A_165 = arith.index_cast %add3A_164 : i32 to index
        %get3A_166 = arith.constant 64 : index
        %get3A_167 = tpu.vector_load %arg7[%get3A_165, %get3A_166] {strides = array<i32>} : memref<120x128xi32, #tpu.memory_space<vmem>>, vector<16xi32>,
        %bitcast3A_168 = vector.bitcast %get3A_167 : vector<16xi32> to vector<32xbf16>
        %add3A_169 = arith.constant 1 : i32
        %add3A_170 = arith.addi %mul3A_121, %add3A_169 : i32
        %get3A_171 = arith.index_cast %add3A_170 : i32 to index
        %get3A_172 = arith.constant 64 : index
        %get3A_173 = tpu.vector_load %arg7[%get3A_171, %get3A_172] {strides = array<i32>} : memref<120x128xi32, #tpu.memory_space<vmem>>, vector<16xi32>,
        %bitcast3A_174 = vector.bitcast %get3A_173 : vector<16xi32> to vector<32xbf16>
        %add3A_175 = arith.constant 2 : i32
        %add3A_176 = arith.addi %mul3A_121, %add3A_175 : i32
        %get3A_177 = arith.index_cast %add3A_176 : i32 to index
        %get3A_178 = arith.constant 64 : index
        %get3A_179 = tpu.vector_load %arg7[%get3A_177, %get3A_178] {strides = array<i32>} : memref<120x128xi32, #tpu.memory_space<vmem>>, vector<16xi32>,
        %bitcast3A_180 = vector.bitcast %get3A_179 : vector<16xi32> to vector<32xbf16>
        %add3A_181 = arith.constant 3 : i32
        %add3A_182 = arith.addi %mul3A_121, %add3A_181 : i32
        %get3A_183 = arith.index_cast %add3A_182 : i32 to index
        %get3A_184 = arith.constant 64 : index
        %get3A_185 = tpu.vector_load %arg7[%get3A_183, %get3A_184] {strides = array<i32>} : memref<120x128xi32, #tpu.memory_space<vmem>>, vector<16xi32>,
        %bitcast3A_186 = vector.bitcast %get3A_185 : vector<16xi32> to vector<32xbf16>
        %add3A_187 = arith.constant 4 : i32
        %add3A_188 = arith.addi %mul3A_121, %add3A_187 : i32
        %get3A_189 = arith.index_cast %add3A_188 : i32 to index
        %get3A_190 = arith.constant 64 : index
        %get3A_191 = tpu.vector_load %arg7[%get3A_189, %get3A_190] {strides = array<i32>} : memref<120x128xi32, #tpu.memory_space<vmem>>, vector<16xi32>,
        %bitcast3A_192 = vector.bitcast %get3A_191 : vector<16xi32> to vector<32xbf16>
        %add3A_193 = arith.constant 5 : i32
        %add3A_194 = arith.addi %mul3A_121, %add3A_193 : i32
        %get3A_195 = arith.index_cast %add3A_194 : i32 to index
        %get3A_196 = arith.constant 64 : index
        %get3A_197 = tpu.vector_load %arg7[%get3A_195, %get3A_196] {strides = array<i32>} : memref<120x128xi32, #tpu.memory_space<vmem>>, vector<16xi32>,
        %bitcast3A_198 = vector.bitcast %get3A_197 : vector<16xi32> to vector<32xbf16>
        %mul3A_199 = arith.mulf %bitcast3A, %bitcast3A_168 : vector<32xbf16>
        %add3A_200 = arith.constant 1.000000e+00 : bf16
        %add3A_201 = vector.broadcast %add3A_200 : bf16 to vector<32xbf16>
        %add3A_202 = arith.addf %add3A_201, %mul3A_199 : vector<32xbf16>
        %div3A = arith.divf %bitcast3A_132, %add3A_202 : vector<32xbf16>
        %mul3A_203 = arith.mulf %bitcast3A, %bitcast3A_174 : vector<32xbf16>
        %add3A_204 = arith.constant 1.000000e+00 : bf16
        %add3A_205 = vector.broadcast %add3A_204 : bf16 to vector<32xbf16>
        %add3A_206 = arith.addf %add3A_205, %mul3A_203 : vector<32xbf16>
        %div3A_207 = arith.divf %bitcast3A_138, %add3A_206 : vector<32xbf16>
        %mul3A_208 = arith.mulf %bitcast3A, %bitcast3A_180 : vector<32xbf16>
        %add3A_209 = arith.constant 1.000000e+00 : bf16
        %add3A_210 = vector.broadcast %add3A_209 : bf16 to vector<32xbf16>
        %add3A_211 = arith.addf %add3A_210, %mul3A_208 : vector<32xbf16>
        %div3A_212 = arith.divf %bitcast3A_144, %add3A_211 : vector<32xbf16>
        %mul3A_213 = arith.mulf %bitcast3A, %bitcast3A_186 : vector<32xbf16>
        %add3A_214 = arith.constant 1.000000e+00 : bf16
        %add3A_215 = vector.broadcast %add3A_214 : bf16 to vector<32xbf16>
        %add3A_216 = arith.addf %add3A_215, %mul3A_213 : vector<32xbf16>
        %div3A_217 = arith.divf %bitcast3A_150, %add3A_216 : vector<32xbf16>
        %mul3A_218 = arith.mulf %bitcast3A, %bitcast3A_192 : vector<32xbf16>
        %add3A_219 = arith.constant 1.000000e+00 : bf16
        %add3A_220 = vector.broadcast %add3A_219 : bf16 to vector<32xbf16>
        %add3A_221 = arith.addf %add3A_220, %mul3A_218 : vector<32xbf16>
        %div3A_222 = arith.divf %bitcast3A_156, %add3A_221 : vector<32xbf16>
        %mul3A_223 = arith.mulf %bitcast3A, %bitcast3A_198 : vector<32xbf16>
        %add3A_224 = arith.constant 1.000000e+00 : bf16
        %add3A_225 = vector.broadcast %add3A_224 : bf16 to vector<32xbf16>
        %add3A_226 = arith.addf %add3A_225, %mul3A_223 : vector<32xbf16>
        %div3A_227 = arith.divf %bitcast3A_162, %add3A_226 : vector<32xbf16>
        %add3A_228 = arith.addf %bitcast3A_132, %bitcast3A_138 : vector<32xbf16>
        %add3A_229 = arith.addf %bitcast3A_144, %bitcast3A_150 : vector<32xbf16>
        %add3A_230 = arith.addf %add3A_228, %add3A_229 : vector<32xbf16>
        %add3A_231 = arith.addf %bitcast3A_156, %bitcast3A_162 : vector<32xbf16>
        %add3A_232 = arith.addf %add3A_230, %add3A_231 : vector<32xbf16>
        %add3A_233 = arith.addf %div3A, %div3A_207 : vector<32xbf16>
        %add3A_234 = arith.addf %div3A_212, %div3A_217 : vector<32xbf16>
        %add3A_235 = arith.addf %add3A_233, %add3A_234 : vector<32xbf16>
        %add3A_236 = arith.addf %div3A_222, %div3A_227 : vector<32xbf16>
        %add3A_237 = arith.addf %add3A_235, %add3A_236 : vector<32xbf16>
        %mul3A_238 = arith.constant 128 : i32
        %mul3A_239 = arith.muli %add3A_119, %mul3A_238 : i32
        %add3A_240 = arith.constant 0 : i32
        %add3A_241 = arith.addi %mul3A_239, %add3A_240 : i32
        %bitcast3A_242 = vector.bitcast %add3A_232 : vector<32xbf16> to vector<16xi32>
        %swap3A = arith.index_cast %add3A_241 : i32 to index
        %swap3A_243 = tpu.vector_load %arg11[%swap3A] {strides = array<i32>} : memref<2560xi32, #tpu.memory_space<vmem>>, vector<16xi32>,
        tpu.vector_store %arg11[%swap3A], %bitcast3A_242 {strides = array<i32>} : memref<2560xi32, #tpu.memory_space<vmem>>, vector<16xi32>,
        %bitcast3A_244 = vector.bitcast %add3A_237 : vector<32xbf16> to vector<16xi32>
        %add3A_245 = arith.constant 64 : i32
        %add3A_246 = arith.addi %add3A_241, %add3A_245 : i32
        %swap3A_247 = arith.index_cast %add3A_246 : i32 to index
        %swap3A_248 = tpu.vector_load %arg11[%swap3A_247] {strides = array<i32>} : memref<2560xi32, #tpu.memory_space<vmem>>, vector<16xi32>,
        tpu.vector_store %arg11[%swap3A_247], %bitcast3A_244 {strides = array<i32>} : memref<2560xi32, #tpu.memory_space<vmem>>, vector<16xi32>,
        %mul3A_249 = arith.constant 64 : i32
        %mul3A_250 = arith.muli %add3A_119, %mul3A_249 : i32
        %add3A_251 = arith.constant 16 : i32
        %add3A_252 = arith.addi %mul3A_250, %add3A_251 : i32
        %get3A_253 = arith.index_cast %add3A_252 : i32 to index
        %get3A_254 = tpu.vector_load %arg9[%get3A_253] {strides = array<i32>} : memref<1280xi32, #tpu.memory_space<vmem>>, vector<16xi32>,
        %bitcast3A_255 = vector.bitcast %get3A_254 : vector<16xi32> to vector<32xbf16>
        %add3A_256 = arith.constant 0 : i32
        %add3A_257 = arith.addi %mul3A_121, %add3A_256 : i32
        %get3A_258 = arith.index_cast %add3A_257 : i32 to index
        %get3A_259 = arith.constant 16 : index
        %get3A_260 = tpu.vector_load %arg7[%get3A_258, %get3A_259] {strides = array<i32>} : memref<120x128xi32, #tpu.memory_space<vmem>>, vector<16xi32>,
        %bitcast3A_261 = vector.bitcast %get3A_260 : vector<16xi32> to vector<32xbf16>
        %add3A_262 = arith.constant 1 : i32
        %add3A_263 = arith.addi %mul3A_121, %add3A_262 : i32
        %get3A_264 = arith.index_cast %add3A_263 : i32 to index
        %get3A_265 = arith.constant 16 : index
        %get3A_266 = tpu.vector_load %arg7[%get3A_264, %get3A_265] {strides = array<i32>} : memref<120x128xi32, #tpu.memory_space<vmem>>, vector<16xi32>,
        %bitcast3A_267 = vector.bitcast %get3A_266 : vector<16xi32> to vector<32xbf16>
        %add3A_268 = arith.constant 2 : i32
        %add3A_269 = arith.addi %mul3A_121, %add3A_268 : i32
        %get3A_270 = arith.index_cast %add3A_269 : i32 to index
        %get3A_271 = arith.constant 16 : index
        %get3A_272 = tpu.vector_load %arg7[%get3A_270, %get3A_271] {strides = array<i32>} : memref<120x128xi32, #tpu.memory_space<vmem>>, vector<16xi32>,
        %bitcast3A_273 = vector.bitcast %get3A_272 : vector<16xi32> to vector<32xbf16>
        %add3A_274 = arith.constant 3 : i32
        %add3A_275 = arith.addi %mul3A_121, %add3A_274 : i32
        %get3A_276 = arith.index_cast %add3A_275 : i32 to index
        %get3A_277 = arith.constant 16 : index
        %get3A_278 = tpu.vector_load %arg7[%get3A_276, %get3A_277] {strides = array<i32>} : memref<120x128xi32, #tpu.memory_space<vmem>>, vector<16xi32>,
        %bitcast3A_279 = vector.bitcast %get3A_278 : vector<16xi32> to vector<32xbf16>
        %add3A_280 = arith.constant 4 : i32
        %add3A_281 = arith.addi %mul3A_121, %add3A_280 : i32
        %get3A_282 = arith.index_cast %add3A_281 : i32 to index
        %get3A_283 = arith.constant 16 : index
        %get3A_284 = tpu.vector_load %arg7[%get3A_282, %get3A_283] {strides = array<i32>} : memref<120x128xi32, #tpu.memory_space<vmem>>, vector<16xi32>,
        %bitcast3A_285 = vector.bitcast %get3A_284 : vector<16xi32> to vector<32xbf16>
        %add3A_286 = arith.constant 5 : i32
        %add3A_287 = arith.addi %mul3A_121, %add3A_286 : i32
        %get3A_288 = arith.index_cast %add3A_287 : i32 to index
        %get3A_289 = arith.constant 16 : index
        %get3A_290 = tpu.vector_load %arg7[%get3A_288, %get3A_289] {strides = array<i32>} : memref<120x128xi32, #tpu.memory_space<vmem>>, vector<16xi32>,
        %bitcast3A_291 = vector.bitcast %get3A_290 : vector<16xi32> to vector<32xbf16>
        %add3A_292 = arith.constant 0 : i32
        %add3A_293 = arith.addi %mul3A_121, %add3A_292 : i32
        %get3A_294 = arith.index_cast %add3A_293 : i32 to index
        %get3A_295 = arith.constant 80 : index
        %get3A_296 = tpu.vector_load %arg7[%get3A_294, %get3A_295] {strides = array<i32>} : memref<120x128xi32, #tpu.memory_space<vmem>>, vector<16xi32>,
        %bitcast3A_297 = vector.bitcast %get3A_296 : vector<16xi32> to vector<32xbf16>
        %add3A_298 = arith.constant 1 : i32
        %add3A_299 = arith.addi %mul3A_121, %add3A_298 : i32
        %get3A_300 = arith.index_cast %add3A_299 : i32 to index
        %get3A_301 = arith.constant 80 : index
        %get3A_302 = tpu.vector_load %arg7[%get3A_300, %get3A_301] {strides = array<i32>} : memref<120x128xi32, #tpu.memory_space<vmem>>, vector<16xi32>,
        %bitcast3A_303 = vector.bitcast %get3A_302 : vector<16xi32> to vector<32xbf16>
        %add3A_304 = arith.constant 2 : i32
        %add3A_305 = arith.addi %mul3A_121, %add3A_304 : i32
        %get3A_306 = arith.index_cast %add3A_305 : i32 to index
        %get3A_307 = arith.constant 80 : index
        %get3A_308 = tpu.vector_load %arg7[%get3A_306, %get3A_307] {strides = array<i32>} : memref<120x128xi32, #tpu.memory_space<vmem>>, vector<16xi32>,
        %bitcast3A_309 = vector.bitcast %get3A_308 : vector<16xi32> to vector<32xbf16>
        %add3A_310 = arith.constant 3 : i32
        %add3A_311 = arith.addi %mul3A_121, %add3A_310 : i32
        %get3A_312 = arith.index_cast %add3A_311 : i32 to index
        %get3A_313 = arith.constant 80 : index
        %get3A_314 = tpu.vector_load %arg7[%get3A_312, %get3A_313] {strides = array<i32>} : memref<120x128xi32, #tpu.memory_space<vmem>>, vector<16xi32>,
        %bitcast3A_315 = vector.bitcast %get3A_314 : vector<16xi32> to vector<32xbf16>
        %add3A_316 = arith.constant 4 : i32
        %add3A_317 = arith.addi %mul3A_121, %add3A_316 : i32
        %get3A_318 = arith.index_cast %add3A_317 : i32 to index
        %get3A_319 = arith.constant 80 : index
        %get3A_320 = tpu.vector_load %arg7[%get3A_318, %get3A_319] {strides = array<i32>} : memref<120x128xi32, #tpu.memory_space<vmem>>, vector<16xi32>,
        %bitcast3A_321 = vector.bitcast %get3A_320 : vector<16xi32> to vector<32xbf16>
        %add3A_322 = arith.constant 5 : i32
        %add3A_323 = arith.addi %mul3A_121, %add3A_322 : i32
        %get3A_324 = arith.index_cast %add3A_323 : i32 to index
        %get3A_325 = arith.constant 80 : index
        %get3A_326 = tpu.vector_load %arg7[%get3A_324, %get3A_325] {strides = array<i32>} : memref<120x128xi32, #tpu.memory_space<vmem>>, vector<16xi32>,
        %bitcast3A_327 = vector.bitcast %get3A_326 : vector<16xi32> to vector<32xbf16>
        %mul3A_328 = arith.mulf %bitcast3A_255, %bitcast3A_297 : vector<32xbf16>
        %add3A_329 = arith.constant 1.000000e+00 : bf16
        %add3A_330 = vector.broadcast %add3A_329 : bf16 to vector<32xbf16>
        %add3A_331 = arith.addf %add3A_330, %mul3A_328 : vector<32xbf16>
        %div3A_332 = arith.divf %bitcast3A_261, %add3A_331 : vector<32xbf16>
        %mul3A_333 = arith.mulf %bitcast3A_255, %bitcast3A_303 : vector<32xbf16>
        %add3A_334 = arith.constant 1.000000e+00 : bf16
        %add3A_335 = vector.broadcast %add3A_334 : bf16 to vector<32xbf16>
        %add3A_336 = arith.addf %add3A_335, %mul3A_333 : vector<32xbf16>
        %div3A_337 = arith.divf %bitcast3A_267, %add3A_336 : vector<32xbf16>
        %mul3A_338 = arith.mulf %bitcast3A_255, %bitcast3A_309 : vector<32xbf16>
        %add3A_339 = arith.constant 1.000000e+00 : bf16
        %add3A_340 = vector.broadcast %add3A_339 : bf16 to vector<32xbf16>
        %add3A_341 = arith.addf %add3A_340, %mul3A_338 : vector<32xbf16>
        %div3A_342 = arith.divf %bitcast3A_273, %add3A_341 : vector<32xbf16>
        %mul3A_343 = arith.mulf %bitcast3A_255, %bitcast3A_315 : vector<32xbf16>
        %add3A_344 = arith.constant 1.000000e+00 : bf16
        %add3A_345 = vector.broadcast %add3A_344 : bf16 to vector<32xbf16>
        %add3A_346 = arith.addf %add3A_345, %mul3A_343 : vector<32xbf16>
        %div3A_347 = arith.divf %bitcast3A_279, %add3A_346 : vector<32xbf16>
        %mul3A_348 = arith.mulf %bitcast3A_255, %bitcast3A_321 : vector<32xbf16>
        %add3A_349 = arith.constant 1.000000e+00 : bf16
        %add3A_350 = vector.broadcast %add3A_349 : bf16 to vector<32xbf16>
        %add3A_351 = arith.addf %add3A_350, %mul3A_348 : vector<32xbf16>
        %div3A_352 = arith.divf %bitcast3A_285, %add3A_351 : vector<32xbf16>
        %mul3A_353 = arith.mulf %bitcast3A_255, %bitcast3A_327 : vector<32xbf16>
        %add3A_354 = arith.constant 1.000000e+00 : bf16
        %add3A_355 = vector.broadcast %add3A_354 : bf16 to vector<32xbf16>
        %add3A_356 = arith.addf %add3A_355, %mul3A_353 : vector<32xbf16>
        %div3A_357 = arith.divf %bitcast3A_291, %add3A_356 : vector<32xbf16>
        %add3A_358 = arith.addf %bitcast3A_261, %bitcast3A_267 : vector<32xbf16>
        %add3A_359 = arith.addf %bitcast3A_273, %bitcast3A_279 : vector<32xbf16>
        %add3A_360 = arith.addf %add3A_358, %add3A_359 : vector<32xbf16>
        %add3A_361 = arith.addf %bitcast3A_285, %bitcast3A_291 : vector<32xbf16>
        %add3A_362 = arith.addf %add3A_360, %add3A_361 : vector<32xbf16>
        %add3A_363 = arith.addf %div3A_332, %div3A_337 : vector<32xbf16>
        %add3A_364 = arith.addf %div3A_342, %div3A_347 : vector<32xbf16>
        %add3A_365 = arith.addf %add3A_363, %add3A_364 : vector<32xbf16>
        %add3A_366 = arith.addf %div3A_352, %div3A_357 : vector<32xbf16>
        %add3A_367 = arith.addf %add3A_365, %add3A_366 : vector<32xbf16>
        %mul3A_368 = arith.constant 128 : i32
        %mul3A_369 = arith.muli %add3A_119, %mul3A_368 : i32
        %add3A_370 = arith.constant 16 : i32
        %add3A_371 = arith.addi %mul3A_369, %add3A_370 : i32
        %bitcast3A_372 = vector.bitcast %add3A_362 : vector<32xbf16> to vector<16xi32>
        %swap3A_373 = arith.index_cast %add3A_371 : i32 to index
        %swap3A_374 = tpu.vector_load %arg11[%swap3A_373] {strides = array<i32>} : memref<2560xi32, #tpu.memory_space<vmem>>, vector<16xi32>,
        tpu.vector_store %arg11[%swap3A_373], %bitcast3A_372 {strides = array<i32>} : memref<2560xi32, #tpu.memory_space<vmem>>, vector<16xi32>,
        %bitcast3A_375 = vector.bitcast %add3A_367 : vector<32xbf16> to vector<16xi32>
        %add3A_376 = arith.constant 64 : i32
        %add3A_377 = arith.addi %add3A_371, %add3A_376 : i32
        %swap3A_378 = arith.index_cast %add3A_377 : i32 to index
        %swap3A_379 = tpu.vector_load %arg11[%swap3A_378] {strides = array<i32>} : memref<2560xi32, #tpu.memory_space<vmem>>, vector<16xi32>,
        tpu.vector_store %arg11[%swap3A_378], %bitcast3A_375 {strides = array<i32>} : memref<2560xi32, #tpu.memory_space<vmem>>, vector<16xi32>,
        %mul3A_380 = arith.constant 64 : i32
        %mul3A_381 = arith.muli %add3A_119, %mul3A_380 : i32
        %add3A_382 = arith.constant 32 : i32
        %add3A_383 = arith.addi %mul3A_381, %add3A_382 : i32
        %get3A_384 = arith.index_cast %add3A_383 : i32 to index
        %get3A_385 = tpu.vector_load %arg9[%get3A_384] {strides = array<i32>} : memref<1280xi32, #tpu.memory_space<vmem>>, vector<16xi32>,
        %bitcast3A_386 = vector.bitcast %get3A_385 : vector<16xi32> to vector<32xbf16>
        %add3A_387 = arith.constant 0 : i32
        %add3A_388 = arith.addi %mul3A_121, %add3A_387 : i32
        %get3A_389 = arith.index_cast %add3A_388 : i32 to index
        %get3A_390 = arith.constant 32 : index
        %get3A_391 = tpu.vector_load %arg7[%get3A_389, %get3A_390] {strides = array<i32>} : memref<120x128xi32, #tpu.memory_space<vmem>>, vector<16xi32>,
        %bitcast3A_392 = vector.bitcast %get3A_391 : vector<16xi32> to vector<32xbf16>
        %add3A_393 = arith.constant 1 : i32
        %add3A_394 = arith.addi %mul3A_121, %add3A_393 : i32
        %get3A_395 = arith.index_cast %add3A_394 : i32 to index
        %get3A_396 = arith.constant 32 : index
        %get3A_397 = tpu.vector_load %arg7[%get3A_395, %get3A_396] {strides = array<i32>} : memref<120x128xi32, #tpu.memory_space<vmem>>, vector<16xi32>,
        %bitcast3A_398 = vector.bitcast %get3A_397 : vector<16xi32> to vector<32xbf16>
        %add3A_399 = arith.constant 2 : i32
        %add3A_400 = arith.addi %mul3A_121, %add3A_399 : i32
        %get3A_401 = arith.index_cast %add3A_400 : i32 to index
        %get3A_402 = arith.constant 32 : index
        %get3A_403 = tpu.vector_load %arg7[%get3A_401, %get3A_402] {strides = array<i32>} : memref<120x128xi32, #tpu.memory_space<vmem>>, vector<16xi32>,
        %bitcast3A_404 = vector.bitcast %get3A_403 : vector<16xi32> to vector<32xbf16>
        %add3A_405 = arith.constant 3 : i32
        %add3A_406 = arith.addi %mul3A_121, %add3A_405 : i32
        %get3A_407 = arith.index_cast %add3A_406 : i32 to index
        %get3A_408 = arith.constant 32 : index
        %get3A_409 = tpu.vector_load %arg7[%get3A_407, %get3A_408] {strides = array<i32>} : memref<120x128xi32, #tpu.memory_space<vmem>>, vector<16xi32>,
        %bitcast3A_410 = vector.bitcast %get3A_409 : vector<16xi32> to vector<32xbf16>
        %add3A_411 = arith.constant 4 : i32
        %add3A_412 = arith.addi %mul3A_121, %add3A_411 : i32
        %get3A_413 = arith.index_cast %add3A_412 : i32 to index
        %get3A_414 = arith.constant 32 : index
        %get3A_415 = tpu.vector_load %arg7[%get3A_413, %get3A_414] {strides = array<i32>} : memref<120x128xi32, #tpu.memory_space<vmem>>, vector<16xi32>,
        %bitcast3A_416 = vector.bitcast %get3A_415 : vector<16xi32> to vector<32xbf16>
        %add3A_417 = arith.constant 5 : i32
        %add3A_418 = arith.addi %mul3A_121, %add3A_417 : i32
        %get3A_419 = arith.index_cast %add3A_418 : i32 to index
        %get3A_420 = arith.constant 32 : index
        %get3A_421 = tpu.vector_load %arg7[%get3A_419, %get3A_420] {strides = array<i32>} : memref<120x128xi32, #tpu.memory_space<vmem>>, vector<16xi32>,
        %bitcast3A_422 = vector.bitcast %get3A_421 : vector<16xi32> to vector<32xbf16>
        %add3A_423 = arith.constant 0 : i32
        %add3A_424 = arith.addi %mul3A_121, %add3A_423 : i32
        %get3A_425 = arith.index_cast %add3A_424 : i32 to index
        %get3A_426 = arith.constant 96 : index
        %get3A_427 = tpu.vector_load %arg7[%get3A_425, %get3A_426] {strides = array<i32>} : memref<120x128xi32, #tpu.memory_space<vmem>>, vector<16xi32>,
        %bitcast3A_428 = vector.bitcast %get3A_427 : vector<16xi32> to vector<32xbf16>
        %add3A_429 = arith.constant 1 : i32
        %add3A_430 = arith.addi %mul3A_121, %add3A_429 : i32
        %get3A_431 = arith.index_cast %add3A_430 : i32 to index
        %get3A_432 = arith.constant 96 : index
        %get3A_433 = tpu.vector_load %arg7[%get3A_431, %get3A_432] {strides = array<i32>} : memref<120x128xi32, #tpu.memory_space<vmem>>, vector<16xi32>,
        %bitcast3A_434 = vector.bitcast %get3A_433 : vector<16xi32> to vector<32xbf16>
        %add3A_435 = arith.constant 2 : i32
        %add3A_436 = arith.addi %mul3A_121, %add3A_435 : i32
        %get3A_437 = arith.index_cast %add3A_436 : i32 to index
        %get3A_438 = arith.constant 96 : index
        %get3A_439 = tpu.vector_load %arg7[%get3A_437, %get3A_438] {strides = array<i32>} : memref<120x128xi32, #tpu.memory_space<vmem>>, vector<16xi32>,
        %bitcast3A_440 = vector.bitcast %get3A_439 : vector<16xi32> to vector<32xbf16>
        %add3A_441 = arith.constant 3 : i32
        %add3A_442 = arith.addi %mul3A_121, %add3A_441 : i32
        %get3A_443 = arith.index_cast %add3A_442 : i32 to index
        %get3A_444 = arith.constant 96 : index
        %get3A_445 = tpu.vector_load %arg7[%get3A_443, %get3A_444] {strides = array<i32>} : memref<120x128xi32, #tpu.memory_space<vmem>>, vector<16xi32>,
        %bitcast3A_446 = vector.bitcast %get3A_445 : vector<16xi32> to vector<32xbf16>
        %add3A_447 = arith.constant 4 : i32
        %add3A_448 = arith.addi %mul3A_121, %add3A_447 : i32
        %get3A_449 = arith.index_cast %add3A_448 : i32 to index
        %get3A_450 = arith.constant 96 : index
        %get3A_451 = tpu.vector_load %arg7[%get3A_449, %get3A_450] {strides = array<i32>} : memref<120x128xi32, #tpu.memory_space<vmem>>, vector<16xi32>,
        %bitcast3A_452 = vector.bitcast %get3A_451 : vector<16xi32> to vector<32xbf16>
        %add3A_453 = arith.constant 5 : i32
        %add3A_454 = arith.addi %mul3A_121, %add3A_453 : i32
        %get3A_455 = arith.index_cast %add3A_454 : i32 to index
        %get3A_456 = arith.constant 96 : index
        %get3A_457 = tpu.vector_load %arg7[%get3A_455, %get3A_456] {strides = array<i32>} : memref<120x128xi32, #tpu.memory_space<vmem>>, vector<16xi32>,
        %bitcast3A_458 = vector.bitcast %get3A_457 : vector<16xi32> to vector<32xbf16>
        %mul3A_459 = arith.mulf %bitcast3A_386, %bitcast3A_428 : vector<32xbf16>
        %add3A_460 = arith.constant 1.000000e+00 : bf16
        %add3A_461 = vector.broadcast %add3A_460 : bf16 to vector<32xbf16>
        %add3A_462 = arith.addf %add3A_461, %mul3A_459 : vector<32xbf16>
        %div3A_463 = arith.divf %bitcast3A_392, %add3A_462 : vector<32xbf16>
        %mul3A_464 = arith.mulf %bitcast3A_386, %bitcast3A_434 : vector<32xbf16>
        %add3A_465 = arith.constant 1.000000e+00 : bf16
        %add3A_466 = vector.broadcast %add3A_465 : bf16 to vector<32xbf16>
        %add3A_467 = arith.addf %add3A_466, %mul3A_464 : vector<32xbf16>
        %div3A_468 = arith.divf %bitcast3A_398, %add3A_467 : vector<32xbf16>
        %mul3A_469 = arith.mulf %bitcast3A_386, %bitcast3A_440 : vector<32xbf16>
        %add3A_470 = arith.constant 1.000000e+00 : bf16
        %add3A_471 = vector.broadcast %add3A_470 : bf16 to vector<32xbf16>
        %add3A_472 = arith.addf %add3A_471, %mul3A_469 : vector<32xbf16>
        %div3A_473 = arith.divf %bitcast3A_404, %add3A_472 : vector<32xbf16>
        %mul3A_474 = arith.mulf %bitcast3A_386, %bitcast3A_446 : vector<32xbf16>
        %add3A_475 = arith.constant 1.000000e+00 : bf16
        %add3A_476 = vector.broadcast %add3A_475 : bf16 to vector<32xbf16>
        %add3A_477 = arith.addf %add3A_476, %mul3A_474 : vector<32xbf16>
        %div3A_478 = arith.divf %bitcast3A_410, %add3A_477 : vector<32xbf16>
        %mul3A_479 = arith.mulf %bitcast3A_386, %bitcast3A_452 : vector<32xbf16>
        %add3A_480 = arith.constant 1.000000e+00 : bf16
        %add3A_481 = vector.broadcast %add3A_480 : bf16 to vector<32xbf16>
        %add3A_482 = arith.addf %add3A_481, %mul3A_479 : vector<32xbf16>
        %div3A_483 = arith.divf %bitcast3A_416, %add3A_482 : vector<32xbf16>
        %mul3A_484 = arith.mulf %bitcast3A_386, %bitcast3A_458 : vector<32xbf16>
        %add3A_485 = arith.constant 1.000000e+00 : bf16
        %add3A_486 = vector.broadcast %add3A_485 : bf16 to vector<32xbf16>
        %add3A_487 = arith.addf %add3A_486, %mul3A_484 : vector<32xbf16>
        %div3A_488 = arith.divf %bitcast3A_422, %add3A_487 : vector<32xbf16>
        %add3A_489 = arith.addf %bitcast3A_392, %bitcast3A_398 : vector<32xbf16>
        %add3A_490 = arith.addf %bitcast3A_404, %bitcast3A_410 : vector<32xbf16>
        %add3A_491 = arith.addf %add3A_489, %add3A_490 : vector<32xbf16>
        %add3A_492 = arith.addf %bitcast3A_416, %bitcast3A_422 : vector<32xbf16>
        %add3A_493 = arith.addf %add3A_491, %add3A_492 : vector<32xbf16>
        %add3A_494 = arith.addf %div3A_463, %div3A_468 : vector<32xbf16>
        %add3A_495 = arith.addf %div3A_473, %div3A_478 : vector<32xbf16>
        %add3A_496 = arith.addf %add3A_494, %add3A_495 : vector<32xbf16>
        %add3A_497 = arith.addf %div3A_483, %div3A_488 : vector<32xbf16>
        %add3A_498 = arith.addf %add3A_496, %add3A_497 : vector<32xbf16>
        %mul3A_499 = arith.constant 128 : i32
        %mul3A_500 = arith.muli %add3A_119, %mul3A_499 : i32
        %add3A_501 = arith.constant 32 : i32
        %add3A_502 = arith.addi %mul3A_500, %add3A_501 : i32
        %bitcast3A_503 = vector.bitcast %add3A_493 : vector<32xbf16> to vector<16xi32>
        %swap3A_504 = arith.index_cast %add3A_502 : i32 to index
        %swap3A_505 = tpu.vector_load %arg11[%swap3A_504] {strides = array<i32>} : memref<2560xi32, #tpu.memory_space<vmem>>, vector<16xi32>,
        tpu.vector_store %arg11[%swap3A_504], %bitcast3A_503 {strides = array<i32>} : memref<2560xi32, #tpu.memory_space<vmem>>, vector<16xi32>,
        %bitcast3A_506 = vector.bitcast %add3A_498 : vector<32xbf16> to vector<16xi32>
        %add3A_507 = arith.constant 64 : i32
        %add3A_508 = arith.addi %add3A_502, %add3A_507 : i32
        %swap3A_509 = arith.index_cast %add3A_508 : i32 to index
        %swap3A_510 = tpu.vector_load %arg11[%swap3A_509] {strides = array<i32>} : memref<2560xi32, #tpu.memory_space<vmem>>, vector<16xi32>,
        tpu.vector_store %arg11[%swap3A_509], %bitcast3A_506 {strides = array<i32>} : memref<2560xi32, #tpu.memory_space<vmem>>, vector<16xi32>,
        %mul3A_511 = arith.constant 64 : i32
        %mul3A_512 = arith.muli %add3A_119, %mul3A_511 : i32
        %add3A_513 = arith.constant 48 : i32
        %add3A_514 = arith.addi %mul3A_512, %add3A_513 : i32
        %get3A_515 = arith.index_cast %add3A_514 : i32 to index
        %get3A_516 = tpu.vector_load %arg9[%get3A_515] {strides = array<i32>} : memref<1280xi32, #tpu.memory_space<vmem>>, vector<16xi32>,
        %bitcast3A_517 = vector.bitcast %get3A_516 : vector<16xi32> to vector<32xbf16>
        %add3A_518 = arith.constant 0 : i32
        %add3A_519 = arith.addi %mul3A_121, %add3A_518 : i32
        %get3A_520 = arith.index_cast %add3A_519 : i32 to index
        %get3A_521 = arith.constant 48 : index
        %get3A_522 = tpu.vector_load %arg7[%get3A_520, %get3A_521] {strides = array<i32>} : memref<120x128xi32, #tpu.memory_space<vmem>>, vector<16xi32>,
        %bitcast3A_523 = vector.bitcast %get3A_522 : vector<16xi32> to vector<32xbf16>
        %add3A_524 = arith.constant 1 : i32
        %add3A_525 = arith.addi %mul3A_121, %add3A_524 : i32
        %get3A_526 = arith.index_cast %add3A_525 : i32 to index
        %get3A_527 = arith.constant 48 : index
        %get3A_528 = tpu.vector_load %arg7[%get3A_526, %get3A_527] {strides = array<i32>} : memref<120x128xi32, #tpu.memory_space<vmem>>, vector<16xi32>,
        %bitcast3A_529 = vector.bitcast %get3A_528 : vector<16xi32> to vector<32xbf16>
        %add3A_530 = arith.constant 2 : i32
        %add3A_531 = arith.addi %mul3A_121, %add3A_530 : i32
        %get3A_532 = arith.index_cast %add3A_531 : i32 to index
        %get3A_533 = arith.constant 48 : index
        %get3A_534 = tpu.vector_load %arg7[%get3A_532, %get3A_533] {strides = array<i32>} : memref<120x128xi32, #tpu.memory_space<vmem>>, vector<16xi32>,
        %bitcast3A_535 = vector.bitcast %get3A_534 : vector<16xi32> to vector<32xbf16>
        %add3A_536 = arith.constant 3 : i32
        %add3A_537 = arith.addi %mul3A_121, %add3A_536 : i32
        %get3A_538 = arith.index_cast %add3A_537 : i32 to index
        %get3A_539 = arith.constant 48 : index
        %get3A_540 = tpu.vector_load %arg7[%get3A_538, %get3A_539] {strides = array<i32>} : memref<120x128xi32, #tpu.memory_space<vmem>>, vector<16xi32>,
        %bitcast3A_541 = vector.bitcast %get3A_540 : vector<16xi32> to vector<32xbf16>
        %add3A_542 = arith.constant 4 : i32
        %add3A_543 = arith.addi %mul3A_121, %add3A_542 : i32
        %get3A_544 = arith.index_cast %add3A_543 : i32 to index
        %get3A_545 = arith.constant 48 : index
        %get3A_546 = tpu.vector_load %arg7[%get3A_544, %get3A_545] {strides = array<i32>} : memref<120x128xi32, #tpu.memory_space<vmem>>, vector<16xi32>,
        %bitcast3A_547 = vector.bitcast %get3A_546 : vector<16xi32> to vector<32xbf16>
        %add3A_548 = arith.constant 5 : i32
        %add3A_549 = arith.addi %mul3A_121, %add3A_548 : i32
        %get3A_550 = arith.index_cast %add3A_549 : i32 to index
        %get3A_551 = arith.constant 48 : index
        %get3A_552 = tpu.vector_load %arg7[%get3A_550, %get3A_551] {strides = array<i32>} : memref<120x128xi32, #tpu.memory_space<vmem>>, vector<16xi32>,
        %bitcast3A_553 = vector.bitcast %get3A_552 : vector<16xi32> to vector<32xbf16>
        %add3A_554 = arith.constant 0 : i32
        %add3A_555 = arith.addi %mul3A_121, %add3A_554 : i32
        %get3A_556 = arith.index_cast %add3A_555 : i32 to index
        %get3A_557 = arith.constant 112 : index
        %get3A_558 = tpu.vector_load %arg7[%get3A_556, %get3A_557] {strides = array<i32>} : memref<120x128xi32, #tpu.memory_space<vmem>>, vector<16xi32>,
        %bitcast3A_559 = vector.bitcast %get3A_558 : vector<16xi32> to vector<32xbf16>
        %add3A_560 = arith.constant 1 : i32
        %add3A_561 = arith.addi %mul3A_121, %add3A_560 : i32
        %get3A_562 = arith.index_cast %add3A_561 : i32 to index
        %get3A_563 = arith.constant 112 : index
        %get3A_564 = tpu.vector_load %arg7[%get3A_562, %get3A_563] {strides = array<i32>} : memref<120x128xi32, #tpu.memory_space<vmem>>, vector<16xi32>,
        %bitcast3A_565 = vector.bitcast %get3A_564 : vector<16xi32> to vector<32xbf16>
        %add3A_566 = arith.constant 2 : i32
        %add3A_567 = arith.addi %mul3A_121, %add3A_566 : i32
        %get3A_568 = arith.index_cast %add3A_567 : i32 to index
        %get3A_569 = arith.constant 112 : index
        %get3A_570 = tpu.vector_load %arg7[%get3A_568, %get3A_569] {strides = array<i32>} : memref<120x128xi32, #tpu.memory_space<vmem>>, vector<16xi32>,
        %bitcast3A_571 = vector.bitcast %get3A_570 : vector<16xi32> to vector<32xbf16>
        %add3A_572 = arith.constant 3 : i32
        %add3A_573 = arith.addi %mul3A_121, %add3A_572 : i32
        %get3A_574 = arith.index_cast %add3A_573 : i32 to index
        %get3A_575 = arith.constant 112 : index
        %get3A_576 = tpu.vector_load %arg7[%get3A_574, %get3A_575] {strides = array<i32>} : memref<120x128xi32, #tpu.memory_space<vmem>>, vector<16xi32>,
        %bitcast3A_577 = vector.bitcast %get3A_576 : vector<16xi32> to vector<32xbf16>
        %add3A_578 = arith.constant 4 : i32
        %add3A_579 = arith.addi %mul3A_121, %add3A_578 : i32
        %get3A_580 = arith.index_cast %add3A_579 : i32 to index
        %get3A_581 = arith.constant 112 : index
        %get3A_582 = tpu.vector_load %arg7[%get3A_580, %get3A_581] {strides = array<i32>} : memref<120x128xi32, #tpu.memory_space<vmem>>, vector<16xi32>,
        %bitcast3A_583 = vector.bitcast %get3A_582 : vector<16xi32> to vector<32xbf16>
        %add3A_584 = arith.constant 5 : i32
        %add3A_585 = arith.addi %mul3A_121, %add3A_584 : i32
        %get3A_586 = arith.index_cast %add3A_585 : i32 to index
        %get3A_587 = arith.constant 112 : index
        %get3A_588 = tpu.vector_load %arg7[%get3A_586, %get3A_587] {strides = array<i32>} : memref<120x128xi32, #tpu.memory_space<vmem>>, vector<16xi32>,
        %bitcast3A_589 = vector.bitcast %get3A_588 : vector<16xi32> to vector<32xbf16>
        %mul3A_590 = arith.mulf %bitcast3A_517, %bitcast3A_559 : vector<32xbf16>
        %add3A_591 = arith.constant 1.000000e+00 : bf16
        %add3A_592 = vector.broadcast %add3A_591 : bf16 to vector<32xbf16>
        %add3A_593 = arith.addf %add3A_592, %mul3A_590 : vector<32xbf16>
        %div3A_594 = arith.divf %bitcast3A_523, %add3A_593 : vector<32xbf16>
        %mul3A_595 = arith.mulf %bitcast3A_517, %bitcast3A_565 : vector<32xbf16>
        %add3A_596 = arith.constant 1.000000e+00 : bf16
        %add3A_597 = vector.broadcast %add3A_596 : bf16 to vector<32xbf16>
        %add3A_598 = arith.addf %add3A_597, %mul3A_595 : vector<32xbf16>
        %div3A_599 = arith.divf %bitcast3A_529, %add3A_598 : vector<32xbf16>
        %mul3A_600 = arith.mulf %bitcast3A_517, %bitcast3A_571 : vector<32xbf16>
        %add3A_601 = arith.constant 1.000000e+00 : bf16
        %add3A_602 = vector.broadcast %add3A_601 : bf16 to vector<32xbf16>
        %add3A_603 = arith.addf %add3A_602, %mul3A_600 : vector<32xbf16>
        %div3A_604 = arith.divf %bitcast3A_535, %add3A_603 : vector<32xbf16>
        %mul3A_605 = arith.mulf %bitcast3A_517, %bitcast3A_577 : vector<32xbf16>
        %add3A_606 = arith.constant 1.000000e+00 : bf16
        %add3A_607 = vector.broadcast %add3A_606 : bf16 to vector<32xbf16>
        %add3A_608 = arith.addf %add3A_607, %mul3A_605 : vector<32xbf16>
        %div3A_609 = arith.divf %bitcast3A_541, %add3A_608 : vector<32xbf16>
        %mul3A_610 = arith.mulf %bitcast3A_517, %bitcast3A_583 : vector<32xbf16>
        %add3A_611 = arith.constant 1.000000e+00 : bf16
        %add3A_612 = vector.broadcast %add3A_611 : bf16 to vector<32xbf16>
        %add3A_613 = arith.addf %add3A_612, %mul3A_610 : vector<32xbf16>
        %div3A_614 = arith.divf %bitcast3A_547, %add3A_613 : vector<32xbf16>
        %mul3A_615 = arith.mulf %bitcast3A_517, %bitcast3A_589 : vector<32xbf16>
        %add3A_616 = arith.constant 1.000000e+00 : bf16
        %add3A_617 = vector.broadcast %add3A_616 : bf16 to vector<32xbf16>
        %add3A_618 = arith.addf %add3A_617, %mul3A_615 : vector<32xbf16>
        %div3A_619 = arith.divf %bitcast3A_553, %add3A_618 : vector<32xbf16>
        %add3A_620 = arith.addf %bitcast3A_523, %bitcast3A_529 : vector<32xbf16>
        %add3A_621 = arith.addf %bitcast3A_535, %bitcast3A_541 : vector<32xbf16>
        %add3A_622 = arith.addf %add3A_620, %add3A_621 : vector<32xbf16>
        %add3A_623 = arith.addf %bitcast3A_547, %bitcast3A_553 : vector<32xbf16>
        %add3A_624 = arith.addf %add3A_622, %add3A_623 : vector<32xbf16>
        %add3A_625 = arith.addf %div3A_594, %div3A_599 : vector<32xbf16>
        %add3A_626 = arith.addf %div3A_604, %div3A_609 : vector<32xbf16>
        %add3A_627 = arith.addf %add3A_625, %add3A_626 : vector<32xbf16>
        %add3A_628 = arith.addf %div3A_614, %div3A_619 : vector<32xbf16>
        %add3A_629 = arith.addf %add3A_627, %add3A_628 : vector<32xbf16>
        %mul3A_630 = arith.constant 128 : i32
        %mul3A_631 = arith.muli %add3A_119, %mul3A_630 : i32
        %add3A_632 = arith.constant 48 : i32
        %add3A_633 = arith.addi %mul3A_631, %add3A_632 : i32
        %bitcast3A_634 = vector.bitcast %add3A_624 : vector<32xbf16> to vector<16xi32>
        %swap3A_635 = arith.index_cast %add3A_633 : i32 to index
        %swap3A_636 = tpu.vector_load %arg11[%swap3A_635] {strides = array<i32>} : memref<2560xi32, #tpu.memory_space<vmem>>, vector<16xi32>,
        tpu.vector_store %arg11[%swap3A_635], %bitcast3A_634 {strides = array<i32>} : memref<2560xi32, #tpu.memory_space<vmem>>, vector<16xi32>,
        %bitcast3A_637 = vector.bitcast %add3A_629 : vector<32xbf16> to vector<16xi32>
        %add3A_638 = arith.constant 64 : i32
        %add3A_639 = arith.addi %add3A_633, %add3A_638 : i32
        %swap3A_640 = arith.index_cast %add3A_639 : i32 to index
        %swap3A_641 = tpu.vector_load %arg11[%swap3A_640] {strides = array<i32>} : memref<2560xi32, #tpu.memory_space<vmem>>, vector<16xi32>,
        tpu.vector_store %arg11[%swap3A_640], %bitcast3A_637 {strides = array<i32>} : memref<2560xi32, #tpu.memory_space<vmem>>, vector<16xi32>,
        %mul3A_642 = arith.constant 2 : i32
        %mul3A_643 = arith.muli %mul3A_642, %scan3A_115 : i32
        %add3A_644 = arith.constant 1 : i32
        %add3A_645 = arith.addi %mul3A_643, %add3A_644 : i32
        %mul3A_646 = arith.constant 6 : i32
        %mul3A_647 = arith.muli %add3A_645, %mul3A_646 : i32
        %mul3A_648 = arith.constant 64 : i32
        %mul3A_649 = arith.muli %add3A_645, %mul3A_648 : i32
        %add3A_650 = arith.constant 0 : i32
        %add3A_651 = arith.addi %mul3A_649, %add3A_650 : i32
        %get3A_652 = arith.index_cast %add3A_651 : i32 to index
        %get3A_653 = tpu.vector_load %arg9[%get3A_652] {strides = array<i32>} : memref<1280xi32, #tpu.memory_space<vmem>>, vector<16xi32>,
        %bitcast3A_654 = vector.bitcast %get3A_653 : vector<16xi32> to vector<32xbf16>
        %add3A_655 = arith.constant 0 : i32
        %add3A_656 = arith.addi %mul3A_647, %add3A_655 : i32
        %get3A_657 = arith.index_cast %add3A_656 : i32 to index
        %get3A_658 = arith.constant 0 : index
        %get3A_659 = tpu.vector_load %arg7[%get3A_657, %get3A_658] {strides = array<i32>} : memref<120x128xi32, #tpu.memory_space<vmem>>, vector<16xi32>,
        %bitcast3A_660 = vector.bitcast %get3A_659 : vector<16xi32> to vector<32xbf16>
        %add3A_661 = arith.constant 1 : i32
        %add3A_662 = arith.addi %mul3A_647, %add3A_661 : i32
        %get3A_663 = arith.index_cast %add3A_662 : i32 to index
        %get3A_664 = arith.constant 0 : index
        %get3A_665 = tpu.vector_load %arg7[%get3A_663, %get3A_664] {strides = array<i32>} : memref<120x128xi32, #tpu.memory_space<vmem>>, vector<16xi32>,
        %bitcast3A_666 = vector.bitcast %get3A_665 : vector<16xi32> to vector<32xbf16>
        %add3A_667 = arith.constant 2 : i32
        %add3A_668 = arith.addi %mul3A_647, %add3A_667 : i32
        %get3A_669 = arith.index_cast %add3A_668 : i32 to index
        %get3A_670 = arith.constant 0 : index
        %get3A_671 = tpu.vector_load %arg7[%get3A_669, %get3A_670] {strides = array<i32>} : memref<120x128xi32, #tpu.memory_space<vmem>>, vector<16xi32>,
        %bitcast3A_672 = vector.bitcast %get3A_671 : vector<16xi32> to vector<32xbf16>
        %add3A_673 = arith.constant 3 : i32
        %add3A_674 = arith.addi %mul3A_647, %add3A_673 : i32
        %get3A_675 = arith.index_cast %add3A_674 : i32 to index
        %get3A_676 = arith.constant 0 : index
        %get3A_677 = tpu.vector_load %arg7[%get3A_675, %get3A_676] {strides = array<i32>} : memref<120x128xi32, #tpu.memory_space<vmem>>, vector<16xi32>,
        %bitcast3A_678 = vector.bitcast %get3A_677 : vector<16xi32> to vector<32xbf16>
        %add3A_679 = arith.constant 4 : i32
        %add3A_680 = arith.addi %mul3A_647, %add3A_679 : i32
        %get3A_681 = arith.index_cast %add3A_680 : i32 to index
        %get3A_682 = arith.constant 0 : index
        %get3A_683 = tpu.vector_load %arg7[%get3A_681, %get3A_682] {strides = array<i32>} : memref<120x128xi32, #tpu.memory_space<vmem>>, vector<16xi32>,
        %bitcast3A_684 = vector.bitcast %get3A_683 : vector<16xi32> to vector<32xbf16>
        %add3A_685 = arith.constant 5 : i32
        %add3A_686 = arith.addi %mul3A_647, %add3A_685 : i32
        %get3A_687 = arith.index_cast %add3A_686 : i32 to index
        %get3A_688 = arith.constant 0 : index
        %get3A_689 = tpu.vector_load %arg7[%get3A_687, %get3A_688] {strides = array<i32>} : memref<120x128xi32, #tpu.memory_space<vmem>>, vector<16xi32>,
        %bitcast3A_690 = vector.bitcast %get3A_689 : vector<16xi32> to vector<32xbf16>
        %add3A_691 = arith.constant 0 : i32
        %add3A_692 = arith.addi %mul3A_647, %add3A_691 : i32
        %get3A_693 = arith.index_cast %add3A_692 : i32 to index
        %get3A_694 = arith.constant 64 : index
        %get3A_695 = tpu.vector_load %arg7[%get3A_693, %get3A_694] {strides = array<i32>} : memref<120x128xi32, #tpu.memory_space<vmem>>, vector<16xi32>,
        %bitcast3A_696 = vector.bitcast %get3A_695 : vector<16xi32> to vector<32xbf16>
        %add3A_697 = arith.constant 1 : i32
        %add3A_698 = arith.addi %mul3A_647, %add3A_697 : i32
        %get3A_699 = arith.index_cast %add3A_698 : i32 to index
        %get3A_700 = arith.constant 64 : index
        %get3A_701 = tpu.vector_load %arg7[%get3A_699, %get3A_700] {strides = array<i32>} : memref<120x128xi32, #tpu.memory_space<vmem>>, vector<16xi32>,
        %bitcast3A_702 = vector.bitcast %get3A_701 : vector<16xi32> to vector<32xbf16>
        %add3A_703 = arith.constant 2 : i32
        %add3A_704 = arith.addi %mul3A_647, %add3A_703 : i32
        %get3A_705 = arith.index_cast %add3A_704 : i32 to index
        %get3A_706 = arith.constant 64 : index
        %get3A_707 = tpu.vector_load %arg7[%get3A_705, %get3A_706] {strides = array<i32>} : memref<120x128xi32, #tpu.memory_space<vmem>>, vector<16xi32>,
        %bitcast3A_708 = vector.bitcast %get3A_707 : vector<16xi32> to vector<32xbf16>
        %add3A_709 = arith.constant 3 : i32
        %add3A_710 = arith.addi %mul3A_647, %add3A_709 : i32
        %get3A_711 = arith.index_cast %add3A_710 : i32 to index
        %get3A_712 = arith.constant 64 : index
        %get3A_713 = tpu.vector_load %arg7[%get3A_711, %get3A_712] {strides = array<i32>} : memref<120x128xi32, #tpu.memory_space<vmem>>, vector<16xi32>,
        %bitcast3A_714 = vector.bitcast %get3A_713 : vector<16xi32> to vector<32xbf16>
        %add3A_715 = arith.constant 4 : i32
        %add3A_716 = arith.addi %mul3A_647, %add3A_715 : i32
        %get3A_717 = arith.index_cast %add3A_716 : i32 to index
        %get3A_718 = arith.constant 64 : index
        %get3A_719 = tpu.vector_load %arg7[%get3A_717, %get3A_718] {strides = array<i32>} : memref<120x128xi32, #tpu.memory_space<vmem>>, vector<16xi32>,
        %bitcast3A_720 = vector.bitcast %get3A_719 : vector<16xi32> to vector<32xbf16>
        %add3A_721 = arith.constant 5 : i32
        %add3A_722 = arith.addi %mul3A_647, %add3A_721 : i32
        %get3A_723 = arith.index_cast %add3A_722 : i32 to index
        %get3A_724 = arith.constant 64 : index
        %get3A_725 = tpu.vector_load %arg7[%get3A_723, %get3A_724] {strides = array<i32>} : memref<120x128xi32, #tpu.memory_space<vmem>>, vector<16xi32>,
        %bitcast3A_726 = vector.bitcast %get3A_725 : vector<16xi32> to vector<32xbf16>
        %mul3A_727 = arith.mulf %bitcast3A_654, %bitcast3A_696 : vector<32xbf16>
        %add3A_728 = arith.constant 1.000000e+00 : bf16
        %add3A_729 = vector.broadcast %add3A_728 : bf16 to vector<32xbf16>
        %add3A_730 = arith.addf %add3A_729, %mul3A_727 : vector<32xbf16>
        %div3A_731 = arith.divf %bitcast3A_660, %add3A_730 : vector<32xbf16>
        %mul3A_732 = arith.mulf %bitcast3A_654, %bitcast3A_702 : vector<32xbf16>
        %add3A_733 = arith.constant 1.000000e+00 : bf16
        %add3A_734 = vector.broadcast %add3A_733 : bf16 to vector<32xbf16>
        %add3A_735 = arith.addf %add3A_734, %mul3A_732 : vector<32xbf16>
        %div3A_736 = arith.divf %bitcast3A_666, %add3A_735 : vector<32xbf16>
        %mul3A_737 = arith.mulf %bitcast3A_654, %bitcast3A_708 : vector<32xbf16>
        %add3A_738 = arith.constant 1.000000e+00 : bf16
        %add3A_739 = vector.broadcast %add3A_738 : bf16 to vector<32xbf16>
        %add3A_740 = arith.addf %add3A_739, %mul3A_737 : vector<32xbf16>
        %div3A_741 = arith.divf %bitcast3A_672, %add3A_740 : vector<32xbf16>
        %mul3A_742 = arith.mulf %bitcast3A_654, %bitcast3A_714 : vector<32xbf16>
        %add3A_743 = arith.constant 1.000000e+00 : bf16
        %add3A_744 = vector.broadcast %add3A_743 : bf16 to vector<32xbf16>
        %add3A_745 = arith.addf %add3A_744, %mul3A_742 : vector<32xbf16>
        %div3A_746 = arith.divf %bitcast3A_678, %add3A_745 : vector<32xbf16>
        %mul3A_747 = arith.mulf %bitcast3A_654, %bitcast3A_720 : vector<32xbf16>
        %add3A_748 = arith.constant 1.000000e+00 : bf16
        %add3A_749 = vector.broadcast %add3A_748 : bf16 to vector<32xbf16>
        %add3A_750 = arith.addf %add3A_749, %mul3A_747 : vector<32xbf16>
        %div3A_751 = arith.divf %bitcast3A_684, %add3A_750 : vector<32xbf16>
        %mul3A_752 = arith.mulf %bitcast3A_654, %bitcast3A_726 : vector<32xbf16>
        %add3A_753 = arith.constant 1.000000e+00 : bf16
        %add3A_754 = vector.broadcast %add3A_753 : bf16 to vector<32xbf16>
        %add3A_755 = arith.addf %add3A_754, %mul3A_752 : vector<32xbf16>
        %div3A_756 = arith.divf %bitcast3A_690, %add3A_755 : vector<32xbf16>
        %add3A_757 = arith.addf %bitcast3A_660, %bitcast3A_666 : vector<32xbf16>
        %add3A_758 = arith.addf %bitcast3A_672, %bitcast3A_678 : vector<32xbf16>
        %add3A_759 = arith.addf %add3A_757, %add3A_758 : vector<32xbf16>
        %add3A_760 = arith.addf %bitcast3A_684, %bitcast3A_690 : vector<32xbf16>
        %add3A_761 = arith.addf %add3A_759, %add3A_760 : vector<32xbf16>
        %add3A_762 = arith.addf %div3A_731, %div3A_736 : vector<32xbf16>
        %add3A_763 = arith.addf %div3A_741, %div3A_746 : vector<32xbf16>
        %add3A_764 = arith.addf %add3A_762, %add3A_763 : vector<32xbf16>
        %add3A_765 = arith.addf %div3A_751, %div3A_756 : vector<32xbf16>
        %add3A_766 = arith.addf %add3A_764, %add3A_765 : vector<32xbf16>
        %mul3A_767 = arith.constant 128 : i32
        %mul3A_768 = arith.muli %add3A_645, %mul3A_767 : i32
        %add3A_769 = arith.constant 0 : i32
        %add3A_770 = arith.addi %mul3A_768, %add3A_769 : i32
        %bitcast3A_771 = vector.bitcast %add3A_761 : vector<32xbf16> to vector<16xi32>
        %swap3A_772 = arith.index_cast %add3A_770 : i32 to index
        %swap3A_773 = tpu.vector_load %arg11[%swap3A_772] {strides = array<i32>} : memref<2560xi32, #tpu.memory_space<vmem>>, vector<16xi32>,
        tpu.vector_store %arg11[%swap3A_772], %bitcast3A_771 {strides = array<i32>} : memref<2560xi32, #tpu.memory_space<vmem>>, vector<16xi32>,
        %bitcast3A_774 = vector.bitcast %add3A_766 : vector<32xbf16> to vector<16xi32>
        %add3A_775 = arith.constant 64 : i32
        %add3A_776 = arith.addi %add3A_770, %add3A_775 : i32
        %swap3A_777 = arith.index_cast %add3A_776 : i32 to index
        %swap3A_778 = tpu.vector_load %arg11[%swap3A_777] {strides = array<i32>} : memref<2560xi32, #tpu.memory_space<vmem>>, vector<16xi32>,
        tpu.vector_store %arg11[%swap3A_777], %bitcast3A_774 {strides = array<i32>} : memref<2560xi32, #tpu.memory_space<vmem>>, vector<16xi32>,
        %mul3A_779 = arith.constant 64 : i32
        %mul3A_780 = arith.muli %add3A_645, %mul3A_779 : i32
        %add3A_781 = arith.constant 16 : i32
        %add3A_782 = arith.addi %mul3A_780, %add3A_781 : i32
        %get3A_783 = arith.index_cast %add3A_782 : i32 to index
        %get3A_784 = tpu.vector_load %arg9[%get3A_783] {strides = array<i32>} : memref<1280xi32, #tpu.memory_space<vmem>>, vector<16xi32>,
        %bitcast3A_785 = vector.bitcast %get3A_784 : vector<16xi32> to vector<32xbf16>
        %add3A_786 = arith.constant 0 : i32
        %add3A_787 = arith.addi %mul3A_647, %add3A_786 : i32
        %get3A_788 = arith.index_cast %add3A_787 : i32 to index
        %get3A_789 = arith.constant 16 : index
        %get3A_790 = tpu.vector_load %arg7[%get3A_788, %get3A_789] {strides = array<i32>} : memref<120x128xi32, #tpu.memory_space<vmem>>, vector<16xi32>,
        %bitcast3A_791 = vector.bitcast %get3A_790 : vector<16xi32> to vector<32xbf16>
        %add3A_792 = arith.constant 1 : i32
        %add3A_793 = arith.addi %mul3A_647, %add3A_792 : i32
        %get3A_794 = arith.index_cast %add3A_793 : i32 to index
        %get3A_795 = arith.constant 16 : index
        %get3A_796 = tpu.vector_load %arg7[%get3A_794, %get3A_795] {strides = array<i32>} : memref<120x128xi32, #tpu.memory_space<vmem>>, vector<16xi32>,
        %bitcast3A_797 = vector.bitcast %get3A_796 : vector<16xi32> to vector<32xbf16>
        %add3A_798 = arith.constant 2 : i32
        %add3A_799 = arith.addi %mul3A_647, %add3A_798 : i32
        %get3A_800 = arith.index_cast %add3A_799 : i32 to index
        %get3A_801 = arith.constant 16 : index
        %get3A_802 = tpu.vector_load %arg7[%get3A_800, %get3A_801] {strides = array<i32>} : memref<120x128xi32, #tpu.memory_space<vmem>>, vector<16xi32>,
        %bitcast3A_803 = vector.bitcast %get3A_802 : vector<16xi32> to vector<32xbf16>
        %add3A_804 = arith.constant 3 : i32
        %add3A_805 = arith.addi %mul3A_647, %add3A_804 : i32
        %get3A_806 = arith.index_cast %add3A_805 : i32 to index
        %get3A_807 = arith.constant 16 : index
        %get3A_808 = tpu.vector_load %arg7[%get3A_806, %get3A_807] {strides = array<i32>} : memref<120x128xi32, #tpu.memory_space<vmem>>, vector<16xi32>,
        %bitcast3A_809 = vector.bitcast %get3A_808 : vector<16xi32> to vector<32xbf16>
        %add3A_810 = arith.constant 4 : i32
        %add3A_811 = arith.addi %mul3A_647, %add3A_810 : i32
        %get3A_812 = arith.index_cast %add3A_811 : i32 to index
        %get3A_813 = arith.constant 16 : index
        %get3A_814 = tpu.vector_load %arg7[%get3A_812, %get3A_813] {strides = array<i32>} : memref<120x128xi32, #tpu.memory_space<vmem>>, vector<16xi32>,
        %bitcast3A_815 = vector.bitcast %get3A_814 : vector<16xi32> to vector<32xbf16>
        %add3A_816 = arith.constant 5 : i32
        %add3A_817 = arith.addi %mul3A_647, %add3A_816 : i32
        %get3A_818 = arith.index_cast %add3A_817 : i32 to index
        %get3A_819 = arith.constant 16 : index
        %get3A_820 = tpu.vector_load %arg7[%get3A_818, %get3A_819] {strides = array<i32>} : memref<120x128xi32, #tpu.memory_space<vmem>>, vector<16xi32>,
        %bitcast3A_821 = vector.bitcast %get3A_820 : vector<16xi32> to vector<32xbf16>
        %add3A_822 = arith.constant 0 : i32
        %add3A_823 = arith.addi %mul3A_647, %add3A_822 : i32
        %get3A_824 = arith.index_cast %add3A_823 : i32 to index
        %get3A_825 = arith.constant 80 : index
        %get3A_826 = tpu.vector_load %arg7[%get3A_824, %get3A_825] {strides = array<i32>} : memref<120x128xi32, #tpu.memory_space<vmem>>, vector<16xi32>,
        %bitcast3A_827 = vector.bitcast %get3A_826 : vector<16xi32> to vector<32xbf16>
        %add3A_828 = arith.constant 1 : i32
        %add3A_829 = arith.addi %mul3A_647, %add3A_828 : i32
        %get3A_830 = arith.index_cast %add3A_829 : i32 to index
        %get3A_831 = arith.constant 80 : index
        %get3A_832 = tpu.vector_load %arg7[%get3A_830, %get3A_831] {strides = array<i32>} : memref<120x128xi32, #tpu.memory_space<vmem>>, vector<16xi32>,
        %bitcast3A_833 = vector.bitcast %get3A_832 : vector<16xi32> to vector<32xbf16>
        %add3A_834 = arith.constant 2 : i32
        %add3A_835 = arith.addi %mul3A_647, %add3A_834 : i32
        %get3A_836 = arith.index_cast %add3A_835 : i32 to index
        %get3A_837 = arith.constant 80 : index
        %get3A_838 = tpu.vector_load %arg7[%get3A_836, %get3A_837] {strides = array<i32>} : memref<120x128xi32, #tpu.memory_space<vmem>>, vector<16xi32>,
        %bitcast3A_839 = vector.bitcast %get3A_838 : vector<16xi32> to vector<32xbf16>
        %add3A_840 = arith.constant 3 : i32
        %add3A_841 = arith.addi %mul3A_647, %add3A_840 : i32
        %get3A_842 = arith.index_cast %add3A_841 : i32 to index
        %get3A_843 = arith.constant 80 : index
        %get3A_844 = tpu.vector_load %arg7[%get3A_842, %get3A_843] {strides = array<i32>} : memref<120x128xi32, #tpu.memory_space<vmem>>, vector<16xi32>,
        %bitcast3A_845 = vector.bitcast %get3A_844 : vector<16xi32> to vector<32xbf16>
        %add3A_846 = arith.constant 4 : i32
        %add3A_847 = arith.addi %mul3A_647, %add3A_846 : i32
        %get3A_848 = arith.index_cast %add3A_847 : i32 to index
        %get3A_849 = arith.constant 80 : index
        %get3A_850 = tpu.vector_load %arg7[%get3A_848, %get3A_849] {strides = array<i32>} : memref<120x128xi32, #tpu.memory_space<vmem>>, vector<16xi32>,
        %bitcast3A_851 = vector.bitcast %get3A_850 : vector<16xi32> to vector<32xbf16>
        %add3A_852 = arith.constant 5 : i32
        %add3A_853 = arith.addi %mul3A_647, %add3A_852 : i32
        %get3A_854 = arith.index_cast %add3A_853 : i32 to index
        %get3A_855 = arith.constant 80 : index
        %get3A_856 = tpu.vector_load %arg7[%get3A_854, %get3A_855] {strides = array<i32>} : memref<120x128xi32, #tpu.memory_space<vmem>>, vector<16xi32>,
        %bitcast3A_857 = vector.bitcast %get3A_856 : vector<16xi32> to vector<32xbf16>
        %mul3A_858 = arith.mulf %bitcast3A_785, %bitcast3A_827 : vector<32xbf16>
        %add3A_859 = arith.constant 1.000000e+00 : bf16
        %add3A_860 = vector.broadcast %add3A_859 : bf16 to vector<32xbf16>
        %add3A_861 = arith.addf %add3A_860, %mul3A_858 : vector<32xbf16>
        %div3A_862 = arith.divf %bitcast3A_791, %add3A_861 : vector<32xbf16>
        %mul3A_863 = arith.mulf %bitcast3A_785, %bitcast3A_833 : vector<32xbf16>
        %add3A_864 = arith.constant 1.000000e+00 : bf16
        %add3A_865 = vector.broadcast %add3A_864 : bf16 to vector<32xbf16>
        %add3A_866 = arith.addf %add3A_865, %mul3A_863 : vector<32xbf16>
        %div3A_867 = arith.divf %bitcast3A_797, %add3A_866 : vector<32xbf16>
        %mul3A_868 = arith.mulf %bitcast3A_785, %bitcast3A_839 : vector<32xbf16>
        %add3A_869 = arith.constant 1.000000e+00 : bf16
        %add3A_870 = vector.broadcast %add3A_869 : bf16 to vector<32xbf16>
        %add3A_871 = arith.addf %add3A_870, %mul3A_868 : vector<32xbf16>
        %div3A_872 = arith.divf %bitcast3A_803, %add3A_871 : vector<32xbf16>
        %mul3A_873 = arith.mulf %bitcast3A_785, %bitcast3A_845 : vector<32xbf16>
        %add3A_874 = arith.constant 1.000000e+00 : bf16
        %add3A_875 = vector.broadcast %add3A_874 : bf16 to vector<32xbf16>
        %add3A_876 = arith.addf %add3A_875, %mul3A_873 : vector<32xbf16>
        %div3A_877 = arith.divf %bitcast3A_809, %add3A_876 : vector<32xbf16>
        %mul3A_878 = arith.mulf %bitcast3A_785, %bitcast3A_851 : vector<32xbf16>
        %add3A_879 = arith.constant 1.000000e+00 : bf16
        %add3A_880 = vector.broadcast %add3A_879 : bf16 to vector<32xbf16>
        %add3A_881 = arith.addf %add3A_880, %mul3A_878 : vector<32xbf16>
        %div3A_882 = arith.divf %bitcast3A_815, %add3A_881 : vector<32xbf16>
        %mul3A_883 = arith.mulf %bitcast3A_785, %bitcast3A_857 : vector<32xbf16>
        %add3A_884 = arith.constant 1.000000e+00 : bf16
        %add3A_885 = vector.broadcast %add3A_884 : bf16 to vector<32xbf16>
        %add3A_886 = arith.addf %add3A_885, %mul3A_883 : vector<32xbf16>
        %div3A_887 = arith.divf %bitcast3A_821, %add3A_886 : vector<32xbf16>
        %add3A_888 = arith.addf %bitcast3A_791, %bitcast3A_797 : vector<32xbf16>
        %add3A_889 = arith.addf %bitcast3A_803, %bitcast3A_809 : vector<32xbf16>
        %add3A_890 = arith.addf %add3A_888, %add3A_889 : vector<32xbf16>
        %add3A_891 = arith.addf %bitcast3A_815, %bitcast3A_821 : vector<32xbf16>
        %add3A_892 = arith.addf %add3A_890, %add3A_891 : vector<32xbf16>
        %add3A_893 = arith.addf %div3A_862, %div3A_867 : vector<32xbf16>
        %add3A_894 = arith.addf %div3A_872, %div3A_877 : vector<32xbf16>
        %add3A_895 = arith.addf %add3A_893, %add3A_894 : vector<32xbf16>
        %add3A_896 = arith.addf %div3A_882, %div3A_887 : vector<32xbf16>
        %add3A_897 = arith.addf %add3A_895, %add3A_896 : vector<32xbf16>
        %mul3A_898 = arith.constant 128 : i32
        %mul3A_899 = arith.muli %add3A_645, %mul3A_898 : i32
        %add3A_900 = arith.constant 16 : i32
        %add3A_901 = arith.addi %mul3A_899, %add3A_900 : i32
        %bitcast3A_902 = vector.bitcast %add3A_892 : vector<32xbf16> to vector<16xi32>
        %swap3A_903 = arith.index_cast %add3A_901 : i32 to index
        %swap3A_904 = tpu.vector_load %arg11[%swap3A_903] {strides = array<i32>} : memref<2560xi32, #tpu.memory_space<vmem>>, vector<16xi32>,
        tpu.vector_store %arg11[%swap3A_903], %bitcast3A_902 {strides = array<i32>} : memref<2560xi32, #tpu.memory_space<vmem>>, vector<16xi32>,
        %bitcast3A_905 = vector.bitcast %add3A_897 : vector<32xbf16> to vector<16xi32>
        %add3A_906 = arith.constant 64 : i32
        %add3A_907 = arith.addi %add3A_901, %add3A_906 : i32
        %swap3A_908 = arith.index_cast %add3A_907 : i32 to index
        %swap3A_909 = tpu.vector_load %arg11[%swap3A_908] {strides = array<i32>} : memref<2560xi32, #tpu.memory_space<vmem>>, vector<16xi32>,
        tpu.vector_store %arg11[%swap3A_908], %bitcast3A_905 {strides = array<i32>} : memref<2560xi32, #tpu.memory_space<vmem>>, vector<16xi32>,
        %mul3A_910 = arith.constant 64 : i32
        %mul3A_911 = arith.muli %add3A_645, %mul3A_910 : i32
        %add3A_912 = arith.constant 32 : i32
        %add3A_913 = arith.addi %mul3A_911, %add3A_912 : i32
        %get3A_914 = arith.index_cast %add3A_913 : i32 to index
        %get3A_915 = tpu.vector_load %arg9[%get3A_914] {strides = array<i32>} : memref<1280xi32, #tpu.memory_space<vmem>>, vector<16xi32>,
        %bitcast3A_916 = vector.bitcast %get3A_915 : vector<16xi32> to vector<32xbf16>
        %add3A_917 = arith.constant 0 : i32
        %add3A_918 = arith.addi %mul3A_647, %add3A_917 : i32
        %get3A_919 = arith.index_cast %add3A_918 : i32 to index
        %get3A_920 = arith.constant 32 : index
        %get3A_921 = tpu.vector_load %arg7[%get3A_919, %get3A_920] {strides = array<i32>} : memref<120x128xi32, #tpu.memory_space<vmem>>, vector<16xi32>,
        %bitcast3A_922 = vector.bitcast %get3A_921 : vector<16xi32> to vector<32xbf16>
        %add3A_923 = arith.constant 1 : i32
        %add3A_924 = arith.addi %mul3A_647, %add3A_923 : i32
        %get3A_925 = arith.index_cast %add3A_924 : i32 to index
        %get3A_926 = arith.constant 32 : index
        %get3A_927 = tpu.vector_load %arg7[%get3A_925, %get3A_926] {strides = array<i32>} : memref<120x128xi32, #tpu.memory_space<vmem>>, vector<16xi32>,
        %bitcast3A_928 = vector.bitcast %get3A_927 : vector<16xi32> to vector<32xbf16>
        %add3A_929 = arith.constant 2 : i32
        %add3A_930 = arith.addi %mul3A_647, %add3A_929 : i32
        %get3A_931 = arith.index_cast %add3A_930 : i32 to index
        %get3A_932 = arith.constant 32 : index
        %get3A_933 = tpu.vector_load %arg7[%get3A_931, %get3A_932] {strides = array<i32>} : memref<120x128xi32, #tpu.memory_space<vmem>>, vector<16xi32>,
        %bitcast3A_934 = vector.bitcast %get3A_933 : vector<16xi32> to vector<32xbf16>
        %add3A_935 = arith.constant 3 : i32
        %add3A_936 = arith.addi %mul3A_647, %add3A_935 : i32
        %get3A_937 = arith.index_cast %add3A_936 : i32 to index
        %get3A_938 = arith.constant 32 : index
        %get3A_939 = tpu.vector_load %arg7[%get3A_937, %get3A_938] {strides = array<i32>} : memref<120x128xi32, #tpu.memory_space<vmem>>, vector<16xi32>,
        %bitcast3A_940 = vector.bitcast %get3A_939 : vector<16xi32> to vector<32xbf16>
        %add3A_941 = arith.constant 4 : i32
        %add3A_942 = arith.addi %mul3A_647, %add3A_941 : i32
        %get3A_943 = arith.index_cast %add3A_942 : i32 to index
        %get3A_944 = arith.constant 32 : index
        %get3A_945 = tpu.vector_load %arg7[%get3A_943, %get3A_944] {strides = array<i32>} : memref<120x128xi32, #tpu.memory_space<vmem>>, vector<16xi32>,
        %bitcast3A_946 = vector.bitcast %get3A_945 : vector<16xi32> to vector<32xbf16>
        %add3A_947 = arith.constant 5 : i32
        %add3A_948 = arith.addi %mul3A_647, %add3A_947 : i32
        %get3A_949 = arith.index_cast %add3A_948 : i32 to index
        %get3A_950 = arith.constant 32 : index
        %get3A_951 = tpu.vector_load %arg7[%get3A_949, %get3A_950] {strides = array<i32>} : memref<120x128xi32, #tpu.memory_space<vmem>>, vector<16xi32>,
        %bitcast3A_952 = vector.bitcast %get3A_951 : vector<16xi32> to vector<32xbf16>
        %add3A_953 = arith.constant 0 : i32
        %add3A_954 = arith.addi %mul3A_647, %add3A_953 : i32
        %get3A_955 = arith.index_cast %add3A_954 : i32 to index
        %get3A_956 = arith.constant 96 : index
        %get3A_957 = tpu.vector_load %arg7[%get3A_955, %get3A_956] {strides = array<i32>} : memref<120x128xi32, #tpu.memory_space<vmem>>, vector<16xi32>,
        %bitcast3A_958 = vector.bitcast %get3A_957 : vector<16xi32> to vector<32xbf16>
        %add3A_959 = arith.constant 1 : i32
        %add3A_960 = arith.addi %mul3A_647, %add3A_959 : i32
        %get3A_961 = arith.index_cast %add3A_960 : i32 to index
        %get3A_962 = arith.constant 96 : index
        %get3A_963 = tpu.vector_load %arg7[%get3A_961, %get3A_962] {strides = array<i32>} : memref<120x128xi32, #tpu.memory_space<vmem>>, vector<16xi32>,
        %bitcast3A_964 = vector.bitcast %get3A_963 : vector<16xi32> to vector<32xbf16>
        %add3A_965 = arith.constant 2 : i32
        %add3A_966 = arith.addi %mul3A_647, %add3A_965 : i32
        %get3A_967 = arith.index_cast %add3A_966 : i32 to index
        %get3A_968 = arith.constant 96 : index
        %get3A_969 = tpu.vector_load %arg7[%get3A_967, %get3A_968] {strides = array<i32>} : memref<120x128xi32, #tpu.memory_space<vmem>>, vector<16xi32>,
        %bitcast3A_970 = vector.bitcast %get3A_969 : vector<16xi32> to vector<32xbf16>
        %add3A_971 = arith.constant 3 : i32
        %add3A_972 = arith.addi %mul3A_647, %add3A_971 : i32
        %get3A_973 = arith.index_cast %add3A_972 : i32 to index
        %get3A_974 = arith.constant 96 : index
        %get3A_975 = tpu.vector_load %arg7[%get3A_973, %get3A_974] {strides = array<i32>} : memref<120x128xi32, #tpu.memory_space<vmem>>, vector<16xi32>,
        %bitcast3A_976 = vector.bitcast %get3A_975 : vector<16xi32> to vector<32xbf16>
        %add3A_977 = arith.constant 4 : i32
        %add3A_978 = arith.addi %mul3A_647, %add3A_977 : i32
        %get3A_979 = arith.index_cast %add3A_978 : i32 to index
        %get3A_980 = arith.constant 96 : index
        %get3A_981 = tpu.vector_load %arg7[%get3A_979, %get3A_980] {strides = array<i32>} : memref<120x128xi32, #tpu.memory_space<vmem>>, vector<16xi32>,
        %bitcast3A_982 = vector.bitcast %get3A_981 : vector<16xi32> to vector<32xbf16>
        %add3A_983 = arith.constant 5 : i32
        %add3A_984 = arith.addi %mul3A_647, %add3A_983 : i32
        %get3A_985 = arith.index_cast %add3A_984 : i32 to index
        %get3A_986 = arith.constant 96 : index
        %get3A_987 = tpu.vector_load %arg7[%get3A_985, %get3A_986] {strides = array<i32>} : memref<120x128xi32, #tpu.memory_space<vmem>>, vector<16xi32>,
        %bitcast3A_988 = vector.bitcast %get3A_987 : vector<16xi32> to vector<32xbf16>
        %mul3A_989 = arith.mulf %bitcast3A_916, %bitcast3A_958 : vector<32xbf16>
        %add3A_990 = arith.constant 1.000000e+00 : bf16
        %add3A_991 = vector.broadcast %add3A_990 : bf16 to vector<32xbf16>
        %add3A_992 = arith.addf %add3A_991, %mul3A_989 : vector<32xbf16>
        %div3A_993 = arith.divf %bitcast3A_922, %add3A_992 : vector<32xbf16>
        %mul3A_994 = arith.mulf %bitcast3A_916, %bitcast3A_964 : vector<32xbf16>
        %add3A_995 = arith.constant 1.000000e+00 : bf16
        %add3A_996 = vector.broadcast %add3A_995 : bf16 to vector<32xbf16>
        %add3A_997 = arith.addf %add3A_996, %mul3A_994 : vector<32xbf16>
        %div3A_998 = arith.divf %bitcast3A_928, %add3A_997 : vector<32xbf16>
        %mul3A_999 = arith.mulf %bitcast3A_916, %bitcast3A_970 : vector<32xbf16>
        %add3A_1000 = arith.constant 1.000000e+00 : bf16
        %add3A_1001 = vector.broadcast %add3A_1000 : bf16 to vector<32xbf16>
        %add3A_1002 = arith.addf %add3A_1001, %mul3A_999 : vector<32xbf16>
        %div3A_1003 = arith.divf %bitcast3A_934, %add3A_1002 : vector<32xbf16>
        %mul3A_1004 = arith.mulf %bitcast3A_916, %bitcast3A_976 : vector<32xbf16>
        %add3A_1005 = arith.constant 1.000000e+00 : bf16
        %add3A_1006 = vector.broadcast %add3A_1005 : bf16 to vector<32xbf16>
        %add3A_1007 = arith.addf %add3A_1006, %mul3A_1004 : vector<32xbf16>
        %div3A_1008 = arith.divf %bitcast3A_940, %add3A_1007 : vector<32xbf16>
        %mul3A_1009 = arith.mulf %bitcast3A_916, %bitcast3A_982 : vector<32xbf16>
        %add3A_1010 = arith.constant 1.000000e+00 : bf16
        %add3A_1011 = vector.broadcast %add3A_1010 : bf16 to vector<32xbf16>
        %add3A_1012 = arith.addf %add3A_1011, %mul3A_1009 : vector<32xbf16>
        %div3A_1013 = arith.divf %bitcast3A_946, %add3A_1012 : vector<32xbf16>
        %mul3A_1014 = arith.mulf %bitcast3A_916, %bitcast3A_988 : vector<32xbf16>
        %add3A_1015 = arith.constant 1.000000e+00 : bf16
        %add3A_1016 = vector.broadcast %add3A_1015 : bf16 to vector<32xbf16>
        %add3A_1017 = arith.addf %add3A_1016, %mul3A_1014 : vector<32xbf16>
        %div3A_1018 = arith.divf %bitcast3A_952, %add3A_1017 : vector<32xbf16>
        %add3A_1019 = arith.addf %bitcast3A_922, %bitcast3A_928 : vector<32xbf16>
        %add3A_1020 = arith.addf %bitcast3A_934, %bitcast3A_940 : vector<32xbf16>
        %add3A_1021 = arith.addf %add3A_1019, %add3A_1020 : vector<32xbf16>
        %add3A_1022 = arith.addf %bitcast3A_946, %bitcast3A_952 : vector<32xbf16>
        %add3A_1023 = arith.addf %add3A_1021, %add3A_1022 : vector<32xbf16>
        %add3A_1024 = arith.addf %div3A_993, %div3A_998 : vector<32xbf16>
        %add3A_1025 = arith.addf %div3A_1003, %div3A_1008 : vector<32xbf16>
        %add3A_1026 = arith.addf %add3A_1024, %add3A_1025 : vector<32xbf16>
        %add3A_1027 = arith.addf %div3A_1013, %div3A_1018 : vector<32xbf16>
        %add3A_1028 = arith.addf %add3A_1026, %add3A_1027 : vector<32xbf16>
        %mul3A_1029 = arith.constant 128 : i32
        %mul3A_1030 = arith.muli %add3A_645, %mul3A_1029 : i32
        %add3A_1031 = arith.constant 32 : i32
        %add3A_1032 = arith.addi %mul3A_1030, %add3A_1031 : i32
        %bitcast3A_1033 = vector.bitcast %add3A_1023 : vector<32xbf16> to vector<16xi32>
        %swap3A_1034 = arith.index_cast %add3A_1032 : i32 to index
        %swap3A_1035 = tpu.vector_load %arg11[%swap3A_1034] {strides = array<i32>} : memref<2560xi32, #tpu.memory_space<vmem>>, vector<16xi32>,
        tpu.vector_store %arg11[%swap3A_1034], %bitcast3A_1033 {strides = array<i32>} : memref<2560xi32, #tpu.memory_space<vmem>>, vector<16xi32>,
        %bitcast3A_1036 = vector.bitcast %add3A_1028 : vector<32xbf16> to vector<16xi32>
        %add3A_1037 = arith.constant 64 : i32
        %add3A_1038 = arith.addi %add3A_1032, %add3A_1037 : i32
        %swap3A_1039 = arith.index_cast %add3A_1038 : i32 to index
        %swap3A_1040 = tpu.vector_load %arg11[%swap3A_1039] {strides = array<i32>} : memref<2560xi32, #tpu.memory_space<vmem>>, vector<16xi32>,
        tpu.vector_store %arg11[%swap3A_1039], %bitcast3A_1036 {strides = array<i32>} : memref<2560xi32, #tpu.memory_space<vmem>>, vector<16xi32>,
        %mul3A_1041 = arith.constant 64 : i32
        %mul3A_1042 = arith.muli %add3A_645, %mul3A_1041 : i32
        %add3A_1043 = arith.constant 48 : i32
        %add3A_1044 = arith.addi %mul3A_1042, %add3A_1043 : i32
        %get3A_1045 = arith.index_cast %add3A_1044 : i32 to index
        %get3A_1046 = tpu.vector_load %arg9[%get3A_1045] {strides = array<i32>} : memref<1280xi32, #tpu.memory_space<vmem>>, vector<16xi32>,
        %bitcast3A_1047 = vector.bitcast %get3A_1046 : vector<16xi32> to vector<32xbf16>
        %add3A_1048 = arith.constant 0 : i32
        %add3A_1049 = arith.addi %mul3A_647, %add3A_1048 : i32
        %get3A_1050 = arith.index_cast %add3A_1049 : i32 to index
        %get3A_1051 = arith.constant 48 : index
        %get3A_1052 = tpu.vector_load %arg7[%get3A_1050, %get3A_1051] {strides = array<i32>} : memref<120x128xi32, #tpu.memory_space<vmem>>, vector<16xi32>,
        %bitcast3A_1053 = vector.bitcast %get3A_1052 : vector<16xi32> to vector<32xbf16>
        %add3A_1054 = arith.constant 1 : i32
        %add3A_1055 = arith.addi %mul3A_647, %add3A_1054 : i32
        %get3A_1056 = arith.index_cast %add3A_1055 : i32 to index
        %get3A_1057 = arith.constant 48 : index
        %get3A_1058 = tpu.vector_load %arg7[%get3A_1056, %get3A_1057] {strides = array<i32>} : memref<120x128xi32, #tpu.memory_space<vmem>>, vector<16xi32>,
        %bitcast3A_1059 = vector.bitcast %get3A_1058 : vector<16xi32> to vector<32xbf16>
        %add3A_1060 = arith.constant 2 : i32
        %add3A_1061 = arith.addi %mul3A_647, %add3A_1060 : i32
        %get3A_1062 = arith.index_cast %add3A_1061 : i32 to index
        %get3A_1063 = arith.constant 48 : index
        %get3A_1064 = tpu.vector_load %arg7[%get3A_1062, %get3A_1063] {strides = array<i32>} : memref<120x128xi32, #tpu.memory_space<vmem>>, vector<16xi32>,
        %bitcast3A_1065 = vector.bitcast %get3A_1064 : vector<16xi32> to vector<32xbf16>
        %add3A_1066 = arith.constant 3 : i32
        %add3A_1067 = arith.addi %mul3A_647, %add3A_1066 : i32
        %get3A_1068 = arith.index_cast %add3A_1067 : i32 to index
        %get3A_1069 = arith.constant 48 : index
        %get3A_1070 = tpu.vector_load %arg7[%get3A_1068, %get3A_1069] {strides = array<i32>} : memref<120x128xi32, #tpu.memory_space<vmem>>, vector<16xi32>,
        %bitcast3A_1071 = vector.bitcast %get3A_1070 : vector<16xi32> to vector<32xbf16>
        %add3A_1072 = arith.constant 4 : i32
        %add3A_1073 = arith.addi %mul3A_647, %add3A_1072 : i32
        %get3A_1074 = arith.index_cast %add3A_1073 : i32 to index
        %get3A_1075 = arith.constant 48 : index
        %get3A_1076 = tpu.vector_load %arg7[%get3A_1074, %get3A_1075] {strides = array<i32>} : memref<120x128xi32, #tpu.memory_space<vmem>>, vector<16xi32>,
        %bitcast3A_1077 = vector.bitcast %get3A_1076 : vector<16xi32> to vector<32xbf16>
        %add3A_1078 = arith.constant 5 : i32
        %add3A_1079 = arith.addi %mul3A_647, %add3A_1078 : i32
        %get3A_1080 = arith.index_cast %add3A_1079 : i32 to index
        %get3A_1081 = arith.constant 48 : index
        %get3A_1082 = tpu.vector_load %arg7[%get3A_1080, %get3A_1081] {strides = array<i32>} : memref<120x128xi32, #tpu.memory_space<vmem>>, vector<16xi32>,
        %bitcast3A_1083 = vector.bitcast %get3A_1082 : vector<16xi32> to vector<32xbf16>
        %add3A_1084 = arith.constant 0 : i32
        %add3A_1085 = arith.addi %mul3A_647, %add3A_1084 : i32
        %get3A_1086 = arith.index_cast %add3A_1085 : i32 to index
        %get3A_1087 = arith.constant 112 : index
        %get3A_1088 = tpu.vector_load %arg7[%get3A_1086, %get3A_1087] {strides = array<i32>} : memref<120x128xi32, #tpu.memory_space<vmem>>, vector<16xi32>,
        %bitcast3A_1089 = vector.bitcast %get3A_1088 : vector<16xi32> to vector<32xbf16>
        %add3A_1090 = arith.constant 1 : i32
        %add3A_1091 = arith.addi %mul3A_647, %add3A_1090 : i32
        %get3A_1092 = arith.index_cast %add3A_1091 : i32 to index
        %get3A_1093 = arith.constant 112 : index
        %get3A_1094 = tpu.vector_load %arg7[%get3A_1092, %get3A_1093] {strides = array<i32>} : memref<120x128xi32, #tpu.memory_space<vmem>>, vector<16xi32>,
        %bitcast3A_1095 = vector.bitcast %get3A_1094 : vector<16xi32> to vector<32xbf16>
        %add3A_1096 = arith.constant 2 : i32
        %add3A_1097 = arith.addi %mul3A_647, %add3A_1096 : i32
        %get3A_1098 = arith.index_cast %add3A_1097 : i32 to index
        %get3A_1099 = arith.constant 112 : index
        %get3A_1100 = tpu.vector_load %arg7[%get3A_1098, %get3A_1099] {strides = array<i32>} : memref<120x128xi32, #tpu.memory_space<vmem>>, vector<16xi32>,
        %bitcast3A_1101 = vector.bitcast %get3A_1100 : vector<16xi32> to vector<32xbf16>
        %add3A_1102 = arith.constant 3 : i32
        %add3A_1103 = arith.addi %mul3A_647, %add3A_1102 : i32
        %get3A_1104 = arith.index_cast %add3A_1103 : i32 to index
        %get3A_1105 = arith.constant 112 : index
        %get3A_1106 = tpu.vector_load %arg7[%get3A_1104, %get3A_1105] {strides = array<i32>} : memref<120x128xi32, #tpu.memory_space<vmem>>, vector<16xi32>,
        %bitcast3A_1107 = vector.bitcast %get3A_1106 : vector<16xi32> to vector<32xbf16>
        %add3A_1108 = arith.constant 4 : i32
        %add3A_1109 = arith.addi %mul3A_647, %add3A_1108 : i32
        %get3A_1110 = arith.index_cast %add3A_1109 : i32 to index
        %get3A_1111 = arith.constant 112 : index
        %get3A_1112 = tpu.vector_load %arg7[%get3A_1110, %get3A_1111] {strides = array<i32>} : memref<120x128xi32, #tpu.memory_space<vmem>>, vector<16xi32>,
        %bitcast3A_1113 = vector.bitcast %get3A_1112 : vector<16xi32> to vector<32xbf16>
        %add3A_1114 = arith.constant 5 : i32
        %add3A_1115 = arith.addi %mul3A_647, %add3A_1114 : i32
        %get3A_1116 = arith.index_cast %add3A_1115 : i32 to index
        %get3A_1117 = arith.constant 112 : index
        %get3A_1118 = tpu.vector_load %arg7[%get3A_1116, %get3A_1117] {strides = array<i32>} : memref<120x128xi32, #tpu.memory_space<vmem>>, vector<16xi32>,
        %bitcast3A_1119 = vector.bitcast %get3A_1118 : vector<16xi32> to vector<32xbf16>
        %mul3A_1120 = arith.mulf %bitcast3A_1047, %bitcast3A_1089 : vector<32xbf16>
        %add3A_1121 = arith.constant 1.000000e+00 : bf16
        %add3A_1122 = vector.broadcast %add3A_1121 : bf16 to vector<32xbf16>
        %add3A_1123 = arith.addf %add3A_1122, %mul3A_1120 : vector<32xbf16>
        %div3A_1124 = arith.divf %bitcast3A_1053, %add3A_1123 : vector<32xbf16>
        %mul3A_1125 = arith.mulf %bitcast3A_1047, %bitcast3A_1095 : vector<32xbf16>
        %add3A_1126 = arith.constant 1.000000e+00 : bf16
        %add3A_1127 = vector.broadcast %add3A_1126 : bf16 to vector<32xbf16>
        %add3A_1128 = arith.addf %add3A_1127, %mul3A_1125 : vector<32xbf16>
        %div3A_1129 = arith.divf %bitcast3A_1059, %add3A_1128 : vector<32xbf16>
        %mul3A_1130 = arith.mulf %bitcast3A_1047, %bitcast3A_1101 : vector<32xbf16>
        %add3A_1131 = arith.constant 1.000000e+00 : bf16
        %add3A_1132 = vector.broadcast %add3A_1131 : bf16 to vector<32xbf16>
        %add3A_1133 = arith.addf %add3A_1132, %mul3A_1130 : vector<32xbf16>
        %div3A_1134 = arith.divf %bitcast3A_1065, %add3A_1133 : vector<32xbf16>
        %mul3A_1135 = arith.mulf %bitcast3A_1047, %bitcast3A_1107 : vector<32xbf16>
        %add3A_1136 = arith.constant 1.000000e+00 : bf16
        %add3A_1137 = vector.broadcast %add3A_1136 : bf16 to vector<32xbf16>
        %add3A_1138 = arith.addf %add3A_1137, %mul3A_1135 : vector<32xbf16>
        %div3A_1139 = arith.divf %bitcast3A_1071, %add3A_1138 : vector<32xbf16>
        %mul3A_1140 = arith.mulf %bitcast3A_1047, %bitcast3A_1113 : vector<32xbf16>
        %add3A_1141 = arith.constant 1.000000e+00 : bf16
        %add3A_1142 = vector.broadcast %add3A_1141 : bf16 to vector<32xbf16>
        %add3A_1143 = arith.addf %add3A_1142, %mul3A_1140 : vector<32xbf16>
        %div3A_1144 = arith.divf %bitcast3A_1077, %add3A_1143 : vector<32xbf16>
        %mul3A_1145 = arith.mulf %bitcast3A_1047, %bitcast3A_1119 : vector<32xbf16>
        %add3A_1146 = arith.constant 1.000000e+00 : bf16
        %add3A_1147 = vector.broadcast %add3A_1146 : bf16 to vector<32xbf16>
        %add3A_1148 = arith.addf %add3A_1147, %mul3A_1145 : vector<32xbf16>
        %div3A_1149 = arith.divf %bitcast3A_1083, %add3A_1148 : vector<32xbf16>
        %add3A_1150 = arith.addf %bitcast3A_1053, %bitcast3A_1059 : vector<32xbf16>
        %add3A_1151 = arith.addf %bitcast3A_1065, %bitcast3A_1071 : vector<32xbf16>
        %add3A_1152 = arith.addf %add3A_1150, %add3A_1151 : vector<32xbf16>
        %add3A_1153 = arith.addf %bitcast3A_1077, %bitcast3A_1083 : vector<32xbf16>
        %add3A_1154 = arith.addf %add3A_1152, %add3A_1153 : vector<32xbf16>
        %add3A_1155 = arith.addf %div3A_1124, %div3A_1129 : vector<32xbf16>
        %add3A_1156 = arith.addf %div3A_1134, %div3A_1139 : vector<32xbf16>
        %add3A_1157 = arith.addf %add3A_1155, %add3A_1156 : vector<32xbf16>
        %add3A_1158 = arith.addf %div3A_1144, %div3A_1149 : vector<32xbf16>
        %add3A_1159 = arith.addf %add3A_1157, %add3A_1158 : vector<32xbf16>
        %mul3A_1160 = arith.constant 128 : i32
        %mul3A_1161 = arith.muli %add3A_645, %mul3A_1160 : i32
        %add3A_1162 = arith.constant 48 : i32
        %add3A_1163 = arith.addi %mul3A_1161, %add3A_1162 : i32
        %bitcast3A_1164 = vector.bitcast %add3A_1154 : vector<32xbf16> to vector<16xi32>
        %swap3A_1165 = arith.index_cast %add3A_1163 : i32 to index
        %swap3A_1166 = tpu.vector_load %arg11[%swap3A_1165] {strides = array<i32>} : memref<2560xi32, #tpu.memory_space<vmem>>, vector<16xi32>,
        tpu.vector_store %arg11[%swap3A_1165], %bitcast3A_1164 {strides = array<i32>} : memref<2560xi32, #tpu.memory_space<vmem>>, vector<16xi32>,
        %bitcast3A_1167 = vector.bitcast %add3A_1159 : vector<32xbf16> to vector<16xi32>
        %add3A_1168 = arith.constant 64 : i32
        %add3A_1169 = arith.addi %add3A_1163, %add3A_1168 : i32
        %swap3A_1170 = arith.index_cast %add3A_1169 : i32 to index
        %swap3A_1171 = tpu.vector_load %arg11[%swap3A_1170] {strides = array<i32>} : memref<2560xi32, #tpu.memory_space<vmem>>, vector<16xi32>,
        tpu.vector_store %arg11[%swap3A_1170], %bitcast3A_1167 {strides = array<i32>} : memref<2560xi32, #tpu.memory_space<vmem>>, vector<16xi32>,
      }
      %scan3A_67 = arith.constant 10 : i32
      %mul3A_68 = arith.constant 20 : i32
      %mul3A_69 = arith.muli %mul3A_44, %mul3A_68 : i32
      %add3A_70 = arith.addi %mul3A_2, %mul3A_69 : i32
      %mul3A_71 = arith.constant 128 : i32
      %mul3A_72 = arith.muli %add3A_70, %mul3A_71 : i32
      %dma_start3A_73 = tpu.memref_slice %arg5[%mul3A_72] : memref<20480000xi32, #tpu.memory_space<hbm>> -> memref<2560xi32, #tpu.memory_space<hbm>>
      %dma_start3A_74 = tpu.memref_slice %arg5[%mul3A_72] : memref<20480000xi32, #tpu.memory_space<hbm>> -> memref<2560xi32, #tpu.memory_space<hbm>>
      tpu.enqueue_dma source(%arg11 : memref<2560xi32, #tpu.memory_space<vmem>>) target(%dma_start3A_74 : memref<2560xi32, #tpu.memory_space<hbm>>) target_semaphore(%arg17 : memref<!tpu.dma_semaphore, #tpu.memory_space<semaphore_mem>>)
      %lt3A = arith.constant 124 : i32
      %lt3A_75 = arith.cmpi slt, %scan3A_42, %lt3A : i32
      %convert_element_type3A_76 = arith.extui %lt3A_75 : i1 to i32
      %cond3A_77 = arith.constant 0 : i32
      %cond3A_78 = arith.cmpi ne, %convert_element_type3A_76, %cond3A_77 : i32
      scf.if %cond3A_78 {
        %add3A_115 = arith.constant 2 : i32
        %add3A_116 = arith.addi %mul3A_44, %add3A_115 : i32
        %mul3A_117 = arith.constant 20 : i32
        %mul3A_118 = arith.muli %add3A_116, %mul3A_117 : i32
        %add3A_119 = arith.addi %mul3A_2, %mul3A_118 : i32
        %mul3A_120 = arith.constant 64 : i32
        %mul3A_121 = arith.muli %add3A_119, %mul3A_120 : i32
        %dma_start3A_122 = tpu.memref_slice %arg3[%mul3A_121] : memref<10240000xi32, #tpu.memory_space<hbm>> -> memref<1280xi32, #tpu.memory_space<hbm>>
        %dma_start3A_123 = tpu.memref_slice %arg3[%mul3A_121] : memref<10240000xi32, #tpu.memory_space<hbm>> -> memref<1280xi32, #tpu.memory_space<hbm>>
        tpu.enqueue_dma source(%dma_start3A_123 : memref<1280xi32, #tpu.memory_space<hbm>>) target(%arg9 : memref<1280xi32, #tpu.memory_space<vmem>>) target_semaphore(%arg15 : memref<!tpu.dma_semaphore, #tpu.memory_space<semaphore_mem>>)
        %mul3A_124 = arith.constant 120 : i32
        %mul3A_125 = arith.muli %add3A_116, %mul3A_124 : i32
        %dma_start3A_126 = tpu.memref_slice %arg6[%mul3A_125] : memref<30000xi32, #tpu.memory_space<vmem>> -> memref<120xi32, #tpu.memory_space<vmem>>
        %dma_start3A_127 = arith.constant 0 : i32
        %dma_start3A_128 = arith.constant 0 : i32
        %dma_start3A_129 = tpu.memref_slice %arg2[%dma_start3A_127, %dma_start3A_128] : memref<160000x128xi32, #tpu.memory_space<hbm>> -> memref<160000x128xi32, #tpu.memory_space<hbm>>
        tpu.enqueue_indirect_dma source(%dma_start3A_129 : memref<160000x128xi32, #tpu.memory_space<hbm>>) target(%arg7 : memref<120x128xi32, #tpu.memory_space<vmem>>) offsets(%dma_start3A_126 : memref<120xi32, #tpu.memory_space<vmem>>) semaphore(%arg13 : memref<!tpu.dma_semaphore, #tpu.memory_space<semaphore_mem>>)
      } else {
      }
      %mul3A_79 = arith.constant 20 : i32
      %mul3A_80 = arith.muli %add3A_46, %mul3A_79 : i32
      %add3A_81 = arith.addi %mul3A_2, %mul3A_80 : i32
      %mul3A_82 = arith.constant 64 : i32
      %mul3A_83 = arith.muli %add3A_81, %mul3A_82 : i32
      %dma_wait3A_84 = tpu.memref_slice %arg3[%mul3A_83] : memref<10240000xi32, #tpu.memory_space<hbm>> -> memref<1280xi32, #tpu.memory_space<hbm>>
      %dma_wait3A_85 = tpu.memref_slice %arg3[%mul3A_83] : memref<10240000xi32, #tpu.memory_space<hbm>> -> memref<1280xi32, #tpu.memory_space<hbm>>
      tpu.wait_dma2 semaphore(%arg16 : memref<!tpu.dma_semaphore, #tpu.memory_space<semaphore_mem>>) src(%dma_wait3A_85 : memref<1280xi32, #tpu.memory_space<hbm>>) dst(%arg10 : memref<1280xi32, #tpu.memory_space<vmem>>)
      %mul3A_86 = arith.constant 120 : i32
      %mul3A_87 = arith.muli %add3A_46, %mul3A_86 : i32
      %dma_wait3A_88 = tpu.memref_slice %arg6[%mul3A_87] : memref<30000xi32, #tpu.memory_space<vmem>> -> memref<120xi32, #tpu.memory_space<vmem>>
      %dma_wait3A_89 = arith.constant 0 : i32
      %dma_wait3A_90 = arith.constant 0 : i32
      %dma_wait3A_91 = tpu.memref_slice %arg2[%dma_wait3A_89, %dma_wait3A_90] : memref<160000x128xi32, #tpu.memory_space<hbm>> -> memref<160000x128xi32, #tpu.memory_space<hbm>>
      tpu.wait_indirect_dma semaphore(%arg14 : memref<!tpu.dma_semaphore, #tpu.memory_space<semaphore_mem>>) src(%dma_wait3A_91 : memref<160000x128xi32, #tpu.memory_space<hbm>>) dst(%arg8 : memref<120x128xi32, #tpu.memory_space<vmem>>)
      %gt3A_92 = arith.constant 0 : i32
      %gt3A_93 = arith.cmpi sgt, %scan3A_42, %gt3A_92 : i32
      %convert_element_type3A_94 = arith.extui %gt3A_93 : i1 to i32
      %cond3A_95 = arith.constant 0 : i32
      %cond3A_96 = arith.cmpi ne, %convert_element_type3A_94, %cond3A_95 : i32
      scf.if %cond3A_96 {
        %sub3A = arith.constant 2 : i32
        %sub3A_115 = arith.subi %add3A_46, %sub3A : i32
        %mul3A_116 = arith.constant 20 : i32
        %mul3A_117 = arith.muli %sub3A_115, %mul3A_116 : i32
        %add3A_118 = arith.addi %mul3A_2, %mul3A_117 : i32
        %mul3A_119 = arith.constant 128 : i32
        %mul3A_120 = arith.muli %add3A_118, %mul3A_119 : i32
        %dma_wait3A_121 = tpu.memref_slice %arg5[%mul3A_120] : memref<20480000xi32, #tpu.memory_space<hbm>> -> memref<2560xi32, #tpu.memory_space<hbm>>
        %dma_wait3A_122 = tpu.memref_slice %arg5[%mul3A_120] : memref<20480000xi32, #tpu.memory_space<hbm>> -> memref<2560xi32, #tpu.memory_space<hbm>>
        tpu.wait_dma2 semaphore(%arg18 : memref<!tpu.dma_semaphore, #tpu.memory_space<semaphore_mem>>) src(%arg12 : memref<2560xi32, #tpu.memory_space<vmem>>) dst(%dma_wait3A_122 : memref<2560xi32, #tpu.memory_space<hbm>>)
      } else {
      }
      %scan3A_97 = arith.constant 0 : i32
      %scan3A_98 = arith.constant 0 : i32
      %scan3A_99 = arith.constant 10 : i32
      %scan3A_100 = arith.addi %scan3A_98, %scan3A_99 : i32
      %scan3A_101 = arith.constant 1 : i32
      scf.for %scan3A_115 = %scan3A_98 to %scan3A_100 step %scan3A_101  : i32 {
        %mul3A_116 = arith.constant 2 : i32
        %mul3A_117 = arith.muli %mul3A_116, %scan3A_115 : i32
        %add3A_118 = arith.constant 0 : i32
        %add3A_119 = arith.addi %mul3A_117, %add3A_118 : i32
        %mul3A_120 = arith.constant 6 : i32
        %mul3A_121 = arith.muli %add3A_119, %mul3A_120 : i32
        %mul3A_122 = arith.constant 64 : i32
        %mul3A_123 = arith.muli %add3A_119, %mul3A_122 : i32
        %add3A_124 = arith.constant 0 : i32
        %add3A_125 = arith.addi %mul3A_123, %add3A_124 : i32
        %get3A = arith.index_cast %add3A_125 : i32 to index
        %get3A_126 = tpu.vector_load %arg10[%get3A] {strides = array<i32>} : memref<1280xi32, #tpu.memory_space<vmem>>, vector<16xi32>,
        %bitcast3A = vector.bitcast %get3A_126 : vector<16xi32> to vector<32xbf16>
        %add3A_127 = arith.constant 0 : i32
        %add3A_128 = arith.addi %mul3A_121, %add3A_127 : i32
        %get3A_129 = arith.index_cast %add3A_128 : i32 to index
        %get3A_130 = arith.constant 0 : index
        %get3A_131 = tpu.vector_load %arg8[%get3A_129, %get3A_130] {strides = array<i32>} : memref<120x128xi32, #tpu.memory_space<vmem>>, vector<16xi32>,
        %bitcast3A_132 = vector.bitcast %get3A_131 : vector<16xi32> to vector<32xbf16>
        %add3A_133 = arith.constant 1 : i32
        %add3A_134 = arith.addi %mul3A_121, %add3A_133 : i32
        %get3A_135 = arith.index_cast %add3A_134 : i32 to index
        %get3A_136 = arith.constant 0 : index
        %get3A_137 = tpu.vector_load %arg8[%get3A_135, %get3A_136] {strides = array<i32>} : memref<120x128xi32, #tpu.memory_space<vmem>>, vector<16xi32>,
        %bitcast3A_138 = vector.bitcast %get3A_137 : vector<16xi32> to vector<32xbf16>
        %add3A_139 = arith.constant 2 : i32
        %add3A_140 = arith.addi %mul3A_121, %add3A_139 : i32
        %get3A_141 = arith.index_cast %add3A_140 : i32 to index
        %get3A_142 = arith.constant 0 : index
        %get3A_143 = tpu.vector_load %arg8[%get3A_141, %get3A_142] {strides = array<i32>} : memref<120x128xi32, #tpu.memory_space<vmem>>, vector<16xi32>,
        %bitcast3A_144 = vector.bitcast %get3A_143 : vector<16xi32> to vector<32xbf16>
        %add3A_145 = arith.constant 3 : i32
        %add3A_146 = arith.addi %mul3A_121, %add3A_145 : i32
        %get3A_147 = arith.index_cast %add3A_146 : i32 to index
        %get3A_148 = arith.constant 0 : index
        %get3A_149 = tpu.vector_load %arg8[%get3A_147, %get3A_148] {strides = array<i32>} : memref<120x128xi32, #tpu.memory_space<vmem>>, vector<16xi32>,
        %bitcast3A_150 = vector.bitcast %get3A_149 : vector<16xi32> to vector<32xbf16>
        %add3A_151 = arith.constant 4 : i32
        %add3A_152 = arith.addi %mul3A_121, %add3A_151 : i32
        %get3A_153 = arith.index_cast %add3A_152 : i32 to index
        %get3A_154 = arith.constant 0 : index
        %get3A_155 = tpu.vector_load %arg8[%get3A_153, %get3A_154] {strides = array<i32>} : memref<120x128xi32, #tpu.memory_space<vmem>>, vector<16xi32>,
        %bitcast3A_156 = vector.bitcast %get3A_155 : vector<16xi32> to vector<32xbf16>
        %add3A_157 = arith.constant 5 : i32
        %add3A_158 = arith.addi %mul3A_121, %add3A_157 : i32
        %get3A_159 = arith.index_cast %add3A_158 : i32 to index
        %get3A_160 = arith.constant 0 : index
        %get3A_161 = tpu.vector_load %arg8[%get3A_159, %get3A_160] {strides = array<i32>} : memref<120x128xi32, #tpu.memory_space<vmem>>, vector<16xi32>,
        %bitcast3A_162 = vector.bitcast %get3A_161 : vector<16xi32> to vector<32xbf16>
        %add3A_163 = arith.constant 0 : i32
        %add3A_164 = arith.addi %mul3A_121, %add3A_163 : i32
        %get3A_165 = arith.index_cast %add3A_164 : i32 to index
        %get3A_166 = arith.constant 64 : index
        %get3A_167 = tpu.vector_load %arg8[%get3A_165, %get3A_166] {strides = array<i32>} : memref<120x128xi32, #tpu.memory_space<vmem>>, vector<16xi32>,
        %bitcast3A_168 = vector.bitcast %get3A_167 : vector<16xi32> to vector<32xbf16>
        %add3A_169 = arith.constant 1 : i32
        %add3A_170 = arith.addi %mul3A_121, %add3A_169 : i32
        %get3A_171 = arith.index_cast %add3A_170 : i32 to index
        %get3A_172 = arith.constant 64 : index
        %get3A_173 = tpu.vector_load %arg8[%get3A_171, %get3A_172] {strides = array<i32>} : memref<120x128xi32, #tpu.memory_space<vmem>>, vector<16xi32>,
        %bitcast3A_174 = vector.bitcast %get3A_173 : vector<16xi32> to vector<32xbf16>
        %add3A_175 = arith.constant 2 : i32
        %add3A_176 = arith.addi %mul3A_121, %add3A_175 : i32
        %get3A_177 = arith.index_cast %add3A_176 : i32 to index
        %get3A_178 = arith.constant 64 : index
        %get3A_179 = tpu.vector_load %arg8[%get3A_177, %get3A_178] {strides = array<i32>} : memref<120x128xi32, #tpu.memory_space<vmem>>, vector<16xi32>,
        %bitcast3A_180 = vector.bitcast %get3A_179 : vector<16xi32> to vector<32xbf16>
        %add3A_181 = arith.constant 3 : i32
        %add3A_182 = arith.addi %mul3A_121, %add3A_181 : i32
        %get3A_183 = arith.index_cast %add3A_182 : i32 to index
        %get3A_184 = arith.constant 64 : index
        %get3A_185 = tpu.vector_load %arg8[%get3A_183, %get3A_184] {strides = array<i32>} : memref<120x128xi32, #tpu.memory_space<vmem>>, vector<16xi32>,
        %bitcast3A_186 = vector.bitcast %get3A_185 : vector<16xi32> to vector<32xbf16>
        %add3A_187 = arith.constant 4 : i32
        %add3A_188 = arith.addi %mul3A_121, %add3A_187 : i32
        %get3A_189 = arith.index_cast %add3A_188 : i32 to index
        %get3A_190 = arith.constant 64 : index
        %get3A_191 = tpu.vector_load %arg8[%get3A_189, %get3A_190] {strides = array<i32>} : memref<120x128xi32, #tpu.memory_space<vmem>>, vector<16xi32>,
        %bitcast3A_192 = vector.bitcast %get3A_191 : vector<16xi32> to vector<32xbf16>
        %add3A_193 = arith.constant 5 : i32
        %add3A_194 = arith.addi %mul3A_121, %add3A_193 : i32
        %get3A_195 = arith.index_cast %add3A_194 : i32 to index
        %get3A_196 = arith.constant 64 : index
        %get3A_197 = tpu.vector_load %arg8[%get3A_195, %get3A_196] {strides = array<i32>} : memref<120x128xi32, #tpu.memory_space<vmem>>, vector<16xi32>,
        %bitcast3A_198 = vector.bitcast %get3A_197 : vector<16xi32> to vector<32xbf16>
        %mul3A_199 = arith.mulf %bitcast3A, %bitcast3A_168 : vector<32xbf16>
        %add3A_200 = arith.constant 1.000000e+00 : bf16
        %add3A_201 = vector.broadcast %add3A_200 : bf16 to vector<32xbf16>
        %add3A_202 = arith.addf %add3A_201, %mul3A_199 : vector<32xbf16>
        %div3A = arith.divf %bitcast3A_132, %add3A_202 : vector<32xbf16>
        %mul3A_203 = arith.mulf %bitcast3A, %bitcast3A_174 : vector<32xbf16>
        %add3A_204 = arith.constant 1.000000e+00 : bf16
        %add3A_205 = vector.broadcast %add3A_204 : bf16 to vector<32xbf16>
        %add3A_206 = arith.addf %add3A_205, %mul3A_203 : vector<32xbf16>
        %div3A_207 = arith.divf %bitcast3A_138, %add3A_206 : vector<32xbf16>
        %mul3A_208 = arith.mulf %bitcast3A, %bitcast3A_180 : vector<32xbf16>
        %add3A_209 = arith.constant 1.000000e+00 : bf16
        %add3A_210 = vector.broadcast %add3A_209 : bf16 to vector<32xbf16>
        %add3A_211 = arith.addf %add3A_210, %mul3A_208 : vector<32xbf16>
        %div3A_212 = arith.divf %bitcast3A_144, %add3A_211 : vector<32xbf16>
        %mul3A_213 = arith.mulf %bitcast3A, %bitcast3A_186 : vector<32xbf16>
        %add3A_214 = arith.constant 1.000000e+00 : bf16
        %add3A_215 = vector.broadcast %add3A_214 : bf16 to vector<32xbf16>
        %add3A_216 = arith.addf %add3A_215, %mul3A_213 : vector<32xbf16>
        %div3A_217 = arith.divf %bitcast3A_150, %add3A_216 : vector<32xbf16>
        %mul3A_218 = arith.mulf %bitcast3A, %bitcast3A_192 : vector<32xbf16>
        %add3A_219 = arith.constant 1.000000e+00 : bf16
        %add3A_220 = vector.broadcast %add3A_219 : bf16 to vector<32xbf16>
        %add3A_221 = arith.addf %add3A_220, %mul3A_218 : vector<32xbf16>
        %div3A_222 = arith.divf %bitcast3A_156, %add3A_221 : vector<32xbf16>
        %mul3A_223 = arith.mulf %bitcast3A, %bitcast3A_198 : vector<32xbf16>
        %add3A_224 = arith.constant 1.000000e+00 : bf16
        %add3A_225 = vector.broadcast %add3A_224 : bf16 to vector<32xbf16>
        %add3A_226 = arith.addf %add3A_225, %mul3A_223 : vector<32xbf16>
        %div3A_227 = arith.divf %bitcast3A_162, %add3A_226 : vector<32xbf16>
        %add3A_228 = arith.addf %bitcast3A_132, %bitcast3A_138 : vector<32xbf16>
        %add3A_229 = arith.addf %bitcast3A_144, %bitcast3A_150 : vector<32xbf16>
        %add3A_230 = arith.addf %add3A_228, %add3A_229 : vector<32xbf16>
        %add3A_231 = arith.addf %bitcast3A_156, %bitcast3A_162 : vector<32xbf16>
        %add3A_232 = arith.addf %add3A_230, %add3A_231 : vector<32xbf16>
        %add3A_233 = arith.addf %div3A, %div3A_207 : vector<32xbf16>
        %add3A_234 = arith.addf %div3A_212, %div3A_217 : vector<32xbf16>
        %add3A_235 = arith.addf %add3A_233, %add3A_234 : vector<32xbf16>
        %add3A_236 = arith.addf %div3A_222, %div3A_227 : vector<32xbf16>
        %add3A_237 = arith.addf %add3A_235, %add3A_236 : vector<32xbf16>
        %mul3A_238 = arith.constant 128 : i32
        %mul3A_239 = arith.muli %add3A_119, %mul3A_238 : i32
        %add3A_240 = arith.constant 0 : i32
        %add3A_241 = arith.addi %mul3A_239, %add3A_240 : i32
        %bitcast3A_242 = vector.bitcast %add3A_232 : vector<32xbf16> to vector<16xi32>
        %swap3A = arith.index_cast %add3A_241 : i32 to index
        %swap3A_243 = tpu.vector_load %arg12[%swap3A] {strides = array<i32>} : memref<2560xi32, #tpu.memory_space<vmem>>, vector<16xi32>,
        tpu.vector_store %arg12[%swap3A], %bitcast3A_242 {strides = array<i32>} : memref<2560xi32, #tpu.memory_space<vmem>>, vector<16xi32>,
        %bitcast3A_244 = vector.bitcast %add3A_237 : vector<32xbf16> to vector<16xi32>
        %add3A_245 = arith.constant 64 : i32
        %add3A_246 = arith.addi %add3A_241, %add3A_245 : i32
        %swap3A_247 = arith.index_cast %add3A_246 : i32 to index
        %swap3A_248 = tpu.vector_load %arg12[%swap3A_247] {strides = array<i32>} : memref<2560xi32, #tpu.memory_space<vmem>>, vector<16xi32>,
        tpu.vector_store %arg12[%swap3A_247], %bitcast3A_244 {strides = array<i32>} : memref<2560xi32, #tpu.memory_space<vmem>>, vector<16xi32>,
        %mul3A_249 = arith.constant 64 : i32
        %mul3A_250 = arith.muli %add3A_119, %mul3A_249 : i32
        %add3A_251 = arith.constant 16 : i32
        %add3A_252 = arith.addi %mul3A_250, %add3A_251 : i32
        %get3A_253 = arith.index_cast %add3A_252 : i32 to index
        %get3A_254 = tpu.vector_load %arg10[%get3A_253] {strides = array<i32>} : memref<1280xi32, #tpu.memory_space<vmem>>, vector<16xi32>,
        %bitcast3A_255 = vector.bitcast %get3A_254 : vector<16xi32> to vector<32xbf16>
        %add3A_256 = arith.constant 0 : i32
        %add3A_257 = arith.addi %mul3A_121, %add3A_256 : i32
        %get3A_258 = arith.index_cast %add3A_257 : i32 to index
        %get3A_259 = arith.constant 16 : index
        %get3A_260 = tpu.vector_load %arg8[%get3A_258, %get3A_259] {strides = array<i32>} : memref<120x128xi32, #tpu.memory_space<vmem>>, vector<16xi32>,
        %bitcast3A_261 = vector.bitcast %get3A_260 : vector<16xi32> to vector<32xbf16>
        %add3A_262 = arith.constant 1 : i32
        %add3A_263 = arith.addi %mul3A_121, %add3A_262 : i32
        %get3A_264 = arith.index_cast %add3A_263 : i32 to index
        %get3A_265 = arith.constant 16 : index
        %get3A_266 = tpu.vector_load %arg8[%get3A_264, %get3A_265] {strides = array<i32>} : memref<120x128xi32, #tpu.memory_space<vmem>>, vector<16xi32>,
        %bitcast3A_267 = vector.bitcast %get3A_266 : vector<16xi32> to vector<32xbf16>
        %add3A_268 = arith.constant 2 : i32
        %add3A_269 = arith.addi %mul3A_121, %add3A_268 : i32
        %get3A_270 = arith.index_cast %add3A_269 : i32 to index
        %get3A_271 = arith.constant 16 : index
        %get3A_272 = tpu.vector_load %arg8[%get3A_270, %get3A_271] {strides = array<i32>} : memref<120x128xi32, #tpu.memory_space<vmem>>, vector<16xi32>,
        %bitcast3A_273 = vector.bitcast %get3A_272 : vector<16xi32> to vector<32xbf16>
        %add3A_274 = arith.constant 3 : i32
        %add3A_275 = arith.addi %mul3A_121, %add3A_274 : i32
        %get3A_276 = arith.index_cast %add3A_275 : i32 to index
        %get3A_277 = arith.constant 16 : index
        %get3A_278 = tpu.vector_load %arg8[%get3A_276, %get3A_277] {strides = array<i32>} : memref<120x128xi32, #tpu.memory_space<vmem>>, vector<16xi32>,
        %bitcast3A_279 = vector.bitcast %get3A_278 : vector<16xi32> to vector<32xbf16>
        %add3A_280 = arith.constant 4 : i32
        %add3A_281 = arith.addi %mul3A_121, %add3A_280 : i32
        %get3A_282 = arith.index_cast %add3A_281 : i32 to index
        %get3A_283 = arith.constant 16 : index
        %get3A_284 = tpu.vector_load %arg8[%get3A_282, %get3A_283] {strides = array<i32>} : memref<120x128xi32, #tpu.memory_space<vmem>>, vector<16xi32>,
        %bitcast3A_285 = vector.bitcast %get3A_284 : vector<16xi32> to vector<32xbf16>
        %add3A_286 = arith.constant 5 : i32
        %add3A_287 = arith.addi %mul3A_121, %add3A_286 : i32
        %get3A_288 = arith.index_cast %add3A_287 : i32 to index
        %get3A_289 = arith.constant 16 : index
        %get3A_290 = tpu.vector_load %arg8[%get3A_288, %get3A_289] {strides = array<i32>} : memref<120x128xi32, #tpu.memory_space<vmem>>, vector<16xi32>,
        %bitcast3A_291 = vector.bitcast %get3A_290 : vector<16xi32> to vector<32xbf16>
        %add3A_292 = arith.constant 0 : i32
        %add3A_293 = arith.addi %mul3A_121, %add3A_292 : i32
        %get3A_294 = arith.index_cast %add3A_293 : i32 to index
        %get3A_295 = arith.constant 80 : index
        %get3A_296 = tpu.vector_load %arg8[%get3A_294, %get3A_295] {strides = array<i32>} : memref<120x128xi32, #tpu.memory_space<vmem>>, vector<16xi32>,
        %bitcast3A_297 = vector.bitcast %get3A_296 : vector<16xi32> to vector<32xbf16>
        %add3A_298 = arith.constant 1 : i32
        %add3A_299 = arith.addi %mul3A_121, %add3A_298 : i32
        %get3A_300 = arith.index_cast %add3A_299 : i32 to index
        %get3A_301 = arith.constant 80 : index
        %get3A_302 = tpu.vector_load %arg8[%get3A_300, %get3A_301] {strides = array<i32>} : memref<120x128xi32, #tpu.memory_space<vmem>>, vector<16xi32>,
        %bitcast3A_303 = vector.bitcast %get3A_302 : vector<16xi32> to vector<32xbf16>
        %add3A_304 = arith.constant 2 : i32
        %add3A_305 = arith.addi %mul3A_121, %add3A_304 : i32
        %get3A_306 = arith.index_cast %add3A_305 : i32 to index
        %get3A_307 = arith.constant 80 : index
        %get3A_308 = tpu.vector_load %arg8[%get3A_306, %get3A_307] {strides = array<i32>} : memref<120x128xi32, #tpu.memory_space<vmem>>, vector<16xi32>,
        %bitcast3A_309 = vector.bitcast %get3A_308 : vector<16xi32> to vector<32xbf16>
        %add3A_310 = arith.constant 3 : i32
        %add3A_311 = arith.addi %mul3A_121, %add3A_310 : i32
        %get3A_312 = arith.index_cast %add3A_311 : i32 to index
        %get3A_313 = arith.constant 80 : index
        %get3A_314 = tpu.vector_load %arg8[%get3A_312, %get3A_313] {strides = array<i32>} : memref<120x128xi32, #tpu.memory_space<vmem>>, vector<16xi32>,
        %bitcast3A_315 = vector.bitcast %get3A_314 : vector<16xi32> to vector<32xbf16>
        %add3A_316 = arith.constant 4 : i32
        %add3A_317 = arith.addi %mul3A_121, %add3A_316 : i32
        %get3A_318 = arith.index_cast %add3A_317 : i32 to index
        %get3A_319 = arith.constant 80 : index
        %get3A_320 = tpu.vector_load %arg8[%get3A_318, %get3A_319] {strides = array<i32>} : memref<120x128xi32, #tpu.memory_space<vmem>>, vector<16xi32>,
        %bitcast3A_321 = vector.bitcast %get3A_320 : vector<16xi32> to vector<32xbf16>
        %add3A_322 = arith.constant 5 : i32
        %add3A_323 = arith.addi %mul3A_121, %add3A_322 : i32
        %get3A_324 = arith.index_cast %add3A_323 : i32 to index
        %get3A_325 = arith.constant 80 : index
        %get3A_326 = tpu.vector_load %arg8[%get3A_324, %get3A_325] {strides = array<i32>} : memref<120x128xi32, #tpu.memory_space<vmem>>, vector<16xi32>,
        %bitcast3A_327 = vector.bitcast %get3A_326 : vector<16xi32> to vector<32xbf16>
        %mul3A_328 = arith.mulf %bitcast3A_255, %bitcast3A_297 : vector<32xbf16>
        %add3A_329 = arith.constant 1.000000e+00 : bf16
        %add3A_330 = vector.broadcast %add3A_329 : bf16 to vector<32xbf16>
        %add3A_331 = arith.addf %add3A_330, %mul3A_328 : vector<32xbf16>
        %div3A_332 = arith.divf %bitcast3A_261, %add3A_331 : vector<32xbf16>
        %mul3A_333 = arith.mulf %bitcast3A_255, %bitcast3A_303 : vector<32xbf16>
        %add3A_334 = arith.constant 1.000000e+00 : bf16
        %add3A_335 = vector.broadcast %add3A_334 : bf16 to vector<32xbf16>
        %add3A_336 = arith.addf %add3A_335, %mul3A_333 : vector<32xbf16>
        %div3A_337 = arith.divf %bitcast3A_267, %add3A_336 : vector<32xbf16>
        %mul3A_338 = arith.mulf %bitcast3A_255, %bitcast3A_309 : vector<32xbf16>
        %add3A_339 = arith.constant 1.000000e+00 : bf16
        %add3A_340 = vector.broadcast %add3A_339 : bf16 to vector<32xbf16>
        %add3A_341 = arith.addf %add3A_340, %mul3A_338 : vector<32xbf16>
        %div3A_342 = arith.divf %bitcast3A_273, %add3A_341 : vector<32xbf16>
        %mul3A_343 = arith.mulf %bitcast3A_255, %bitcast3A_315 : vector<32xbf16>
        %add3A_344 = arith.constant 1.000000e+00 : bf16
        %add3A_345 = vector.broadcast %add3A_344 : bf16 to vector<32xbf16>
        %add3A_346 = arith.addf %add3A_345, %mul3A_343 : vector<32xbf16>
        %div3A_347 = arith.divf %bitcast3A_279, %add3A_346 : vector<32xbf16>
        %mul3A_348 = arith.mulf %bitcast3A_255, %bitcast3A_321 : vector<32xbf16>
        %add3A_349 = arith.constant 1.000000e+00 : bf16
        %add3A_350 = vector.broadcast %add3A_349 : bf16 to vector<32xbf16>
        %add3A_351 = arith.addf %add3A_350, %mul3A_348 : vector<32xbf16>
        %div3A_352 = arith.divf %bitcast3A_285, %add3A_351 : vector<32xbf16>
        %mul3A_353 = arith.mulf %bitcast3A_255, %bitcast3A_327 : vector<32xbf16>
        %add3A_354 = arith.constant 1.000000e+00 : bf16
        %add3A_355 = vector.broadcast %add3A_354 : bf16 to vector<32xbf16>
        %add3A_356 = arith.addf %add3A_355, %mul3A_353 : vector<32xbf16>
        %div3A_357 = arith.divf %bitcast3A_291, %add3A_356 : vector<32xbf16>
        %add3A_358 = arith.addf %bitcast3A_261, %bitcast3A_267 : vector<32xbf16>
        %add3A_359 = arith.addf %bitcast3A_273, %bitcast3A_279 : vector<32xbf16>
        %add3A_360 = arith.addf %add3A_358, %add3A_359 : vector<32xbf16>
        %add3A_361 = arith.addf %bitcast3A_285, %bitcast3A_291 : vector<32xbf16>
        %add3A_362 = arith.addf %add3A_360, %add3A_361 : vector<32xbf16>
        %add3A_363 = arith.addf %div3A_332, %div3A_337 : vector<32xbf16>
        %add3A_364 = arith.addf %div3A_342, %div3A_347 : vector<32xbf16>
        %add3A_365 = arith.addf %add3A_363, %add3A_364 : vector<32xbf16>
        %add3A_366 = arith.addf %div3A_352, %div3A_357 : vector<32xbf16>
        %add3A_367 = arith.addf %add3A_365, %add3A_366 : vector<32xbf16>
        %mul3A_368 = arith.constant 128 : i32
        %mul3A_369 = arith.muli %add3A_119, %mul3A_368 : i32
        %add3A_370 = arith.constant 16 : i32
        %add3A_371 = arith.addi %mul3A_369, %add3A_370 : i32
        %bitcast3A_372 = vector.bitcast %add3A_362 : vector<32xbf16> to vector<16xi32>
        %swap3A_373 = arith.index_cast %add3A_371 : i32 to index
        %swap3A_374 = tpu.vector_load %arg12[%swap3A_373] {strides = array<i32>} : memref<2560xi32, #tpu.memory_space<vmem>>, vector<16xi32>,
        tpu.vector_store %arg12[%swap3A_373], %bitcast3A_372 {strides = array<i32>} : memref<2560xi32, #tpu.memory_space<vmem>>, vector<16xi32>,
        %bitcast3A_375 = vector.bitcast %add3A_367 : vector<32xbf16> to vector<16xi32>
        %add3A_376 = arith.constant 64 : i32
        %add3A_377 = arith.addi %add3A_371, %add3A_376 : i32
        %swap3A_378 = arith.index_cast %add3A_377 : i32 to index
        %swap3A_379 = tpu.vector_load %arg12[%swap3A_378] {strides = array<i32>} : memref<2560xi32, #tpu.memory_space<vmem>>, vector<16xi32>,
        tpu.vector_store %arg12[%swap3A_378], %bitcast3A_375 {strides = array<i32>} : memref<2560xi32, #tpu.memory_space<vmem>>, vector<16xi32>,
        %mul3A_380 = arith.constant 64 : i32
        %mul3A_381 = arith.muli %add3A_119, %mul3A_380 : i32
        %add3A_382 = arith.constant 32 : i32
        %add3A_383 = arith.addi %mul3A_381, %add3A_382 : i32
        %get3A_384 = arith.index_cast %add3A_383 : i32 to index
        %get3A_385 = tpu.vector_load %arg10[%get3A_384] {strides = array<i32>} : memref<1280xi32, #tpu.memory_space<vmem>>, vector<16xi32>,
        %bitcast3A_386 = vector.bitcast %get3A_385 : vector<16xi32> to vector<32xbf16>
        %add3A_387 = arith.constant 0 : i32
        %add3A_388 = arith.addi %mul3A_121, %add3A_387 : i32
        %get3A_389 = arith.index_cast %add3A_388 : i32 to index
        %get3A_390 = arith.constant 32 : index
        %get3A_391 = tpu.vector_load %arg8[%get3A_389, %get3A_390] {strides = array<i32>} : memref<120x128xi32, #tpu.memory_space<vmem>>, vector<16xi32>,
        %bitcast3A_392 = vector.bitcast %get3A_391 : vector<16xi32> to vector<32xbf16>
        %add3A_393 = arith.constant 1 : i32
        %add3A_394 = arith.addi %mul3A_121, %add3A_393 : i32
        %get3A_395 = arith.index_cast %add3A_394 : i32 to index
        %get3A_396 = arith.constant 32 : index
        %get3A_397 = tpu.vector_load %arg8[%get3A_395, %get3A_396] {strides = array<i32>} : memref<120x128xi32, #tpu.memory_space<vmem>>, vector<16xi32>,
        %bitcast3A_398 = vector.bitcast %get3A_397 : vector<16xi32> to vector<32xbf16>
        %add3A_399 = arith.constant 2 : i32
        %add3A_400 = arith.addi %mul3A_121, %add3A_399 : i32
        %get3A_401 = arith.index_cast %add3A_400 : i32 to index
        %get3A_402 = arith.constant 32 : index
        %get3A_403 = tpu.vector_load %arg8[%get3A_401, %get3A_402] {strides = array<i32>} : memref<120x128xi32, #tpu.memory_space<vmem>>, vector<16xi32>,
        %bitcast3A_404 = vector.bitcast %get3A_403 : vector<16xi32> to vector<32xbf16>
        %add3A_405 = arith.constant 3 : i32
        %add3A_406 = arith.addi %mul3A_121, %add3A_405 : i32
        %get3A_407 = arith.index_cast %add3A_406 : i32 to index
        %get3A_408 = arith.constant 32 : index
        %get3A_409 = tpu.vector_load %arg8[%get3A_407, %get3A_408] {strides = array<i32>} : memref<120x128xi32, #tpu.memory_space<vmem>>, vector<16xi32>,
        %bitcast3A_410 = vector.bitcast %get3A_409 : vector<16xi32> to vector<32xbf16>
        %add3A_411 = arith.constant 4 : i32
        %add3A_412 = arith.addi %mul3A_121, %add3A_411 : i32
        %get3A_413 = arith.index_cast %add3A_412 : i32 to index
        %get3A_414 = arith.constant 32 : index
        %get3A_415 = tpu.vector_load %arg8[%get3A_413, %get3A_414] {strides = array<i32>} : memref<120x128xi32, #tpu.memory_space<vmem>>, vector<16xi32>,
        %bitcast3A_416 = vector.bitcast %get3A_415 : vector<16xi32> to vector<32xbf16>
        %add3A_417 = arith.constant 5 : i32
        %add3A_418 = arith.addi %mul3A_121, %add3A_417 : i32
        %get3A_419 = arith.index_cast %add3A_418 : i32 to index
        %get3A_420 = arith.constant 32 : index
        %get3A_421 = tpu.vector_load %arg8[%get3A_419, %get3A_420] {strides = array<i32>} : memref<120x128xi32, #tpu.memory_space<vmem>>, vector<16xi32>,
        %bitcast3A_422 = vector.bitcast %get3A_421 : vector<16xi32> to vector<32xbf16>
        %add3A_423 = arith.constant 0 : i32
        %add3A_424 = arith.addi %mul3A_121, %add3A_423 : i32
        %get3A_425 = arith.index_cast %add3A_424 : i32 to index
        %get3A_426 = arith.constant 96 : index
        %get3A_427 = tpu.vector_load %arg8[%get3A_425, %get3A_426] {strides = array<i32>} : memref<120x128xi32, #tpu.memory_space<vmem>>, vector<16xi32>,
        %bitcast3A_428 = vector.bitcast %get3A_427 : vector<16xi32> to vector<32xbf16>
        %add3A_429 = arith.constant 1 : i32
        %add3A_430 = arith.addi %mul3A_121, %add3A_429 : i32
        %get3A_431 = arith.index_cast %add3A_430 : i32 to index
        %get3A_432 = arith.constant 96 : index
        %get3A_433 = tpu.vector_load %arg8[%get3A_431, %get3A_432] {strides = array<i32>} : memref<120x128xi32, #tpu.memory_space<vmem>>, vector<16xi32>,
        %bitcast3A_434 = vector.bitcast %get3A_433 : vector<16xi32> to vector<32xbf16>
        %add3A_435 = arith.constant 2 : i32
        %add3A_436 = arith.addi %mul3A_121, %add3A_435 : i32
        %get3A_437 = arith.index_cast %add3A_436 : i32 to index
        %get3A_438 = arith.constant 96 : index
        %get3A_439 = tpu.vector_load %arg8[%get3A_437, %get3A_438] {strides = array<i32>} : memref<120x128xi32, #tpu.memory_space<vmem>>, vector<16xi32>,
        %bitcast3A_440 = vector.bitcast %get3A_439 : vector<16xi32> to vector<32xbf16>
        %add3A_441 = arith.constant 3 : i32
        %add3A_442 = arith.addi %mul3A_121, %add3A_441 : i32
        %get3A_443 = arith.index_cast %add3A_442 : i32 to index
        %get3A_444 = arith.constant 96 : index
        %get3A_445 = tpu.vector_load %arg8[%get3A_443, %get3A_444] {strides = array<i32>} : memref<120x128xi32, #tpu.memory_space<vmem>>, vector<16xi32>,
        %bitcast3A_446 = vector.bitcast %get3A_445 : vector<16xi32> to vector<32xbf16>
        %add3A_447 = arith.constant 4 : i32
        %add3A_448 = arith.addi %mul3A_121, %add3A_447 : i32
        %get3A_449 = arith.index_cast %add3A_448 : i32 to index
        %get3A_450 = arith.constant 96 : index
        %get3A_451 = tpu.vector_load %arg8[%get3A_449, %get3A_450] {strides = array<i32>} : memref<120x128xi32, #tpu.memory_space<vmem>>, vector<16xi32>,
        %bitcast3A_452 = vector.bitcast %get3A_451 : vector<16xi32> to vector<32xbf16>
        %add3A_453 = arith.constant 5 : i32
        %add3A_454 = arith.addi %mul3A_121, %add3A_453 : i32
        %get3A_455 = arith.index_cast %add3A_454 : i32 to index
        %get3A_456 = arith.constant 96 : index
        %get3A_457 = tpu.vector_load %arg8[%get3A_455, %get3A_456] {strides = array<i32>} : memref<120x128xi32, #tpu.memory_space<vmem>>, vector<16xi32>,
        %bitcast3A_458 = vector.bitcast %get3A_457 : vector<16xi32> to vector<32xbf16>
        %mul3A_459 = arith.mulf %bitcast3A_386, %bitcast3A_428 : vector<32xbf16>
        %add3A_460 = arith.constant 1.000000e+00 : bf16
        %add3A_461 = vector.broadcast %add3A_460 : bf16 to vector<32xbf16>
        %add3A_462 = arith.addf %add3A_461, %mul3A_459 : vector<32xbf16>
        %div3A_463 = arith.divf %bitcast3A_392, %add3A_462 : vector<32xbf16>
        %mul3A_464 = arith.mulf %bitcast3A_386, %bitcast3A_434 : vector<32xbf16>
        %add3A_465 = arith.constant 1.000000e+00 : bf16
        %add3A_466 = vector.broadcast %add3A_465 : bf16 to vector<32xbf16>
        %add3A_467 = arith.addf %add3A_466, %mul3A_464 : vector<32xbf16>
        %div3A_468 = arith.divf %bitcast3A_398, %add3A_467 : vector<32xbf16>
        %mul3A_469 = arith.mulf %bitcast3A_386, %bitcast3A_440 : vector<32xbf16>
        %add3A_470 = arith.constant 1.000000e+00 : bf16
        %add3A_471 = vector.broadcast %add3A_470 : bf16 to vector<32xbf16>
        %add3A_472 = arith.addf %add3A_471, %mul3A_469 : vector<32xbf16>
        %div3A_473 = arith.divf %bitcast3A_404, %add3A_472 : vector<32xbf16>
        %mul3A_474 = arith.mulf %bitcast3A_386, %bitcast3A_446 : vector<32xbf16>
        %add3A_475 = arith.constant 1.000000e+00 : bf16
        %add3A_476 = vector.broadcast %add3A_475 : bf16 to vector<32xbf16>
        %add3A_477 = arith.addf %add3A_476, %mul3A_474 : vector<32xbf16>
        %div3A_478 = arith.divf %bitcast3A_410, %add3A_477 : vector<32xbf16>
        %mul3A_479 = arith.mulf %bitcast3A_386, %bitcast3A_452 : vector<32xbf16>
        %add3A_480 = arith.constant 1.000000e+00 : bf16
        %add3A_481 = vector.broadcast %add3A_480 : bf16 to vector<32xbf16>
        %add3A_482 = arith.addf %add3A_481, %mul3A_479 : vector<32xbf16>
        %div3A_483 = arith.divf %bitcast3A_416, %add3A_482 : vector<32xbf16>
        %mul3A_484 = arith.mulf %bitcast3A_386, %bitcast3A_458 : vector<32xbf16>
        %add3A_485 = arith.constant 1.000000e+00 : bf16
        %add3A_486 = vector.broadcast %add3A_485 : bf16 to vector<32xbf16>
        %add3A_487 = arith.addf %add3A_486, %mul3A_484 : vector<32xbf16>
        %div3A_488 = arith.divf %bitcast3A_422, %add3A_487 : vector<32xbf16>
        %add3A_489 = arith.addf %bitcast3A_392, %bitcast3A_398 : vector<32xbf16>
        %add3A_490 = arith.addf %bitcast3A_404, %bitcast3A_410 : vector<32xbf16>
        %add3A_491 = arith.addf %add3A_489, %add3A_490 : vector<32xbf16>
        %add3A_492 = arith.addf %bitcast3A_416, %bitcast3A_422 : vector<32xbf16>
        %add3A_493 = arith.addf %add3A_491, %add3A_492 : vector<32xbf16>
        %add3A_494 = arith.addf %div3A_463, %div3A_468 : vector<32xbf16>
        %add3A_495 = arith.addf %div3A_473, %div3A_478 : vector<32xbf16>
        %add3A_496 = arith.addf %add3A_494, %add3A_495 : vector<32xbf16>
        %add3A_497 = arith.addf %div3A_483, %div3A_488 : vector<32xbf16>
        %add3A_498 = arith.addf %add3A_496, %add3A_497 : vector<32xbf16>
        %mul3A_499 = arith.constant 128 : i32
        %mul3A_500 = arith.muli %add3A_119, %mul3A_499 : i32
        %add3A_501 = arith.constant 32 : i32
        %add3A_502 = arith.addi %mul3A_500, %add3A_501 : i32
        %bitcast3A_503 = vector.bitcast %add3A_493 : vector<32xbf16> to vector<16xi32>
        %swap3A_504 = arith.index_cast %add3A_502 : i32 to index
        %swap3A_505 = tpu.vector_load %arg12[%swap3A_504] {strides = array<i32>} : memref<2560xi32, #tpu.memory_space<vmem>>, vector<16xi32>,
        tpu.vector_store %arg12[%swap3A_504], %bitcast3A_503 {strides = array<i32>} : memref<2560xi32, #tpu.memory_space<vmem>>, vector<16xi32>,
        %bitcast3A_506 = vector.bitcast %add3A_498 : vector<32xbf16> to vector<16xi32>
        %add3A_507 = arith.constant 64 : i32
        %add3A_508 = arith.addi %add3A_502, %add3A_507 : i32
        %swap3A_509 = arith.index_cast %add3A_508 : i32 to index
        %swap3A_510 = tpu.vector_load %arg12[%swap3A_509] {strides = array<i32>} : memref<2560xi32, #tpu.memory_space<vmem>>, vector<16xi32>,
        tpu.vector_store %arg12[%swap3A_509], %bitcast3A_506 {strides = array<i32>} : memref<2560xi32, #tpu.memory_space<vmem>>, vector<16xi32>,
        %mul3A_511 = arith.constant 64 : i32
        %mul3A_512 = arith.muli %add3A_119, %mul3A_511 : i32
        %add3A_513 = arith.constant 48 : i32
        %add3A_514 = arith.addi %mul3A_512, %add3A_513 : i32
        %get3A_515 = arith.index_cast %add3A_514 : i32 to index
        %get3A_516 = tpu.vector_load %arg10[%get3A_515] {strides = array<i32>} : memref<1280xi32, #tpu.memory_space<vmem>>, vector<16xi32>,
        %bitcast3A_517 = vector.bitcast %get3A_516 : vector<16xi32> to vector<32xbf16>
        %add3A_518 = arith.constant 0 : i32
        %add3A_519 = arith.addi %mul3A_121, %add3A_518 : i32
        %get3A_520 = arith.index_cast %add3A_519 : i32 to index
        %get3A_521 = arith.constant 48 : index
        %get3A_522 = tpu.vector_load %arg8[%get3A_520, %get3A_521] {strides = array<i32>} : memref<120x128xi32, #tpu.memory_space<vmem>>, vector<16xi32>,
        %bitcast3A_523 = vector.bitcast %get3A_522 : vector<16xi32> to vector<32xbf16>
        %add3A_524 = arith.constant 1 : i32
        %add3A_525 = arith.addi %mul3A_121, %add3A_524 : i32
        %get3A_526 = arith.index_cast %add3A_525 : i32 to index
        %get3A_527 = arith.constant 48 : index
        %get3A_528 = tpu.vector_load %arg8[%get3A_526, %get3A_527] {strides = array<i32>} : memref<120x128xi32, #tpu.memory_space<vmem>>, vector<16xi32>,
        %bitcast3A_529 = vector.bitcast %get3A_528 : vector<16xi32> to vector<32xbf16>
        %add3A_530 = arith.constant 2 : i32
        %add3A_531 = arith.addi %mul3A_121, %add3A_530 : i32
        %get3A_532 = arith.index_cast %add3A_531 : i32 to index
        %get3A_533 = arith.constant 48 : index
        %get3A_534 = tpu.vector_load %arg8[%get3A_532, %get3A_533] {strides = array<i32>} : memref<120x128xi32, #tpu.memory_space<vmem>>, vector<16xi32>,
        %bitcast3A_535 = vector.bitcast %get3A_534 : vector<16xi32> to vector<32xbf16>
        %add3A_536 = arith.constant 3 : i32
        %add3A_537 = arith.addi %mul3A_121, %add3A_536 : i32
        %get3A_538 = arith.index_cast %add3A_537 : i32 to index
        %get3A_539 = arith.constant 48 : index
        %get3A_540 = tpu.vector_load %arg8[%get3A_538, %get3A_539] {strides = array<i32>} : memref<120x128xi32, #tpu.memory_space<vmem>>, vector<16xi32>,
        %bitcast3A_541 = vector.bitcast %get3A_540 : vector<16xi32> to vector<32xbf16>
        %add3A_542 = arith.constant 4 : i32
        %add3A_543 = arith.addi %mul3A_121, %add3A_542 : i32
        %get3A_544 = arith.index_cast %add3A_543 : i32 to index
        %get3A_545 = arith.constant 48 : index
        %get3A_546 = tpu.vector_load %arg8[%get3A_544, %get3A_545] {strides = array<i32>} : memref<120x128xi32, #tpu.memory_space<vmem>>, vector<16xi32>,
        %bitcast3A_547 = vector.bitcast %get3A_546 : vector<16xi32> to vector<32xbf16>
        %add3A_548 = arith.constant 5 : i32
        %add3A_549 = arith.addi %mul3A_121, %add3A_548 : i32
        %get3A_550 = arith.index_cast %add3A_549 : i32 to index
        %get3A_551 = arith.constant 48 : index
        %get3A_552 = tpu.vector_load %arg8[%get3A_550, %get3A_551] {strides = array<i32>} : memref<120x128xi32, #tpu.memory_space<vmem>>, vector<16xi32>,
        %bitcast3A_553 = vector.bitcast %get3A_552 : vector<16xi32> to vector<32xbf16>
        %add3A_554 = arith.constant 0 : i32
        %add3A_555 = arith.addi %mul3A_121, %add3A_554 : i32
        %get3A_556 = arith.index_cast %add3A_555 : i32 to index
        %get3A_557 = arith.constant 112 : index
        %get3A_558 = tpu.vector_load %arg8[%get3A_556, %get3A_557] {strides = array<i32>} : memref<120x128xi32, #tpu.memory_space<vmem>>, vector<16xi32>,
        %bitcast3A_559 = vector.bitcast %get3A_558 : vector<16xi32> to vector<32xbf16>
        %add3A_560 = arith.constant 1 : i32
        %add3A_561 = arith.addi %mul3A_121, %add3A_560 : i32
        %get3A_562 = arith.index_cast %add3A_561 : i32 to index
        %get3A_563 = arith.constant 112 : index
        %get3A_564 = tpu.vector_load %arg8[%get3A_562, %get3A_563] {strides = array<i32>} : memref<120x128xi32, #tpu.memory_space<vmem>>, vector<16xi32>,
        %bitcast3A_565 = vector.bitcast %get3A_564 : vector<16xi32> to vector<32xbf16>
        %add3A_566 = arith.constant 2 : i32
        %add3A_567 = arith.addi %mul3A_121, %add3A_566 : i32
        %get3A_568 = arith.index_cast %add3A_567 : i32 to index
        %get3A_569 = arith.constant 112 : index
        %get3A_570 = tpu.vector_load %arg8[%get3A_568, %get3A_569] {strides = array<i32>} : memref<120x128xi32, #tpu.memory_space<vmem>>, vector<16xi32>,
        %bitcast3A_571 = vector.bitcast %get3A_570 : vector<16xi32> to vector<32xbf16>
        %add3A_572 = arith.constant 3 : i32
        %add3A_573 = arith.addi %mul3A_121, %add3A_572 : i32
        %get3A_574 = arith.index_cast %add3A_573 : i32 to index
        %get3A_575 = arith.constant 112 : index
        %get3A_576 = tpu.vector_load %arg8[%get3A_574, %get3A_575] {strides = array<i32>} : memref<120x128xi32, #tpu.memory_space<vmem>>, vector<16xi32>,
        %bitcast3A_577 = vector.bitcast %get3A_576 : vector<16xi32> to vector<32xbf16>
        %add3A_578 = arith.constant 4 : i32
        %add3A_579 = arith.addi %mul3A_121, %add3A_578 : i32
        %get3A_580 = arith.index_cast %add3A_579 : i32 to index
        %get3A_581 = arith.constant 112 : index
        %get3A_582 = tpu.vector_load %arg8[%get3A_580, %get3A_581] {strides = array<i32>} : memref<120x128xi32, #tpu.memory_space<vmem>>, vector<16xi32>,
        %bitcast3A_583 = vector.bitcast %get3A_582 : vector<16xi32> to vector<32xbf16>
        %add3A_584 = arith.constant 5 : i32
        %add3A_585 = arith.addi %mul3A_121, %add3A_584 : i32
        %get3A_586 = arith.index_cast %add3A_585 : i32 to index
        %get3A_587 = arith.constant 112 : index
        %get3A_588 = tpu.vector_load %arg8[%get3A_586, %get3A_587] {strides = array<i32>} : memref<120x128xi32, #tpu.memory_space<vmem>>, vector<16xi32>,
        %bitcast3A_589 = vector.bitcast %get3A_588 : vector<16xi32> to vector<32xbf16>
        %mul3A_590 = arith.mulf %bitcast3A_517, %bitcast3A_559 : vector<32xbf16>
        %add3A_591 = arith.constant 1.000000e+00 : bf16
        %add3A_592 = vector.broadcast %add3A_591 : bf16 to vector<32xbf16>
        %add3A_593 = arith.addf %add3A_592, %mul3A_590 : vector<32xbf16>
        %div3A_594 = arith.divf %bitcast3A_523, %add3A_593 : vector<32xbf16>
        %mul3A_595 = arith.mulf %bitcast3A_517, %bitcast3A_565 : vector<32xbf16>
        %add3A_596 = arith.constant 1.000000e+00 : bf16
        %add3A_597 = vector.broadcast %add3A_596 : bf16 to vector<32xbf16>
        %add3A_598 = arith.addf %add3A_597, %mul3A_595 : vector<32xbf16>
        %div3A_599 = arith.divf %bitcast3A_529, %add3A_598 : vector<32xbf16>
        %mul3A_600 = arith.mulf %bitcast3A_517, %bitcast3A_571 : vector<32xbf16>
        %add3A_601 = arith.constant 1.000000e+00 : bf16
        %add3A_602 = vector.broadcast %add3A_601 : bf16 to vector<32xbf16>
        %add3A_603 = arith.addf %add3A_602, %mul3A_600 : vector<32xbf16>
        %div3A_604 = arith.divf %bitcast3A_535, %add3A_603 : vector<32xbf16>
        %mul3A_605 = arith.mulf %bitcast3A_517, %bitcast3A_577 : vector<32xbf16>
        %add3A_606 = arith.constant 1.000000e+00 : bf16
        %add3A_607 = vector.broadcast %add3A_606 : bf16 to vector<32xbf16>
        %add3A_608 = arith.addf %add3A_607, %mul3A_605 : vector<32xbf16>
        %div3A_609 = arith.divf %bitcast3A_541, %add3A_608 : vector<32xbf16>
        %mul3A_610 = arith.mulf %bitcast3A_517, %bitcast3A_583 : vector<32xbf16>
        %add3A_611 = arith.constant 1.000000e+00 : bf16
        %add3A_612 = vector.broadcast %add3A_611 : bf16 to vector<32xbf16>
        %add3A_613 = arith.addf %add3A_612, %mul3A_610 : vector<32xbf16>
        %div3A_614 = arith.divf %bitcast3A_547, %add3A_613 : vector<32xbf16>
        %mul3A_615 = arith.mulf %bitcast3A_517, %bitcast3A_589 : vector<32xbf16>
        %add3A_616 = arith.constant 1.000000e+00 : bf16
        %add3A_617 = vector.broadcast %add3A_616 : bf16 to vector<32xbf16>
        %add3A_618 = arith.addf %add3A_617, %mul3A_615 : vector<32xbf16>
        %div3A_619 = arith.divf %bitcast3A_553, %add3A_618 : vector<32xbf16>
        %add3A_620 = arith.addf %bitcast3A_523, %bitcast3A_529 : vector<32xbf16>
        %add3A_621 = arith.addf %bitcast3A_535, %bitcast3A_541 : vector<32xbf16>
        %add3A_622 = arith.addf %add3A_620, %add3A_621 : vector<32xbf16>
        %add3A_623 = arith.addf %bitcast3A_547, %bitcast3A_553 : vector<32xbf16>
        %add3A_624 = arith.addf %add3A_622, %add3A_623 : vector<32xbf16>
        %add3A_625 = arith.addf %div3A_594, %div3A_599 : vector<32xbf16>
        %add3A_626 = arith.addf %div3A_604, %div3A_609 : vector<32xbf16>
        %add3A_627 = arith.addf %add3A_625, %add3A_626 : vector<32xbf16>
        %add3A_628 = arith.addf %div3A_614, %div3A_619 : vector<32xbf16>
        %add3A_629 = arith.addf %add3A_627, %add3A_628 : vector<32xbf16>
        %mul3A_630 = arith.constant 128 : i32
        %mul3A_631 = arith.muli %add3A_119, %mul3A_630 : i32
        %add3A_632 = arith.constant 48 : i32
        %add3A_633 = arith.addi %mul3A_631, %add3A_632 : i32
        %bitcast3A_634 = vector.bitcast %add3A_624 : vector<32xbf16> to vector<16xi32>
        %swap3A_635 = arith.index_cast %add3A_633 : i32 to index
        %swap3A_636 = tpu.vector_load %arg12[%swap3A_635] {strides = array<i32>} : memref<2560xi32, #tpu.memory_space<vmem>>, vector<16xi32>,
        tpu.vector_store %arg12[%swap3A_635], %bitcast3A_634 {strides = array<i32>} : memref<2560xi32, #tpu.memory_space<vmem>>, vector<16xi32>,
        %bitcast3A_637 = vector.bitcast %add3A_629 : vector<32xbf16> to vector<16xi32>
        %add3A_638 = arith.constant 64 : i32
        %add3A_639 = arith.addi %add3A_633, %add3A_638 : i32
        %swap3A_640 = arith.index_cast %add3A_639 : i32 to index
        %swap3A_641 = tpu.vector_load %arg12[%swap3A_640] {strides = array<i32>} : memref<2560xi32, #tpu.memory_space<vmem>>, vector<16xi32>,
        tpu.vector_store %arg12[%swap3A_640], %bitcast3A_637 {strides = array<i32>} : memref<2560xi32, #tpu.memory_space<vmem>>, vector<16xi32>,
        %mul3A_642 = arith.constant 2 : i32
        %mul3A_643 = arith.muli %mul3A_642, %scan3A_115 : i32
        %add3A_644 = arith.constant 1 : i32
        %add3A_645 = arith.addi %mul3A_643, %add3A_644 : i32
        %mul3A_646 = arith.constant 6 : i32
        %mul3A_647 = arith.muli %add3A_645, %mul3A_646 : i32
        %mul3A_648 = arith.constant 64 : i32
        %mul3A_649 = arith.muli %add3A_645, %mul3A_648 : i32
        %add3A_650 = arith.constant 0 : i32
        %add3A_651 = arith.addi %mul3A_649, %add3A_650 : i32
        %get3A_652 = arith.index_cast %add3A_651 : i32 to index
        %get3A_653 = tpu.vector_load %arg10[%get3A_652] {strides = array<i32>} : memref<1280xi32, #tpu.memory_space<vmem>>, vector<16xi32>,
        %bitcast3A_654 = vector.bitcast %get3A_653 : vector<16xi32> to vector<32xbf16>
        %add3A_655 = arith.constant 0 : i32
        %add3A_656 = arith.addi %mul3A_647, %add3A_655 : i32
        %get3A_657 = arith.index_cast %add3A_656 : i32 to index
        %get3A_658 = arith.constant 0 : index
        %get3A_659 = tpu.vector_load %arg8[%get3A_657, %get3A_658] {strides = array<i32>} : memref<120x128xi32, #tpu.memory_space<vmem>>, vector<16xi32>,
        %bitcast3A_660 = vector.bitcast %get3A_659 : vector<16xi32> to vector<32xbf16>
        %add3A_661 = arith.constant 1 : i32
        %add3A_662 = arith.addi %mul3A_647, %add3A_661 : i32
        %get3A_663 = arith.index_cast %add3A_662 : i32 to index
        %get3A_664 = arith.constant 0 : index
        %get3A_665 = tpu.vector_load %arg8[%get3A_663, %get3A_664] {strides = array<i32>} : memref<120x128xi32, #tpu.memory_space<vmem>>, vector<16xi32>,
        %bitcast3A_666 = vector.bitcast %get3A_665 : vector<16xi32> to vector<32xbf16>
        %add3A_667 = arith.constant 2 : i32
        %add3A_668 = arith.addi %mul3A_647, %add3A_667 : i32
        %get3A_669 = arith.index_cast %add3A_668 : i32 to index
        %get3A_670 = arith.constant 0 : index
        %get3A_671 = tpu.vector_load %arg8[%get3A_669, %get3A_670] {strides = array<i32>} : memref<120x128xi32, #tpu.memory_space<vmem>>, vector<16xi32>,
        %bitcast3A_672 = vector.bitcast %get3A_671 : vector<16xi32> to vector<32xbf16>
        %add3A_673 = arith.constant 3 : i32
        %add3A_674 = arith.addi %mul3A_647, %add3A_673 : i32
        %get3A_675 = arith.index_cast %add3A_674 : i32 to index
        %get3A_676 = arith.constant 0 : index
        %get3A_677 = tpu.vector_load %arg8[%get3A_675, %get3A_676] {strides = array<i32>} : memref<120x128xi32, #tpu.memory_space<vmem>>, vector<16xi32>,
        %bitcast3A_678 = vector.bitcast %get3A_677 : vector<16xi32> to vector<32xbf16>
        %add3A_679 = arith.constant 4 : i32
        %add3A_680 = arith.addi %mul3A_647, %add3A_679 : i32
        %get3A_681 = arith.index_cast %add3A_680 : i32 to index
        %get3A_682 = arith.constant 0 : index
        %get3A_683 = tpu.vector_load %arg8[%get3A_681, %get3A_682] {strides = array<i32>} : memref<120x128xi32, #tpu.memory_space<vmem>>, vector<16xi32>,
        %bitcast3A_684 = vector.bitcast %get3A_683 : vector<16xi32> to vector<32xbf16>
        %add3A_685 = arith.constant 5 : i32
        %add3A_686 = arith.addi %mul3A_647, %add3A_685 : i32
        %get3A_687 = arith.index_cast %add3A_686 : i32 to index
        %get3A_688 = arith.constant 0 : index
        %get3A_689 = tpu.vector_load %arg8[%get3A_687, %get3A_688] {strides = array<i32>} : memref<120x128xi32, #tpu.memory_space<vmem>>, vector<16xi32>,
        %bitcast3A_690 = vector.bitcast %get3A_689 : vector<16xi32> to vector<32xbf16>
        %add3A_691 = arith.constant 0 : i32
        %add3A_692 = arith.addi %mul3A_647, %add3A_691 : i32
        %get3A_693 = arith.index_cast %add3A_692 : i32 to index
        %get3A_694 = arith.constant 64 : index
        %get3A_695 = tpu.vector_load %arg8[%get3A_693, %get3A_694] {strides = array<i32>} : memref<120x128xi32, #tpu.memory_space<vmem>>, vector<16xi32>,
        %bitcast3A_696 = vector.bitcast %get3A_695 : vector<16xi32> to vector<32xbf16>
        %add3A_697 = arith.constant 1 : i32
        %add3A_698 = arith.addi %mul3A_647, %add3A_697 : i32
        %get3A_699 = arith.index_cast %add3A_698 : i32 to index
        %get3A_700 = arith.constant 64 : index
        %get3A_701 = tpu.vector_load %arg8[%get3A_699, %get3A_700] {strides = array<i32>} : memref<120x128xi32, #tpu.memory_space<vmem>>, vector<16xi32>,
        %bitcast3A_702 = vector.bitcast %get3A_701 : vector<16xi32> to vector<32xbf16>
        %add3A_703 = arith.constant 2 : i32
        %add3A_704 = arith.addi %mul3A_647, %add3A_703 : i32
        %get3A_705 = arith.index_cast %add3A_704 : i32 to index
        %get3A_706 = arith.constant 64 : index
        %get3A_707 = tpu.vector_load %arg8[%get3A_705, %get3A_706] {strides = array<i32>} : memref<120x128xi32, #tpu.memory_space<vmem>>, vector<16xi32>,
        %bitcast3A_708 = vector.bitcast %get3A_707 : vector<16xi32> to vector<32xbf16>
        %add3A_709 = arith.constant 3 : i32
        %add3A_710 = arith.addi %mul3A_647, %add3A_709 : i32
        %get3A_711 = arith.index_cast %add3A_710 : i32 to index
        %get3A_712 = arith.constant 64 : index
        %get3A_713 = tpu.vector_load %arg8[%get3A_711, %get3A_712] {strides = array<i32>} : memref<120x128xi32, #tpu.memory_space<vmem>>, vector<16xi32>,
        %bitcast3A_714 = vector.bitcast %get3A_713 : vector<16xi32> to vector<32xbf16>
        %add3A_715 = arith.constant 4 : i32
        %add3A_716 = arith.addi %mul3A_647, %add3A_715 : i32
        %get3A_717 = arith.index_cast %add3A_716 : i32 to index
        %get3A_718 = arith.constant 64 : index
        %get3A_719 = tpu.vector_load %arg8[%get3A_717, %get3A_718] {strides = array<i32>} : memref<120x128xi32, #tpu.memory_space<vmem>>, vector<16xi32>,
        %bitcast3A_720 = vector.bitcast %get3A_719 : vector<16xi32> to vector<32xbf16>
        %add3A_721 = arith.constant 5 : i32
        %add3A_722 = arith.addi %mul3A_647, %add3A_721 : i32
        %get3A_723 = arith.index_cast %add3A_722 : i32 to index
        %get3A_724 = arith.constant 64 : index
        %get3A_725 = tpu.vector_load %arg8[%get3A_723, %get3A_724] {strides = array<i32>} : memref<120x128xi32, #tpu.memory_space<vmem>>, vector<16xi32>,
        %bitcast3A_726 = vector.bitcast %get3A_725 : vector<16xi32> to vector<32xbf16>
        %mul3A_727 = arith.mulf %bitcast3A_654, %bitcast3A_696 : vector<32xbf16>
        %add3A_728 = arith.constant 1.000000e+00 : bf16
        %add3A_729 = vector.broadcast %add3A_728 : bf16 to vector<32xbf16>
        %add3A_730 = arith.addf %add3A_729, %mul3A_727 : vector<32xbf16>
        %div3A_731 = arith.divf %bitcast3A_660, %add3A_730 : vector<32xbf16>
        %mul3A_732 = arith.mulf %bitcast3A_654, %bitcast3A_702 : vector<32xbf16>
        %add3A_733 = arith.constant 1.000000e+00 : bf16
        %add3A_734 = vector.broadcast %add3A_733 : bf16 to vector<32xbf16>
        %add3A_735 = arith.addf %add3A_734, %mul3A_732 : vector<32xbf16>
        %div3A_736 = arith.divf %bitcast3A_666, %add3A_735 : vector<32xbf16>
        %mul3A_737 = arith.mulf %bitcast3A_654, %bitcast3A_708 : vector<32xbf16>
        %add3A_738 = arith.constant 1.000000e+00 : bf16
        %add3A_739 = vector.broadcast %add3A_738 : bf16 to vector<32xbf16>
        %add3A_740 = arith.addf %add3A_739, %mul3A_737 : vector<32xbf16>
        %div3A_741 = arith.divf %bitcast3A_672, %add3A_740 : vector<32xbf16>
        %mul3A_742 = arith.mulf %bitcast3A_654, %bitcast3A_714 : vector<32xbf16>
        %add3A_743 = arith.constant 1.000000e+00 : bf16
        %add3A_744 = vector.broadcast %add3A_743 : bf16 to vector<32xbf16>
        %add3A_745 = arith.addf %add3A_744, %mul3A_742 : vector<32xbf16>
        %div3A_746 = arith.divf %bitcast3A_678, %add3A_745 : vector<32xbf16>
        %mul3A_747 = arith.mulf %bitcast3A_654, %bitcast3A_720 : vector<32xbf16>
        %add3A_748 = arith.constant 1.000000e+00 : bf16
        %add3A_749 = vector.broadcast %add3A_748 : bf16 to vector<32xbf16>
        %add3A_750 = arith.addf %add3A_749, %mul3A_747 : vector<32xbf16>
        %div3A_751 = arith.divf %bitcast3A_684, %add3A_750 : vector<32xbf16>
        %mul3A_752 = arith.mulf %bitcast3A_654, %bitcast3A_726 : vector<32xbf16>
        %add3A_753 = arith.constant 1.000000e+00 : bf16
        %add3A_754 = vector.broadcast %add3A_753 : bf16 to vector<32xbf16>
        %add3A_755 = arith.addf %add3A_754, %mul3A_752 : vector<32xbf16>
        %div3A_756 = arith.divf %bitcast3A_690, %add3A_755 : vector<32xbf16>
        %add3A_757 = arith.addf %bitcast3A_660, %bitcast3A_666 : vector<32xbf16>
        %add3A_758 = arith.addf %bitcast3A_672, %bitcast3A_678 : vector<32xbf16>
        %add3A_759 = arith.addf %add3A_757, %add3A_758 : vector<32xbf16>
        %add3A_760 = arith.addf %bitcast3A_684, %bitcast3A_690 : vector<32xbf16>
        %add3A_761 = arith.addf %add3A_759, %add3A_760 : vector<32xbf16>
        %add3A_762 = arith.addf %div3A_731, %div3A_736 : vector<32xbf16>
        %add3A_763 = arith.addf %div3A_741, %div3A_746 : vector<32xbf16>
        %add3A_764 = arith.addf %add3A_762, %add3A_763 : vector<32xbf16>
        %add3A_765 = arith.addf %div3A_751, %div3A_756 : vector<32xbf16>
        %add3A_766 = arith.addf %add3A_764, %add3A_765 : vector<32xbf16>
        %mul3A_767 = arith.constant 128 : i32
        %mul3A_768 = arith.muli %add3A_645, %mul3A_767 : i32
        %add3A_769 = arith.constant 0 : i32
        %add3A_770 = arith.addi %mul3A_768, %add3A_769 : i32
        %bitcast3A_771 = vector.bitcast %add3A_761 : vector<32xbf16> to vector<16xi32>
        %swap3A_772 = arith.index_cast %add3A_770 : i32 to index
        %swap3A_773 = tpu.vector_load %arg12[%swap3A_772] {strides = array<i32>} : memref<2560xi32, #tpu.memory_space<vmem>>, vector<16xi32>,
        tpu.vector_store %arg12[%swap3A_772], %bitcast3A_771 {strides = array<i32>} : memref<2560xi32, #tpu.memory_space<vmem>>, vector<16xi32>,
        %bitcast3A_774 = vector.bitcast %add3A_766 : vector<32xbf16> to vector<16xi32>
        %add3A_775 = arith.constant 64 : i32
        %add3A_776 = arith.addi %add3A_770, %add3A_775 : i32
        %swap3A_777 = arith.index_cast %add3A_776 : i32 to index
        %swap3A_778 = tpu.vector_load %arg12[%swap3A_777] {strides = array<i32>} : memref<2560xi32, #tpu.memory_space<vmem>>, vector<16xi32>,
        tpu.vector_store %arg12[%swap3A_777], %bitcast3A_774 {strides = array<i32>} : memref<2560xi32, #tpu.memory_space<vmem>>, vector<16xi32>,
        %mul3A_779 = arith.constant 64 : i32
        %mul3A_780 = arith.muli %add3A_645, %mul3A_779 : i32
        %add3A_781 = arith.constant 16 : i32
        %add3A_782 = arith.addi %mul3A_780, %add3A_781 : i32
        %get3A_783 = arith.index_cast %add3A_782 : i32 to index
        %get3A_784 = tpu.vector_load %arg10[%get3A_783] {strides = array<i32>} : memref<1280xi32, #tpu.memory_space<vmem>>, vector<16xi32>,
        %bitcast3A_785 = vector.bitcast %get3A_784 : vector<16xi32> to vector<32xbf16>
        %add3A_786 = arith.constant 0 : i32
        %add3A_787 = arith.addi %mul3A_647, %add3A_786 : i32
        %get3A_788 = arith.index_cast %add3A_787 : i32 to index
        %get3A_789 = arith.constant 16 : index
        %get3A_790 = tpu.vector_load %arg8[%get3A_788, %get3A_789] {strides = array<i32>} : memref<120x128xi32, #tpu.memory_space<vmem>>, vector<16xi32>,
        %bitcast3A_791 = vector.bitcast %get3A_790 : vector<16xi32> to vector<32xbf16>
        %add3A_792 = arith.constant 1 : i32
        %add3A_793 = arith.addi %mul3A_647, %add3A_792 : i32
        %get3A_794 = arith.index_cast %add3A_793 : i32 to index
        %get3A_795 = arith.constant 16 : index
        %get3A_796 = tpu.vector_load %arg8[%get3A_794, %get3A_795] {strides = array<i32>} : memref<120x128xi32, #tpu.memory_space<vmem>>, vector<16xi32>,
        %bitcast3A_797 = vector.bitcast %get3A_796 : vector<16xi32> to vector<32xbf16>
        %add3A_798 = arith.constant 2 : i32
        %add3A_799 = arith.addi %mul3A_647, %add3A_798 : i32
        %get3A_800 = arith.index_cast %add3A_799 : i32 to index
        %get3A_801 = arith.constant 16 : index
        %get3A_802 = tpu.vector_load %arg8[%get3A_800, %get3A_801] {strides = array<i32>} : memref<120x128xi32, #tpu.memory_space<vmem>>, vector<16xi32>,
        %bitcast3A_803 = vector.bitcast %get3A_802 : vector<16xi32> to vector<32xbf16>
        %add3A_804 = arith.constant 3 : i32
        %add3A_805 = arith.addi %mul3A_647, %add3A_804 : i32
        %get3A_806 = arith.index_cast %add3A_805 : i32 to index
        %get3A_807 = arith.constant 16 : index
        %get3A_808 = tpu.vector_load %arg8[%get3A_806, %get3A_807] {strides = array<i32>} : memref<120x128xi32, #tpu.memory_space<vmem>>, vector<16xi32>,
        %bitcast3A_809 = vector.bitcast %get3A_808 : vector<16xi32> to vector<32xbf16>
        %add3A_810 = arith.constant 4 : i32
        %add3A_811 = arith.addi %mul3A_647, %add3A_810 : i32
        %get3A_812 = arith.index_cast %add3A_811 : i32 to index
        %get3A_813 = arith.constant 16 : index
        %get3A_814 = tpu.vector_load %arg8[%get3A_812, %get3A_813] {strides = array<i32>} : memref<120x128xi32, #tpu.memory_space<vmem>>, vector<16xi32>,
        %bitcast3A_815 = vector.bitcast %get3A_814 : vector<16xi32> to vector<32xbf16>
        %add3A_816 = arith.constant 5 : i32
        %add3A_817 = arith.addi %mul3A_647, %add3A_816 : i32
        %get3A_818 = arith.index_cast %add3A_817 : i32 to index
        %get3A_819 = arith.constant 16 : index
        %get3A_820 = tpu.vector_load %arg8[%get3A_818, %get3A_819] {strides = array<i32>} : memref<120x128xi32, #tpu.memory_space<vmem>>, vector<16xi32>,
        %bitcast3A_821 = vector.bitcast %get3A_820 : vector<16xi32> to vector<32xbf16>
        %add3A_822 = arith.constant 0 : i32
        %add3A_823 = arith.addi %mul3A_647, %add3A_822 : i32
        %get3A_824 = arith.index_cast %add3A_823 : i32 to index
        %get3A_825 = arith.constant 80 : index
        %get3A_826 = tpu.vector_load %arg8[%get3A_824, %get3A_825] {strides = array<i32>} : memref<120x128xi32, #tpu.memory_space<vmem>>, vector<16xi32>,
        %bitcast3A_827 = vector.bitcast %get3A_826 : vector<16xi32> to vector<32xbf16>
        %add3A_828 = arith.constant 1 : i32
        %add3A_829 = arith.addi %mul3A_647, %add3A_828 : i32
        %get3A_830 = arith.index_cast %add3A_829 : i32 to index
        %get3A_831 = arith.constant 80 : index
        %get3A_832 = tpu.vector_load %arg8[%get3A_830, %get3A_831] {strides = array<i32>} : memref<120x128xi32, #tpu.memory_space<vmem>>, vector<16xi32>,
        %bitcast3A_833 = vector.bitcast %get3A_832 : vector<16xi32> to vector<32xbf16>
        %add3A_834 = arith.constant 2 : i32
        %add3A_835 = arith.addi %mul3A_647, %add3A_834 : i32
        %get3A_836 = arith.index_cast %add3A_835 : i32 to index
        %get3A_837 = arith.constant 80 : index
        %get3A_838 = tpu.vector_load %arg8[%get3A_836, %get3A_837] {strides = array<i32>} : memref<120x128xi32, #tpu.memory_space<vmem>>, vector<16xi32>,
        %bitcast3A_839 = vector.bitcast %get3A_838 : vector<16xi32> to vector<32xbf16>
        %add3A_840 = arith.constant 3 : i32
        %add3A_841 = arith.addi %mul3A_647, %add3A_840 : i32
        %get3A_842 = arith.index_cast %add3A_841 : i32 to index
        %get3A_843 = arith.constant 80 : index
        %get3A_844 = tpu.vector_load %arg8[%get3A_842, %get3A_843] {strides = array<i32>} : memref<120x128xi32, #tpu.memory_space<vmem>>, vector<16xi32>,
        %bitcast3A_845 = vector.bitcast %get3A_844 : vector<16xi32> to vector<32xbf16>
        %add3A_846 = arith.constant 4 : i32
        %add3A_847 = arith.addi %mul3A_647, %add3A_846 : i32
        %get3A_848 = arith.index_cast %add3A_847 : i32 to index
        %get3A_849 = arith.constant 80 : index
        %get3A_850 = tpu.vector_load %arg8[%get3A_848, %get3A_849] {strides = array<i32>} : memref<120x128xi32, #tpu.memory_space<vmem>>, vector<16xi32>,
        %bitcast3A_851 = vector.bitcast %get3A_850 : vector<16xi32> to vector<32xbf16>
        %add3A_852 = arith.constant 5 : i32
        %add3A_853 = arith.addi %mul3A_647, %add3A_852 : i32
        %get3A_854 = arith.index_cast %add3A_853 : i32 to index
        %get3A_855 = arith.constant 80 : index
        %get3A_856 = tpu.vector_load %arg8[%get3A_854, %get3A_855] {strides = array<i32>} : memref<120x128xi32, #tpu.memory_space<vmem>>, vector<16xi32>,
        %bitcast3A_857 = vector.bitcast %get3A_856 : vector<16xi32> to vector<32xbf16>
        %mul3A_858 = arith.mulf %bitcast3A_785, %bitcast3A_827 : vector<32xbf16>
        %add3A_859 = arith.constant 1.000000e+00 : bf16
        %add3A_860 = vector.broadcast %add3A_859 : bf16 to vector<32xbf16>
        %add3A_861 = arith.addf %add3A_860, %mul3A_858 : vector<32xbf16>
        %div3A_862 = arith.divf %bitcast3A_791, %add3A_861 : vector<32xbf16>
        %mul3A_863 = arith.mulf %bitcast3A_785, %bitcast3A_833 : vector<32xbf16>
        %add3A_864 = arith.constant 1.000000e+00 : bf16
        %add3A_865 = vector.broadcast %add3A_864 : bf16 to vector<32xbf16>
        %add3A_866 = arith.addf %add3A_865, %mul3A_863 : vector<32xbf16>
        %div3A_867 = arith.divf %bitcast3A_797, %add3A_866 : vector<32xbf16>
        %mul3A_868 = arith.mulf %bitcast3A_785, %bitcast3A_839 : vector<32xbf16>
        %add3A_869 = arith.constant 1.000000e+00 : bf16
        %add3A_870 = vector.broadcast %add3A_869 : bf16 to vector<32xbf16>
        %add3A_871 = arith.addf %add3A_870, %mul3A_868 : vector<32xbf16>
        %div3A_872 = arith.divf %bitcast3A_803, %add3A_871 : vector<32xbf16>
        %mul3A_873 = arith.mulf %bitcast3A_785, %bitcast3A_845 : vector<32xbf16>
        %add3A_874 = arith.constant 1.000000e+00 : bf16
        %add3A_875 = vector.broadcast %add3A_874 : bf16 to vector<32xbf16>
        %add3A_876 = arith.addf %add3A_875, %mul3A_873 : vector<32xbf16>
        %div3A_877 = arith.divf %bitcast3A_809, %add3A_876 : vector<32xbf16>
        %mul3A_878 = arith.mulf %bitcast3A_785, %bitcast3A_851 : vector<32xbf16>
        %add3A_879 = arith.constant 1.000000e+00 : bf16
        %add3A_880 = vector.broadcast %add3A_879 : bf16 to vector<32xbf16>
        %add3A_881 = arith.addf %add3A_880, %mul3A_878 : vector<32xbf16>
        %div3A_882 = arith.divf %bitcast3A_815, %add3A_881 : vector<32xbf16>
        %mul3A_883 = arith.mulf %bitcast3A_785, %bitcast3A_857 : vector<32xbf16>
        %add3A_884 = arith.constant 1.000000e+00 : bf16
        %add3A_885 = vector.broadcast %add3A_884 : bf16 to vector<32xbf16>
        %add3A_886 = arith.addf %add3A_885, %mul3A_883 : vector<32xbf16>
        %div3A_887 = arith.divf %bitcast3A_821, %add3A_886 : vector<32xbf16>
        %add3A_888 = arith.addf %bitcast3A_791, %bitcast3A_797 : vector<32xbf16>
        %add3A_889 = arith.addf %bitcast3A_803, %bitcast3A_809 : vector<32xbf16>
        %add3A_890 = arith.addf %add3A_888, %add3A_889 : vector<32xbf16>
        %add3A_891 = arith.addf %bitcast3A_815, %bitcast3A_821 : vector<32xbf16>
        %add3A_892 = arith.addf %add3A_890, %add3A_891 : vector<32xbf16>
        %add3A_893 = arith.addf %div3A_862, %div3A_867 : vector<32xbf16>
        %add3A_894 = arith.addf %div3A_872, %div3A_877 : vector<32xbf16>
        %add3A_895 = arith.addf %add3A_893, %add3A_894 : vector<32xbf16>
        %add3A_896 = arith.addf %div3A_882, %div3A_887 : vector<32xbf16>
        %add3A_897 = arith.addf %add3A_895, %add3A_896 : vector<32xbf16>
        %mul3A_898 = arith.constant 128 : i32
        %mul3A_899 = arith.muli %add3A_645, %mul3A_898 : i32
        %add3A_900 = arith.constant 16 : i32
        %add3A_901 = arith.addi %mul3A_899, %add3A_900 : i32
        %bitcast3A_902 = vector.bitcast %add3A_892 : vector<32xbf16> to vector<16xi32>
        %swap3A_903 = arith.index_cast %add3A_901 : i32 to index
        %swap3A_904 = tpu.vector_load %arg12[%swap3A_903] {strides = array<i32>} : memref<2560xi32, #tpu.memory_space<vmem>>, vector<16xi32>,
        tpu.vector_store %arg12[%swap3A_903], %bitcast3A_902 {strides = array<i32>} : memref<2560xi32, #tpu.memory_space<vmem>>, vector<16xi32>,
        %bitcast3A_905 = vector.bitcast %add3A_897 : vector<32xbf16> to vector<16xi32>
        %add3A_906 = arith.constant 64 : i32
        %add3A_907 = arith.addi %add3A_901, %add3A_906 : i32
        %swap3A_908 = arith.index_cast %add3A_907 : i32 to index
        %swap3A_909 = tpu.vector_load %arg12[%swap3A_908] {strides = array<i32>} : memref<2560xi32, #tpu.memory_space<vmem>>, vector<16xi32>,
        tpu.vector_store %arg12[%swap3A_908], %bitcast3A_905 {strides = array<i32>} : memref<2560xi32, #tpu.memory_space<vmem>>, vector<16xi32>,
        %mul3A_910 = arith.constant 64 : i32
        %mul3A_911 = arith.muli %add3A_645, %mul3A_910 : i32
        %add3A_912 = arith.constant 32 : i32
        %add3A_913 = arith.addi %mul3A_911, %add3A_912 : i32
        %get3A_914 = arith.index_cast %add3A_913 : i32 to index
        %get3A_915 = tpu.vector_load %arg10[%get3A_914] {strides = array<i32>} : memref<1280xi32, #tpu.memory_space<vmem>>, vector<16xi32>,
        %bitcast3A_916 = vector.bitcast %get3A_915 : vector<16xi32> to vector<32xbf16>
        %add3A_917 = arith.constant 0 : i32
        %add3A_918 = arith.addi %mul3A_647, %add3A_917 : i32
        %get3A_919 = arith.index_cast %add3A_918 : i32 to index
        %get3A_920 = arith.constant 32 : index
        %get3A_921 = tpu.vector_load %arg8[%get3A_919, %get3A_920] {strides = array<i32>} : memref<120x128xi32, #tpu.memory_space<vmem>>, vector<16xi32>,
        %bitcast3A_922 = vector.bitcast %get3A_921 : vector<16xi32> to vector<32xbf16>
        %add3A_923 = arith.constant 1 : i32
        %add3A_924 = arith.addi %mul3A_647, %add3A_923 : i32
        %get3A_925 = arith.index_cast %add3A_924 : i32 to index
        %get3A_926 = arith.constant 32 : index
        %get3A_927 = tpu.vector_load %arg8[%get3A_925, %get3A_926] {strides = array<i32>} : memref<120x128xi32, #tpu.memory_space<vmem>>, vector<16xi32>,
        %bitcast3A_928 = vector.bitcast %get3A_927 : vector<16xi32> to vector<32xbf16>
        %add3A_929 = arith.constant 2 : i32
        %add3A_930 = arith.addi %mul3A_647, %add3A_929 : i32
        %get3A_931 = arith.index_cast %add3A_930 : i32 to index
        %get3A_932 = arith.constant 32 : index
        %get3A_933 = tpu.vector_load %arg8[%get3A_931, %get3A_932] {strides = array<i32>} : memref<120x128xi32, #tpu.memory_space<vmem>>, vector<16xi32>,
        %bitcast3A_934 = vector.bitcast %get3A_933 : vector<16xi32> to vector<32xbf16>
        %add3A_935 = arith.constant 3 : i32
        %add3A_936 = arith.addi %mul3A_647, %add3A_935 : i32
        %get3A_937 = arith.index_cast %add3A_936 : i32 to index
        %get3A_938 = arith.constant 32 : index
        %get3A_939 = tpu.vector_load %arg8[%get3A_937, %get3A_938] {strides = array<i32>} : memref<120x128xi32, #tpu.memory_space<vmem>>, vector<16xi32>,
        %bitcast3A_940 = vector.bitcast %get3A_939 : vector<16xi32> to vector<32xbf16>
        %add3A_941 = arith.constant 4 : i32
        %add3A_942 = arith.addi %mul3A_647, %add3A_941 : i32
        %get3A_943 = arith.index_cast %add3A_942 : i32 to index
        %get3A_944 = arith.constant 32 : index
        %get3A_945 = tpu.vector_load %arg8[%get3A_943, %get3A_944] {strides = array<i32>} : memref<120x128xi32, #tpu.memory_space<vmem>>, vector<16xi32>,
        %bitcast3A_946 = vector.bitcast %get3A_945 : vector<16xi32> to vector<32xbf16>
        %add3A_947 = arith.constant 5 : i32
        %add3A_948 = arith.addi %mul3A_647, %add3A_947 : i32
        %get3A_949 = arith.index_cast %add3A_948 : i32 to index
        %get3A_950 = arith.constant 32 : index
        %get3A_951 = tpu.vector_load %arg8[%get3A_949, %get3A_950] {strides = array<i32>} : memref<120x128xi32, #tpu.memory_space<vmem>>, vector<16xi32>,
        %bitcast3A_952 = vector.bitcast %get3A_951 : vector<16xi32> to vector<32xbf16>
        %add3A_953 = arith.constant 0 : i32
        %add3A_954 = arith.addi %mul3A_647, %add3A_953 : i32
        %get3A_955 = arith.index_cast %add3A_954 : i32 to index
        %get3A_956 = arith.constant 96 : index
        %get3A_957 = tpu.vector_load %arg8[%get3A_955, %get3A_956] {strides = array<i32>} : memref<120x128xi32, #tpu.memory_space<vmem>>, vector<16xi32>,
        %bitcast3A_958 = vector.bitcast %get3A_957 : vector<16xi32> to vector<32xbf16>
        %add3A_959 = arith.constant 1 : i32
        %add3A_960 = arith.addi %mul3A_647, %add3A_959 : i32
        %get3A_961 = arith.index_cast %add3A_960 : i32 to index
        %get3A_962 = arith.constant 96 : index
        %get3A_963 = tpu.vector_load %arg8[%get3A_961, %get3A_962] {strides = array<i32>} : memref<120x128xi32, #tpu.memory_space<vmem>>, vector<16xi32>,
        %bitcast3A_964 = vector.bitcast %get3A_963 : vector<16xi32> to vector<32xbf16>
        %add3A_965 = arith.constant 2 : i32
        %add3A_966 = arith.addi %mul3A_647, %add3A_965 : i32
        %get3A_967 = arith.index_cast %add3A_966 : i32 to index
        %get3A_968 = arith.constant 96 : index
        %get3A_969 = tpu.vector_load %arg8[%get3A_967, %get3A_968] {strides = array<i32>} : memref<120x128xi32, #tpu.memory_space<vmem>>, vector<16xi32>,
        %bitcast3A_970 = vector.bitcast %get3A_969 : vector<16xi32> to vector<32xbf16>
        %add3A_971 = arith.constant 3 : i32
        %add3A_972 = arith.addi %mul3A_647, %add3A_971 : i32
        %get3A_973 = arith.index_cast %add3A_972 : i32 to index
        %get3A_974 = arith.constant 96 : index
        %get3A_975 = tpu.vector_load %arg8[%get3A_973, %get3A_974] {strides = array<i32>} : memref<120x128xi32, #tpu.memory_space<vmem>>, vector<16xi32>,
        %bitcast3A_976 = vector.bitcast %get3A_975 : vector<16xi32> to vector<32xbf16>
        %add3A_977 = arith.constant 4 : i32
        %add3A_978 = arith.addi %mul3A_647, %add3A_977 : i32
        %get3A_979 = arith.index_cast %add3A_978 : i32 to index
        %get3A_980 = arith.constant 96 : index
        %get3A_981 = tpu.vector_load %arg8[%get3A_979, %get3A_980] {strides = array<i32>} : memref<120x128xi32, #tpu.memory_space<vmem>>, vector<16xi32>,
        %bitcast3A_982 = vector.bitcast %get3A_981 : vector<16xi32> to vector<32xbf16>
        %add3A_983 = arith.constant 5 : i32
        %add3A_984 = arith.addi %mul3A_647, %add3A_983 : i32
        %get3A_985 = arith.index_cast %add3A_984 : i32 to index
        %get3A_986 = arith.constant 96 : index
        %get3A_987 = tpu.vector_load %arg8[%get3A_985, %get3A_986] {strides = array<i32>} : memref<120x128xi32, #tpu.memory_space<vmem>>, vector<16xi32>,
        %bitcast3A_988 = vector.bitcast %get3A_987 : vector<16xi32> to vector<32xbf16>
        %mul3A_989 = arith.mulf %bitcast3A_916, %bitcast3A_958 : vector<32xbf16>
        %add3A_990 = arith.constant 1.000000e+00 : bf16
        %add3A_991 = vector.broadcast %add3A_990 : bf16 to vector<32xbf16>
        %add3A_992 = arith.addf %add3A_991, %mul3A_989 : vector<32xbf16>
        %div3A_993 = arith.divf %bitcast3A_922, %add3A_992 : vector<32xbf16>
        %mul3A_994 = arith.mulf %bitcast3A_916, %bitcast3A_964 : vector<32xbf16>
        %add3A_995 = arith.constant 1.000000e+00 : bf16
        %add3A_996 = vector.broadcast %add3A_995 : bf16 to vector<32xbf16>
        %add3A_997 = arith.addf %add3A_996, %mul3A_994 : vector<32xbf16>
        %div3A_998 = arith.divf %bitcast3A_928, %add3A_997 : vector<32xbf16>
        %mul3A_999 = arith.mulf %bitcast3A_916, %bitcast3A_970 : vector<32xbf16>
        %add3A_1000 = arith.constant 1.000000e+00 : bf16
        %add3A_1001 = vector.broadcast %add3A_1000 : bf16 to vector<32xbf16>
        %add3A_1002 = arith.addf %add3A_1001, %mul3A_999 : vector<32xbf16>
        %div3A_1003 = arith.divf %bitcast3A_934, %add3A_1002 : vector<32xbf16>
        %mul3A_1004 = arith.mulf %bitcast3A_916, %bitcast3A_976 : vector<32xbf16>
        %add3A_1005 = arith.constant 1.000000e+00 : bf16
        %add3A_1006 = vector.broadcast %add3A_1005 : bf16 to vector<32xbf16>
        %add3A_1007 = arith.addf %add3A_1006, %mul3A_1004 : vector<32xbf16>
        %div3A_1008 = arith.divf %bitcast3A_940, %add3A_1007 : vector<32xbf16>
        %mul3A_1009 = arith.mulf %bitcast3A_916, %bitcast3A_982 : vector<32xbf16>
        %add3A_1010 = arith.constant 1.000000e+00 : bf16
        %add3A_1011 = vector.broadcast %add3A_1010 : bf16 to vector<32xbf16>
        %add3A_1012 = arith.addf %add3A_1011, %mul3A_1009 : vector<32xbf16>
        %div3A_1013 = arith.divf %bitcast3A_946, %add3A_1012 : vector<32xbf16>
        %mul3A_1014 = arith.mulf %bitcast3A_916, %bitcast3A_988 : vector<32xbf16>
        %add3A_1015 = arith.constant 1.000000e+00 : bf16
        %add3A_1016 = vector.broadcast %add3A_1015 : bf16 to vector<32xbf16>
        %add3A_1017 = arith.addf %add3A_1016, %mul3A_1014 : vector<32xbf16>
        %div3A_1018 = arith.divf %bitcast3A_952, %add3A_1017 : vector<32xbf16>
        %add3A_1019 = arith.addf %bitcast3A_922, %bitcast3A_928 : vector<32xbf16>
        %add3A_1020 = arith.addf %bitcast3A_934, %bitcast3A_940 : vector<32xbf16>
        %add3A_1021 = arith.addf %add3A_1019, %add3A_1020 : vector<32xbf16>
        %add3A_1022 = arith.addf %bitcast3A_946, %bitcast3A_952 : vector<32xbf16>
        %add3A_1023 = arith.addf %add3A_1021, %add3A_1022 : vector<32xbf16>
        %add3A_1024 = arith.addf %div3A_993, %div3A_998 : vector<32xbf16>
        %add3A_1025 = arith.addf %div3A_1003, %div3A_1008 : vector<32xbf16>
        %add3A_1026 = arith.addf %add3A_1024, %add3A_1025 : vector<32xbf16>
        %add3A_1027 = arith.addf %div3A_1013, %div3A_1018 : vector<32xbf16>
        %add3A_1028 = arith.addf %add3A_1026, %add3A_1027 : vector<32xbf16>
        %mul3A_1029 = arith.constant 128 : i32
        %mul3A_1030 = arith.muli %add3A_645, %mul3A_1029 : i32
        %add3A_1031 = arith.constant 32 : i32
        %add3A_1032 = arith.addi %mul3A_1030, %add3A_1031 : i32
        %bitcast3A_1033 = vector.bitcast %add3A_1023 : vector<32xbf16> to vector<16xi32>
        %swap3A_1034 = arith.index_cast %add3A_1032 : i32 to index
        %swap3A_1035 = tpu.vector_load %arg12[%swap3A_1034] {strides = array<i32>} : memref<2560xi32, #tpu.memory_space<vmem>>, vector<16xi32>,
        tpu.vector_store %arg12[%swap3A_1034], %bitcast3A_1033 {strides = array<i32>} : memref<2560xi32, #tpu.memory_space<vmem>>, vector<16xi32>,
        %bitcast3A_1036 = vector.bitcast %add3A_1028 : vector<32xbf16> to vector<16xi32>
        %add3A_1037 = arith.constant 64 : i32
        %add3A_1038 = arith.addi %add3A_1032, %add3A_1037 : i32
        %swap3A_1039 = arith.index_cast %add3A_1038 : i32 to index
        %swap3A_1040 = tpu.vector_load %arg12[%swap3A_1039] {strides = array<i32>} : memref<2560xi32, #tpu.memory_space<vmem>>, vector<16xi32>,
        tpu.vector_store %arg12[%swap3A_1039], %bitcast3A_1036 {strides = array<i32>} : memref<2560xi32, #tpu.memory_space<vmem>>, vector<16xi32>,
        %mul3A_1041 = arith.constant 64 : i32
        %mul3A_1042 = arith.muli %add3A_645, %mul3A_1041 : i32
        %add3A_1043 = arith.constant 48 : i32
        %add3A_1044 = arith.addi %mul3A_1042, %add3A_1043 : i32
        %get3A_1045 = arith.index_cast %add3A_1044 : i32 to index
        %get3A_1046 = tpu.vector_load %arg10[%get3A_1045] {strides = array<i32>} : memref<1280xi32, #tpu.memory_space<vmem>>, vector<16xi32>,
        %bitcast3A_1047 = vector.bitcast %get3A_1046 : vector<16xi32> to vector<32xbf16>
        %add3A_1048 = arith.constant 0 : i32
        %add3A_1049 = arith.addi %mul3A_647, %add3A_1048 : i32
        %get3A_1050 = arith.index_cast %add3A_1049 : i32 to index
        %get3A_1051 = arith.constant 48 : index
        %get3A_1052 = tpu.vector_load %arg8[%get3A_1050, %get3A_1051] {strides = array<i32>} : memref<120x128xi32, #tpu.memory_space<vmem>>, vector<16xi32>,
        %bitcast3A_1053 = vector.bitcast %get3A_1052 : vector<16xi32> to vector<32xbf16>
        %add3A_1054 = arith.constant 1 : i32
        %add3A_1055 = arith.addi %mul3A_647, %add3A_1054 : i32
        %get3A_1056 = arith.index_cast %add3A_1055 : i32 to index
        %get3A_1057 = arith.constant 48 : index
        %get3A_1058 = tpu.vector_load %arg8[%get3A_1056, %get3A_1057] {strides = array<i32>} : memref<120x128xi32, #tpu.memory_space<vmem>>, vector<16xi32>,
        %bitcast3A_1059 = vector.bitcast %get3A_1058 : vector<16xi32> to vector<32xbf16>
        %add3A_1060 = arith.constant 2 : i32
        %add3A_1061 = arith.addi %mul3A_647, %add3A_1060 : i32
        %get3A_1062 = arith.index_cast %add3A_1061 : i32 to index
        %get3A_1063 = arith.constant 48 : index
        %get3A_1064 = tpu.vector_load %arg8[%get3A_1062, %get3A_1063] {strides = array<i32>} : memref<120x128xi32, #tpu.memory_space<vmem>>, vector<16xi32>,
        %bitcast3A_1065 = vector.bitcast %get3A_1064 : vector<16xi32> to vector<32xbf16>
        %add3A_1066 = arith.constant 3 : i32
        %add3A_1067 = arith.addi %mul3A_647, %add3A_1066 : i32
        %get3A_1068 = arith.index_cast %add3A_1067 : i32 to index
        %get3A_1069 = arith.constant 48 : index
        %get3A_1070 = tpu.vector_load %arg8[%get3A_1068, %get3A_1069] {strides = array<i32>} : memref<120x128xi32, #tpu.memory_space<vmem>>, vector<16xi32>,
        %bitcast3A_1071 = vector.bitcast %get3A_1070 : vector<16xi32> to vector<32xbf16>
        %add3A_1072 = arith.constant 4 : i32
        %add3A_1073 = arith.addi %mul3A_647, %add3A_1072 : i32
        %get3A_1074 = arith.index_cast %add3A_1073 : i32 to index
        %get3A_1075 = arith.constant 48 : index
        %get3A_1076 = tpu.vector_load %arg8[%get3A_1074, %get3A_1075] {strides = array<i32>} : memref<120x128xi32, #tpu.memory_space<vmem>>, vector<16xi32>,
        %bitcast3A_1077 = vector.bitcast %get3A_1076 : vector<16xi32> to vector<32xbf16>
        %add3A_1078 = arith.constant 5 : i32
        %add3A_1079 = arith.addi %mul3A_647, %add3A_1078 : i32
        %get3A_1080 = arith.index_cast %add3A_1079 : i32 to index
        %get3A_1081 = arith.constant 48 : index
        %get3A_1082 = tpu.vector_load %arg8[%get3A_1080, %get3A_1081] {strides = array<i32>} : memref<120x128xi32, #tpu.memory_space<vmem>>, vector<16xi32>,
        %bitcast3A_1083 = vector.bitcast %get3A_1082 : vector<16xi32> to vector<32xbf16>
        %add3A_1084 = arith.constant 0 : i32
        %add3A_1085 = arith.addi %mul3A_647, %add3A_1084 : i32
        %get3A_1086 = arith.index_cast %add3A_1085 : i32 to index
        %get3A_1087 = arith.constant 112 : index
        %get3A_1088 = tpu.vector_load %arg8[%get3A_1086, %get3A_1087] {strides = array<i32>} : memref<120x128xi32, #tpu.memory_space<vmem>>, vector<16xi32>,
        %bitcast3A_1089 = vector.bitcast %get3A_1088 : vector<16xi32> to vector<32xbf16>
        %add3A_1090 = arith.constant 1 : i32
        %add3A_1091 = arith.addi %mul3A_647, %add3A_1090 : i32
        %get3A_1092 = arith.index_cast %add3A_1091 : i32 to index
        %get3A_1093 = arith.constant 112 : index
        %get3A_1094 = tpu.vector_load %arg8[%get3A_1092, %get3A_1093] {strides = array<i32>} : memref<120x128xi32, #tpu.memory_space<vmem>>, vector<16xi32>,
        %bitcast3A_1095 = vector.bitcast %get3A_1094 : vector<16xi32> to vector<32xbf16>
        %add3A_1096 = arith.constant 2 : i32
        %add3A_1097 = arith.addi %mul3A_647, %add3A_1096 : i32
        %get3A_1098 = arith.index_cast %add3A_1097 : i32 to index
        %get3A_1099 = arith.constant 112 : index
        %get3A_1100 = tpu.vector_load %arg8[%get3A_1098, %get3A_1099] {strides = array<i32>} : memref<120x128xi32, #tpu.memory_space<vmem>>, vector<16xi32>,
        %bitcast3A_1101 = vector.bitcast %get3A_1100 : vector<16xi32> to vector<32xbf16>
        %add3A_1102 = arith.constant 3 : i32
        %add3A_1103 = arith.addi %mul3A_647, %add3A_1102 : i32
        %get3A_1104 = arith.index_cast %add3A_1103 : i32 to index
        %get3A_1105 = arith.constant 112 : index
        %get3A_1106 = tpu.vector_load %arg8[%get3A_1104, %get3A_1105] {strides = array<i32>} : memref<120x128xi32, #tpu.memory_space<vmem>>, vector<16xi32>,
        %bitcast3A_1107 = vector.bitcast %get3A_1106 : vector<16xi32> to vector<32xbf16>
        %add3A_1108 = arith.constant 4 : i32
        %add3A_1109 = arith.addi %mul3A_647, %add3A_1108 : i32
        %get3A_1110 = arith.index_cast %add3A_1109 : i32 to index
        %get3A_1111 = arith.constant 112 : index
        %get3A_1112 = tpu.vector_load %arg8[%get3A_1110, %get3A_1111] {strides = array<i32>} : memref<120x128xi32, #tpu.memory_space<vmem>>, vector<16xi32>,
        %bitcast3A_1113 = vector.bitcast %get3A_1112 : vector<16xi32> to vector<32xbf16>
        %add3A_1114 = arith.constant 5 : i32
        %add3A_1115 = arith.addi %mul3A_647, %add3A_1114 : i32
        %get3A_1116 = arith.index_cast %add3A_1115 : i32 to index
        %get3A_1117 = arith.constant 112 : index
        %get3A_1118 = tpu.vector_load %arg8[%get3A_1116, %get3A_1117] {strides = array<i32>} : memref<120x128xi32, #tpu.memory_space<vmem>>, vector<16xi32>,
        %bitcast3A_1119 = vector.bitcast %get3A_1118 : vector<16xi32> to vector<32xbf16>
        %mul3A_1120 = arith.mulf %bitcast3A_1047, %bitcast3A_1089 : vector<32xbf16>
        %add3A_1121 = arith.constant 1.000000e+00 : bf16
        %add3A_1122 = vector.broadcast %add3A_1121 : bf16 to vector<32xbf16>
        %add3A_1123 = arith.addf %add3A_1122, %mul3A_1120 : vector<32xbf16>
        %div3A_1124 = arith.divf %bitcast3A_1053, %add3A_1123 : vector<32xbf16>
        %mul3A_1125 = arith.mulf %bitcast3A_1047, %bitcast3A_1095 : vector<32xbf16>
        %add3A_1126 = arith.constant 1.000000e+00 : bf16
        %add3A_1127 = vector.broadcast %add3A_1126 : bf16 to vector<32xbf16>
        %add3A_1128 = arith.addf %add3A_1127, %mul3A_1125 : vector<32xbf16>
        %div3A_1129 = arith.divf %bitcast3A_1059, %add3A_1128 : vector<32xbf16>
        %mul3A_1130 = arith.mulf %bitcast3A_1047, %bitcast3A_1101 : vector<32xbf16>
        %add3A_1131 = arith.constant 1.000000e+00 : bf16
        %add3A_1132 = vector.broadcast %add3A_1131 : bf16 to vector<32xbf16>
        %add3A_1133 = arith.addf %add3A_1132, %mul3A_1130 : vector<32xbf16>
        %div3A_1134 = arith.divf %bitcast3A_1065, %add3A_1133 : vector<32xbf16>
        %mul3A_1135 = arith.mulf %bitcast3A_1047, %bitcast3A_1107 : vector<32xbf16>
        %add3A_1136 = arith.constant 1.000000e+00 : bf16
        %add3A_1137 = vector.broadcast %add3A_1136 : bf16 to vector<32xbf16>
        %add3A_1138 = arith.addf %add3A_1137, %mul3A_1135 : vector<32xbf16>
        %div3A_1139 = arith.divf %bitcast3A_1071, %add3A_1138 : vector<32xbf16>
        %mul3A_1140 = arith.mulf %bitcast3A_1047, %bitcast3A_1113 : vector<32xbf16>
        %add3A_1141 = arith.constant 1.000000e+00 : bf16
        %add3A_1142 = vector.broadcast %add3A_1141 : bf16 to vector<32xbf16>
        %add3A_1143 = arith.addf %add3A_1142, %mul3A_1140 : vector<32xbf16>
        %div3A_1144 = arith.divf %bitcast3A_1077, %add3A_1143 : vector<32xbf16>
        %mul3A_1145 = arith.mulf %bitcast3A_1047, %bitcast3A_1119 : vector<32xbf16>
        %add3A_1146 = arith.constant 1.000000e+00 : bf16
        %add3A_1147 = vector.broadcast %add3A_1146 : bf16 to vector<32xbf16>
        %add3A_1148 = arith.addf %add3A_1147, %mul3A_1145 : vector<32xbf16>
        %div3A_1149 = arith.divf %bitcast3A_1083, %add3A_1148 : vector<32xbf16>
        %add3A_1150 = arith.addf %bitcast3A_1053, %bitcast3A_1059 : vector<32xbf16>
        %add3A_1151 = arith.addf %bitcast3A_1065, %bitcast3A_1071 : vector<32xbf16>
        %add3A_1152 = arith.addf %add3A_1150, %add3A_1151 : vector<32xbf16>
        %add3A_1153 = arith.addf %bitcast3A_1077, %bitcast3A_1083 : vector<32xbf16>
        %add3A_1154 = arith.addf %add3A_1152, %add3A_1153 : vector<32xbf16>
        %add3A_1155 = arith.addf %div3A_1124, %div3A_1129 : vector<32xbf16>
        %add3A_1156 = arith.addf %div3A_1134, %div3A_1139 : vector<32xbf16>
        %add3A_1157 = arith.addf %add3A_1155, %add3A_1156 : vector<32xbf16>
        %add3A_1158 = arith.addf %div3A_1144, %div3A_1149 : vector<32xbf16>
        %add3A_1159 = arith.addf %add3A_1157, %add3A_1158 : vector<32xbf16>
        %mul3A_1160 = arith.constant 128 : i32
        %mul3A_1161 = arith.muli %add3A_645, %mul3A_1160 : i32
        %add3A_1162 = arith.constant 48 : i32
        %add3A_1163 = arith.addi %mul3A_1161, %add3A_1162 : i32
        %bitcast3A_1164 = vector.bitcast %add3A_1154 : vector<32xbf16> to vector<16xi32>
        %swap3A_1165 = arith.index_cast %add3A_1163 : i32 to index
        %swap3A_1166 = tpu.vector_load %arg12[%swap3A_1165] {strides = array<i32>} : memref<2560xi32, #tpu.memory_space<vmem>>, vector<16xi32>,
        tpu.vector_store %arg12[%swap3A_1165], %bitcast3A_1164 {strides = array<i32>} : memref<2560xi32, #tpu.memory_space<vmem>>, vector<16xi32>,
        %bitcast3A_1167 = vector.bitcast %add3A_1159 : vector<32xbf16> to vector<16xi32>
        %add3A_1168 = arith.constant 64 : i32
        %add3A_1169 = arith.addi %add3A_1163, %add3A_1168 : i32
        %swap3A_1170 = arith.index_cast %add3A_1169 : i32 to index
        %swap3A_1171 = tpu.vector_load %arg12[%swap3A_1170] {strides = array<i32>} : memref<2560xi32, #tpu.memory_space<vmem>>, vector<16xi32>,
        tpu.vector_store %arg12[%swap3A_1170], %bitcast3A_1167 {strides = array<i32>} : memref<2560xi32, #tpu.memory_space<vmem>>, vector<16xi32>,
      }
      %scan3A_102 = arith.constant 10 : i32
      %mul3A_103 = arith.constant 20 : i32
      %mul3A_104 = arith.muli %add3A_46, %mul3A_103 : i32
      %add3A_105 = arith.addi %mul3A_2, %mul3A_104 : i32
      %mul3A_106 = arith.constant 128 : i32
      %mul3A_107 = arith.muli %add3A_105, %mul3A_106 : i32
      %dma_start3A_108 = tpu.memref_slice %arg5[%mul3A_107] : memref<20480000xi32, #tpu.memory_space<hbm>> -> memref<2560xi32, #tpu.memory_space<hbm>>
      %dma_start3A_109 = tpu.memref_slice %arg5[%mul3A_107] : memref<20480000xi32, #tpu.memory_space<hbm>> -> memref<2560xi32, #tpu.memory_space<hbm>>
      tpu.enqueue_dma source(%arg12 : memref<2560xi32, #tpu.memory_space<vmem>>) target(%dma_start3A_109 : memref<2560xi32, #tpu.memory_space<hbm>>) target_semaphore(%arg18 : memref<!tpu.dma_semaphore, #tpu.memory_space<semaphore_mem>>)
      %lt3A_110 = arith.constant 124 : i32
      %lt3A_111 = arith.cmpi slt, %scan3A_42, %lt3A_110 : i32
      %convert_element_type3A_112 = arith.extui %lt3A_111 : i1 to i32
      %cond3A_113 = arith.constant 0 : i32
      %cond3A_114 = arith.cmpi ne, %convert_element_type3A_112, %cond3A_113 : i32
      scf.if %cond3A_114 {
        %add3A_115 = arith.constant 2 : i32
        %add3A_116 = arith.addi %add3A_46, %add3A_115 : i32
        %mul3A_117 = arith.constant 20 : i32
        %mul3A_118 = arith.muli %add3A_116, %mul3A_117 : i32
        %add3A_119 = arith.addi %mul3A_2, %mul3A_118 : i32
        %mul3A_120 = arith.constant 64 : i32
        %mul3A_121 = arith.muli %add3A_119, %mul3A_120 : i32
        %dma_start3A_122 = tpu.memref_slice %arg3[%mul3A_121] : memref<10240000xi32, #tpu.memory_space<hbm>> -> memref<1280xi32, #tpu.memory_space<hbm>>
        %dma_start3A_123 = tpu.memref_slice %arg3[%mul3A_121] : memref<10240000xi32, #tpu.memory_space<hbm>> -> memref<1280xi32, #tpu.memory_space<hbm>>
        tpu.enqueue_dma source(%dma_start3A_123 : memref<1280xi32, #tpu.memory_space<hbm>>) target(%arg10 : memref<1280xi32, #tpu.memory_space<vmem>>) target_semaphore(%arg16 : memref<!tpu.dma_semaphore, #tpu.memory_space<semaphore_mem>>)
        %mul3A_124 = arith.constant 120 : i32
        %mul3A_125 = arith.muli %add3A_116, %mul3A_124 : i32
        %dma_start3A_126 = tpu.memref_slice %arg6[%mul3A_125] : memref<30000xi32, #tpu.memory_space<vmem>> -> memref<120xi32, #tpu.memory_space<vmem>>
        %dma_start3A_127 = arith.constant 0 : i32
        %dma_start3A_128 = arith.constant 0 : i32
        %dma_start3A_129 = tpu.memref_slice %arg2[%dma_start3A_127, %dma_start3A_128] : memref<160000x128xi32, #tpu.memory_space<hbm>> -> memref<160000x128xi32, #tpu.memory_space<hbm>>
        tpu.enqueue_indirect_dma source(%dma_start3A_129 : memref<160000x128xi32, #tpu.memory_space<hbm>>) target(%arg8 : memref<120x128xi32, #tpu.memory_space<vmem>>) offsets(%dma_start3A_126 : memref<120xi32, #tpu.memory_space<vmem>>) semaphore(%arg14 : memref<!tpu.dma_semaphore, #tpu.memory_space<semaphore_mem>>)
      } else {
      }
    }
    %scan3A_30 = arith.constant 125 : i32
    %add3A_31 = arith.constant 4960 : i32
    %add3A_32 = arith.addi %mul3A_2, %add3A_31 : i32
    %mul3A_33 = arith.constant 128 : i32
    %mul3A_34 = arith.muli %add3A_32, %mul3A_33 : i32
    %dma_wait3A = tpu.memref_slice %arg5[%mul3A_34] : memref<20480000xi32, #tpu.memory_space<hbm>> -> memref<2560xi32, #tpu.memory_space<hbm>>
    %dma_wait3A_35 = tpu.memref_slice %arg5[%mul3A_34] : memref<20480000xi32, #tpu.memory_space<hbm>> -> memref<2560xi32, #tpu.memory_space<hbm>>
    tpu.wait_dma2 semaphore(%arg17 : memref<!tpu.dma_semaphore, #tpu.memory_space<semaphore_mem>>) src(%arg11 : memref<2560xi32, #tpu.memory_space<vmem>>) dst(%dma_wait3A_35 : memref<2560xi32, #tpu.memory_space<hbm>>)
    %add3A_36 = arith.constant 4980 : i32
    %add3A_37 = arith.addi %mul3A_2, %add3A_36 : i32
    %mul3A_38 = arith.constant 128 : i32
    %mul3A_39 = arith.muli %add3A_37, %mul3A_38 : i32
    %dma_wait3A_40 = tpu.memref_slice %arg5[%mul3A_39] : memref<20480000xi32, #tpu.memory_space<hbm>> -> memref<2560xi32, #tpu.memory_space<hbm>>
    %dma_wait3A_41 = tpu.memref_slice %arg5[%mul3A_39] : memref<20480000xi32, #tpu.memory_space<hbm>> -> memref<2560xi32, #tpu.memory_space<hbm>>
    tpu.wait_dma2 semaphore(%arg18 : memref<!tpu.dma_semaphore, #tpu.memory_space<semaphore_mem>>) src(%arg12 : memref<2560xi32, #tpu.memory_space<vmem>>) dst(%dma_wait3A_41 : memref<2560xi32, #tpu.memory_space<hbm>>)
    return
  }
}

#map = affine_map<(d0, d1) -> (0, 0)>
#map1 = affine_map<(d0, d1) -> (0)>
module attributes {stable_mosaic.version = 14 : i64} {
  func.func @_sc_body(%arg0: i32, %arg1: i32, %arg2: memref<160000x128xi32, #tpu.memory_space<hbm>>, %arg3: memref<10240000xi32, #tpu.memory_space<hbm>>, %arg4: memref<960000xi32, #tpu.memory_space<hbm>>, %arg5: memref<20480000xi32, #tpu.memory_space<hbm>>, %arg6: memref<30000xi32, #tpu.memory_space<vmem>>, %arg7: memref<120x128xi32, #tpu.memory_space<vmem>>, %arg8: memref<120x128xi32, #tpu.memory_space<vmem>>, %arg9: memref<1280xi32, #tpu.memory_space<vmem>>, %arg10: memref<1280xi32, #tpu.memory_space<vmem>>, %arg11: memref<2560xi32, #tpu.memory_space<vmem>>, %arg12: memref<2560xi32, #tpu.memory_space<vmem>>, %arg13: memref<!tpu.dma_semaphore, #tpu.memory_space<semaphore_mem>>, %arg14: memref<!tpu.dma_semaphore, #tpu.memory_space<semaphore_mem>>, %arg15: memref<!tpu.dma_semaphore, #tpu.memory_space<semaphore_mem>>, %arg16: memref<!tpu.dma_semaphore, #tpu.memory_space<semaphore_mem>>, %arg17: memref<!tpu.dma_semaphore, #tpu.memory_space<semaphore_mem>>, %arg18: memref<!tpu.dma_semaphore, #tpu.memory_space<semaphore_mem>>) attributes {dimension_semantics = [#tpu.dimension_semantics<core_parallel>, #tpu.dimension_semantics<subcore_parallel>], iteration_bounds = array<i64: 2, 16>, scalar_prefetch = 0 : i64, scratch_operands = 13 : i64, tpu.core_type = #tpu.core_type<sc_vector_subcore>, window_params = [{transform_indices = #map}, {transform_indices = #map1}, {transform_indices = #map1}, {transform_indices = #map1}]} {
    %mul3A = arith.constant 2 : i32
    %mul3A_0 = arith.muli %arg1, %mul3A : i32
    %add3A = arith.addi %mul3A_0, %arg0 : i32
    %mul3A_1 = arith.constant 5000 : i32
    %mul3A_2 = arith.muli %add3A, %mul3A_1 : i32
    %mul3A_3 = arith.constant 6 : i32
    %mul3A_4 = arith.muli %mul3A_2, %mul3A_3 : i32
    "tpu.region"() ({
      %run_scoped3A = tpu.sem_alloc : memref<!tpu.dma_semaphore, #tpu.memory_space<semaphore_mem>>
      %dma_start3A_42 = tpu.memref_slice %arg4[%mul3A_4] : memref<960000xi32, #tpu.memory_space<hbm>> -> memref<30000xi32, #tpu.memory_space<hbm>>
      %dma_start3A_43 = tpu.memref_slice %arg4[%mul3A_4] : memref<960000xi32, #tpu.memory_space<hbm>> -> memref<30000xi32, #tpu.memory_space<hbm>>
      tpu.enqueue_dma source(%dma_start3A_43 : memref<30000xi32, #tpu.memory_space<hbm>>) target(%arg6 : memref<30000xi32, #tpu.memory_space<vmem>>) target_semaphore(%run_scoped3A : memref<!tpu.dma_semaphore, #tpu.memory_space<semaphore_mem>>)
      %dma_wait3A_44 = tpu.memref_slice %arg4[%mul3A_4] : memref<960000xi32, #tpu.memory_space<hbm>> -> memref<30000xi32, #tpu.memory_space<hbm>>
      %dma_wait3A_45 = tpu.memref_slice %arg4[%mul3A_4] : memref<960000xi32, #tpu.memory_space<hbm>> -> memref<30000xi32, #tpu.memory_space<hbm>>
      tpu.wait_dma2 semaphore(%run_scoped3A : memref<!tpu.dma_semaphore, #tpu.memory_space<semaphore_mem>>) src(%dma_wait3A_45 : memref<30000xi32, #tpu.memory_space<hbm>>) dst(%arg6 : memref<30000xi32, #tpu.memory_space<vmem>>)
      tpu.yield
    }) : () -> ()
    %add3A_5 = arith.constant 0 : i32
    %add3A_6 = arith.addi %mul3A_2, %add3A_5 : i32
    %mul3A_7 = arith.constant 64 : i32
    %mul3A_8 = arith.muli %add3A_6, %mul3A_7 : i32
    %dma_start3A = tpu.memref_slice %arg3[%mul3A_8] : memref<10240000xi32, #tpu.memory_space<hbm>> -> memref<1280xi32, #tpu.memory_space<hbm>>
    %dma_start3A_9 = tpu.memref_slice %arg3[%mul3A_8] : memref<10240000xi32, #tpu.memory_space<hbm>> -> memref<1280xi32, #tpu.memory_space<hbm>>
    tpu.enqueue_dma source(%dma_start3A_9 : memref<1280xi32, #tpu.memory_space<hbm>>) target(%arg9 : memref<1280xi32, #tpu.memory_space<vmem>>) target_semaphore(%arg15 : memref<!tpu.dma_semaphore, #tpu.memory_space<semaphore_mem>>)
    %dma_start3A_10 = arith.constant 0 : i32
    %dma_start3A_11 = tpu.memref_slice %arg6[%dma_start3A_10] : memref<30000xi32, #tpu.memory_space<vmem>> -> memref<120xi32, #tpu.memory_space<vmem>>
    %dma_start3A_12 = arith.constant 0 : i32
    %dma_start3A_13 = arith.constant 0 : i32
    %dma_start3A_14 = tpu.memref_slice %arg2[%dma_start3A_12, %dma_start3A_13] : memref<160000x128xi32, #tpu.memory_space<hbm>> -> memref<160000x128xi32, #tpu.memory_space<hbm>>
    tpu.enqueue_indirect_dma source(%dma_start3A_14 : memref<160000x128xi32, #tpu.memory_space<hbm>>) target(%arg7 : memref<120x128xi32, #tpu.memory_space<vmem>>) offsets(%dma_start3A_11 : memref<120xi32, #tpu.memory_space<vmem>>) semaphore(%arg13 : memref<!tpu.dma_semaphore, #tpu.memory_space<semaphore_mem>>)
    %add3A_15 = arith.constant 20 : i32
    %add3A_16 = arith.addi %mul3A_2, %add3A_15 : i32
    %mul3A_17 = arith.constant 64 : i32
    %mul3A_18 = arith.muli %add3A_16, %mul3A_17 : i32
    %dma_start3A_19 = tpu.memref_slice %arg3[%mul3A_18] : memref<10240000xi32, #tpu.memory_space<hbm>> -> memref<1280xi32, #tpu.memory_space<hbm>>
    %dma_start3A_20 = tpu.memref_slice %arg3[%mul3A_18] : memref<10240000xi32, #tpu.memory_space<hbm>> -> memref<1280xi32, #tpu.memory_space<hbm>>
    tpu.enqueue_dma source(%dma_start3A_20 : memref<1280xi32, #tpu.memory_space<hbm>>) target(%arg10 : memref<1280xi32, #tpu.memory_space<vmem>>) target_semaphore(%arg16 : memref<!tpu.dma_semaphore, #tpu.memory_space<semaphore_mem>>)
    %dma_start3A_21 = arith.constant 120 : i32
    %dma_start3A_22 = tpu.memref_slice %arg6[%dma_start3A_21] : memref<30000xi32, #tpu.memory_space<vmem>> -> memref<120xi32, #tpu.memory_space<vmem>>
    %dma_start3A_23 = arith.constant 0 : i32
    %dma_start3A_24 = arith.constant 0 : i32
    %dma_start3A_25 = tpu.memref_slice %arg2[%dma_start3A_23, %dma_start3A_24] : memref<160000x128xi32, #tpu.memory_space<hbm>> -> memref<160000x128xi32, #tpu.memory_space<hbm>>
    tpu.enqueue_indirect_dma source(%dma_start3A_25 : memref<160000x128xi32, #tpu.memory_space<hbm>>) target(%arg8 : memref<120x128xi32, #tpu.memory_space<vmem>>) offsets(%dma_start3A_22 : memref<120xi32, #tpu.memory_space<vmem>>) semaphore(%arg14 : memref<!tpu.dma_semaphore, #tpu.memory_space<semaphore_mem>>)
    %scan3A = arith.constant 0 : i32
    %scan3A_26 = arith.constant 0 : i32
    %scan3A_27 = arith.constant 125 : i32
    %scan3A_28 = arith.addi %scan3A_26, %scan3A_27 : i32
    %scan3A_29 = arith.constant 1 : i32
    scf.for %scan3A_42 = %scan3A_26 to %scan3A_28 step %scan3A_29  : i32 {
      %mul3A_43 = arith.constant 2 : i32
      %mul3A_44 = arith.muli %mul3A_43, %scan3A_42 : i32
      %add3A_45 = arith.constant 1 : i32
      %add3A_46 = arith.addi %mul3A_44, %add3A_45 : i32
      %mul3A_47 = arith.constant 20 : i32
      %mul3A_48 = arith.muli %mul3A_44, %mul3A_47 : i32
      %add3A_49 = arith.addi %mul3A_2, %mul3A_48 : i32
      %mul3A_50 = arith.constant 64 : i32
      %mul3A_51 = arith.muli %add3A_49, %mul3A_50 : i32
      %dma_wait3A_52 = tpu.memref_slice %arg3[%mul3A_51] : memref<10240000xi32, #tpu.memory_space<hbm>> -> memref<1280xi32, #tpu.memory_space<hbm>>
      %dma_wait3A_53 = tpu.memref_slice %arg3[%mul3A_51] : memref<10240000xi32, #tpu.memory_space<hbm>> -> memref<1280xi32, #tpu.memory_space<hbm>>
      tpu.wait_dma2 semaphore(%arg15 : memref<!tpu.dma_semaphore, #tpu.memory_space<semaphore_mem>>) src(%dma_wait3A_53 : memref<1280xi32, #tpu.memory_space<hbm>>) dst(%arg9 : memref<1280xi32, #tpu.memory_space<vmem>>)
      %mul3A_54 = arith.constant 120 : i32
      %mul3A_55 = arith.muli %mul3A_44, %mul3A_54 : i32
      %dma_wait3A_56 = tpu.memref_slice %arg6[%mul3A_55] : memref<30000xi32, #tpu.memory_space<vmem>> -> memref<120xi32, #tpu.memory_space<vmem>>
      %dma_wait3A_57 = arith.constant 0 : i32
      %dma_wait3A_58 = arith.constant 0 : i32
      %dma_wait3A_59 = tpu.memref_slice %arg2[%dma_wait3A_57, %dma_wait3A_58] : memref<160000x128xi32, #tpu.memory_space<hbm>> -> memref<160000x128xi32, #tpu.memory_space<hbm>>
      tpu.wait_indirect_dma semaphore(%arg13 : memref<!tpu.dma_semaphore, #tpu.memory_space<semaphore_mem>>) src(%dma_wait3A_59 : memref<160000x128xi32, #tpu.memory_space<hbm>>) dst(%arg7 : memref<120x128xi32, #tpu.memory_space<vmem>>)
      %gt3A = arith.constant 0 : i32
      %gt3A_60 = arith.cmpi sgt, %scan3A_42, %gt3A : i32
      %convert_element_type3A = arith.extui %gt3A_60 : i1 to i32
      %cond3A = arith.constant 0 : i32
      %cond3A_61 = arith.cmpi ne, %convert_element_type3A, %cond3A : i32
      scf.if %cond3A_61 {
        %sub3A = arith.constant 2 : i32
        %sub3A_115 = arith.subi %mul3A_44, %sub3A : i32
        %mul3A_116 = arith.constant 20 : i32
        %mul3A_117 = arith.muli %sub3A_115, %mul3A_116 : i32
        %add3A_118 = arith.addi %mul3A_2, %mul3A_117 : i32
        %mul3A_119 = arith.constant 128 : i32
        %mul3A_120 = arith.muli %add3A_118, %mul3A_119 : i32
        %dma_wait3A_121 = tpu.memref_slice %arg5[%mul3A_120] : memref<20480000xi32, #tpu.memory_space<hbm>> -> memref<2560xi32, #tpu.memory_space<hbm>>
        %dma_wait3A_122 = tpu.memref_slice %arg5[%mul3A_120] : memref<20480000xi32, #tpu.memory_space<hbm>> -> memref<2560xi32, #tpu.memory_space<hbm>>
        tpu.wait_dma2 semaphore(%arg17 : memref<!tpu.dma_semaphore, #tpu.memory_space<semaphore_mem>>) src(%arg11 : memref<2560xi32, #tpu.memory_space<vmem>>) dst(%dma_wait3A_122 : memref<2560xi32, #tpu.memory_space<hbm>>)
      } else {
      }
      %scan3A_62 = arith.constant 0 : i32
      %scan3A_63 = arith.constant 0 : i32
      %scan3A_64 = arith.constant 10 : i32
      %scan3A_65 = arith.addi %scan3A_63, %scan3A_64 : i32
      %scan3A_66 = arith.constant 1 : i32
      scf.for %scan3A_115 = %scan3A_63 to %scan3A_65 step %scan3A_66  : i32 {
        %mul3A_116 = arith.constant 2 : i32
        %mul3A_117 = arith.muli %mul3A_116, %scan3A_115 : i32
        %add3A_118 = arith.constant 0 : i32
        %add3A_119 = arith.addi %mul3A_117, %add3A_118 : i32
        %mul3A_120 = arith.constant 6 : i32
        %mul3A_121 = arith.muli %add3A_119, %mul3A_120 : i32
        %mul3A_122 = arith.constant 64 : i32
        %mul3A_123 = arith.muli %add3A_119, %mul3A_122 : i32
        %add3A_124 = arith.constant 0 : i32
        %add3A_125 = arith.addi %mul3A_123, %add3A_124 : i32
        %get3A = arith.index_cast %add3A_125 : i32 to index
        %get3A_126 = tpu.vector_load %arg9[%get3A] {strides = array<i32>} : memref<1280xi32, #tpu.memory_space<vmem>>, vector<16xi32>,
        %bitcast3A = vector.bitcast %get3A_126 : vector<16xi32> to vector<32xbf16>
        %add3A_127 = arith.constant 0 : i32
        %add3A_128 = arith.addi %mul3A_121, %add3A_127 : i32
        %get3A_129 = arith.index_cast %add3A_128 : i32 to index
        %get3A_130 = arith.constant 0 : index
        %get3A_131 = tpu.vector_load %arg7[%get3A_129, %get3A_130] {strides = array<i32>} : memref<120x128xi32, #tpu.memory_space<vmem>>, vector<16xi32>,
        %bitcast3A_132 = vector.bitcast %get3A_131 : vector<16xi32> to vector<32xbf16>
        %add3A_133 = arith.constant 1 : i32
        %add3A_134 = arith.addi %mul3A_121, %add3A_133 : i32
        %get3A_135 = arith.index_cast %add3A_134 : i32 to index
        %get3A_136 = arith.constant 0 : index
        %get3A_137 = tpu.vector_load %arg7[%get3A_135, %get3A_136] {strides = array<i32>} : memref<120x128xi32, #tpu.memory_space<vmem>>, vector<16xi32>,
        %bitcast3A_138 = vector.bitcast %get3A_137 : vector<16xi32> to vector<32xbf16>
        %add3A_139 = arith.constant 2 : i32
        %add3A_140 = arith.addi %mul3A_121, %add3A_139 : i32
        %get3A_141 = arith.index_cast %add3A_140 : i32 to index
        %get3A_142 = arith.constant 0 : index
        %get3A_143 = tpu.vector_load %arg7[%get3A_141, %get3A_142] {strides = array<i32>} : memref<120x128xi32, #tpu.memory_space<vmem>>, vector<16xi32>,
        %bitcast3A_144 = vector.bitcast %get3A_143 : vector<16xi32> to vector<32xbf16>
        %add3A_145 = arith.constant 3 : i32
        %add3A_146 = arith.addi %mul3A_121, %add3A_145 : i32
        %get3A_147 = arith.index_cast %add3A_146 : i32 to index
        %get3A_148 = arith.constant 0 : index
        %get3A_149 = tpu.vector_load %arg7[%get3A_147, %get3A_148] {strides = array<i32>} : memref<120x128xi32, #tpu.memory_space<vmem>>, vector<16xi32>,
        %bitcast3A_150 = vector.bitcast %get3A_149 : vector<16xi32> to vector<32xbf16>
        %add3A_151 = arith.constant 4 : i32
        %add3A_152 = arith.addi %mul3A_121, %add3A_151 : i32
        %get3A_153 = arith.index_cast %add3A_152 : i32 to index
        %get3A_154 = arith.constant 0 : index
        %get3A_155 = tpu.vector_load %arg7[%get3A_153, %get3A_154] {strides = array<i32>} : memref<120x128xi32, #tpu.memory_space<vmem>>, vector<16xi32>,
        %bitcast3A_156 = vector.bitcast %get3A_155 : vector<16xi32> to vector<32xbf16>
        %add3A_157 = arith.constant 5 : i32
        %add3A_158 = arith.addi %mul3A_121, %add3A_157 : i32
        %get3A_159 = arith.index_cast %add3A_158 : i32 to index
        %get3A_160 = arith.constant 0 : index
        %get3A_161 = tpu.vector_load %arg7[%get3A_159, %get3A_160] {strides = array<i32>} : memref<120x128xi32, #tpu.memory_space<vmem>>, vector<16xi32>,
        %bitcast3A_162 = vector.bitcast %get3A_161 : vector<16xi32> to vector<32xbf16>
        %add3A_163 = arith.constant 0 : i32
        %add3A_164 = arith.addi %mul3A_121, %add3A_163 : i32
        %get3A_165 = arith.index_cast %add3A_164 : i32 to index
        %get3A_166 = arith.constant 64 : index
        %get3A_167 = tpu.vector_load %arg7[%get3A_165, %get3A_166] {strides = array<i32>} : memref<120x128xi32, #tpu.memory_space<vmem>>, vector<16xi32>,
        %bitcast3A_168 = vector.bitcast %get3A_167 : vector<16xi32> to vector<32xbf16>
        %add3A_169 = arith.constant 1 : i32
        %add3A_170 = arith.addi %mul3A_121, %add3A_169 : i32
        %get3A_171 = arith.index_cast %add3A_170 : i32 to index
        %get3A_172 = arith.constant 64 : index
        %get3A_173 = tpu.vector_load %arg7[%get3A_171, %get3A_172] {strides = array<i32>} : memref<120x128xi32, #tpu.memory_space<vmem>>, vector<16xi32>,
        %bitcast3A_174 = vector.bitcast %get3A_173 : vector<16xi32> to vector<32xbf16>
        %add3A_175 = arith.constant 2 : i32
        %add3A_176 = arith.addi %mul3A_121, %add3A_175 : i32
        %get3A_177 = arith.index_cast %add3A_176 : i32 to index
        %get3A_178 = arith.constant 64 : index
        %get3A_179 = tpu.vector_load %arg7[%get3A_177, %get3A_178] {strides = array<i32>} : memref<120x128xi32, #tpu.memory_space<vmem>>, vector<16xi32>,
        %bitcast3A_180 = vector.bitcast %get3A_179 : vector<16xi32> to vector<32xbf16>
        %add3A_181 = arith.constant 3 : i32
        %add3A_182 = arith.addi %mul3A_121, %add3A_181 : i32
        %get3A_183 = arith.index_cast %add3A_182 : i32 to index
        %get3A_184 = arith.constant 64 : index
        %get3A_185 = tpu.vector_load %arg7[%get3A_183, %get3A_184] {strides = array<i32>} : memref<120x128xi32, #tpu.memory_space<vmem>>, vector<16xi32>,
        %bitcast3A_186 = vector.bitcast %get3A_185 : vector<16xi32> to vector<32xbf16>
        %add3A_187 = arith.constant 4 : i32
        %add3A_188 = arith.addi %mul3A_121, %add3A_187 : i32
        %get3A_189 = arith.index_cast %add3A_188 : i32 to index
        %get3A_190 = arith.constant 64 : index
        %get3A_191 = tpu.vector_load %arg7[%get3A_189, %get3A_190] {strides = array<i32>} : memref<120x128xi32, #tpu.memory_space<vmem>>, vector<16xi32>,
        %bitcast3A_192 = vector.bitcast %get3A_191 : vector<16xi32> to vector<32xbf16>
        %add3A_193 = arith.constant 5 : i32
        %add3A_194 = arith.addi %mul3A_121, %add3A_193 : i32
        %get3A_195 = arith.index_cast %add3A_194 : i32 to index
        %get3A_196 = arith.constant 64 : index
        %get3A_197 = tpu.vector_load %arg7[%get3A_195, %get3A_196] {strides = array<i32>} : memref<120x128xi32, #tpu.memory_space<vmem>>, vector<16xi32>,
        %bitcast3A_198 = vector.bitcast %get3A_197 : vector<16xi32> to vector<32xbf16>
        %mul3A_199 = arith.mulf %bitcast3A, %bitcast3A_168 : vector<32xbf16>
        %add3A_200 = arith.constant 1.000000e+00 : bf16
        %add3A_201 = vector.broadcast %add3A_200 : bf16 to vector<32xbf16>
        %add3A_202 = arith.addf %add3A_201, %mul3A_199 : vector<32xbf16>
        %div3A = arith.divf %bitcast3A_132, %add3A_202 : vector<32xbf16>
        %mul3A_203 = arith.mulf %bitcast3A, %bitcast3A_174 : vector<32xbf16>
        %add3A_204 = arith.constant 1.000000e+00 : bf16
        %add3A_205 = vector.broadcast %add3A_204 : bf16 to vector<32xbf16>
        %add3A_206 = arith.addf %add3A_205, %mul3A_203 : vector<32xbf16>
        %div3A_207 = arith.divf %bitcast3A_138, %add3A_206 : vector<32xbf16>
        %mul3A_208 = arith.mulf %bitcast3A, %bitcast3A_180 : vector<32xbf16>
        %add3A_209 = arith.constant 1.000000e+00 : bf16
        %add3A_210 = vector.broadcast %add3A_209 : bf16 to vector<32xbf16>
        %add3A_211 = arith.addf %add3A_210, %mul3A_208 : vector<32xbf16>
        %div3A_212 = arith.divf %bitcast3A_144, %add3A_211 : vector<32xbf16>
        %mul3A_213 = arith.mulf %bitcast3A, %bitcast3A_186 : vector<32xbf16>
        %add3A_214 = arith.constant 1.000000e+00 : bf16
        %add3A_215 = vector.broadcast %add3A_214 : bf16 to vector<32xbf16>
        %add3A_216 = arith.addf %add3A_215, %mul3A_213 : vector<32xbf16>
        %div3A_217 = arith.divf %bitcast3A_150, %add3A_216 : vector<32xbf16>
        %mul3A_218 = arith.mulf %bitcast3A, %bitcast3A_192 : vector<32xbf16>
        %add3A_219 = arith.constant 1.000000e+00 : bf16
        %add3A_220 = vector.broadcast %add3A_219 : bf16 to vector<32xbf16>
        %add3A_221 = arith.addf %add3A_220, %mul3A_218 : vector<32xbf16>
        %div3A_222 = arith.divf %bitcast3A_156, %add3A_221 : vector<32xbf16>
        %mul3A_223 = arith.mulf %bitcast3A, %bitcast3A_198 : vector<32xbf16>
        %add3A_224 = arith.constant 1.000000e+00 : bf16
        %add3A_225 = vector.broadcast %add3A_224 : bf16 to vector<32xbf16>
        %add3A_226 = arith.addf %add3A_225, %mul3A_223 : vector<32xbf16>
        %div3A_227 = arith.divf %bitcast3A_162, %add3A_226 : vector<32xbf16>
        %add3A_228 = arith.addf %bitcast3A_132, %bitcast3A_138 : vector<32xbf16>
        %add3A_229 = arith.addf %bitcast3A_144, %bitcast3A_150 : vector<32xbf16>
        %add3A_230 = arith.addf %add3A_228, %add3A_229 : vector<32xbf16>
        %add3A_231 = arith.addf %bitcast3A_156, %bitcast3A_162 : vector<32xbf16>
        %add3A_232 = arith.addf %add3A_230, %add3A_231 : vector<32xbf16>
        %add3A_233 = arith.addf %div3A, %div3A_207 : vector<32xbf16>
        %add3A_234 = arith.addf %div3A_212, %div3A_217 : vector<32xbf16>
        %add3A_235 = arith.addf %add3A_233, %add3A_234 : vector<32xbf16>
        %add3A_236 = arith.addf %div3A_222, %div3A_227 : vector<32xbf16>
        %add3A_237 = arith.addf %add3A_235, %add3A_236 : vector<32xbf16>
        %mul3A_238 = arith.constant 128 : i32
        %mul3A_239 = arith.muli %add3A_119, %mul3A_238 : i32
        %add3A_240 = arith.constant 0 : i32
        %add3A_241 = arith.addi %mul3A_239, %add3A_240 : i32
        %bitcast3A_242 = vector.bitcast %add3A_232 : vector<32xbf16> to vector<16xi32>
        %swap3A = arith.index_cast %add3A_241 : i32 to index
        %swap3A_243 = tpu.vector_load %arg11[%swap3A] {strides = array<i32>} : memref<2560xi32, #tpu.memory_space<vmem>>, vector<16xi32>,
        tpu.vector_store %arg11[%swap3A], %bitcast3A_242 {strides = array<i32>} : memref<2560xi32, #tpu.memory_space<vmem>>, vector<16xi32>,
        %bitcast3A_244 = vector.bitcast %add3A_237 : vector<32xbf16> to vector<16xi32>
        %add3A_245 = arith.constant 64 : i32
        %add3A_246 = arith.addi %add3A_241, %add3A_245 : i32
        %swap3A_247 = arith.index_cast %add3A_246 : i32 to index
        %swap3A_248 = tpu.vector_load %arg11[%swap3A_247] {strides = array<i32>} : memref<2560xi32, #tpu.memory_space<vmem>>, vector<16xi32>,
        tpu.vector_store %arg11[%swap3A_247], %bitcast3A_244 {strides = array<i32>} : memref<2560xi32, #tpu.memory_space<vmem>>, vector<16xi32>,
        %mul3A_249 = arith.constant 64 : i32
        %mul3A_250 = arith.muli %add3A_119, %mul3A_249 : i32
        %add3A_251 = arith.constant 16 : i32
        %add3A_252 = arith.addi %mul3A_250, %add3A_251 : i32
        %get3A_253 = arith.index_cast %add3A_252 : i32 to index
        %get3A_254 = tpu.vector_load %arg9[%get3A_253] {strides = array<i32>} : memref<1280xi32, #tpu.memory_space<vmem>>, vector<16xi32>,
        %bitcast3A_255 = vector.bitcast %get3A_254 : vector<16xi32> to vector<32xbf16>
        %add3A_256 = arith.constant 0 : i32
        %add3A_257 = arith.addi %mul3A_121, %add3A_256 : i32
        %get3A_258 = arith.index_cast %add3A_257 : i32 to index
        %get3A_259 = arith.constant 16 : index
        %get3A_260 = tpu.vector_load %arg7[%get3A_258, %get3A_259] {strides = array<i32>} : memref<120x128xi32, #tpu.memory_space<vmem>>, vector<16xi32>,
        %bitcast3A_261 = vector.bitcast %get3A_260 : vector<16xi32> to vector<32xbf16>
        %add3A_262 = arith.constant 1 : i32
        %add3A_263 = arith.addi %mul3A_121, %add3A_262 : i32
        %get3A_264 = arith.index_cast %add3A_263 : i32 to index
        %get3A_265 = arith.constant 16 : index
        %get3A_266 = tpu.vector_load %arg7[%get3A_264, %get3A_265] {strides = array<i32>} : memref<120x128xi32, #tpu.memory_space<vmem>>, vector<16xi32>,
        %bitcast3A_267 = vector.bitcast %get3A_266 : vector<16xi32> to vector<32xbf16>
        %add3A_268 = arith.constant 2 : i32
        %add3A_269 = arith.addi %mul3A_121, %add3A_268 : i32
        %get3A_270 = arith.index_cast %add3A_269 : i32 to index
        %get3A_271 = arith.constant 16 : index
        %get3A_272 = tpu.vector_load %arg7[%get3A_270, %get3A_271] {strides = array<i32>} : memref<120x128xi32, #tpu.memory_space<vmem>>, vector<16xi32>,
        %bitcast3A_273 = vector.bitcast %get3A_272 : vector<16xi32> to vector<32xbf16>
        %add3A_274 = arith.constant 3 : i32
        %add3A_275 = arith.addi %mul3A_121, %add3A_274 : i32
        %get3A_276 = arith.index_cast %add3A_275 : i32 to index
        %get3A_277 = arith.constant 16 : index
        %get3A_278 = tpu.vector_load %arg7[%get3A_276, %get3A_277] {strides = array<i32>} : memref<120x128xi32, #tpu.memory_space<vmem>>, vector<16xi32>,
        %bitcast3A_279 = vector.bitcast %get3A_278 : vector<16xi32> to vector<32xbf16>
        %add3A_280 = arith.constant 4 : i32
        %add3A_281 = arith.addi %mul3A_121, %add3A_280 : i32
        %get3A_282 = arith.index_cast %add3A_281 : i32 to index
        %get3A_283 = arith.constant 16 : index
        %get3A_284 = tpu.vector_load %arg7[%get3A_282, %get3A_283] {strides = array<i32>} : memref<120x128xi32, #tpu.memory_space<vmem>>, vector<16xi32>,
        %bitcast3A_285 = vector.bitcast %get3A_284 : vector<16xi32> to vector<32xbf16>
        %add3A_286 = arith.constant 5 : i32
        %add3A_287 = arith.addi %mul3A_121, %add3A_286 : i32
        %get3A_288 = arith.index_cast %add3A_287 : i32 to index
        %get3A_289 = arith.constant 16 : index
        %get3A_290 = tpu.vector_load %arg7[%get3A_288, %get3A_289] {strides = array<i32>} : memref<120x128xi32, #tpu.memory_space<vmem>>, vector<16xi32>,
        %bitcast3A_291 = vector.bitcast %get3A_290 : vector<16xi32> to vector<32xbf16>
        %add3A_292 = arith.constant 0 : i32
        %add3A_293 = arith.addi %mul3A_121, %add3A_292 : i32
        %get3A_294 = arith.index_cast %add3A_293 : i32 to index
        %get3A_295 = arith.constant 80 : index
        %get3A_296 = tpu.vector_load %arg7[%get3A_294, %get3A_295] {strides = array<i32>} : memref<120x128xi32, #tpu.memory_space<vmem>>, vector<16xi32>,
        %bitcast3A_297 = vector.bitcast %get3A_296 : vector<16xi32> to vector<32xbf16>
        %add3A_298 = arith.constant 1 : i32
        %add3A_299 = arith.addi %mul3A_121, %add3A_298 : i32
        %get3A_300 = arith.index_cast %add3A_299 : i32 to index
        %get3A_301 = arith.constant 80 : index
        %get3A_302 = tpu.vector_load %arg7[%get3A_300, %get3A_301] {strides = array<i32>} : memref<120x128xi32, #tpu.memory_space<vmem>>, vector<16xi32>,
        %bitcast3A_303 = vector.bitcast %get3A_302 : vector<16xi32> to vector<32xbf16>
        %add3A_304 = arith.constant 2 : i32
        %add3A_305 = arith.addi %mul3A_121, %add3A_304 : i32
        %get3A_306 = arith.index_cast %add3A_305 : i32 to index
        %get3A_307 = arith.constant 80 : index
        %get3A_308 = tpu.vector_load %arg7[%get3A_306, %get3A_307] {strides = array<i32>} : memref<120x128xi32, #tpu.memory_space<vmem>>, vector<16xi32>,
        %bitcast3A_309 = vector.bitcast %get3A_308 : vector<16xi32> to vector<32xbf16>
        %add3A_310 = arith.constant 3 : i32
        %add3A_311 = arith.addi %mul3A_121, %add3A_310 : i32
        %get3A_312 = arith.index_cast %add3A_311 : i32 to index
        %get3A_313 = arith.constant 80 : index
        %get3A_314 = tpu.vector_load %arg7[%get3A_312, %get3A_313] {strides = array<i32>} : memref<120x128xi32, #tpu.memory_space<vmem>>, vector<16xi32>,
        %bitcast3A_315 = vector.bitcast %get3A_314 : vector<16xi32> to vector<32xbf16>
        %add3A_316 = arith.constant 4 : i32
        %add3A_317 = arith.addi %mul3A_121, %add3A_316 : i32
        %get3A_318 = arith.index_cast %add3A_317 : i32 to index
        %get3A_319 = arith.constant 80 : index
        %get3A_320 = tpu.vector_load %arg7[%get3A_318, %get3A_319] {strides = array<i32>} : memref<120x128xi32, #tpu.memory_space<vmem>>, vector<16xi32>,
        %bitcast3A_321 = vector.bitcast %get3A_320 : vector<16xi32> to vector<32xbf16>
        %add3A_322 = arith.constant 5 : i32
        %add3A_323 = arith.addi %mul3A_121, %add3A_322 : i32
        %get3A_324 = arith.index_cast %add3A_323 : i32 to index
        %get3A_325 = arith.constant 80 : index
        %get3A_326 = tpu.vector_load %arg7[%get3A_324, %get3A_325] {strides = array<i32>} : memref<120x128xi32, #tpu.memory_space<vmem>>, vector<16xi32>,
        %bitcast3A_327 = vector.bitcast %get3A_326 : vector<16xi32> to vector<32xbf16>
        %mul3A_328 = arith.mulf %bitcast3A_255, %bitcast3A_297 : vector<32xbf16>
        %add3A_329 = arith.constant 1.000000e+00 : bf16
        %add3A_330 = vector.broadcast %add3A_329 : bf16 to vector<32xbf16>
        %add3A_331 = arith.addf %add3A_330, %mul3A_328 : vector<32xbf16>
        %div3A_332 = arith.divf %bitcast3A_261, %add3A_331 : vector<32xbf16>
        %mul3A_333 = arith.mulf %bitcast3A_255, %bitcast3A_303 : vector<32xbf16>
        %add3A_334 = arith.constant 1.000000e+00 : bf16
        %add3A_335 = vector.broadcast %add3A_334 : bf16 to vector<32xbf16>
        %add3A_336 = arith.addf %add3A_335, %mul3A_333 : vector<32xbf16>
        %div3A_337 = arith.divf %bitcast3A_267, %add3A_336 : vector<32xbf16>
        %mul3A_338 = arith.mulf %bitcast3A_255, %bitcast3A_309 : vector<32xbf16>
        %add3A_339 = arith.constant 1.000000e+00 : bf16
        %add3A_340 = vector.broadcast %add3A_339 : bf16 to vector<32xbf16>
        %add3A_341 = arith.addf %add3A_340, %mul3A_338 : vector<32xbf16>
        %div3A_342 = arith.divf %bitcast3A_273, %add3A_341 : vector<32xbf16>
        %mul3A_343 = arith.mulf %bitcast3A_255, %bitcast3A_315 : vector<32xbf16>
        %add3A_344 = arith.constant 1.000000e+00 : bf16
        %add3A_345 = vector.broadcast %add3A_344 : bf16 to vector<32xbf16>
        %add3A_346 = arith.addf %add3A_345, %mul3A_343 : vector<32xbf16>
        %div3A_347 = arith.divf %bitcast3A_279, %add3A_346 : vector<32xbf16>
        %mul3A_348 = arith.mulf %bitcast3A_255, %bitcast3A_321 : vector<32xbf16>
        %add3A_349 = arith.constant 1.000000e+00 : bf16
        %add3A_350 = vector.broadcast %add3A_349 : bf16 to vector<32xbf16>
        %add3A_351 = arith.addf %add3A_350, %mul3A_348 : vector<32xbf16>
        %div3A_352 = arith.divf %bitcast3A_285, %add3A_351 : vector<32xbf16>
        %mul3A_353 = arith.mulf %bitcast3A_255, %bitcast3A_327 : vector<32xbf16>
        %add3A_354 = arith.constant 1.000000e+00 : bf16
        %add3A_355 = vector.broadcast %add3A_354 : bf16 to vector<32xbf16>
        %add3A_356 = arith.addf %add3A_355, %mul3A_353 : vector<32xbf16>
        %div3A_357 = arith.divf %bitcast3A_291, %add3A_356 : vector<32xbf16>
        %add3A_358 = arith.addf %bitcast3A_261, %bitcast3A_267 : vector<32xbf16>
        %add3A_359 = arith.addf %bitcast3A_273, %bitcast3A_279 : vector<32xbf16>
        %add3A_360 = arith.addf %add3A_358, %add3A_359 : vector<32xbf16>
        %add3A_361 = arith.addf %bitcast3A_285, %bitcast3A_291 : vector<32xbf16>
        %add3A_362 = arith.addf %add3A_360, %add3A_361 : vector<32xbf16>
        %add3A_363 = arith.addf %div3A_332, %div3A_337 : vector<32xbf16>
        %add3A_364 = arith.addf %div3A_342, %div3A_347 : vector<32xbf16>
        %add3A_365 = arith.addf %add3A_363, %add3A_364 : vector<32xbf16>
        %add3A_366 = arith.addf %div3A_352, %div3A_357 : vector<32xbf16>
        %add3A_367 = arith.addf %add3A_365, %add3A_366 : vector<32xbf16>
        %mul3A_368 = arith.constant 128 : i32
        %mul3A_369 = arith.muli %add3A_119, %mul3A_368 : i32
        %add3A_370 = arith.constant 16 : i32
        %add3A_371 = arith.addi %mul3A_369, %add3A_370 : i32
        %bitcast3A_372 = vector.bitcast %add3A_362 : vector<32xbf16> to vector<16xi32>
        %swap3A_373 = arith.index_cast %add3A_371 : i32 to index
        %swap3A_374 = tpu.vector_load %arg11[%swap3A_373] {strides = array<i32>} : memref<2560xi32, #tpu.memory_space<vmem>>, vector<16xi32>,
        tpu.vector_store %arg11[%swap3A_373], %bitcast3A_372 {strides = array<i32>} : memref<2560xi32, #tpu.memory_space<vmem>>, vector<16xi32>,
        %bitcast3A_375 = vector.bitcast %add3A_367 : vector<32xbf16> to vector<16xi32>
        %add3A_376 = arith.constant 64 : i32
        %add3A_377 = arith.addi %add3A_371, %add3A_376 : i32
        %swap3A_378 = arith.index_cast %add3A_377 : i32 to index
        %swap3A_379 = tpu.vector_load %arg11[%swap3A_378] {strides = array<i32>} : memref<2560xi32, #tpu.memory_space<vmem>>, vector<16xi32>,
        tpu.vector_store %arg11[%swap3A_378], %bitcast3A_375 {strides = array<i32>} : memref<2560xi32, #tpu.memory_space<vmem>>, vector<16xi32>,
        %mul3A_380 = arith.constant 64 : i32
        %mul3A_381 = arith.muli %add3A_119, %mul3A_380 : i32
        %add3A_382 = arith.constant 32 : i32
        %add3A_383 = arith.addi %mul3A_381, %add3A_382 : i32
        %get3A_384 = arith.index_cast %add3A_383 : i32 to index
        %get3A_385 = tpu.vector_load %arg9[%get3A_384] {strides = array<i32>} : memref<1280xi32, #tpu.memory_space<vmem>>, vector<16xi32>,
        %bitcast3A_386 = vector.bitcast %get3A_385 : vector<16xi32> to vector<32xbf16>
        %add3A_387 = arith.constant 0 : i32
        %add3A_388 = arith.addi %mul3A_121, %add3A_387 : i32
        %get3A_389 = arith.index_cast %add3A_388 : i32 to index
        %get3A_390 = arith.constant 32 : index
        %get3A_391 = tpu.vector_load %arg7[%get3A_389, %get3A_390] {strides = array<i32>} : memref<120x128xi32, #tpu.memory_space<vmem>>, vector<16xi32>,
        %bitcast3A_392 = vector.bitcast %get3A_391 : vector<16xi32> to vector<32xbf16>
        %add3A_393 = arith.constant 1 : i32
        %add3A_394 = arith.addi %mul3A_121, %add3A_393 : i32
        %get3A_395 = arith.index_cast %add3A_394 : i32 to index
        %get3A_396 = arith.constant 32 : index
        %get3A_397 = tpu.vector_load %arg7[%get3A_395, %get3A_396] {strides = array<i32>} : memref<120x128xi32, #tpu.memory_space<vmem>>, vector<16xi32>,
        %bitcast3A_398 = vector.bitcast %get3A_397 : vector<16xi32> to vector<32xbf16>
        %add3A_399 = arith.constant 2 : i32
        %add3A_400 = arith.addi %mul3A_121, %add3A_399 : i32
        %get3A_401 = arith.index_cast %add3A_400 : i32 to index
        %get3A_402 = arith.constant 32 : index
        %get3A_403 = tpu.vector_load %arg7[%get3A_401, %get3A_402] {strides = array<i32>} : memref<120x128xi32, #tpu.memory_space<vmem>>, vector<16xi32>,
        %bitcast3A_404 = vector.bitcast %get3A_403 : vector<16xi32> to vector<32xbf16>
        %add3A_405 = arith.constant 3 : i32
        %add3A_406 = arith.addi %mul3A_121, %add3A_405 : i32
        %get3A_407 = arith.index_cast %add3A_406 : i32 to index
        %get3A_408 = arith.constant 32 : index
        %get3A_409 = tpu.vector_load %arg7[%get3A_407, %get3A_408] {strides = array<i32>} : memref<120x128xi32, #tpu.memory_space<vmem>>, vector<16xi32>,
        %bitcast3A_410 = vector.bitcast %get3A_409 : vector<16xi32> to vector<32xbf16>
        %add3A_411 = arith.constant 4 : i32
        %add3A_412 = arith.addi %mul3A_121, %add3A_411 : i32
        %get3A_413 = arith.index_cast %add3A_412 : i32 to index
        %get3A_414 = arith.constant 32 : index
        %get3A_415 = tpu.vector_load %arg7[%get3A_413, %get3A_414] {strides = array<i32>} : memref<120x128xi32, #tpu.memory_space<vmem>>, vector<16xi32>,
        %bitcast3A_416 = vector.bitcast %get3A_415 : vector<16xi32> to vector<32xbf16>
        %add3A_417 = arith.constant 5 : i32
        %add3A_418 = arith.addi %mul3A_121, %add3A_417 : i32
        %get3A_419 = arith.index_cast %add3A_418 : i32 to index
        %get3A_420 = arith.constant 32 : index
        %get3A_421 = tpu.vector_load %arg7[%get3A_419, %get3A_420] {strides = array<i32>} : memref<120x128xi32, #tpu.memory_space<vmem>>, vector<16xi32>,
        %bitcast3A_422 = vector.bitcast %get3A_421 : vector<16xi32> to vector<32xbf16>
        %add3A_423 = arith.constant 0 : i32
        %add3A_424 = arith.addi %mul3A_121, %add3A_423 : i32
        %get3A_425 = arith.index_cast %add3A_424 : i32 to index
        %get3A_426 = arith.constant 96 : index
        %get3A_427 = tpu.vector_load %arg7[%get3A_425, %get3A_426] {strides = array<i32>} : memref<120x128xi32, #tpu.memory_space<vmem>>, vector<16xi32>,
        %bitcast3A_428 = vector.bitcast %get3A_427 : vector<16xi32> to vector<32xbf16>
        %add3A_429 = arith.constant 1 : i32
        %add3A_430 = arith.addi %mul3A_121, %add3A_429 : i32
        %get3A_431 = arith.index_cast %add3A_430 : i32 to index
        %get3A_432 = arith.constant 96 : index
        %get3A_433 = tpu.vector_load %arg7[%get3A_431, %get3A_432] {strides = array<i32>} : memref<120x128xi32, #tpu.memory_space<vmem>>, vector<16xi32>,
        %bitcast3A_434 = vector.bitcast %get3A_433 : vector<16xi32> to vector<32xbf16>
        %add3A_435 = arith.constant 2 : i32
        %add3A_436 = arith.addi %mul3A_121, %add3A_435 : i32
        %get3A_437 = arith.index_cast %add3A_436 : i32 to index
        %get3A_438 = arith.constant 96 : index
        %get3A_439 = tpu.vector_load %arg7[%get3A_437, %get3A_438] {strides = array<i32>} : memref<120x128xi32, #tpu.memory_space<vmem>>, vector<16xi32>,
        %bitcast3A_440 = vector.bitcast %get3A_439 : vector<16xi32> to vector<32xbf16>
        %add3A_441 = arith.constant 3 : i32
        %add3A_442 = arith.addi %mul3A_121, %add3A_441 : i32
        %get3A_443 = arith.index_cast %add3A_442 : i32 to index
        %get3A_444 = arith.constant 96 : index
        %get3A_445 = tpu.vector_load %arg7[%get3A_443, %get3A_444] {strides = array<i32>} : memref<120x128xi32, #tpu.memory_space<vmem>>, vector<16xi32>,
        %bitcast3A_446 = vector.bitcast %get3A_445 : vector<16xi32> to vector<32xbf16>
        %add3A_447 = arith.constant 4 : i32
        %add3A_448 = arith.addi %mul3A_121, %add3A_447 : i32
        %get3A_449 = arith.index_cast %add3A_448 : i32 to index
        %get3A_450 = arith.constant 96 : index
        %get3A_451 = tpu.vector_load %arg7[%get3A_449, %get3A_450] {strides = array<i32>} : memref<120x128xi32, #tpu.memory_space<vmem>>, vector<16xi32>,
        %bitcast3A_452 = vector.bitcast %get3A_451 : vector<16xi32> to vector<32xbf16>
        %add3A_453 = arith.constant 5 : i32
        %add3A_454 = arith.addi %mul3A_121, %add3A_453 : i32
        %get3A_455 = arith.index_cast %add3A_454 : i32 to index
        %get3A_456 = arith.constant 96 : index
        %get3A_457 = tpu.vector_load %arg7[%get3A_455, %get3A_456] {strides = array<i32>} : memref<120x128xi32, #tpu.memory_space<vmem>>, vector<16xi32>,
        %bitcast3A_458 = vector.bitcast %get3A_457 : vector<16xi32> to vector<32xbf16>
        %mul3A_459 = arith.mulf %bitcast3A_386, %bitcast3A_428 : vector<32xbf16>
        %add3A_460 = arith.constant 1.000000e+00 : bf16
        %add3A_461 = vector.broadcast %add3A_460 : bf16 to vector<32xbf16>
        %add3A_462 = arith.addf %add3A_461, %mul3A_459 : vector<32xbf16>
        %div3A_463 = arith.divf %bitcast3A_392, %add3A_462 : vector<32xbf16>
        %mul3A_464 = arith.mulf %bitcast3A_386, %bitcast3A_434 : vector<32xbf16>
        %add3A_465 = arith.constant 1.000000e+00 : bf16
        %add3A_466 = vector.broadcast %add3A_465 : bf16 to vector<32xbf16>
        %add3A_467 = arith.addf %add3A_466, %mul3A_464 : vector<32xbf16>
        %div3A_468 = arith.divf %bitcast3A_398, %add3A_467 : vector<32xbf16>
        %mul3A_469 = arith.mulf %bitcast3A_386, %bitcast3A_440 : vector<32xbf16>
        %add3A_470 = arith.constant 1.000000e+00 : bf16
        %add3A_471 = vector.broadcast %add3A_470 : bf16 to vector<32xbf16>
        %add3A_472 = arith.addf %add3A_471, %mul3A_469 : vector<32xbf16>
        %div3A_473 = arith.divf %bitcast3A_404, %add3A_472 : vector<32xbf16>
        %mul3A_474 = arith.mulf %bitcast3A_386, %bitcast3A_446 : vector<32xbf16>
        %add3A_475 = arith.constant 1.000000e+00 : bf16
        %add3A_476 = vector.broadcast %add3A_475 : bf16 to vector<32xbf16>
        %add3A_477 = arith.addf %add3A_476, %mul3A_474 : vector<32xbf16>
        %div3A_478 = arith.divf %bitcast3A_410, %add3A_477 : vector<32xbf16>
        %mul3A_479 = arith.mulf %bitcast3A_386, %bitcast3A_452 : vector<32xbf16>
        %add3A_480 = arith.constant 1.000000e+00 : bf16
        %add3A_481 = vector.broadcast %add3A_480 : bf16 to vector<32xbf16>
        %add3A_482 = arith.addf %add3A_481, %mul3A_479 : vector<32xbf16>
        %div3A_483 = arith.divf %bitcast3A_416, %add3A_482 : vector<32xbf16>
        %mul3A_484 = arith.mulf %bitcast3A_386, %bitcast3A_458 : vector<32xbf16>
        %add3A_485 = arith.constant 1.000000e+00 : bf16
        %add3A_486 = vector.broadcast %add3A_485 : bf16 to vector<32xbf16>
        %add3A_487 = arith.addf %add3A_486, %mul3A_484 : vector<32xbf16>
        %div3A_488 = arith.divf %bitcast3A_422, %add3A_487 : vector<32xbf16>
        %add3A_489 = arith.addf %bitcast3A_392, %bitcast3A_398 : vector<32xbf16>
        %add3A_490 = arith.addf %bitcast3A_404, %bitcast3A_410 : vector<32xbf16>
        %add3A_491 = arith.addf %add3A_489, %add3A_490 : vector<32xbf16>
        %add3A_492 = arith.addf %bitcast3A_416, %bitcast3A_422 : vector<32xbf16>
        %add3A_493 = arith.addf %add3A_491, %add3A_492 : vector<32xbf16>
        %add3A_494 = arith.addf %div3A_463, %div3A_468 : vector<32xbf16>
        %add3A_495 = arith.addf %div3A_473, %div3A_478 : vector<32xbf16>
        %add3A_496 = arith.addf %add3A_494, %add3A_495 : vector<32xbf16>
        %add3A_497 = arith.addf %div3A_483, %div3A_488 : vector<32xbf16>
        %add3A_498 = arith.addf %add3A_496, %add3A_497 : vector<32xbf16>
        %mul3A_499 = arith.constant 128 : i32
        %mul3A_500 = arith.muli %add3A_119, %mul3A_499 : i32
        %add3A_501 = arith.constant 32 : i32
        %add3A_502 = arith.addi %mul3A_500, %add3A_501 : i32
        %bitcast3A_503 = vector.bitcast %add3A_493 : vector<32xbf16> to vector<16xi32>
        %swap3A_504 = arith.index_cast %add3A_502 : i32 to index
        %swap3A_505 = tpu.vector_load %arg11[%swap3A_504] {strides = array<i32>} : memref<2560xi32, #tpu.memory_space<vmem>>, vector<16xi32>,
        tpu.vector_store %arg11[%swap3A_504], %bitcast3A_503 {strides = array<i32>} : memref<2560xi32, #tpu.memory_space<vmem>>, vector<16xi32>,
        %bitcast3A_506 = vector.bitcast %add3A_498 : vector<32xbf16> to vector<16xi32>
        %add3A_507 = arith.constant 64 : i32
        %add3A_508 = arith.addi %add3A_502, %add3A_507 : i32
        %swap3A_509 = arith.index_cast %add3A_508 : i32 to index
        %swap3A_510 = tpu.vector_load %arg11[%swap3A_509] {strides = array<i32>} : memref<2560xi32, #tpu.memory_space<vmem>>, vector<16xi32>,
        tpu.vector_store %arg11[%swap3A_509], %bitcast3A_506 {strides = array<i32>} : memref<2560xi32, #tpu.memory_space<vmem>>, vector<16xi32>,
        %mul3A_511 = arith.constant 64 : i32
        %mul3A_512 = arith.muli %add3A_119, %mul3A_511 : i32
        %add3A_513 = arith.constant 48 : i32
        %add3A_514 = arith.addi %mul3A_512, %add3A_513 : i32
        %get3A_515 = arith.index_cast %add3A_514 : i32 to index
        %get3A_516 = tpu.vector_load %arg9[%get3A_515] {strides = array<i32>} : memref<1280xi32, #tpu.memory_space<vmem>>, vector<16xi32>,
        %bitcast3A_517 = vector.bitcast %get3A_516 : vector<16xi32> to vector<32xbf16>
        %add3A_518 = arith.constant 0 : i32
        %add3A_519 = arith.addi %mul3A_121, %add3A_518 : i32
        %get3A_520 = arith.index_cast %add3A_519 : i32 to index
        %get3A_521 = arith.constant 48 : index
        %get3A_522 = tpu.vector_load %arg7[%get3A_520, %get3A_521] {strides = array<i32>} : memref<120x128xi32, #tpu.memory_space<vmem>>, vector<16xi32>,
        %bitcast3A_523 = vector.bitcast %get3A_522 : vector<16xi32> to vector<32xbf16>
        %add3A_524 = arith.constant 1 : i32
        %add3A_525 = arith.addi %mul3A_121, %add3A_524 : i32
        %get3A_526 = arith.index_cast %add3A_525 : i32 to index
        %get3A_527 = arith.constant 48 : index
        %get3A_528 = tpu.vector_load %arg7[%get3A_526, %get3A_527] {strides = array<i32>} : memref<120x128xi32, #tpu.memory_space<vmem>>, vector<16xi32>,
        %bitcast3A_529 = vector.bitcast %get3A_528 : vector<16xi32> to vector<32xbf16>
        %add3A_530 = arith.constant 2 : i32
        %add3A_531 = arith.addi %mul3A_121, %add3A_530 : i32
        %get3A_532 = arith.index_cast %add3A_531 : i32 to index
        %get3A_533 = arith.constant 48 : index
        %get3A_534 = tpu.vector_load %arg7[%get3A_532, %get3A_533] {strides = array<i32>} : memref<120x128xi32, #tpu.memory_space<vmem>>, vector<16xi32>,
        %bitcast3A_535 = vector.bitcast %get3A_534 : vector<16xi32> to vector<32xbf16>
        %add3A_536 = arith.constant 3 : i32
        %add3A_537 = arith.addi %mul3A_121, %add3A_536 : i32
        %get3A_538 = arith.index_cast %add3A_537 : i32 to index
        %get3A_539 = arith.constant 48 : index
        %get3A_540 = tpu.vector_load %arg7[%get3A_538, %get3A_539] {strides = array<i32>} : memref<120x128xi32, #tpu.memory_space<vmem>>, vector<16xi32>,
        %bitcast3A_541 = vector.bitcast %get3A_540 : vector<16xi32> to vector<32xbf16>
        %add3A_542 = arith.constant 4 : i32
        %add3A_543 = arith.addi %mul3A_121, %add3A_542 : i32
        %get3A_544 = arith.index_cast %add3A_543 : i32 to index
        %get3A_545 = arith.constant 48 : index
        %get3A_546 = tpu.vector_load %arg7[%get3A_544, %get3A_545] {strides = array<i32>} : memref<120x128xi32, #tpu.memory_space<vmem>>, vector<16xi32>,
        %bitcast3A_547 = vector.bitcast %get3A_546 : vector<16xi32> to vector<32xbf16>
        %add3A_548 = arith.constant 5 : i32
        %add3A_549 = arith.addi %mul3A_121, %add3A_548 : i32
        %get3A_550 = arith.index_cast %add3A_549 : i32 to index
        %get3A_551 = arith.constant 48 : index
        %get3A_552 = tpu.vector_load %arg7[%get3A_550, %get3A_551] {strides = array<i32>} : memref<120x128xi32, #tpu.memory_space<vmem>>, vector<16xi32>,
        %bitcast3A_553 = vector.bitcast %get3A_552 : vector<16xi32> to vector<32xbf16>
        %add3A_554 = arith.constant 0 : i32
        %add3A_555 = arith.addi %mul3A_121, %add3A_554 : i32
        %get3A_556 = arith.index_cast %add3A_555 : i32 to index
        %get3A_557 = arith.constant 112 : index
        %get3A_558 = tpu.vector_load %arg7[%get3A_556, %get3A_557] {strides = array<i32>} : memref<120x128xi32, #tpu.memory_space<vmem>>, vector<16xi32>,
        %bitcast3A_559 = vector.bitcast %get3A_558 : vector<16xi32> to vector<32xbf16>
        %add3A_560 = arith.constant 1 : i32
        %add3A_561 = arith.addi %mul3A_121, %add3A_560 : i32
        %get3A_562 = arith.index_cast %add3A_561 : i32 to index
        %get3A_563 = arith.constant 112 : index
        %get3A_564 = tpu.vector_load %arg7[%get3A_562, %get3A_563] {strides = array<i32>} : memref<120x128xi32, #tpu.memory_space<vmem>>, vector<16xi32>,
        %bitcast3A_565 = vector.bitcast %get3A_564 : vector<16xi32> to vector<32xbf16>
        %add3A_566 = arith.constant 2 : i32
        %add3A_567 = arith.addi %mul3A_121, %add3A_566 : i32
        %get3A_568 = arith.index_cast %add3A_567 : i32 to index
        %get3A_569 = arith.constant 112 : index
        %get3A_570 = tpu.vector_load %arg7[%get3A_568, %get3A_569] {strides = array<i32>} : memref<120x128xi32, #tpu.memory_space<vmem>>, vector<16xi32>,
        %bitcast3A_571 = vector.bitcast %get3A_570 : vector<16xi32> to vector<32xbf16>
        %add3A_572 = arith.constant 3 : i32
        %add3A_573 = arith.addi %mul3A_121, %add3A_572 : i32
        %get3A_574 = arith.index_cast %add3A_573 : i32 to index
        %get3A_575 = arith.constant 112 : index
        %get3A_576 = tpu.vector_load %arg7[%get3A_574, %get3A_575] {strides = array<i32>} : memref<120x128xi32, #tpu.memory_space<vmem>>, vector<16xi32>,
        %bitcast3A_577 = vector.bitcast %get3A_576 : vector<16xi32> to vector<32xbf16>
        %add3A_578 = arith.constant 4 : i32
        %add3A_579 = arith.addi %mul3A_121, %add3A_578 : i32
        %get3A_580 = arith.index_cast %add3A_579 : i32 to index
        %get3A_581 = arith.constant 112 : index
        %get3A_582 = tpu.vector_load %arg7[%get3A_580, %get3A_581] {strides = array<i32>} : memref<120x128xi32, #tpu.memory_space<vmem>>, vector<16xi32>,
        %bitcast3A_583 = vector.bitcast %get3A_582 : vector<16xi32> to vector<32xbf16>
        %add3A_584 = arith.constant 5 : i32
        %add3A_585 = arith.addi %mul3A_121, %add3A_584 : i32
        %get3A_586 = arith.index_cast %add3A_585 : i32 to index
        %get3A_587 = arith.constant 112 : index
        %get3A_588 = tpu.vector_load %arg7[%get3A_586, %get3A_587] {strides = array<i32>} : memref<120x128xi32, #tpu.memory_space<vmem>>, vector<16xi32>,
        %bitcast3A_589 = vector.bitcast %get3A_588 : vector<16xi32> to vector<32xbf16>
        %mul3A_590 = arith.mulf %bitcast3A_517, %bitcast3A_559 : vector<32xbf16>
        %add3A_591 = arith.constant 1.000000e+00 : bf16
        %add3A_592 = vector.broadcast %add3A_591 : bf16 to vector<32xbf16>
        %add3A_593 = arith.addf %add3A_592, %mul3A_590 : vector<32xbf16>
        %div3A_594 = arith.divf %bitcast3A_523, %add3A_593 : vector<32xbf16>
        %mul3A_595 = arith.mulf %bitcast3A_517, %bitcast3A_565 : vector<32xbf16>
        %add3A_596 = arith.constant 1.000000e+00 : bf16
        %add3A_597 = vector.broadcast %add3A_596 : bf16 to vector<32xbf16>
        %add3A_598 = arith.addf %add3A_597, %mul3A_595 : vector<32xbf16>
        %div3A_599 = arith.divf %bitcast3A_529, %add3A_598 : vector<32xbf16>
        %mul3A_600 = arith.mulf %bitcast3A_517, %bitcast3A_571 : vector<32xbf16>
        %add3A_601 = arith.constant 1.000000e+00 : bf16
        %add3A_602 = vector.broadcast %add3A_601 : bf16 to vector<32xbf16>
        %add3A_603 = arith.addf %add3A_602, %mul3A_600 : vector<32xbf16>
        %div3A_604 = arith.divf %bitcast3A_535, %add3A_603 : vector<32xbf16>
        %mul3A_605 = arith.mulf %bitcast3A_517, %bitcast3A_577 : vector<32xbf16>
        %add3A_606 = arith.constant 1.000000e+00 : bf16
        %add3A_607 = vector.broadcast %add3A_606 : bf16 to vector<32xbf16>
        %add3A_608 = arith.addf %add3A_607, %mul3A_605 : vector<32xbf16>
        %div3A_609 = arith.divf %bitcast3A_541, %add3A_608 : vector<32xbf16>
        %mul3A_610 = arith.mulf %bitcast3A_517, %bitcast3A_583 : vector<32xbf16>
        %add3A_611 = arith.constant 1.000000e+00 : bf16
        %add3A_612 = vector.broadcast %add3A_611 : bf16 to vector<32xbf16>
        %add3A_613 = arith.addf %add3A_612, %mul3A_610 : vector<32xbf16>
        %div3A_614 = arith.divf %bitcast3A_547, %add3A_613 : vector<32xbf16>
        %mul3A_615 = arith.mulf %bitcast3A_517, %bitcast3A_589 : vector<32xbf16>
        %add3A_616 = arith.constant 1.000000e+00 : bf16
        %add3A_617 = vector.broadcast %add3A_616 : bf16 to vector<32xbf16>
        %add3A_618 = arith.addf %add3A_617, %mul3A_615 : vector<32xbf16>
        %div3A_619 = arith.divf %bitcast3A_553, %add3A_618 : vector<32xbf16>
        %add3A_620 = arith.addf %bitcast3A_523, %bitcast3A_529 : vector<32xbf16>
        %add3A_621 = arith.addf %bitcast3A_535, %bitcast3A_541 : vector<32xbf16>
        %add3A_622 = arith.addf %add3A_620, %add3A_621 : vector<32xbf16>
        %add3A_623 = arith.addf %bitcast3A_547, %bitcast3A_553 : vector<32xbf16>
        %add3A_624 = arith.addf %add3A_622, %add3A_623 : vector<32xbf16>
        %add3A_625 = arith.addf %div3A_594, %div3A_599 : vector<32xbf16>
        %add3A_626 = arith.addf %div3A_604, %div3A_609 : vector<32xbf16>
        %add3A_627 = arith.addf %add3A_625, %add3A_626 : vector<32xbf16>
        %add3A_628 = arith.addf %div3A_614, %div3A_619 : vector<32xbf16>
        %add3A_629 = arith.addf %add3A_627, %add3A_628 : vector<32xbf16>
        %mul3A_630 = arith.constant 128 : i32
        %mul3A_631 = arith.muli %add3A_119, %mul3A_630 : i32
        %add3A_632 = arith.constant 48 : i32
        %add3A_633 = arith.addi %mul3A_631, %add3A_632 : i32
        %bitcast3A_634 = vector.bitcast %add3A_624 : vector<32xbf16> to vector<16xi32>
        %swap3A_635 = arith.index_cast %add3A_633 : i32 to index
        %swap3A_636 = tpu.vector_load %arg11[%swap3A_635] {strides = array<i32>} : memref<2560xi32, #tpu.memory_space<vmem>>, vector<16xi32>,
        tpu.vector_store %arg11[%swap3A_635], %bitcast3A_634 {strides = array<i32>} : memref<2560xi32, #tpu.memory_space<vmem>>, vector<16xi32>,
        %bitcast3A_637 = vector.bitcast %add3A_629 : vector<32xbf16> to vector<16xi32>
        %add3A_638 = arith.constant 64 : i32
        %add3A_639 = arith.addi %add3A_633, %add3A_638 : i32
        %swap3A_640 = arith.index_cast %add3A_639 : i32 to index
        %swap3A_641 = tpu.vector_load %arg11[%swap3A_640] {strides = array<i32>} : memref<2560xi32, #tpu.memory_space<vmem>>, vector<16xi32>,
        tpu.vector_store %arg11[%swap3A_640], %bitcast3A_637 {strides = array<i32>} : memref<2560xi32, #tpu.memory_space<vmem>>, vector<16xi32>,
        %mul3A_642 = arith.constant 2 : i32
        %mul3A_643 = arith.muli %mul3A_642, %scan3A_115 : i32
        %add3A_644 = arith.constant 1 : i32
        %add3A_645 = arith.addi %mul3A_643, %add3A_644 : i32
        %mul3A_646 = arith.constant 6 : i32
        %mul3A_647 = arith.muli %add3A_645, %mul3A_646 : i32
        %mul3A_648 = arith.constant 64 : i32
        %mul3A_649 = arith.muli %add3A_645, %mul3A_648 : i32
        %add3A_650 = arith.constant 0 : i32
        %add3A_651 = arith.addi %mul3A_649, %add3A_650 : i32
        %get3A_652 = arith.index_cast %add3A_651 : i32 to index
        %get3A_653 = tpu.vector_load %arg9[%get3A_652] {strides = array<i32>} : memref<1280xi32, #tpu.memory_space<vmem>>, vector<16xi32>,
        %bitcast3A_654 = vector.bitcast %get3A_653 : vector<16xi32> to vector<32xbf16>
        %add3A_655 = arith.constant 0 : i32
        %add3A_656 = arith.addi %mul3A_647, %add3A_655 : i32
        %get3A_657 = arith.index_cast %add3A_656 : i32 to index
        %get3A_658 = arith.constant 0 : index
        %get3A_659 = tpu.vector_load %arg7[%get3A_657, %get3A_658] {strides = array<i32>} : memref<120x128xi32, #tpu.memory_space<vmem>>, vector<16xi32>,
        %bitcast3A_660 = vector.bitcast %get3A_659 : vector<16xi32> to vector<32xbf16>
        %add3A_661 = arith.constant 1 : i32
        %add3A_662 = arith.addi %mul3A_647, %add3A_661 : i32
        %get3A_663 = arith.index_cast %add3A_662 : i32 to index
        %get3A_664 = arith.constant 0 : index
        %get3A_665 = tpu.vector_load %arg7[%get3A_663, %get3A_664] {strides = array<i32>} : memref<120x128xi32, #tpu.memory_space<vmem>>, vector<16xi32>,
        %bitcast3A_666 = vector.bitcast %get3A_665 : vector<16xi32> to vector<32xbf16>
        %add3A_667 = arith.constant 2 : i32
        %add3A_668 = arith.addi %mul3A_647, %add3A_667 : i32
        %get3A_669 = arith.index_cast %add3A_668 : i32 to index
        %get3A_670 = arith.constant 0 : index
        %get3A_671 = tpu.vector_load %arg7[%get3A_669, %get3A_670] {strides = array<i32>} : memref<120x128xi32, #tpu.memory_space<vmem>>, vector<16xi32>,
        %bitcast3A_672 = vector.bitcast %get3A_671 : vector<16xi32> to vector<32xbf16>
        %add3A_673 = arith.constant 3 : i32
        %add3A_674 = arith.addi %mul3A_647, %add3A_673 : i32
        %get3A_675 = arith.index_cast %add3A_674 : i32 to index
        %get3A_676 = arith.constant 0 : index
        %get3A_677 = tpu.vector_load %arg7[%get3A_675, %get3A_676] {strides = array<i32>} : memref<120x128xi32, #tpu.memory_space<vmem>>, vector<16xi32>,
        %bitcast3A_678 = vector.bitcast %get3A_677 : vector<16xi32> to vector<32xbf16>
        %add3A_679 = arith.constant 4 : i32
        %add3A_680 = arith.addi %mul3A_647, %add3A_679 : i32
        %get3A_681 = arith.index_cast %add3A_680 : i32 to index
        %get3A_682 = arith.constant 0 : index
        %get3A_683 = tpu.vector_load %arg7[%get3A_681, %get3A_682] {strides = array<i32>} : memref<120x128xi32, #tpu.memory_space<vmem>>, vector<16xi32>,
        %bitcast3A_684 = vector.bitcast %get3A_683 : vector<16xi32> to vector<32xbf16>
        %add3A_685 = arith.constant 5 : i32
        %add3A_686 = arith.addi %mul3A_647, %add3A_685 : i32
        %get3A_687 = arith.index_cast %add3A_686 : i32 to index
        %get3A_688 = arith.constant 0 : index
        %get3A_689 = tpu.vector_load %arg7[%get3A_687, %get3A_688] {strides = array<i32>} : memref<120x128xi32, #tpu.memory_space<vmem>>, vector<16xi32>,
        %bitcast3A_690 = vector.bitcast %get3A_689 : vector<16xi32> to vector<32xbf16>
        %add3A_691 = arith.constant 0 : i32
        %add3A_692 = arith.addi %mul3A_647, %add3A_691 : i32
        %get3A_693 = arith.index_cast %add3A_692 : i32 to index
        %get3A_694 = arith.constant 64 : index
        %get3A_695 = tpu.vector_load %arg7[%get3A_693, %get3A_694] {strides = array<i32>} : memref<120x128xi32, #tpu.memory_space<vmem>>, vector<16xi32>,
        %bitcast3A_696 = vector.bitcast %get3A_695 : vector<16xi32> to vector<32xbf16>
        %add3A_697 = arith.constant 1 : i32
        %add3A_698 = arith.addi %mul3A_647, %add3A_697 : i32
        %get3A_699 = arith.index_cast %add3A_698 : i32 to index
        %get3A_700 = arith.constant 64 : index
        %get3A_701 = tpu.vector_load %arg7[%get3A_699, %get3A_700] {strides = array<i32>} : memref<120x128xi32, #tpu.memory_space<vmem>>, vector<16xi32>,
        %bitcast3A_702 = vector.bitcast %get3A_701 : vector<16xi32> to vector<32xbf16>
        %add3A_703 = arith.constant 2 : i32
        %add3A_704 = arith.addi %mul3A_647, %add3A_703 : i32
        %get3A_705 = arith.index_cast %add3A_704 : i32 to index
        %get3A_706 = arith.constant 64 : index
        %get3A_707 = tpu.vector_load %arg7[%get3A_705, %get3A_706] {strides = array<i32>} : memref<120x128xi32, #tpu.memory_space<vmem>>, vector<16xi32>,
        %bitcast3A_708 = vector.bitcast %get3A_707 : vector<16xi32> to vector<32xbf16>
        %add3A_709 = arith.constant 3 : i32
        %add3A_710 = arith.addi %mul3A_647, %add3A_709 : i32
        %get3A_711 = arith.index_cast %add3A_710 : i32 to index
        %get3A_712 = arith.constant 64 : index
        %get3A_713 = tpu.vector_load %arg7[%get3A_711, %get3A_712] {strides = array<i32>} : memref<120x128xi32, #tpu.memory_space<vmem>>, vector<16xi32>,
        %bitcast3A_714 = vector.bitcast %get3A_713 : vector<16xi32> to vector<32xbf16>
        %add3A_715 = arith.constant 4 : i32
        %add3A_716 = arith.addi %mul3A_647, %add3A_715 : i32
        %get3A_717 = arith.index_cast %add3A_716 : i32 to index
        %get3A_718 = arith.constant 64 : index
        %get3A_719 = tpu.vector_load %arg7[%get3A_717, %get3A_718] {strides = array<i32>} : memref<120x128xi32, #tpu.memory_space<vmem>>, vector<16xi32>,
        %bitcast3A_720 = vector.bitcast %get3A_719 : vector<16xi32> to vector<32xbf16>
        %add3A_721 = arith.constant 5 : i32
        %add3A_722 = arith.addi %mul3A_647, %add3A_721 : i32
        %get3A_723 = arith.index_cast %add3A_722 : i32 to index
        %get3A_724 = arith.constant 64 : index
        %get3A_725 = tpu.vector_load %arg7[%get3A_723, %get3A_724] {strides = array<i32>} : memref<120x128xi32, #tpu.memory_space<vmem>>, vector<16xi32>,
        %bitcast3A_726 = vector.bitcast %get3A_725 : vector<16xi32> to vector<32xbf16>
        %mul3A_727 = arith.mulf %bitcast3A_654, %bitcast3A_696 : vector<32xbf16>
        %add3A_728 = arith.constant 1.000000e+00 : bf16
        %add3A_729 = vector.broadcast %add3A_728 : bf16 to vector<32xbf16>
        %add3A_730 = arith.addf %add3A_729, %mul3A_727 : vector<32xbf16>
        %div3A_731 = arith.divf %bitcast3A_660, %add3A_730 : vector<32xbf16>
        %mul3A_732 = arith.mulf %bitcast3A_654, %bitcast3A_702 : vector<32xbf16>
        %add3A_733 = arith.constant 1.000000e+00 : bf16
        %add3A_734 = vector.broadcast %add3A_733 : bf16 to vector<32xbf16>
        %add3A_735 = arith.addf %add3A_734, %mul3A_732 : vector<32xbf16>
        %div3A_736 = arith.divf %bitcast3A_666, %add3A_735 : vector<32xbf16>
        %mul3A_737 = arith.mulf %bitcast3A_654, %bitcast3A_708 : vector<32xbf16>
        %add3A_738 = arith.constant 1.000000e+00 : bf16
        %add3A_739 = vector.broadcast %add3A_738 : bf16 to vector<32xbf16>
        %add3A_740 = arith.addf %add3A_739, %mul3A_737 : vector<32xbf16>
        %div3A_741 = arith.divf %bitcast3A_672, %add3A_740 : vector<32xbf16>
        %mul3A_742 = arith.mulf %bitcast3A_654, %bitcast3A_714 : vector<32xbf16>
        %add3A_743 = arith.constant 1.000000e+00 : bf16
        %add3A_744 = vector.broadcast %add3A_743 : bf16 to vector<32xbf16>
        %add3A_745 = arith.addf %add3A_744, %mul3A_742 : vector<32xbf16>
        %div3A_746 = arith.divf %bitcast3A_678, %add3A_745 : vector<32xbf16>
        %mul3A_747 = arith.mulf %bitcast3A_654, %bitcast3A_720 : vector<32xbf16>
        %add3A_748 = arith.constant 1.000000e+00 : bf16
        %add3A_749 = vector.broadcast %add3A_748 : bf16 to vector<32xbf16>
        %add3A_750 = arith.addf %add3A_749, %mul3A_747 : vector<32xbf16>
        %div3A_751 = arith.divf %bitcast3A_684, %add3A_750 : vector<32xbf16>
        %mul3A_752 = arith.mulf %bitcast3A_654, %bitcast3A_726 : vector<32xbf16>
        %add3A_753 = arith.constant 1.000000e+00 : bf16
        %add3A_754 = vector.broadcast %add3A_753 : bf16 to vector<32xbf16>
        %add3A_755 = arith.addf %add3A_754, %mul3A_752 : vector<32xbf16>
        %div3A_756 = arith.divf %bitcast3A_690, %add3A_755 : vector<32xbf16>
        %add3A_757 = arith.addf %bitcast3A_660, %bitcast3A_666 : vector<32xbf16>
        %add3A_758 = arith.addf %bitcast3A_672, %bitcast3A_678 : vector<32xbf16>
        %add3A_759 = arith.addf %add3A_757, %add3A_758 : vector<32xbf16>
        %add3A_760 = arith.addf %bitcast3A_684, %bitcast3A_690 : vector<32xbf16>
        %add3A_761 = arith.addf %add3A_759, %add3A_760 : vector<32xbf16>
        %add3A_762 = arith.addf %div3A_731, %div3A_736 : vector<32xbf16>
        %add3A_763 = arith.addf %div3A_741, %div3A_746 : vector<32xbf16>
        %add3A_764 = arith.addf %add3A_762, %add3A_763 : vector<32xbf16>
        %add3A_765 = arith.addf %div3A_751, %div3A_756 : vector<32xbf16>
        %add3A_766 = arith.addf %add3A_764, %add3A_765 : vector<32xbf16>
        %mul3A_767 = arith.constant 128 : i32
        %mul3A_768 = arith.muli %add3A_645, %mul3A_767 : i32
        %add3A_769 = arith.constant 0 : i32
        %add3A_770 = arith.addi %mul3A_768, %add3A_769 : i32
        %bitcast3A_771 = vector.bitcast %add3A_761 : vector<32xbf16> to vector<16xi32>
        %swap3A_772 = arith.index_cast %add3A_770 : i32 to index
        %swap3A_773 = tpu.vector_load %arg11[%swap3A_772] {strides = array<i32>} : memref<2560xi32, #tpu.memory_space<vmem>>, vector<16xi32>,
        tpu.vector_store %arg11[%swap3A_772], %bitcast3A_771 {strides = array<i32>} : memref<2560xi32, #tpu.memory_space<vmem>>, vector<16xi32>,
        %bitcast3A_774 = vector.bitcast %add3A_766 : vector<32xbf16> to vector<16xi32>
        %add3A_775 = arith.constant 64 : i32
        %add3A_776 = arith.addi %add3A_770, %add3A_775 : i32
        %swap3A_777 = arith.index_cast %add3A_776 : i32 to index
        %swap3A_778 = tpu.vector_load %arg11[%swap3A_777] {strides = array<i32>} : memref<2560xi32, #tpu.memory_space<vmem>>, vector<16xi32>,
        tpu.vector_store %arg11[%swap3A_777], %bitcast3A_774 {strides = array<i32>} : memref<2560xi32, #tpu.memory_space<vmem>>, vector<16xi32>,
        %mul3A_779 = arith.constant 64 : i32
        %mul3A_780 = arith.muli %add3A_645, %mul3A_779 : i32
        %add3A_781 = arith.constant 16 : i32
        %add3A_782 = arith.addi %mul3A_780, %add3A_781 : i32
        %get3A_783 = arith.index_cast %add3A_782 : i32 to index
        %get3A_784 = tpu.vector_load %arg9[%get3A_783] {strides = array<i32>} : memref<1280xi32, #tpu.memory_space<vmem>>, vector<16xi32>,
        %bitcast3A_785 = vector.bitcast %get3A_784 : vector<16xi32> to vector<32xbf16>
        %add3A_786 = arith.constant 0 : i32
        %add3A_787 = arith.addi %mul3A_647, %add3A_786 : i32
        %get3A_788 = arith.index_cast %add3A_787 : i32 to index
        %get3A_789 = arith.constant 16 : index
        %get3A_790 = tpu.vector_load %arg7[%get3A_788, %get3A_789] {strides = array<i32>} : memref<120x128xi32, #tpu.memory_space<vmem>>, vector<16xi32>,
        %bitcast3A_791 = vector.bitcast %get3A_790 : vector<16xi32> to vector<32xbf16>
        %add3A_792 = arith.constant 1 : i32
        %add3A_793 = arith.addi %mul3A_647, %add3A_792 : i32
        %get3A_794 = arith.index_cast %add3A_793 : i32 to index
        %get3A_795 = arith.constant 16 : index
        %get3A_796 = tpu.vector_load %arg7[%get3A_794, %get3A_795] {strides = array<i32>} : memref<120x128xi32, #tpu.memory_space<vmem>>, vector<16xi32>,
        %bitcast3A_797 = vector.bitcast %get3A_796 : vector<16xi32> to vector<32xbf16>
        %add3A_798 = arith.constant 2 : i32
        %add3A_799 = arith.addi %mul3A_647, %add3A_798 : i32
        %get3A_800 = arith.index_cast %add3A_799 : i32 to index
        %get3A_801 = arith.constant 16 : index
        %get3A_802 = tpu.vector_load %arg7[%get3A_800, %get3A_801] {strides = array<i32>} : memref<120x128xi32, #tpu.memory_space<vmem>>, vector<16xi32>,
        %bitcast3A_803 = vector.bitcast %get3A_802 : vector<16xi32> to vector<32xbf16>
        %add3A_804 = arith.constant 3 : i32
        %add3A_805 = arith.addi %mul3A_647, %add3A_804 : i32
        %get3A_806 = arith.index_cast %add3A_805 : i32 to index
        %get3A_807 = arith.constant 16 : index
        %get3A_808 = tpu.vector_load %arg7[%get3A_806, %get3A_807] {strides = array<i32>} : memref<120x128xi32, #tpu.memory_space<vmem>>, vector<16xi32>,
        %bitcast3A_809 = vector.bitcast %get3A_808 : vector<16xi32> to vector<32xbf16>
        %add3A_810 = arith.constant 4 : i32
        %add3A_811 = arith.addi %mul3A_647, %add3A_810 : i32
        %get3A_812 = arith.index_cast %add3A_811 : i32 to index
        %get3A_813 = arith.constant 16 : index
        %get3A_814 = tpu.vector_load %arg7[%get3A_812, %get3A_813] {strides = array<i32>} : memref<120x128xi32, #tpu.memory_space<vmem>>, vector<16xi32>,
        %bitcast3A_815 = vector.bitcast %get3A_814 : vector<16xi32> to vector<32xbf16>
        %add3A_816 = arith.constant 5 : i32
        %add3A_817 = arith.addi %mul3A_647, %add3A_816 : i32
        %get3A_818 = arith.index_cast %add3A_817 : i32 to index
        %get3A_819 = arith.constant 16 : index
        %get3A_820 = tpu.vector_load %arg7[%get3A_818, %get3A_819] {strides = array<i32>} : memref<120x128xi32, #tpu.memory_space<vmem>>, vector<16xi32>,
        %bitcast3A_821 = vector.bitcast %get3A_820 : vector<16xi32> to vector<32xbf16>
        %add3A_822 = arith.constant 0 : i32
        %add3A_823 = arith.addi %mul3A_647, %add3A_822 : i32
        %get3A_824 = arith.index_cast %add3A_823 : i32 to index
        %get3A_825 = arith.constant 80 : index
        %get3A_826 = tpu.vector_load %arg7[%get3A_824, %get3A_825] {strides = array<i32>} : memref<120x128xi32, #tpu.memory_space<vmem>>, vector<16xi32>,
        %bitcast3A_827 = vector.bitcast %get3A_826 : vector<16xi32> to vector<32xbf16>
        %add3A_828 = arith.constant 1 : i32
        %add3A_829 = arith.addi %mul3A_647, %add3A_828 : i32
        %get3A_830 = arith.index_cast %add3A_829 : i32 to index
        %get3A_831 = arith.constant 80 : index
        %get3A_832 = tpu.vector_load %arg7[%get3A_830, %get3A_831] {strides = array<i32>} : memref<120x128xi32, #tpu.memory_space<vmem>>, vector<16xi32>,
        %bitcast3A_833 = vector.bitcast %get3A_832 : vector<16xi32> to vector<32xbf16>
        %add3A_834 = arith.constant 2 : i32
        %add3A_835 = arith.addi %mul3A_647, %add3A_834 : i32
        %get3A_836 = arith.index_cast %add3A_835 : i32 to index
        %get3A_837 = arith.constant 80 : index
        %get3A_838 = tpu.vector_load %arg7[%get3A_836, %get3A_837] {strides = array<i32>} : memref<120x128xi32, #tpu.memory_space<vmem>>, vector<16xi32>,
        %bitcast3A_839 = vector.bitcast %get3A_838 : vector<16xi32> to vector<32xbf16>
        %add3A_840 = arith.constant 3 : i32
        %add3A_841 = arith.addi %mul3A_647, %add3A_840 : i32
        %get3A_842 = arith.index_cast %add3A_841 : i32 to index
        %get3A_843 = arith.constant 80 : index
        %get3A_844 = tpu.vector_load %arg7[%get3A_842, %get3A_843] {strides = array<i32>} : memref<120x128xi32, #tpu.memory_space<vmem>>, vector<16xi32>,
        %bitcast3A_845 = vector.bitcast %get3A_844 : vector<16xi32> to vector<32xbf16>
        %add3A_846 = arith.constant 4 : i32
        %add3A_847 = arith.addi %mul3A_647, %add3A_846 : i32
        %get3A_848 = arith.index_cast %add3A_847 : i32 to index
        %get3A_849 = arith.constant 80 : index
        %get3A_850 = tpu.vector_load %arg7[%get3A_848, %get3A_849] {strides = array<i32>} : memref<120x128xi32, #tpu.memory_space<vmem>>, vector<16xi32>,
        %bitcast3A_851 = vector.bitcast %get3A_850 : vector<16xi32> to vector<32xbf16>
        %add3A_852 = arith.constant 5 : i32
        %add3A_853 = arith.addi %mul3A_647, %add3A_852 : i32
        %get3A_854 = arith.index_cast %add3A_853 : i32 to index
        %get3A_855 = arith.constant 80 : index
        %get3A_856 = tpu.vector_load %arg7[%get3A_854, %get3A_855] {strides = array<i32>} : memref<120x128xi32, #tpu.memory_space<vmem>>, vector<16xi32>,
        %bitcast3A_857 = vector.bitcast %get3A_856 : vector<16xi32> to vector<32xbf16>
        %mul3A_858 = arith.mulf %bitcast3A_785, %bitcast3A_827 : vector<32xbf16>
        %add3A_859 = arith.constant 1.000000e+00 : bf16
        %add3A_860 = vector.broadcast %add3A_859 : bf16 to vector<32xbf16>
        %add3A_861 = arith.addf %add3A_860, %mul3A_858 : vector<32xbf16>
        %div3A_862 = arith.divf %bitcast3A_791, %add3A_861 : vector<32xbf16>
        %mul3A_863 = arith.mulf %bitcast3A_785, %bitcast3A_833 : vector<32xbf16>
        %add3A_864 = arith.constant 1.000000e+00 : bf16
        %add3A_865 = vector.broadcast %add3A_864 : bf16 to vector<32xbf16>
        %add3A_866 = arith.addf %add3A_865, %mul3A_863 : vector<32xbf16>
        %div3A_867 = arith.divf %bitcast3A_797, %add3A_866 : vector<32xbf16>
        %mul3A_868 = arith.mulf %bitcast3A_785, %bitcast3A_839 : vector<32xbf16>
        %add3A_869 = arith.constant 1.000000e+00 : bf16
        %add3A_870 = vector.broadcast %add3A_869 : bf16 to vector<32xbf16>
        %add3A_871 = arith.addf %add3A_870, %mul3A_868 : vector<32xbf16>
        %div3A_872 = arith.divf %bitcast3A_803, %add3A_871 : vector<32xbf16>
        %mul3A_873 = arith.mulf %bitcast3A_785, %bitcast3A_845 : vector<32xbf16>
        %add3A_874 = arith.constant 1.000000e+00 : bf16
        %add3A_875 = vector.broadcast %add3A_874 : bf16 to vector<32xbf16>
        %add3A_876 = arith.addf %add3A_875, %mul3A_873 : vector<32xbf16>
        %div3A_877 = arith.divf %bitcast3A_809, %add3A_876 : vector<32xbf16>
        %mul3A_878 = arith.mulf %bitcast3A_785, %bitcast3A_851 : vector<32xbf16>
        %add3A_879 = arith.constant 1.000000e+00 : bf16
        %add3A_880 = vector.broadcast %add3A_879 : bf16 to vector<32xbf16>
        %add3A_881 = arith.addf %add3A_880, %mul3A_878 : vector<32xbf16>
        %div3A_882 = arith.divf %bitcast3A_815, %add3A_881 : vector<32xbf16>
        %mul3A_883 = arith.mulf %bitcast3A_785, %bitcast3A_857 : vector<32xbf16>
        %add3A_884 = arith.constant 1.000000e+00 : bf16
        %add3A_885 = vector.broadcast %add3A_884 : bf16 to vector<32xbf16>
        %add3A_886 = arith.addf %add3A_885, %mul3A_883 : vector<32xbf16>
        %div3A_887 = arith.divf %bitcast3A_821, %add3A_886 : vector<32xbf16>
        %add3A_888 = arith.addf %bitcast3A_791, %bitcast3A_797 : vector<32xbf16>
        %add3A_889 = arith.addf %bitcast3A_803, %bitcast3A_809 : vector<32xbf16>
        %add3A_890 = arith.addf %add3A_888, %add3A_889 : vector<32xbf16>
        %add3A_891 = arith.addf %bitcast3A_815, %bitcast3A_821 : vector<32xbf16>
        %add3A_892 = arith.addf %add3A_890, %add3A_891 : vector<32xbf16>
        %add3A_893 = arith.addf %div3A_862, %div3A_867 : vector<32xbf16>
        %add3A_894 = arith.addf %div3A_872, %div3A_877 : vector<32xbf16>
        %add3A_895 = arith.addf %add3A_893, %add3A_894 : vector<32xbf16>
        %add3A_896 = arith.addf %div3A_882, %div3A_887 : vector<32xbf16>
        %add3A_897 = arith.addf %add3A_895, %add3A_896 : vector<32xbf16>
        %mul3A_898 = arith.constant 128 : i32
        %mul3A_899 = arith.muli %add3A_645, %mul3A_898 : i32
        %add3A_900 = arith.constant 16 : i32
        %add3A_901 = arith.addi %mul3A_899, %add3A_900 : i32
        %bitcast3A_902 = vector.bitcast %add3A_892 : vector<32xbf16> to vector<16xi32>
        %swap3A_903 = arith.index_cast %add3A_901 : i32 to index
        %swap3A_904 = tpu.vector_load %arg11[%swap3A_903] {strides = array<i32>} : memref<2560xi32, #tpu.memory_space<vmem>>, vector<16xi32>,
        tpu.vector_store %arg11[%swap3A_903], %bitcast3A_902 {strides = array<i32>} : memref<2560xi32, #tpu.memory_space<vmem>>, vector<16xi32>,
        %bitcast3A_905 = vector.bitcast %add3A_897 : vector<32xbf16> to vector<16xi32>
        %add3A_906 = arith.constant 64 : i32
        %add3A_907 = arith.addi %add3A_901, %add3A_906 : i32
        %swap3A_908 = arith.index_cast %add3A_907 : i32 to index
        %swap3A_909 = tpu.vector_load %arg11[%swap3A_908] {strides = array<i32>} : memref<2560xi32, #tpu.memory_space<vmem>>, vector<16xi32>,
        tpu.vector_store %arg11[%swap3A_908], %bitcast3A_905 {strides = array<i32>} : memref<2560xi32, #tpu.memory_space<vmem>>, vector<16xi32>,
        %mul3A_910 = arith.constant 64 : i32
        %mul3A_911 = arith.muli %add3A_645, %mul3A_910 : i32
        %add3A_912 = arith.constant 32 : i32
        %add3A_913 = arith.addi %mul3A_911, %add3A_912 : i32
        %get3A_914 = arith.index_cast %add3A_913 : i32 to index
        %get3A_915 = tpu.vector_load %arg9[%get3A_914] {strides = array<i32>} : memref<1280xi32, #tpu.memory_space<vmem>>, vector<16xi32>,
        %bitcast3A_916 = vector.bitcast %get3A_915 : vector<16xi32> to vector<32xbf16>
        %add3A_917 = arith.constant 0 : i32
        %add3A_918 = arith.addi %mul3A_647, %add3A_917 : i32
        %get3A_919 = arith.index_cast %add3A_918 : i32 to index
        %get3A_920 = arith.constant 32 : index
        %get3A_921 = tpu.vector_load %arg7[%get3A_919, %get3A_920] {strides = array<i32>} : memref<120x128xi32, #tpu.memory_space<vmem>>, vector<16xi32>,
        %bitcast3A_922 = vector.bitcast %get3A_921 : vector<16xi32> to vector<32xbf16>
        %add3A_923 = arith.constant 1 : i32
        %add3A_924 = arith.addi %mul3A_647, %add3A_923 : i32
        %get3A_925 = arith.index_cast %add3A_924 : i32 to index
        %get3A_926 = arith.constant 32 : index
        %get3A_927 = tpu.vector_load %arg7[%get3A_925, %get3A_926] {strides = array<i32>} : memref<120x128xi32, #tpu.memory_space<vmem>>, vector<16xi32>,
        %bitcast3A_928 = vector.bitcast %get3A_927 : vector<16xi32> to vector<32xbf16>
        %add3A_929 = arith.constant 2 : i32
        %add3A_930 = arith.addi %mul3A_647, %add3A_929 : i32
        %get3A_931 = arith.index_cast %add3A_930 : i32 to index
        %get3A_932 = arith.constant 32 : index
        %get3A_933 = tpu.vector_load %arg7[%get3A_931, %get3A_932] {strides = array<i32>} : memref<120x128xi32, #tpu.memory_space<vmem>>, vector<16xi32>,
        %bitcast3A_934 = vector.bitcast %get3A_933 : vector<16xi32> to vector<32xbf16>
        %add3A_935 = arith.constant 3 : i32
        %add3A_936 = arith.addi %mul3A_647, %add3A_935 : i32
        %get3A_937 = arith.index_cast %add3A_936 : i32 to index
        %get3A_938 = arith.constant 32 : index
        %get3A_939 = tpu.vector_load %arg7[%get3A_937, %get3A_938] {strides = array<i32>} : memref<120x128xi32, #tpu.memory_space<vmem>>, vector<16xi32>,
        %bitcast3A_940 = vector.bitcast %get3A_939 : vector<16xi32> to vector<32xbf16>
        %add3A_941 = arith.constant 4 : i32
        %add3A_942 = arith.addi %mul3A_647, %add3A_941 : i32
        %get3A_943 = arith.index_cast %add3A_942 : i32 to index
        %get3A_944 = arith.constant 32 : index
        %get3A_945 = tpu.vector_load %arg7[%get3A_943, %get3A_944] {strides = array<i32>} : memref<120x128xi32, #tpu.memory_space<vmem>>, vector<16xi32>,
        %bitcast3A_946 = vector.bitcast %get3A_945 : vector<16xi32> to vector<32xbf16>
        %add3A_947 = arith.constant 5 : i32
        %add3A_948 = arith.addi %mul3A_647, %add3A_947 : i32
        %get3A_949 = arith.index_cast %add3A_948 : i32 to index
        %get3A_950 = arith.constant 32 : index
        %get3A_951 = tpu.vector_load %arg7[%get3A_949, %get3A_950] {strides = array<i32>} : memref<120x128xi32, #tpu.memory_space<vmem>>, vector<16xi32>,
        %bitcast3A_952 = vector.bitcast %get3A_951 : vector<16xi32> to vector<32xbf16>
        %add3A_953 = arith.constant 0 : i32
        %add3A_954 = arith.addi %mul3A_647, %add3A_953 : i32
        %get3A_955 = arith.index_cast %add3A_954 : i32 to index
        %get3A_956 = arith.constant 96 : index
        %get3A_957 = tpu.vector_load %arg7[%get3A_955, %get3A_956] {strides = array<i32>} : memref<120x128xi32, #tpu.memory_space<vmem>>, vector<16xi32>,
        %bitcast3A_958 = vector.bitcast %get3A_957 : vector<16xi32> to vector<32xbf16>
        %add3A_959 = arith.constant 1 : i32
        %add3A_960 = arith.addi %mul3A_647, %add3A_959 : i32
        %get3A_961 = arith.index_cast %add3A_960 : i32 to index
        %get3A_962 = arith.constant 96 : index
        %get3A_963 = tpu.vector_load %arg7[%get3A_961, %get3A_962] {strides = array<i32>} : memref<120x128xi32, #tpu.memory_space<vmem>>, vector<16xi32>,
        %bitcast3A_964 = vector.bitcast %get3A_963 : vector<16xi32> to vector<32xbf16>
        %add3A_965 = arith.constant 2 : i32
        %add3A_966 = arith.addi %mul3A_647, %add3A_965 : i32
        %get3A_967 = arith.index_cast %add3A_966 : i32 to index
        %get3A_968 = arith.constant 96 : index
        %get3A_969 = tpu.vector_load %arg7[%get3A_967, %get3A_968] {strides = array<i32>} : memref<120x128xi32, #tpu.memory_space<vmem>>, vector<16xi32>,
        %bitcast3A_970 = vector.bitcast %get3A_969 : vector<16xi32> to vector<32xbf16>
        %add3A_971 = arith.constant 3 : i32
        %add3A_972 = arith.addi %mul3A_647, %add3A_971 : i32
        %get3A_973 = arith.index_cast %add3A_972 : i32 to index
        %get3A_974 = arith.constant 96 : index
        %get3A_975 = tpu.vector_load %arg7[%get3A_973, %get3A_974] {strides = array<i32>} : memref<120x128xi32, #tpu.memory_space<vmem>>, vector<16xi32>,
        %bitcast3A_976 = vector.bitcast %get3A_975 : vector<16xi32> to vector<32xbf16>
        %add3A_977 = arith.constant 4 : i32
        %add3A_978 = arith.addi %mul3A_647, %add3A_977 : i32
        %get3A_979 = arith.index_cast %add3A_978 : i32 to index
        %get3A_980 = arith.constant 96 : index
        %get3A_981 = tpu.vector_load %arg7[%get3A_979, %get3A_980] {strides = array<i32>} : memref<120x128xi32, #tpu.memory_space<vmem>>, vector<16xi32>,
        %bitcast3A_982 = vector.bitcast %get3A_981 : vector<16xi32> to vector<32xbf16>
        %add3A_983 = arith.constant 5 : i32
        %add3A_984 = arith.addi %mul3A_647, %add3A_983 : i32
        %get3A_985 = arith.index_cast %add3A_984 : i32 to index
        %get3A_986 = arith.constant 96 : index
        %get3A_987 = tpu.vector_load %arg7[%get3A_985, %get3A_986] {strides = array<i32>} : memref<120x128xi32, #tpu.memory_space<vmem>>, vector<16xi32>,
        %bitcast3A_988 = vector.bitcast %get3A_987 : vector<16xi32> to vector<32xbf16>
        %mul3A_989 = arith.mulf %bitcast3A_916, %bitcast3A_958 : vector<32xbf16>
        %add3A_990 = arith.constant 1.000000e+00 : bf16
        %add3A_991 = vector.broadcast %add3A_990 : bf16 to vector<32xbf16>
        %add3A_992 = arith.addf %add3A_991, %mul3A_989 : vector<32xbf16>
        %div3A_993 = arith.divf %bitcast3A_922, %add3A_992 : vector<32xbf16>
        %mul3A_994 = arith.mulf %bitcast3A_916, %bitcast3A_964 : vector<32xbf16>
        %add3A_995 = arith.constant 1.000000e+00 : bf16
        %add3A_996 = vector.broadcast %add3A_995 : bf16 to vector<32xbf16>
        %add3A_997 = arith.addf %add3A_996, %mul3A_994 : vector<32xbf16>
        %div3A_998 = arith.divf %bitcast3A_928, %add3A_997 : vector<32xbf16>
        %mul3A_999 = arith.mulf %bitcast3A_916, %bitcast3A_970 : vector<32xbf16>
        %add3A_1000 = arith.constant 1.000000e+00 : bf16
        %add3A_1001 = vector.broadcast %add3A_1000 : bf16 to vector<32xbf16>
        %add3A_1002 = arith.addf %add3A_1001, %mul3A_999 : vector<32xbf16>
        %div3A_1003 = arith.divf %bitcast3A_934, %add3A_1002 : vector<32xbf16>
        %mul3A_1004 = arith.mulf %bitcast3A_916, %bitcast3A_976 : vector<32xbf16>
        %add3A_1005 = arith.constant 1.000000e+00 : bf16
        %add3A_1006 = vector.broadcast %add3A_1005 : bf16 to vector<32xbf16>
        %add3A_1007 = arith.addf %add3A_1006, %mul3A_1004 : vector<32xbf16>
        %div3A_1008 = arith.divf %bitcast3A_940, %add3A_1007 : vector<32xbf16>
        %mul3A_1009 = arith.mulf %bitcast3A_916, %bitcast3A_982 : vector<32xbf16>
        %add3A_1010 = arith.constant 1.000000e+00 : bf16
        %add3A_1011 = vector.broadcast %add3A_1010 : bf16 to vector<32xbf16>
        %add3A_1012 = arith.addf %add3A_1011, %mul3A_1009 : vector<32xbf16>
        %div3A_1013 = arith.divf %bitcast3A_946, %add3A_1012 : vector<32xbf16>
        %mul3A_1014 = arith.mulf %bitcast3A_916, %bitcast3A_988 : vector<32xbf16>
        %add3A_1015 = arith.constant 1.000000e+00 : bf16
        %add3A_1016 = vector.broadcast %add3A_1015 : bf16 to vector<32xbf16>
        %add3A_1017 = arith.addf %add3A_1016, %mul3A_1014 : vector<32xbf16>
        %div3A_1018 = arith.divf %bitcast3A_952, %add3A_1017 : vector<32xbf16>
        %add3A_1019 = arith.addf %bitcast3A_922, %bitcast3A_928 : vector<32xbf16>
        %add3A_1020 = arith.addf %bitcast3A_934, %bitcast3A_940 : vector<32xbf16>
        %add3A_1021 = arith.addf %add3A_1019, %add3A_1020 : vector<32xbf16>
        %add3A_1022 = arith.addf %bitcast3A_946, %bitcast3A_952 : vector<32xbf16>
        %add3A_1023 = arith.addf %add3A_1021, %add3A_1022 : vector<32xbf16>
        %add3A_1024 = arith.addf %div3A_993, %div3A_998 : vector<32xbf16>
        %add3A_1025 = arith.addf %div3A_1003, %div3A_1008 : vector<32xbf16>
        %add3A_1026 = arith.addf %add3A_1024, %add3A_1025 : vector<32xbf16>
        %add3A_1027 = arith.addf %div3A_1013, %div3A_1018 : vector<32xbf16>
        %add3A_1028 = arith.addf %add3A_1026, %add3A_1027 : vector<32xbf16>
        %mul3A_1029 = arith.constant 128 : i32
        %mul3A_1030 = arith.muli %add3A_645, %mul3A_1029 : i32
        %add3A_1031 = arith.constant 32 : i32
        %add3A_1032 = arith.addi %mul3A_1030, %add3A_1031 : i32
        %bitcast3A_1033 = vector.bitcast %add3A_1023 : vector<32xbf16> to vector<16xi32>
        %swap3A_1034 = arith.index_cast %add3A_1032 : i32 to index
        %swap3A_1035 = tpu.vector_load %arg11[%swap3A_1034] {strides = array<i32>} : memref<2560xi32, #tpu.memory_space<vmem>>, vector<16xi32>,
        tpu.vector_store %arg11[%swap3A_1034], %bitcast3A_1033 {strides = array<i32>} : memref<2560xi32, #tpu.memory_space<vmem>>, vector<16xi32>,
        %bitcast3A_1036 = vector.bitcast %add3A_1028 : vector<32xbf16> to vector<16xi32>
        %add3A_1037 = arith.constant 64 : i32
        %add3A_1038 = arith.addi %add3A_1032, %add3A_1037 : i32
        %swap3A_1039 = arith.index_cast %add3A_1038 : i32 to index
        %swap3A_1040 = tpu.vector_load %arg11[%swap3A_1039] {strides = array<i32>} : memref<2560xi32, #tpu.memory_space<vmem>>, vector<16xi32>,
        tpu.vector_store %arg11[%swap3A_1039], %bitcast3A_1036 {strides = array<i32>} : memref<2560xi32, #tpu.memory_space<vmem>>, vector<16xi32>,
        %mul3A_1041 = arith.constant 64 : i32
        %mul3A_1042 = arith.muli %add3A_645, %mul3A_1041 : i32
        %add3A_1043 = arith.constant 48 : i32
        %add3A_1044 = arith.addi %mul3A_1042, %add3A_1043 : i32
        %get3A_1045 = arith.index_cast %add3A_1044 : i32 to index
        %get3A_1046 = tpu.vector_load %arg9[%get3A_1045] {strides = array<i32>} : memref<1280xi32, #tpu.memory_space<vmem>>, vector<16xi32>,
        %bitcast3A_1047 = vector.bitcast %get3A_1046 : vector<16xi32> to vector<32xbf16>
        %add3A_1048 = arith.constant 0 : i32
        %add3A_1049 = arith.addi %mul3A_647, %add3A_1048 : i32
        %get3A_1050 = arith.index_cast %add3A_1049 : i32 to index
        %get3A_1051 = arith.constant 48 : index
        %get3A_1052 = tpu.vector_load %arg7[%get3A_1050, %get3A_1051] {strides = array<i32>} : memref<120x128xi32, #tpu.memory_space<vmem>>, vector<16xi32>,
        %bitcast3A_1053 = vector.bitcast %get3A_1052 : vector<16xi32> to vector<32xbf16>
        %add3A_1054 = arith.constant 1 : i32
        %add3A_1055 = arith.addi %mul3A_647, %add3A_1054 : i32
        %get3A_1056 = arith.index_cast %add3A_1055 : i32 to index
        %get3A_1057 = arith.constant 48 : index
        %get3A_1058 = tpu.vector_load %arg7[%get3A_1056, %get3A_1057] {strides = array<i32>} : memref<120x128xi32, #tpu.memory_space<vmem>>, vector<16xi32>,
        %bitcast3A_1059 = vector.bitcast %get3A_1058 : vector<16xi32> to vector<32xbf16>
        %add3A_1060 = arith.constant 2 : i32
        %add3A_1061 = arith.addi %mul3A_647, %add3A_1060 : i32
        %get3A_1062 = arith.index_cast %add3A_1061 : i32 to index
        %get3A_1063 = arith.constant 48 : index
        %get3A_1064 = tpu.vector_load %arg7[%get3A_1062, %get3A_1063] {strides = array<i32>} : memref<120x128xi32, #tpu.memory_space<vmem>>, vector<16xi32>,
        %bitcast3A_1065 = vector.bitcast %get3A_1064 : vector<16xi32> to vector<32xbf16>
        %add3A_1066 = arith.constant 3 : i32
        %add3A_1067 = arith.addi %mul3A_647, %add3A_1066 : i32
        %get3A_1068 = arith.index_cast %add3A_1067 : i32 to index
        %get3A_1069 = arith.constant 48 : index
        %get3A_1070 = tpu.vector_load %arg7[%get3A_1068, %get3A_1069] {strides = array<i32>} : memref<120x128xi32, #tpu.memory_space<vmem>>, vector<16xi32>,
        %bitcast3A_1071 = vector.bitcast %get3A_1070 : vector<16xi32> to vector<32xbf16>
        %add3A_1072 = arith.constant 4 : i32
        %add3A_1073 = arith.addi %mul3A_647, %add3A_1072 : i32
        %get3A_1074 = arith.index_cast %add3A_1073 : i32 to index
        %get3A_1075 = arith.constant 48 : index
        %get3A_1076 = tpu.vector_load %arg7[%get3A_1074, %get3A_1075] {strides = array<i32>} : memref<120x128xi32, #tpu.memory_space<vmem>>, vector<16xi32>,
        %bitcast3A_1077 = vector.bitcast %get3A_1076 : vector<16xi32> to vector<32xbf16>
        %add3A_1078 = arith.constant 5 : i32
        %add3A_1079 = arith.addi %mul3A_647, %add3A_1078 : i32
        %get3A_1080 = arith.index_cast %add3A_1079 : i32 to index
        %get3A_1081 = arith.constant 48 : index
        %get3A_1082 = tpu.vector_load %arg7[%get3A_1080, %get3A_1081] {strides = array<i32>} : memref<120x128xi32, #tpu.memory_space<vmem>>, vector<16xi32>,
        %bitcast3A_1083 = vector.bitcast %get3A_1082 : vector<16xi32> to vector<32xbf16>
        %add3A_1084 = arith.constant 0 : i32
        %add3A_1085 = arith.addi %mul3A_647, %add3A_1084 : i32
        %get3A_1086 = arith.index_cast %add3A_1085 : i32 to index
        %get3A_1087 = arith.constant 112 : index
        %get3A_1088 = tpu.vector_load %arg7[%get3A_1086, %get3A_1087] {strides = array<i32>} : memref<120x128xi32, #tpu.memory_space<vmem>>, vector<16xi32>,
        %bitcast3A_1089 = vector.bitcast %get3A_1088 : vector<16xi32> to vector<32xbf16>
        %add3A_1090 = arith.constant 1 : i32
        %add3A_1091 = arith.addi %mul3A_647, %add3A_1090 : i32
        %get3A_1092 = arith.index_cast %add3A_1091 : i32 to index
        %get3A_1093 = arith.constant 112 : index
        %get3A_1094 = tpu.vector_load %arg7[%get3A_1092, %get3A_1093] {strides = array<i32>} : memref<120x128xi32, #tpu.memory_space<vmem>>, vector<16xi32>,
        %bitcast3A_1095 = vector.bitcast %get3A_1094 : vector<16xi32> to vector<32xbf16>
        %add3A_1096 = arith.constant 2 : i32
        %add3A_1097 = arith.addi %mul3A_647, %add3A_1096 : i32
        %get3A_1098 = arith.index_cast %add3A_1097 : i32 to index
        %get3A_1099 = arith.constant 112 : index
        %get3A_1100 = tpu.vector_load %arg7[%get3A_1098, %get3A_1099] {strides = array<i32>} : memref<120x128xi32, #tpu.memory_space<vmem>>, vector<16xi32>,
        %bitcast3A_1101 = vector.bitcast %get3A_1100 : vector<16xi32> to vector<32xbf16>
        %add3A_1102 = arith.constant 3 : i32
        %add3A_1103 = arith.addi %mul3A_647, %add3A_1102 : i32
        %get3A_1104 = arith.index_cast %add3A_1103 : i32 to index
        %get3A_1105 = arith.constant 112 : index
        %get3A_1106 = tpu.vector_load %arg7[%get3A_1104, %get3A_1105] {strides = array<i32>} : memref<120x128xi32, #tpu.memory_space<vmem>>, vector<16xi32>,
        %bitcast3A_1107 = vector.bitcast %get3A_1106 : vector<16xi32> to vector<32xbf16>
        %add3A_1108 = arith.constant 4 : i32
        %add3A_1109 = arith.addi %mul3A_647, %add3A_1108 : i32
        %get3A_1110 = arith.index_cast %add3A_1109 : i32 to index
        %get3A_1111 = arith.constant 112 : index
        %get3A_1112 = tpu.vector_load %arg7[%get3A_1110, %get3A_1111] {strides = array<i32>} : memref<120x128xi32, #tpu.memory_space<vmem>>, vector<16xi32>,
        %bitcast3A_1113 = vector.bitcast %get3A_1112 : vector<16xi32> to vector<32xbf16>
        %add3A_1114 = arith.constant 5 : i32
        %add3A_1115 = arith.addi %mul3A_647, %add3A_1114 : i32
        %get3A_1116 = arith.index_cast %add3A_1115 : i32 to index
        %get3A_1117 = arith.constant 112 : index
        %get3A_1118 = tpu.vector_load %arg7[%get3A_1116, %get3A_1117] {strides = array<i32>} : memref<120x128xi32, #tpu.memory_space<vmem>>, vector<16xi32>,
        %bitcast3A_1119 = vector.bitcast %get3A_1118 : vector<16xi32> to vector<32xbf16>
        %mul3A_1120 = arith.mulf %bitcast3A_1047, %bitcast3A_1089 : vector<32xbf16>
        %add3A_1121 = arith.constant 1.000000e+00 : bf16
        %add3A_1122 = vector.broadcast %add3A_1121 : bf16 to vector<32xbf16>
        %add3A_1123 = arith.addf %add3A_1122, %mul3A_1120 : vector<32xbf16>
        %div3A_1124 = arith.divf %bitcast3A_1053, %add3A_1123 : vector<32xbf16>
        %mul3A_1125 = arith.mulf %bitcast3A_1047, %bitcast3A_1095 : vector<32xbf16>
        %add3A_1126 = arith.constant 1.000000e+00 : bf16
        %add3A_1127 = vector.broadcast %add3A_1126 : bf16 to vector<32xbf16>
        %add3A_1128 = arith.addf %add3A_1127, %mul3A_1125 : vector<32xbf16>
        %div3A_1129 = arith.divf %bitcast3A_1059, %add3A_1128 : vector<32xbf16>
        %mul3A_1130 = arith.mulf %bitcast3A_1047, %bitcast3A_1101 : vector<32xbf16>
        %add3A_1131 = arith.constant 1.000000e+00 : bf16
        %add3A_1132 = vector.broadcast %add3A_1131 : bf16 to vector<32xbf16>
        %add3A_1133 = arith.addf %add3A_1132, %mul3A_1130 : vector<32xbf16>
        %div3A_1134 = arith.divf %bitcast3A_1065, %add3A_1133 : vector<32xbf16>
        %mul3A_1135 = arith.mulf %bitcast3A_1047, %bitcast3A_1107 : vector<32xbf16>
        %add3A_1136 = arith.constant 1.000000e+00 : bf16
        %add3A_1137 = vector.broadcast %add3A_1136 : bf16 to vector<32xbf16>
        %add3A_1138 = arith.addf %add3A_1137, %mul3A_1135 : vector<32xbf16>
        %div3A_1139 = arith.divf %bitcast3A_1071, %add3A_1138 : vector<32xbf16>
        %mul3A_1140 = arith.mulf %bitcast3A_1047, %bitcast3A_1113 : vector<32xbf16>
        %add3A_1141 = arith.constant 1.000000e+00 : bf16
        %add3A_1142 = vector.broadcast %add3A_1141 : bf16 to vector<32xbf16>
        %add3A_1143 = arith.addf %add3A_1142, %mul3A_1140 : vector<32xbf16>
        %div3A_1144 = arith.divf %bitcast3A_1077, %add3A_1143 : vector<32xbf16>
        %mul3A_1145 = arith.mulf %bitcast3A_1047, %bitcast3A_1119 : vector<32xbf16>
        %add3A_1146 = arith.constant 1.000000e+00 : bf16
        %add3A_1147 = vector.broadcast %add3A_1146 : bf16 to vector<32xbf16>
        %add3A_1148 = arith.addf %add3A_1147, %mul3A_1145 : vector<32xbf16>
        %div3A_1149 = arith.divf %bitcast3A_1083, %add3A_1148 : vector<32xbf16>
        %add3A_1150 = arith.addf %bitcast3A_1053, %bitcast3A_1059 : vector<32xbf16>
        %add3A_1151 = arith.addf %bitcast3A_1065, %bitcast3A_1071 : vector<32xbf16>
        %add3A_1152 = arith.addf %add3A_1150, %add3A_1151 : vector<32xbf16>
        %add3A_1153 = arith.addf %bitcast3A_1077, %bitcast3A_1083 : vector<32xbf16>
        %add3A_1154 = arith.addf %add3A_1152, %add3A_1153 : vector<32xbf16>
        %add3A_1155 = arith.addf %div3A_1124, %div3A_1129 : vector<32xbf16>
        %add3A_1156 = arith.addf %div3A_1134, %div3A_1139 : vector<32xbf16>
        %add3A_1157 = arith.addf %add3A_1155, %add3A_1156 : vector<32xbf16>
        %add3A_1158 = arith.addf %div3A_1144, %div3A_1149 : vector<32xbf16>
        %add3A_1159 = arith.addf %add3A_1157, %add3A_1158 : vector<32xbf16>
        %mul3A_1160 = arith.constant 128 : i32
        %mul3A_1161 = arith.muli %add3A_645, %mul3A_1160 : i32
        %add3A_1162 = arith.constant 48 : i32
        %add3A_1163 = arith.addi %mul3A_1161, %add3A_1162 : i32
        %bitcast3A_1164 = vector.bitcast %add3A_1154 : vector<32xbf16> to vector<16xi32>
        %swap3A_1165 = arith.index_cast %add3A_1163 : i32 to index
        %swap3A_1166 = tpu.vector_load %arg11[%swap3A_1165] {strides = array<i32>} : memref<2560xi32, #tpu.memory_space<vmem>>, vector<16xi32>,
        tpu.vector_store %arg11[%swap3A_1165], %bitcast3A_1164 {strides = array<i32>} : memref<2560xi32, #tpu.memory_space<vmem>>, vector<16xi32>,
        %bitcast3A_1167 = vector.bitcast %add3A_1159 : vector<32xbf16> to vector<16xi32>
        %add3A_1168 = arith.constant 64 : i32
        %add3A_1169 = arith.addi %add3A_1163, %add3A_1168 : i32
        %swap3A_1170 = arith.index_cast %add3A_1169 : i32 to index
        %swap3A_1171 = tpu.vector_load %arg11[%swap3A_1170] {strides = array<i32>} : memref<2560xi32, #tpu.memory_space<vmem>>, vector<16xi32>,
        tpu.vector_store %arg11[%swap3A_1170], %bitcast3A_1167 {strides = array<i32>} : memref<2560xi32, #tpu.memory_space<vmem>>, vector<16xi32>,
      }
      %scan3A_67 = arith.constant 10 : i32
      %mul3A_68 = arith.constant 20 : i32
      %mul3A_69 = arith.muli %mul3A_44, %mul3A_68 : i32
      %add3A_70 = arith.addi %mul3A_2, %mul3A_69 : i32
      %mul3A_71 = arith.constant 128 : i32
      %mul3A_72 = arith.muli %add3A_70, %mul3A_71 : i32
      %dma_start3A_73 = tpu.memref_slice %arg5[%mul3A_72] : memref<20480000xi32, #tpu.memory_space<hbm>> -> memref<2560xi32, #tpu.memory_space<hbm>>
      %dma_start3A_74 = tpu.memref_slice %arg5[%mul3A_72] : memref<20480000xi32, #tpu.memory_space<hbm>> -> memref<2560xi32, #tpu.memory_space<hbm>>
      tpu.enqueue_dma source(%arg11 : memref<2560xi32, #tpu.memory_space<vmem>>) target(%dma_start3A_74 : memref<2560xi32, #tpu.memory_space<hbm>>) target_semaphore(%arg17 : memref<!tpu.dma_semaphore, #tpu.memory_space<semaphore_mem>>)
      %lt3A = arith.constant 124 : i32
      %lt3A_75 = arith.cmpi slt, %scan3A_42, %lt3A : i32
      %convert_element_type3A_76 = arith.extui %lt3A_75 : i1 to i32
      %cond3A_77 = arith.constant 0 : i32
      %cond3A_78 = arith.cmpi ne, %convert_element_type3A_76, %cond3A_77 : i32
      scf.if %cond3A_78 {
        %add3A_115 = arith.constant 2 : i32
        %add3A_116 = arith.addi %mul3A_44, %add3A_115 : i32
        %mul3A_117 = arith.constant 20 : i32
        %mul3A_118 = arith.muli %add3A_116, %mul3A_117 : i32
        %add3A_119 = arith.addi %mul3A_2, %mul3A_118 : i32
        %mul3A_120 = arith.constant 64 : i32
        %mul3A_121 = arith.muli %add3A_119, %mul3A_120 : i32
        %dma_start3A_122 = tpu.memref_slice %arg3[%mul3A_121] : memref<10240000xi32, #tpu.memory_space<hbm>> -> memref<1280xi32, #tpu.memory_space<hbm>>
        %dma_start3A_123 = tpu.memref_slice %arg3[%mul3A_121] : memref<10240000xi32, #tpu.memory_space<hbm>> -> memref<1280xi32, #tpu.memory_space<hbm>>
        tpu.enqueue_dma source(%dma_start3A_123 : memref<1280xi32, #tpu.memory_space<hbm>>) target(%arg9 : memref<1280xi32, #tpu.memory_space<vmem>>) target_semaphore(%arg15 : memref<!tpu.dma_semaphore, #tpu.memory_space<semaphore_mem>>)
        %mul3A_124 = arith.constant 120 : i32
        %mul3A_125 = arith.muli %add3A_116, %mul3A_124 : i32
        %dma_start3A_126 = tpu.memref_slice %arg6[%mul3A_125] : memref<30000xi32, #tpu.memory_space<vmem>> -> memref<120xi32, #tpu.memory_space<vmem>>
        %dma_start3A_127 = arith.constant 0 : i32
        %dma_start3A_128 = arith.constant 0 : i32
        %dma_start3A_129 = tpu.memref_slice %arg2[%dma_start3A_127, %dma_start3A_128] : memref<160000x128xi32, #tpu.memory_space<hbm>> -> memref<160000x128xi32, #tpu.memory_space<hbm>>
        tpu.enqueue_indirect_dma source(%dma_start3A_129 : memref<160000x128xi32, #tpu.memory_space<hbm>>) target(%arg7 : memref<120x128xi32, #tpu.memory_space<vmem>>) offsets(%dma_start3A_126 : memref<120xi32, #tpu.memory_space<vmem>>) semaphore(%arg13 : memref<!tpu.dma_semaphore, #tpu.memory_space<semaphore_mem>>)
      } else {
      }
      %mul3A_79 = arith.constant 20 : i32
      %mul3A_80 = arith.muli %add3A_46, %mul3A_79 : i32
      %add3A_81 = arith.addi %mul3A_2, %mul3A_80 : i32
      %mul3A_82 = arith.constant 64 : i32
      %mul3A_83 = arith.muli %add3A_81, %mul3A_82 : i32
      %dma_wait3A_84 = tpu.memref_slice %arg3[%mul3A_83] : memref<10240000xi32, #tpu.memory_space<hbm>> -> memref<1280xi32, #tpu.memory_space<hbm>>
      %dma_wait3A_85 = tpu.memref_slice %arg3[%mul3A_83] : memref<10240000xi32, #tpu.memory_space<hbm>> -> memref<1280xi32, #tpu.memory_space<hbm>>
      tpu.wait_dma2 semaphore(%arg16 : memref<!tpu.dma_semaphore, #tpu.memory_space<semaphore_mem>>) src(%dma_wait3A_85 : memref<1280xi32, #tpu.memory_space<hbm>>) dst(%arg10 : memref<1280xi32, #tpu.memory_space<vmem>>)
      %mul3A_86 = arith.constant 120 : i32
      %mul3A_87 = arith.muli %add3A_46, %mul3A_86 : i32
      %dma_wait3A_88 = tpu.memref_slice %arg6[%mul3A_87] : memref<30000xi32, #tpu.memory_space<vmem>> -> memref<120xi32, #tpu.memory_space<vmem>>
      %dma_wait3A_89 = arith.constant 0 : i32
      %dma_wait3A_90 = arith.constant 0 : i32
      %dma_wait3A_91 = tpu.memref_slice %arg2[%dma_wait3A_89, %dma_wait3A_90] : memref<160000x128xi32, #tpu.memory_space<hbm>> -> memref<160000x128xi32, #tpu.memory_space<hbm>>
      tpu.wait_indirect_dma semaphore(%arg14 : memref<!tpu.dma_semaphore, #tpu.memory_space<semaphore_mem>>) src(%dma_wait3A_91 : memref<160000x128xi32, #tpu.memory_space<hbm>>) dst(%arg8 : memref<120x128xi32, #tpu.memory_space<vmem>>)
      %gt3A_92 = arith.constant 0 : i32
      %gt3A_93 = arith.cmpi sgt, %scan3A_42, %gt3A_92 : i32
      %convert_element_type3A_94 = arith.extui %gt3A_93 : i1 to i32
      %cond3A_95 = arith.constant 0 : i32
      %cond3A_96 = arith.cmpi ne, %convert_element_type3A_94, %cond3A_95 : i32
      scf.if %cond3A_96 {
        %sub3A = arith.constant 2 : i32
        %sub3A_115 = arith.subi %add3A_46, %sub3A : i32
        %mul3A_116 = arith.constant 20 : i32
        %mul3A_117 = arith.muli %sub3A_115, %mul3A_116 : i32
        %add3A_118 = arith.addi %mul3A_2, %mul3A_117 : i32
        %mul3A_119 = arith.constant 128 : i32
        %mul3A_120 = arith.muli %add3A_118, %mul3A_119 : i32
        %dma_wait3A_121 = tpu.memref_slice %arg5[%mul3A_120] : memref<20480000xi32, #tpu.memory_space<hbm>> -> memref<2560xi32, #tpu.memory_space<hbm>>
        %dma_wait3A_122 = tpu.memref_slice %arg5[%mul3A_120] : memref<20480000xi32, #tpu.memory_space<hbm>> -> memref<2560xi32, #tpu.memory_space<hbm>>
        tpu.wait_dma2 semaphore(%arg18 : memref<!tpu.dma_semaphore, #tpu.memory_space<semaphore_mem>>) src(%arg12 : memref<2560xi32, #tpu.memory_space<vmem>>) dst(%dma_wait3A_122 : memref<2560xi32, #tpu.memory_space<hbm>>)
      } else {
      }
      %scan3A_97 = arith.constant 0 : i32
      %scan3A_98 = arith.constant 0 : i32
      %scan3A_99 = arith.constant 10 : i32
      %scan3A_100 = arith.addi %scan3A_98, %scan3A_99 : i32
      %scan3A_101 = arith.constant 1 : i32
      scf.for %scan3A_115 = %scan3A_98 to %scan3A_100 step %scan3A_101  : i32 {
        %mul3A_116 = arith.constant 2 : i32
        %mul3A_117 = arith.muli %mul3A_116, %scan3A_115 : i32
        %add3A_118 = arith.constant 0 : i32
        %add3A_119 = arith.addi %mul3A_117, %add3A_118 : i32
        %mul3A_120 = arith.constant 6 : i32
        %mul3A_121 = arith.muli %add3A_119, %mul3A_120 : i32
        %mul3A_122 = arith.constant 64 : i32
        %mul3A_123 = arith.muli %add3A_119, %mul3A_122 : i32
        %add3A_124 = arith.constant 0 : i32
        %add3A_125 = arith.addi %mul3A_123, %add3A_124 : i32
        %get3A = arith.index_cast %add3A_125 : i32 to index
        %get3A_126 = tpu.vector_load %arg10[%get3A] {strides = array<i32>} : memref<1280xi32, #tpu.memory_space<vmem>>, vector<16xi32>,
        %bitcast3A = vector.bitcast %get3A_126 : vector<16xi32> to vector<32xbf16>
        %add3A_127 = arith.constant 0 : i32
        %add3A_128 = arith.addi %mul3A_121, %add3A_127 : i32
        %get3A_129 = arith.index_cast %add3A_128 : i32 to index
        %get3A_130 = arith.constant 0 : index
        %get3A_131 = tpu.vector_load %arg8[%get3A_129, %get3A_130] {strides = array<i32>} : memref<120x128xi32, #tpu.memory_space<vmem>>, vector<16xi32>,
        %bitcast3A_132 = vector.bitcast %get3A_131 : vector<16xi32> to vector<32xbf16>
        %add3A_133 = arith.constant 1 : i32
        %add3A_134 = arith.addi %mul3A_121, %add3A_133 : i32
        %get3A_135 = arith.index_cast %add3A_134 : i32 to index
        %get3A_136 = arith.constant 0 : index
        %get3A_137 = tpu.vector_load %arg8[%get3A_135, %get3A_136] {strides = array<i32>} : memref<120x128xi32, #tpu.memory_space<vmem>>, vector<16xi32>,
        %bitcast3A_138 = vector.bitcast %get3A_137 : vector<16xi32> to vector<32xbf16>
        %add3A_139 = arith.constant 2 : i32
        %add3A_140 = arith.addi %mul3A_121, %add3A_139 : i32
        %get3A_141 = arith.index_cast %add3A_140 : i32 to index
        %get3A_142 = arith.constant 0 : index
        %get3A_143 = tpu.vector_load %arg8[%get3A_141, %get3A_142] {strides = array<i32>} : memref<120x128xi32, #tpu.memory_space<vmem>>, vector<16xi32>,
        %bitcast3A_144 = vector.bitcast %get3A_143 : vector<16xi32> to vector<32xbf16>
        %add3A_145 = arith.constant 3 : i32
        %add3A_146 = arith.addi %mul3A_121, %add3A_145 : i32
        %get3A_147 = arith.index_cast %add3A_146 : i32 to index
        %get3A_148 = arith.constant 0 : index
        %get3A_149 = tpu.vector_load %arg8[%get3A_147, %get3A_148] {strides = array<i32>} : memref<120x128xi32, #tpu.memory_space<vmem>>, vector<16xi32>,
        %bitcast3A_150 = vector.bitcast %get3A_149 : vector<16xi32> to vector<32xbf16>
        %add3A_151 = arith.constant 4 : i32
        %add3A_152 = arith.addi %mul3A_121, %add3A_151 : i32
        %get3A_153 = arith.index_cast %add3A_152 : i32 to index
        %get3A_154 = arith.constant 0 : index
        %get3A_155 = tpu.vector_load %arg8[%get3A_153, %get3A_154] {strides = array<i32>} : memref<120x128xi32, #tpu.memory_space<vmem>>, vector<16xi32>,
        %bitcast3A_156 = vector.bitcast %get3A_155 : vector<16xi32> to vector<32xbf16>
        %add3A_157 = arith.constant 5 : i32
        %add3A_158 = arith.addi %mul3A_121, %add3A_157 : i32
        %get3A_159 = arith.index_cast %add3A_158 : i32 to index
        %get3A_160 = arith.constant 0 : index
        %get3A_161 = tpu.vector_load %arg8[%get3A_159, %get3A_160] {strides = array<i32>} : memref<120x128xi32, #tpu.memory_space<vmem>>, vector<16xi32>,
        %bitcast3A_162 = vector.bitcast %get3A_161 : vector<16xi32> to vector<32xbf16>
        %add3A_163 = arith.constant 0 : i32
        %add3A_164 = arith.addi %mul3A_121, %add3A_163 : i32
        %get3A_165 = arith.index_cast %add3A_164 : i32 to index
        %get3A_166 = arith.constant 64 : index
        %get3A_167 = tpu.vector_load %arg8[%get3A_165, %get3A_166] {strides = array<i32>} : memref<120x128xi32, #tpu.memory_space<vmem>>, vector<16xi32>,
        %bitcast3A_168 = vector.bitcast %get3A_167 : vector<16xi32> to vector<32xbf16>
        %add3A_169 = arith.constant 1 : i32
        %add3A_170 = arith.addi %mul3A_121, %add3A_169 : i32
        %get3A_171 = arith.index_cast %add3A_170 : i32 to index
        %get3A_172 = arith.constant 64 : index
        %get3A_173 = tpu.vector_load %arg8[%get3A_171, %get3A_172] {strides = array<i32>} : memref<120x128xi32, #tpu.memory_space<vmem>>, vector<16xi32>,
        %bitcast3A_174 = vector.bitcast %get3A_173 : vector<16xi32> to vector<32xbf16>
        %add3A_175 = arith.constant 2 : i32
        %add3A_176 = arith.addi %mul3A_121, %add3A_175 : i32
        %get3A_177 = arith.index_cast %add3A_176 : i32 to index
        %get3A_178 = arith.constant 64 : index
        %get3A_179 = tpu.vector_load %arg8[%get3A_177, %get3A_178] {strides = array<i32>} : memref<120x128xi32, #tpu.memory_space<vmem>>, vector<16xi32>,
        %bitcast3A_180 = vector.bitcast %get3A_179 : vector<16xi32> to vector<32xbf16>
        %add3A_181 = arith.constant 3 : i32
        %add3A_182 = arith.addi %mul3A_121, %add3A_181 : i32
        %get3A_183 = arith.index_cast %add3A_182 : i32 to index
        %get3A_184 = arith.constant 64 : index
        %get3A_185 = tpu.vector_load %arg8[%get3A_183, %get3A_184] {strides = array<i32>} : memref<120x128xi32, #tpu.memory_space<vmem>>, vector<16xi32>,
        %bitcast3A_186 = vector.bitcast %get3A_185 : vector<16xi32> to vector<32xbf16>
        %add3A_187 = arith.constant 4 : i32
        %add3A_188 = arith.addi %mul3A_121, %add3A_187 : i32
        %get3A_189 = arith.index_cast %add3A_188 : i32 to index
        %get3A_190 = arith.constant 64 : index
        %get3A_191 = tpu.vector_load %arg8[%get3A_189, %get3A_190] {strides = array<i32>} : memref<120x128xi32, #tpu.memory_space<vmem>>, vector<16xi32>,
        %bitcast3A_192 = vector.bitcast %get3A_191 : vector<16xi32> to vector<32xbf16>
        %add3A_193 = arith.constant 5 : i32
        %add3A_194 = arith.addi %mul3A_121, %add3A_193 : i32
        %get3A_195 = arith.index_cast %add3A_194 : i32 to index
        %get3A_196 = arith.constant 64 : index
        %get3A_197 = tpu.vector_load %arg8[%get3A_195, %get3A_196] {strides = array<i32>} : memref<120x128xi32, #tpu.memory_space<vmem>>, vector<16xi32>,
        %bitcast3A_198 = vector.bitcast %get3A_197 : vector<16xi32> to vector<32xbf16>
        %mul3A_199 = arith.mulf %bitcast3A, %bitcast3A_168 : vector<32xbf16>
        %add3A_200 = arith.constant 1.000000e+00 : bf16
        %add3A_201 = vector.broadcast %add3A_200 : bf16 to vector<32xbf16>
        %add3A_202 = arith.addf %add3A_201, %mul3A_199 : vector<32xbf16>
        %div3A = arith.divf %bitcast3A_132, %add3A_202 : vector<32xbf16>
        %mul3A_203 = arith.mulf %bitcast3A, %bitcast3A_174 : vector<32xbf16>
        %add3A_204 = arith.constant 1.000000e+00 : bf16
        %add3A_205 = vector.broadcast %add3A_204 : bf16 to vector<32xbf16>
        %add3A_206 = arith.addf %add3A_205, %mul3A_203 : vector<32xbf16>
        %div3A_207 = arith.divf %bitcast3A_138, %add3A_206 : vector<32xbf16>
        %mul3A_208 = arith.mulf %bitcast3A, %bitcast3A_180 : vector<32xbf16>
        %add3A_209 = arith.constant 1.000000e+00 : bf16
        %add3A_210 = vector.broadcast %add3A_209 : bf16 to vector<32xbf16>
        %add3A_211 = arith.addf %add3A_210, %mul3A_208 : vector<32xbf16>
        %div3A_212 = arith.divf %bitcast3A_144, %add3A_211 : vector<32xbf16>
        %mul3A_213 = arith.mulf %bitcast3A, %bitcast3A_186 : vector<32xbf16>
        %add3A_214 = arith.constant 1.000000e+00 : bf16
        %add3A_215 = vector.broadcast %add3A_214 : bf16 to vector<32xbf16>
        %add3A_216 = arith.addf %add3A_215, %mul3A_213 : vector<32xbf16>
        %div3A_217 = arith.divf %bitcast3A_150, %add3A_216 : vector<32xbf16>
        %mul3A_218 = arith.mulf %bitcast3A, %bitcast3A_192 : vector<32xbf16>
        %add3A_219 = arith.constant 1.000000e+00 : bf16
        %add3A_220 = vector.broadcast %add3A_219 : bf16 to vector<32xbf16>
        %add3A_221 = arith.addf %add3A_220, %mul3A_218 : vector<32xbf16>
        %div3A_222 = arith.divf %bitcast3A_156, %add3A_221 : vector<32xbf16>
        %mul3A_223 = arith.mulf %bitcast3A, %bitcast3A_198 : vector<32xbf16>
        %add3A_224 = arith.constant 1.000000e+00 : bf16
        %add3A_225 = vector.broadcast %add3A_224 : bf16 to vector<32xbf16>
        %add3A_226 = arith.addf %add3A_225, %mul3A_223 : vector<32xbf16>
        %div3A_227 = arith.divf %bitcast3A_162, %add3A_226 : vector<32xbf16>
        %add3A_228 = arith.addf %bitcast3A_132, %bitcast3A_138 : vector<32xbf16>
        %add3A_229 = arith.addf %bitcast3A_144, %bitcast3A_150 : vector<32xbf16>
        %add3A_230 = arith.addf %add3A_228, %add3A_229 : vector<32xbf16>
        %add3A_231 = arith.addf %bitcast3A_156, %bitcast3A_162 : vector<32xbf16>
        %add3A_232 = arith.addf %add3A_230, %add3A_231 : vector<32xbf16>
        %add3A_233 = arith.addf %div3A, %div3A_207 : vector<32xbf16>
        %add3A_234 = arith.addf %div3A_212, %div3A_217 : vector<32xbf16>
        %add3A_235 = arith.addf %add3A_233, %add3A_234 : vector<32xbf16>
        %add3A_236 = arith.addf %div3A_222, %div3A_227 : vector<32xbf16>
        %add3A_237 = arith.addf %add3A_235, %add3A_236 : vector<32xbf16>
        %mul3A_238 = arith.constant 128 : i32
        %mul3A_239 = arith.muli %add3A_119, %mul3A_238 : i32
        %add3A_240 = arith.constant 0 : i32
        %add3A_241 = arith.addi %mul3A_239, %add3A_240 : i32
        %bitcast3A_242 = vector.bitcast %add3A_232 : vector<32xbf16> to vector<16xi32>
        %swap3A = arith.index_cast %add3A_241 : i32 to index
        %swap3A_243 = tpu.vector_load %arg12[%swap3A] {strides = array<i32>} : memref<2560xi32, #tpu.memory_space<vmem>>, vector<16xi32>,
        tpu.vector_store %arg12[%swap3A], %bitcast3A_242 {strides = array<i32>} : memref<2560xi32, #tpu.memory_space<vmem>>, vector<16xi32>,
        %bitcast3A_244 = vector.bitcast %add3A_237 : vector<32xbf16> to vector<16xi32>
        %add3A_245 = arith.constant 64 : i32
        %add3A_246 = arith.addi %add3A_241, %add3A_245 : i32
        %swap3A_247 = arith.index_cast %add3A_246 : i32 to index
        %swap3A_248 = tpu.vector_load %arg12[%swap3A_247] {strides = array<i32>} : memref<2560xi32, #tpu.memory_space<vmem>>, vector<16xi32>,
        tpu.vector_store %arg12[%swap3A_247], %bitcast3A_244 {strides = array<i32>} : memref<2560xi32, #tpu.memory_space<vmem>>, vector<16xi32>,
        %mul3A_249 = arith.constant 64 : i32
        %mul3A_250 = arith.muli %add3A_119, %mul3A_249 : i32
        %add3A_251 = arith.constant 16 : i32
        %add3A_252 = arith.addi %mul3A_250, %add3A_251 : i32
        %get3A_253 = arith.index_cast %add3A_252 : i32 to index
        %get3A_254 = tpu.vector_load %arg10[%get3A_253] {strides = array<i32>} : memref<1280xi32, #tpu.memory_space<vmem>>, vector<16xi32>,
        %bitcast3A_255 = vector.bitcast %get3A_254 : vector<16xi32> to vector<32xbf16>
        %add3A_256 = arith.constant 0 : i32
        %add3A_257 = arith.addi %mul3A_121, %add3A_256 : i32
        %get3A_258 = arith.index_cast %add3A_257 : i32 to index
        %get3A_259 = arith.constant 16 : index
        %get3A_260 = tpu.vector_load %arg8[%get3A_258, %get3A_259] {strides = array<i32>} : memref<120x128xi32, #tpu.memory_space<vmem>>, vector<16xi32>,
        %bitcast3A_261 = vector.bitcast %get3A_260 : vector<16xi32> to vector<32xbf16>
        %add3A_262 = arith.constant 1 : i32
        %add3A_263 = arith.addi %mul3A_121, %add3A_262 : i32
        %get3A_264 = arith.index_cast %add3A_263 : i32 to index
        %get3A_265 = arith.constant 16 : index
        %get3A_266 = tpu.vector_load %arg8[%get3A_264, %get3A_265] {strides = array<i32>} : memref<120x128xi32, #tpu.memory_space<vmem>>, vector<16xi32>,
        %bitcast3A_267 = vector.bitcast %get3A_266 : vector<16xi32> to vector<32xbf16>
        %add3A_268 = arith.constant 2 : i32
        %add3A_269 = arith.addi %mul3A_121, %add3A_268 : i32
        %get3A_270 = arith.index_cast %add3A_269 : i32 to index
        %get3A_271 = arith.constant 16 : index
        %get3A_272 = tpu.vector_load %arg8[%get3A_270, %get3A_271] {strides = array<i32>} : memref<120x128xi32, #tpu.memory_space<vmem>>, vector<16xi32>,
        %bitcast3A_273 = vector.bitcast %get3A_272 : vector<16xi32> to vector<32xbf16>
        %add3A_274 = arith.constant 3 : i32
        %add3A_275 = arith.addi %mul3A_121, %add3A_274 : i32
        %get3A_276 = arith.index_cast %add3A_275 : i32 to index
        %get3A_277 = arith.constant 16 : index
        %get3A_278 = tpu.vector_load %arg8[%get3A_276, %get3A_277] {strides = array<i32>} : memref<120x128xi32, #tpu.memory_space<vmem>>, vector<16xi32>,
        %bitcast3A_279 = vector.bitcast %get3A_278 : vector<16xi32> to vector<32xbf16>
        %add3A_280 = arith.constant 4 : i32
        %add3A_281 = arith.addi %mul3A_121, %add3A_280 : i32
        %get3A_282 = arith.index_cast %add3A_281 : i32 to index
        %get3A_283 = arith.constant 16 : index
        %get3A_284 = tpu.vector_load %arg8[%get3A_282, %get3A_283] {strides = array<i32>} : memref<120x128xi32, #tpu.memory_space<vmem>>, vector<16xi32>,
        %bitcast3A_285 = vector.bitcast %get3A_284 : vector<16xi32> to vector<32xbf16>
        %add3A_286 = arith.constant 5 : i32
        %add3A_287 = arith.addi %mul3A_121, %add3A_286 : i32
        %get3A_288 = arith.index_cast %add3A_287 : i32 to index
        %get3A_289 = arith.constant 16 : index
        %get3A_290 = tpu.vector_load %arg8[%get3A_288, %get3A_289] {strides = array<i32>} : memref<120x128xi32, #tpu.memory_space<vmem>>, vector<16xi32>,
        %bitcast3A_291 = vector.bitcast %get3A_290 : vector<16xi32> to vector<32xbf16>
        %add3A_292 = arith.constant 0 : i32
        %add3A_293 = arith.addi %mul3A_121, %add3A_292 : i32
        %get3A_294 = arith.index_cast %add3A_293 : i32 to index
        %get3A_295 = arith.constant 80 : index
        %get3A_296 = tpu.vector_load %arg8[%get3A_294, %get3A_295] {strides = array<i32>} : memref<120x128xi32, #tpu.memory_space<vmem>>, vector<16xi32>,
        %bitcast3A_297 = vector.bitcast %get3A_296 : vector<16xi32> to vector<32xbf16>
        %add3A_298 = arith.constant 1 : i32
        %add3A_299 = arith.addi %mul3A_121, %add3A_298 : i32
        %get3A_300 = arith.index_cast %add3A_299 : i32 to index
        %get3A_301 = arith.constant 80 : index
        %get3A_302 = tpu.vector_load %arg8[%get3A_300, %get3A_301] {strides = array<i32>} : memref<120x128xi32, #tpu.memory_space<vmem>>, vector<16xi32>,
        %bitcast3A_303 = vector.bitcast %get3A_302 : vector<16xi32> to vector<32xbf16>
        %add3A_304 = arith.constant 2 : i32
        %add3A_305 = arith.addi %mul3A_121, %add3A_304 : i32
        %get3A_306 = arith.index_cast %add3A_305 : i32 to index
        %get3A_307 = arith.constant 80 : index
        %get3A_308 = tpu.vector_load %arg8[%get3A_306, %get3A_307] {strides = array<i32>} : memref<120x128xi32, #tpu.memory_space<vmem>>, vector<16xi32>,
        %bitcast3A_309 = vector.bitcast %get3A_308 : vector<16xi32> to vector<32xbf16>
        %add3A_310 = arith.constant 3 : i32
        %add3A_311 = arith.addi %mul3A_121, %add3A_310 : i32
        %get3A_312 = arith.index_cast %add3A_311 : i32 to index
        %get3A_313 = arith.constant 80 : index
        %get3A_314 = tpu.vector_load %arg8[%get3A_312, %get3A_313] {strides = array<i32>} : memref<120x128xi32, #tpu.memory_space<vmem>>, vector<16xi32>,
        %bitcast3A_315 = vector.bitcast %get3A_314 : vector<16xi32> to vector<32xbf16>
        %add3A_316 = arith.constant 4 : i32
        %add3A_317 = arith.addi %mul3A_121, %add3A_316 : i32
        %get3A_318 = arith.index_cast %add3A_317 : i32 to index
        %get3A_319 = arith.constant 80 : index
        %get3A_320 = tpu.vector_load %arg8[%get3A_318, %get3A_319] {strides = array<i32>} : memref<120x128xi32, #tpu.memory_space<vmem>>, vector<16xi32>,
        %bitcast3A_321 = vector.bitcast %get3A_320 : vector<16xi32> to vector<32xbf16>
        %add3A_322 = arith.constant 5 : i32
        %add3A_323 = arith.addi %mul3A_121, %add3A_322 : i32
        %get3A_324 = arith.index_cast %add3A_323 : i32 to index
        %get3A_325 = arith.constant 80 : index
        %get3A_326 = tpu.vector_load %arg8[%get3A_324, %get3A_325] {strides = array<i32>} : memref<120x128xi32, #tpu.memory_space<vmem>>, vector<16xi32>,
        %bitcast3A_327 = vector.bitcast %get3A_326 : vector<16xi32> to vector<32xbf16>
        %mul3A_328 = arith.mulf %bitcast3A_255, %bitcast3A_297 : vector<32xbf16>
        %add3A_329 = arith.constant 1.000000e+00 : bf16
        %add3A_330 = vector.broadcast %add3A_329 : bf16 to vector<32xbf16>
        %add3A_331 = arith.addf %add3A_330, %mul3A_328 : vector<32xbf16>
        %div3A_332 = arith.divf %bitcast3A_261, %add3A_331 : vector<32xbf16>
        %mul3A_333 = arith.mulf %bitcast3A_255, %bitcast3A_303 : vector<32xbf16>
        %add3A_334 = arith.constant 1.000000e+00 : bf16
        %add3A_335 = vector.broadcast %add3A_334 : bf16 to vector<32xbf16>
        %add3A_336 = arith.addf %add3A_335, %mul3A_333 : vector<32xbf16>
        %div3A_337 = arith.divf %bitcast3A_267, %add3A_336 : vector<32xbf16>
        %mul3A_338 = arith.mulf %bitcast3A_255, %bitcast3A_309 : vector<32xbf16>
        %add3A_339 = arith.constant 1.000000e+00 : bf16
        %add3A_340 = vector.broadcast %add3A_339 : bf16 to vector<32xbf16>
        %add3A_341 = arith.addf %add3A_340, %mul3A_338 : vector<32xbf16>
        %div3A_342 = arith.divf %bitcast3A_273, %add3A_341 : vector<32xbf16>
        %mul3A_343 = arith.mulf %bitcast3A_255, %bitcast3A_315 : vector<32xbf16>
        %add3A_344 = arith.constant 1.000000e+00 : bf16
        %add3A_345 = vector.broadcast %add3A_344 : bf16 to vector<32xbf16>
        %add3A_346 = arith.addf %add3A_345, %mul3A_343 : vector<32xbf16>
        %div3A_347 = arith.divf %bitcast3A_279, %add3A_346 : vector<32xbf16>
        %mul3A_348 = arith.mulf %bitcast3A_255, %bitcast3A_321 : vector<32xbf16>
        %add3A_349 = arith.constant 1.000000e+00 : bf16
        %add3A_350 = vector.broadcast %add3A_349 : bf16 to vector<32xbf16>
        %add3A_351 = arith.addf %add3A_350, %mul3A_348 : vector<32xbf16>
        %div3A_352 = arith.divf %bitcast3A_285, %add3A_351 : vector<32xbf16>
        %mul3A_353 = arith.mulf %bitcast3A_255, %bitcast3A_327 : vector<32xbf16>
        %add3A_354 = arith.constant 1.000000e+00 : bf16
        %add3A_355 = vector.broadcast %add3A_354 : bf16 to vector<32xbf16>
        %add3A_356 = arith.addf %add3A_355, %mul3A_353 : vector<32xbf16>
        %div3A_357 = arith.divf %bitcast3A_291, %add3A_356 : vector<32xbf16>
        %add3A_358 = arith.addf %bitcast3A_261, %bitcast3A_267 : vector<32xbf16>
        %add3A_359 = arith.addf %bitcast3A_273, %bitcast3A_279 : vector<32xbf16>
        %add3A_360 = arith.addf %add3A_358, %add3A_359 : vector<32xbf16>
        %add3A_361 = arith.addf %bitcast3A_285, %bitcast3A_291 : vector<32xbf16>
        %add3A_362 = arith.addf %add3A_360, %add3A_361 : vector<32xbf16>
        %add3A_363 = arith.addf %div3A_332, %div3A_337 : vector<32xbf16>
        %add3A_364 = arith.addf %div3A_342, %div3A_347 : vector<32xbf16>
        %add3A_365 = arith.addf %add3A_363, %add3A_364 : vector<32xbf16>
        %add3A_366 = arith.addf %div3A_352, %div3A_357 : vector<32xbf16>
        %add3A_367 = arith.addf %add3A_365, %add3A_366 : vector<32xbf16>
        %mul3A_368 = arith.constant 128 : i32
        %mul3A_369 = arith.muli %add3A_119, %mul3A_368 : i32
        %add3A_370 = arith.constant 16 : i32
        %add3A_371 = arith.addi %mul3A_369, %add3A_370 : i32
        %bitcast3A_372 = vector.bitcast %add3A_362 : vector<32xbf16> to vector<16xi32>
        %swap3A_373 = arith.index_cast %add3A_371 : i32 to index
        %swap3A_374 = tpu.vector_load %arg12[%swap3A_373] {strides = array<i32>} : memref<2560xi32, #tpu.memory_space<vmem>>, vector<16xi32>,
        tpu.vector_store %arg12[%swap3A_373], %bitcast3A_372 {strides = array<i32>} : memref<2560xi32, #tpu.memory_space<vmem>>, vector<16xi32>,
        %bitcast3A_375 = vector.bitcast %add3A_367 : vector<32xbf16> to vector<16xi32>
        %add3A_376 = arith.constant 64 : i32
        %add3A_377 = arith.addi %add3A_371, %add3A_376 : i32
        %swap3A_378 = arith.index_cast %add3A_377 : i32 to index
        %swap3A_379 = tpu.vector_load %arg12[%swap3A_378] {strides = array<i32>} : memref<2560xi32, #tpu.memory_space<vmem>>, vector<16xi32>,
        tpu.vector_store %arg12[%swap3A_378], %bitcast3A_375 {strides = array<i32>} : memref<2560xi32, #tpu.memory_space<vmem>>, vector<16xi32>,
        %mul3A_380 = arith.constant 64 : i32
        %mul3A_381 = arith.muli %add3A_119, %mul3A_380 : i32
        %add3A_382 = arith.constant 32 : i32
        %add3A_383 = arith.addi %mul3A_381, %add3A_382 : i32
        %get3A_384 = arith.index_cast %add3A_383 : i32 to index
        %get3A_385 = tpu.vector_load %arg10[%get3A_384] {strides = array<i32>} : memref<1280xi32, #tpu.memory_space<vmem>>, vector<16xi32>,
        %bitcast3A_386 = vector.bitcast %get3A_385 : vector<16xi32> to vector<32xbf16>
        %add3A_387 = arith.constant 0 : i32
        %add3A_388 = arith.addi %mul3A_121, %add3A_387 : i32
        %get3A_389 = arith.index_cast %add3A_388 : i32 to index
        %get3A_390 = arith.constant 32 : index
        %get3A_391 = tpu.vector_load %arg8[%get3A_389, %get3A_390] {strides = array<i32>} : memref<120x128xi32, #tpu.memory_space<vmem>>, vector<16xi32>,
        %bitcast3A_392 = vector.bitcast %get3A_391 : vector<16xi32> to vector<32xbf16>
        %add3A_393 = arith.constant 1 : i32
        %add3A_394 = arith.addi %mul3A_121, %add3A_393 : i32
        %get3A_395 = arith.index_cast %add3A_394 : i32 to index
        %get3A_396 = arith.constant 32 : index
        %get3A_397 = tpu.vector_load %arg8[%get3A_395, %get3A_396] {strides = array<i32>} : memref<120x128xi32, #tpu.memory_space<vmem>>, vector<16xi32>,
        %bitcast3A_398 = vector.bitcast %get3A_397 : vector<16xi32> to vector<32xbf16>
        %add3A_399 = arith.constant 2 : i32
        %add3A_400 = arith.addi %mul3A_121, %add3A_399 : i32
        %get3A_401 = arith.index_cast %add3A_400 : i32 to index
        %get3A_402 = arith.constant 32 : index
        %get3A_403 = tpu.vector_load %arg8[%get3A_401, %get3A_402] {strides = array<i32>} : memref<120x128xi32, #tpu.memory_space<vmem>>, vector<16xi32>,
        %bitcast3A_404 = vector.bitcast %get3A_403 : vector<16xi32> to vector<32xbf16>
        %add3A_405 = arith.constant 3 : i32
        %add3A_406 = arith.addi %mul3A_121, %add3A_405 : i32
        %get3A_407 = arith.index_cast %add3A_406 : i32 to index
        %get3A_408 = arith.constant 32 : index
        %get3A_409 = tpu.vector_load %arg8[%get3A_407, %get3A_408] {strides = array<i32>} : memref<120x128xi32, #tpu.memory_space<vmem>>, vector<16xi32>,
        %bitcast3A_410 = vector.bitcast %get3A_409 : vector<16xi32> to vector<32xbf16>
        %add3A_411 = arith.constant 4 : i32
        %add3A_412 = arith.addi %mul3A_121, %add3A_411 : i32
        %get3A_413 = arith.index_cast %add3A_412 : i32 to index
        %get3A_414 = arith.constant 32 : index
        %get3A_415 = tpu.vector_load %arg8[%get3A_413, %get3A_414] {strides = array<i32>} : memref<120x128xi32, #tpu.memory_space<vmem>>, vector<16xi32>,
        %bitcast3A_416 = vector.bitcast %get3A_415 : vector<16xi32> to vector<32xbf16>
        %add3A_417 = arith.constant 5 : i32
        %add3A_418 = arith.addi %mul3A_121, %add3A_417 : i32
        %get3A_419 = arith.index_cast %add3A_418 : i32 to index
        %get3A_420 = arith.constant 32 : index
        %get3A_421 = tpu.vector_load %arg8[%get3A_419, %get3A_420] {strides = array<i32>} : memref<120x128xi32, #tpu.memory_space<vmem>>, vector<16xi32>,
        %bitcast3A_422 = vector.bitcast %get3A_421 : vector<16xi32> to vector<32xbf16>
        %add3A_423 = arith.constant 0 : i32
        %add3A_424 = arith.addi %mul3A_121, %add3A_423 : i32
        %get3A_425 = arith.index_cast %add3A_424 : i32 to index
        %get3A_426 = arith.constant 96 : index
        %get3A_427 = tpu.vector_load %arg8[%get3A_425, %get3A_426] {strides = array<i32>} : memref<120x128xi32, #tpu.memory_space<vmem>>, vector<16xi32>,
        %bitcast3A_428 = vector.bitcast %get3A_427 : vector<16xi32> to vector<32xbf16>
        %add3A_429 = arith.constant 1 : i32
        %add3A_430 = arith.addi %mul3A_121, %add3A_429 : i32
        %get3A_431 = arith.index_cast %add3A_430 : i32 to index
        %get3A_432 = arith.constant 96 : index
        %get3A_433 = tpu.vector_load %arg8[%get3A_431, %get3A_432] {strides = array<i32>} : memref<120x128xi32, #tpu.memory_space<vmem>>, vector<16xi32>,
        %bitcast3A_434 = vector.bitcast %get3A_433 : vector<16xi32> to vector<32xbf16>
        %add3A_435 = arith.constant 2 : i32
        %add3A_436 = arith.addi %mul3A_121, %add3A_435 : i32
        %get3A_437 = arith.index_cast %add3A_436 : i32 to index
        %get3A_438 = arith.constant 96 : index
        %get3A_439 = tpu.vector_load %arg8[%get3A_437, %get3A_438] {strides = array<i32>} : memref<120x128xi32, #tpu.memory_space<vmem>>, vector<16xi32>,
        %bitcast3A_440 = vector.bitcast %get3A_439 : vector<16xi32> to vector<32xbf16>
        %add3A_441 = arith.constant 3 : i32
        %add3A_442 = arith.addi %mul3A_121, %add3A_441 : i32
        %get3A_443 = arith.index_cast %add3A_442 : i32 to index
        %get3A_444 = arith.constant 96 : index
        %get3A_445 = tpu.vector_load %arg8[%get3A_443, %get3A_444] {strides = array<i32>} : memref<120x128xi32, #tpu.memory_space<vmem>>, vector<16xi32>,
        %bitcast3A_446 = vector.bitcast %get3A_445 : vector<16xi32> to vector<32xbf16>
        %add3A_447 = arith.constant 4 : i32
        %add3A_448 = arith.addi %mul3A_121, %add3A_447 : i32
        %get3A_449 = arith.index_cast %add3A_448 : i32 to index
        %get3A_450 = arith.constant 96 : index
        %get3A_451 = tpu.vector_load %arg8[%get3A_449, %get3A_450] {strides = array<i32>} : memref<120x128xi32, #tpu.memory_space<vmem>>, vector<16xi32>,
        %bitcast3A_452 = vector.bitcast %get3A_451 : vector<16xi32> to vector<32xbf16>
        %add3A_453 = arith.constant 5 : i32
        %add3A_454 = arith.addi %mul3A_121, %add3A_453 : i32
        %get3A_455 = arith.index_cast %add3A_454 : i32 to index
        %get3A_456 = arith.constant 96 : index
        %get3A_457 = tpu.vector_load %arg8[%get3A_455, %get3A_456] {strides = array<i32>} : memref<120x128xi32, #tpu.memory_space<vmem>>, vector<16xi32>,
        %bitcast3A_458 = vector.bitcast %get3A_457 : vector<16xi32> to vector<32xbf16>
        %mul3A_459 = arith.mulf %bitcast3A_386, %bitcast3A_428 : vector<32xbf16>
        %add3A_460 = arith.constant 1.000000e+00 : bf16
        %add3A_461 = vector.broadcast %add3A_460 : bf16 to vector<32xbf16>
        %add3A_462 = arith.addf %add3A_461, %mul3A_459 : vector<32xbf16>
        %div3A_463 = arith.divf %bitcast3A_392, %add3A_462 : vector<32xbf16>
        %mul3A_464 = arith.mulf %bitcast3A_386, %bitcast3A_434 : vector<32xbf16>
        %add3A_465 = arith.constant 1.000000e+00 : bf16
        %add3A_466 = vector.broadcast %add3A_465 : bf16 to vector<32xbf16>
        %add3A_467 = arith.addf %add3A_466, %mul3A_464 : vector<32xbf16>
        %div3A_468 = arith.divf %bitcast3A_398, %add3A_467 : vector<32xbf16>
        %mul3A_469 = arith.mulf %bitcast3A_386, %bitcast3A_440 : vector<32xbf16>
        %add3A_470 = arith.constant 1.000000e+00 : bf16
        %add3A_471 = vector.broadcast %add3A_470 : bf16 to vector<32xbf16>
        %add3A_472 = arith.addf %add3A_471, %mul3A_469 : vector<32xbf16>
        %div3A_473 = arith.divf %bitcast3A_404, %add3A_472 : vector<32xbf16>
        %mul3A_474 = arith.mulf %bitcast3A_386, %bitcast3A_446 : vector<32xbf16>
        %add3A_475 = arith.constant 1.000000e+00 : bf16
        %add3A_476 = vector.broadcast %add3A_475 : bf16 to vector<32xbf16>
        %add3A_477 = arith.addf %add3A_476, %mul3A_474 : vector<32xbf16>
        %div3A_478 = arith.divf %bitcast3A_410, %add3A_477 : vector<32xbf16>
        %mul3A_479 = arith.mulf %bitcast3A_386, %bitcast3A_452 : vector<32xbf16>
        %add3A_480 = arith.constant 1.000000e+00 : bf16
        %add3A_481 = vector.broadcast %add3A_480 : bf16 to vector<32xbf16>
        %add3A_482 = arith.addf %add3A_481, %mul3A_479 : vector<32xbf16>
        %div3A_483 = arith.divf %bitcast3A_416, %add3A_482 : vector<32xbf16>
        %mul3A_484 = arith.mulf %bitcast3A_386, %bitcast3A_458 : vector<32xbf16>
        %add3A_485 = arith.constant 1.000000e+00 : bf16
        %add3A_486 = vector.broadcast %add3A_485 : bf16 to vector<32xbf16>
        %add3A_487 = arith.addf %add3A_486, %mul3A_484 : vector<32xbf16>
        %div3A_488 = arith.divf %bitcast3A_422, %add3A_487 : vector<32xbf16>
        %add3A_489 = arith.addf %bitcast3A_392, %bitcast3A_398 : vector<32xbf16>
        %add3A_490 = arith.addf %bitcast3A_404, %bitcast3A_410 : vector<32xbf16>
        %add3A_491 = arith.addf %add3A_489, %add3A_490 : vector<32xbf16>
        %add3A_492 = arith.addf %bitcast3A_416, %bitcast3A_422 : vector<32xbf16>
        %add3A_493 = arith.addf %add3A_491, %add3A_492 : vector<32xbf16>
        %add3A_494 = arith.addf %div3A_463, %div3A_468 : vector<32xbf16>
        %add3A_495 = arith.addf %div3A_473, %div3A_478 : vector<32xbf16>
        %add3A_496 = arith.addf %add3A_494, %add3A_495 : vector<32xbf16>
        %add3A_497 = arith.addf %div3A_483, %div3A_488 : vector<32xbf16>
        %add3A_498 = arith.addf %add3A_496, %add3A_497 : vector<32xbf16>
        %mul3A_499 = arith.constant 128 : i32
        %mul3A_500 = arith.muli %add3A_119, %mul3A_499 : i32
        %add3A_501 = arith.constant 32 : i32
        %add3A_502 = arith.addi %mul3A_500, %add3A_501 : i32
        %bitcast3A_503 = vector.bitcast %add3A_493 : vector<32xbf16> to vector<16xi32>
        %swap3A_504 = arith.index_cast %add3A_502 : i32 to index
        %swap3A_505 = tpu.vector_load %arg12[%swap3A_504] {strides = array<i32>} : memref<2560xi32, #tpu.memory_space<vmem>>, vector<16xi32>,
        tpu.vector_store %arg12[%swap3A_504], %bitcast3A_503 {strides = array<i32>} : memref<2560xi32, #tpu.memory_space<vmem>>, vector<16xi32>,
        %bitcast3A_506 = vector.bitcast %add3A_498 : vector<32xbf16> to vector<16xi32>
        %add3A_507 = arith.constant 64 : i32
        %add3A_508 = arith.addi %add3A_502, %add3A_507 : i32
        %swap3A_509 = arith.index_cast %add3A_508 : i32 to index
        %swap3A_510 = tpu.vector_load %arg12[%swap3A_509] {strides = array<i32>} : memref<2560xi32, #tpu.memory_space<vmem>>, vector<16xi32>,
        tpu.vector_store %arg12[%swap3A_509], %bitcast3A_506 {strides = array<i32>} : memref<2560xi32, #tpu.memory_space<vmem>>, vector<16xi32>,
        %mul3A_511 = arith.constant 64 : i32
        %mul3A_512 = arith.muli %add3A_119, %mul3A_511 : i32
        %add3A_513 = arith.constant 48 : i32
        %add3A_514 = arith.addi %mul3A_512, %add3A_513 : i32
        %get3A_515 = arith.index_cast %add3A_514 : i32 to index
        %get3A_516 = tpu.vector_load %arg10[%get3A_515] {strides = array<i32>} : memref<1280xi32, #tpu.memory_space<vmem>>, vector<16xi32>,
        %bitcast3A_517 = vector.bitcast %get3A_516 : vector<16xi32> to vector<32xbf16>
        %add3A_518 = arith.constant 0 : i32
        %add3A_519 = arith.addi %mul3A_121, %add3A_518 : i32
        %get3A_520 = arith.index_cast %add3A_519 : i32 to index
        %get3A_521 = arith.constant 48 : index
        %get3A_522 = tpu.vector_load %arg8[%get3A_520, %get3A_521] {strides = array<i32>} : memref<120x128xi32, #tpu.memory_space<vmem>>, vector<16xi32>,
        %bitcast3A_523 = vector.bitcast %get3A_522 : vector<16xi32> to vector<32xbf16>
        %add3A_524 = arith.constant 1 : i32
        %add3A_525 = arith.addi %mul3A_121, %add3A_524 : i32
        %get3A_526 = arith.index_cast %add3A_525 : i32 to index
        %get3A_527 = arith.constant 48 : index
        %get3A_528 = tpu.vector_load %arg8[%get3A_526, %get3A_527] {strides = array<i32>} : memref<120x128xi32, #tpu.memory_space<vmem>>, vector<16xi32>,
        %bitcast3A_529 = vector.bitcast %get3A_528 : vector<16xi32> to vector<32xbf16>
        %add3A_530 = arith.constant 2 : i32
        %add3A_531 = arith.addi %mul3A_121, %add3A_530 : i32
        %get3A_532 = arith.index_cast %add3A_531 : i32 to index
        %get3A_533 = arith.constant 48 : index
        %get3A_534 = tpu.vector_load %arg8[%get3A_532, %get3A_533] {strides = array<i32>} : memref<120x128xi32, #tpu.memory_space<vmem>>, vector<16xi32>,
        %bitcast3A_535 = vector.bitcast %get3A_534 : vector<16xi32> to vector<32xbf16>
        %add3A_536 = arith.constant 3 : i32
        %add3A_537 = arith.addi %mul3A_121, %add3A_536 : i32
        %get3A_538 = arith.index_cast %add3A_537 : i32 to index
        %get3A_539 = arith.constant 48 : index
        %get3A_540 = tpu.vector_load %arg8[%get3A_538, %get3A_539] {strides = array<i32>} : memref<120x128xi32, #tpu.memory_space<vmem>>, vector<16xi32>,
        %bitcast3A_541 = vector.bitcast %get3A_540 : vector<16xi32> to vector<32xbf16>
        %add3A_542 = arith.constant 4 : i32
        %add3A_543 = arith.addi %mul3A_121, %add3A_542 : i32
        %get3A_544 = arith.index_cast %add3A_543 : i32 to index
        %get3A_545 = arith.constant 48 : index
        %get3A_546 = tpu.vector_load %arg8[%get3A_544, %get3A_545] {strides = array<i32>} : memref<120x128xi32, #tpu.memory_space<vmem>>, vector<16xi32>,
        %bitcast3A_547 = vector.bitcast %get3A_546 : vector<16xi32> to vector<32xbf16>
        %add3A_548 = arith.constant 5 : i32
        %add3A_549 = arith.addi %mul3A_121, %add3A_548 : i32
        %get3A_550 = arith.index_cast %add3A_549 : i32 to index
        %get3A_551 = arith.constant 48 : index
        %get3A_552 = tpu.vector_load %arg8[%get3A_550, %get3A_551] {strides = array<i32>} : memref<120x128xi32, #tpu.memory_space<vmem>>, vector<16xi32>,
        %bitcast3A_553 = vector.bitcast %get3A_552 : vector<16xi32> to vector<32xbf16>
        %add3A_554 = arith.constant 0 : i32
        %add3A_555 = arith.addi %mul3A_121, %add3A_554 : i32
        %get3A_556 = arith.index_cast %add3A_555 : i32 to index
        %get3A_557 = arith.constant 112 : index
        %get3A_558 = tpu.vector_load %arg8[%get3A_556, %get3A_557] {strides = array<i32>} : memref<120x128xi32, #tpu.memory_space<vmem>>, vector<16xi32>,
        %bitcast3A_559 = vector.bitcast %get3A_558 : vector<16xi32> to vector<32xbf16>
        %add3A_560 = arith.constant 1 : i32
        %add3A_561 = arith.addi %mul3A_121, %add3A_560 : i32
        %get3A_562 = arith.index_cast %add3A_561 : i32 to index
        %get3A_563 = arith.constant 112 : index
        %get3A_564 = tpu.vector_load %arg8[%get3A_562, %get3A_563] {strides = array<i32>} : memref<120x128xi32, #tpu.memory_space<vmem>>, vector<16xi32>,
        %bitcast3A_565 = vector.bitcast %get3A_564 : vector<16xi32> to vector<32xbf16>
        %add3A_566 = arith.constant 2 : i32
        %add3A_567 = arith.addi %mul3A_121, %add3A_566 : i32
        %get3A_568 = arith.index_cast %add3A_567 : i32 to index
        %get3A_569 = arith.constant 112 : index
        %get3A_570 = tpu.vector_load %arg8[%get3A_568, %get3A_569] {strides = array<i32>} : memref<120x128xi32, #tpu.memory_space<vmem>>, vector<16xi32>,
        %bitcast3A_571 = vector.bitcast %get3A_570 : vector<16xi32> to vector<32xbf16>
        %add3A_572 = arith.constant 3 : i32
        %add3A_573 = arith.addi %mul3A_121, %add3A_572 : i32
        %get3A_574 = arith.index_cast %add3A_573 : i32 to index
        %get3A_575 = arith.constant 112 : index
        %get3A_576 = tpu.vector_load %arg8[%get3A_574, %get3A_575] {strides = array<i32>} : memref<120x128xi32, #tpu.memory_space<vmem>>, vector<16xi32>,
        %bitcast3A_577 = vector.bitcast %get3A_576 : vector<16xi32> to vector<32xbf16>
        %add3A_578 = arith.constant 4 : i32
        %add3A_579 = arith.addi %mul3A_121, %add3A_578 : i32
        %get3A_580 = arith.index_cast %add3A_579 : i32 to index
        %get3A_581 = arith.constant 112 : index
        %get3A_582 = tpu.vector_load %arg8[%get3A_580, %get3A_581] {strides = array<i32>} : memref<120x128xi32, #tpu.memory_space<vmem>>, vector<16xi32>,
        %bitcast3A_583 = vector.bitcast %get3A_582 : vector<16xi32> to vector<32xbf16>
        %add3A_584 = arith.constant 5 : i32
        %add3A_585 = arith.addi %mul3A_121, %add3A_584 : i32
        %get3A_586 = arith.index_cast %add3A_585 : i32 to index
        %get3A_587 = arith.constant 112 : index
        %get3A_588 = tpu.vector_load %arg8[%get3A_586, %get3A_587] {strides = array<i32>} : memref<120x128xi32, #tpu.memory_space<vmem>>, vector<16xi32>,
        %bitcast3A_589 = vector.bitcast %get3A_588 : vector<16xi32> to vector<32xbf16>
        %mul3A_590 = arith.mulf %bitcast3A_517, %bitcast3A_559 : vector<32xbf16>
        %add3A_591 = arith.constant 1.000000e+00 : bf16
        %add3A_592 = vector.broadcast %add3A_591 : bf16 to vector<32xbf16>
        %add3A_593 = arith.addf %add3A_592, %mul3A_590 : vector<32xbf16>
        %div3A_594 = arith.divf %bitcast3A_523, %add3A_593 : vector<32xbf16>
        %mul3A_595 = arith.mulf %bitcast3A_517, %bitcast3A_565 : vector<32xbf16>
        %add3A_596 = arith.constant 1.000000e+00 : bf16
        %add3A_597 = vector.broadcast %add3A_596 : bf16 to vector<32xbf16>
        %add3A_598 = arith.addf %add3A_597, %mul3A_595 : vector<32xbf16>
        %div3A_599 = arith.divf %bitcast3A_529, %add3A_598 : vector<32xbf16>
        %mul3A_600 = arith.mulf %bitcast3A_517, %bitcast3A_571 : vector<32xbf16>
        %add3A_601 = arith.constant 1.000000e+00 : bf16
        %add3A_602 = vector.broadcast %add3A_601 : bf16 to vector<32xbf16>
        %add3A_603 = arith.addf %add3A_602, %mul3A_600 : vector<32xbf16>
        %div3A_604 = arith.divf %bitcast3A_535, %add3A_603 : vector<32xbf16>
        %mul3A_605 = arith.mulf %bitcast3A_517, %bitcast3A_577 : vector<32xbf16>
        %add3A_606 = arith.constant 1.000000e+00 : bf16
        %add3A_607 = vector.broadcast %add3A_606 : bf16 to vector<32xbf16>
        %add3A_608 = arith.addf %add3A_607, %mul3A_605 : vector<32xbf16>
        %div3A_609 = arith.divf %bitcast3A_541, %add3A_608 : vector<32xbf16>
        %mul3A_610 = arith.mulf %bitcast3A_517, %bitcast3A_583 : vector<32xbf16>
        %add3A_611 = arith.constant 1.000000e+00 : bf16
        %add3A_612 = vector.broadcast %add3A_611 : bf16 to vector<32xbf16>
        %add3A_613 = arith.addf %add3A_612, %mul3A_610 : vector<32xbf16>
        %div3A_614 = arith.divf %bitcast3A_547, %add3A_613 : vector<32xbf16>
        %mul3A_615 = arith.mulf %bitcast3A_517, %bitcast3A_589 : vector<32xbf16>
        %add3A_616 = arith.constant 1.000000e+00 : bf16
        %add3A_617 = vector.broadcast %add3A_616 : bf16 to vector<32xbf16>
        %add3A_618 = arith.addf %add3A_617, %mul3A_615 : vector<32xbf16>
        %div3A_619 = arith.divf %bitcast3A_553, %add3A_618 : vector<32xbf16>
        %add3A_620 = arith.addf %bitcast3A_523, %bitcast3A_529 : vector<32xbf16>
        %add3A_621 = arith.addf %bitcast3A_535, %bitcast3A_541 : vector<32xbf16>
        %add3A_622 = arith.addf %add3A_620, %add3A_621 : vector<32xbf16>
        %add3A_623 = arith.addf %bitcast3A_547, %bitcast3A_553 : vector<32xbf16>
        %add3A_624 = arith.addf %add3A_622, %add3A_623 : vector<32xbf16>
        %add3A_625 = arith.addf %div3A_594, %div3A_599 : vector<32xbf16>
        %add3A_626 = arith.addf %div3A_604, %div3A_609 : vector<32xbf16>
        %add3A_627 = arith.addf %add3A_625, %add3A_626 : vector<32xbf16>
        %add3A_628 = arith.addf %div3A_614, %div3A_619 : vector<32xbf16>
        %add3A_629 = arith.addf %add3A_627, %add3A_628 : vector<32xbf16>
        %mul3A_630 = arith.constant 128 : i32
        %mul3A_631 = arith.muli %add3A_119, %mul3A_630 : i32
        %add3A_632 = arith.constant 48 : i32
        %add3A_633 = arith.addi %mul3A_631, %add3A_632 : i32
        %bitcast3A_634 = vector.bitcast %add3A_624 : vector<32xbf16> to vector<16xi32>
        %swap3A_635 = arith.index_cast %add3A_633 : i32 to index
        %swap3A_636 = tpu.vector_load %arg12[%swap3A_635] {strides = array<i32>} : memref<2560xi32, #tpu.memory_space<vmem>>, vector<16xi32>,
        tpu.vector_store %arg12[%swap3A_635], %bitcast3A_634 {strides = array<i32>} : memref<2560xi32, #tpu.memory_space<vmem>>, vector<16xi32>,
        %bitcast3A_637 = vector.bitcast %add3A_629 : vector<32xbf16> to vector<16xi32>
        %add3A_638 = arith.constant 64 : i32
        %add3A_639 = arith.addi %add3A_633, %add3A_638 : i32
        %swap3A_640 = arith.index_cast %add3A_639 : i32 to index
        %swap3A_641 = tpu.vector_load %arg12[%swap3A_640] {strides = array<i32>} : memref<2560xi32, #tpu.memory_space<vmem>>, vector<16xi32>,
        tpu.vector_store %arg12[%swap3A_640], %bitcast3A_637 {strides = array<i32>} : memref<2560xi32, #tpu.memory_space<vmem>>, vector<16xi32>,
        %mul3A_642 = arith.constant 2 : i32
        %mul3A_643 = arith.muli %mul3A_642, %scan3A_115 : i32
        %add3A_644 = arith.constant 1 : i32
        %add3A_645 = arith.addi %mul3A_643, %add3A_644 : i32
        %mul3A_646 = arith.constant 6 : i32
        %mul3A_647 = arith.muli %add3A_645, %mul3A_646 : i32
        %mul3A_648 = arith.constant 64 : i32
        %mul3A_649 = arith.muli %add3A_645, %mul3A_648 : i32
        %add3A_650 = arith.constant 0 : i32
        %add3A_651 = arith.addi %mul3A_649, %add3A_650 : i32
        %get3A_652 = arith.index_cast %add3A_651 : i32 to index
        %get3A_653 = tpu.vector_load %arg10[%get3A_652] {strides = array<i32>} : memref<1280xi32, #tpu.memory_space<vmem>>, vector<16xi32>,
        %bitcast3A_654 = vector.bitcast %get3A_653 : vector<16xi32> to vector<32xbf16>
        %add3A_655 = arith.constant 0 : i32
        %add3A_656 = arith.addi %mul3A_647, %add3A_655 : i32
        %get3A_657 = arith.index_cast %add3A_656 : i32 to index
        %get3A_658 = arith.constant 0 : index
        %get3A_659 = tpu.vector_load %arg8[%get3A_657, %get3A_658] {strides = array<i32>} : memref<120x128xi32, #tpu.memory_space<vmem>>, vector<16xi32>,
        %bitcast3A_660 = vector.bitcast %get3A_659 : vector<16xi32> to vector<32xbf16>
        %add3A_661 = arith.constant 1 : i32
        %add3A_662 = arith.addi %mul3A_647, %add3A_661 : i32
        %get3A_663 = arith.index_cast %add3A_662 : i32 to index
        %get3A_664 = arith.constant 0 : index
        %get3A_665 = tpu.vector_load %arg8[%get3A_663, %get3A_664] {strides = array<i32>} : memref<120x128xi32, #tpu.memory_space<vmem>>, vector<16xi32>,
        %bitcast3A_666 = vector.bitcast %get3A_665 : vector<16xi32> to vector<32xbf16>
        %add3A_667 = arith.constant 2 : i32
        %add3A_668 = arith.addi %mul3A_647, %add3A_667 : i32
        %get3A_669 = arith.index_cast %add3A_668 : i32 to index
        %get3A_670 = arith.constant 0 : index
        %get3A_671 = tpu.vector_load %arg8[%get3A_669, %get3A_670] {strides = array<i32>} : memref<120x128xi32, #tpu.memory_space<vmem>>, vector<16xi32>,
        %bitcast3A_672 = vector.bitcast %get3A_671 : vector<16xi32> to vector<32xbf16>
        %add3A_673 = arith.constant 3 : i32
        %add3A_674 = arith.addi %mul3A_647, %add3A_673 : i32
        %get3A_675 = arith.index_cast %add3A_674 : i32 to index
        %get3A_676 = arith.constant 0 : index
        %get3A_677 = tpu.vector_load %arg8[%get3A_675, %get3A_676] {strides = array<i32>} : memref<120x128xi32, #tpu.memory_space<vmem>>, vector<16xi32>,
        %bitcast3A_678 = vector.bitcast %get3A_677 : vector<16xi32> to vector<32xbf16>
        %add3A_679 = arith.constant 4 : i32
        %add3A_680 = arith.addi %mul3A_647, %add3A_679 : i32
        %get3A_681 = arith.index_cast %add3A_680 : i32 to index
        %get3A_682 = arith.constant 0 : index
        %get3A_683 = tpu.vector_load %arg8[%get3A_681, %get3A_682] {strides = array<i32>} : memref<120x128xi32, #tpu.memory_space<vmem>>, vector<16xi32>,
        %bitcast3A_684 = vector.bitcast %get3A_683 : vector<16xi32> to vector<32xbf16>
        %add3A_685 = arith.constant 5 : i32
        %add3A_686 = arith.addi %mul3A_647, %add3A_685 : i32
        %get3A_687 = arith.index_cast %add3A_686 : i32 to index
        %get3A_688 = arith.constant 0 : index
        %get3A_689 = tpu.vector_load %arg8[%get3A_687, %get3A_688] {strides = array<i32>} : memref<120x128xi32, #tpu.memory_space<vmem>>, vector<16xi32>,
        %bitcast3A_690 = vector.bitcast %get3A_689 : vector<16xi32> to vector<32xbf16>
        %add3A_691 = arith.constant 0 : i32
        %add3A_692 = arith.addi %mul3A_647, %add3A_691 : i32
        %get3A_693 = arith.index_cast %add3A_692 : i32 to index
        %get3A_694 = arith.constant 64 : index
        %get3A_695 = tpu.vector_load %arg8[%get3A_693, %get3A_694] {strides = array<i32>} : memref<120x128xi32, #tpu.memory_space<vmem>>, vector<16xi32>,
        %bitcast3A_696 = vector.bitcast %get3A_695 : vector<16xi32> to vector<32xbf16>
        %add3A_697 = arith.constant 1 : i32
        %add3A_698 = arith.addi %mul3A_647, %add3A_697 : i32
        %get3A_699 = arith.index_cast %add3A_698 : i32 to index
        %get3A_700 = arith.constant 64 : index
        %get3A_701 = tpu.vector_load %arg8[%get3A_699, %get3A_700] {strides = array<i32>} : memref<120x128xi32, #tpu.memory_space<vmem>>, vector<16xi32>,
        %bitcast3A_702 = vector.bitcast %get3A_701 : vector<16xi32> to vector<32xbf16>
        %add3A_703 = arith.constant 2 : i32
        %add3A_704 = arith.addi %mul3A_647, %add3A_703 : i32
        %get3A_705 = arith.index_cast %add3A_704 : i32 to index
        %get3A_706 = arith.constant 64 : index
        %get3A_707 = tpu.vector_load %arg8[%get3A_705, %get3A_706] {strides = array<i32>} : memref<120x128xi32, #tpu.memory_space<vmem>>, vector<16xi32>,
        %bitcast3A_708 = vector.bitcast %get3A_707 : vector<16xi32> to vector<32xbf16>
        %add3A_709 = arith.constant 3 : i32
        %add3A_710 = arith.addi %mul3A_647, %add3A_709 : i32
        %get3A_711 = arith.index_cast %add3A_710 : i32 to index
        %get3A_712 = arith.constant 64 : index
        %get3A_713 = tpu.vector_load %arg8[%get3A_711, %get3A_712] {strides = array<i32>} : memref<120x128xi32, #tpu.memory_space<vmem>>, vector<16xi32>,
        %bitcast3A_714 = vector.bitcast %get3A_713 : vector<16xi32> to vector<32xbf16>
        %add3A_715 = arith.constant 4 : i32
        %add3A_716 = arith.addi %mul3A_647, %add3A_715 : i32
        %get3A_717 = arith.index_cast %add3A_716 : i32 to index
        %get3A_718 = arith.constant 64 : index
        %get3A_719 = tpu.vector_load %arg8[%get3A_717, %get3A_718] {strides = array<i32>} : memref<120x128xi32, #tpu.memory_space<vmem>>, vector<16xi32>,
        %bitcast3A_720 = vector.bitcast %get3A_719 : vector<16xi32> to vector<32xbf16>
        %add3A_721 = arith.constant 5 : i32
        %add3A_722 = arith.addi %mul3A_647, %add3A_721 : i32
        %get3A_723 = arith.index_cast %add3A_722 : i32 to index
        %get3A_724 = arith.constant 64 : index
        %get3A_725 = tpu.vector_load %arg8[%get3A_723, %get3A_724] {strides = array<i32>} : memref<120x128xi32, #tpu.memory_space<vmem>>, vector<16xi32>,
        %bitcast3A_726 = vector.bitcast %get3A_725 : vector<16xi32> to vector<32xbf16>
        %mul3A_727 = arith.mulf %bitcast3A_654, %bitcast3A_696 : vector<32xbf16>
        %add3A_728 = arith.constant 1.000000e+00 : bf16
        %add3A_729 = vector.broadcast %add3A_728 : bf16 to vector<32xbf16>
        %add3A_730 = arith.addf %add3A_729, %mul3A_727 : vector<32xbf16>
        %div3A_731 = arith.divf %bitcast3A_660, %add3A_730 : vector<32xbf16>
        %mul3A_732 = arith.mulf %bitcast3A_654, %bitcast3A_702 : vector<32xbf16>
        %add3A_733 = arith.constant 1.000000e+00 : bf16
        %add3A_734 = vector.broadcast %add3A_733 : bf16 to vector<32xbf16>
        %add3A_735 = arith.addf %add3A_734, %mul3A_732 : vector<32xbf16>
        %div3A_736 = arith.divf %bitcast3A_666, %add3A_735 : vector<32xbf16>
        %mul3A_737 = arith.mulf %bitcast3A_654, %bitcast3A_708 : vector<32xbf16>
        %add3A_738 = arith.constant 1.000000e+00 : bf16
        %add3A_739 = vector.broadcast %add3A_738 : bf16 to vector<32xbf16>
        %add3A_740 = arith.addf %add3A_739, %mul3A_737 : vector<32xbf16>
        %div3A_741 = arith.divf %bitcast3A_672, %add3A_740 : vector<32xbf16>
        %mul3A_742 = arith.mulf %bitcast3A_654, %bitcast3A_714 : vector<32xbf16>
        %add3A_743 = arith.constant 1.000000e+00 : bf16
        %add3A_744 = vector.broadcast %add3A_743 : bf16 to vector<32xbf16>
        %add3A_745 = arith.addf %add3A_744, %mul3A_742 : vector<32xbf16>
        %div3A_746 = arith.divf %bitcast3A_678, %add3A_745 : vector<32xbf16>
        %mul3A_747 = arith.mulf %bitcast3A_654, %bitcast3A_720 : vector<32xbf16>
        %add3A_748 = arith.constant 1.000000e+00 : bf16
        %add3A_749 = vector.broadcast %add3A_748 : bf16 to vector<32xbf16>
        %add3A_750 = arith.addf %add3A_749, %mul3A_747 : vector<32xbf16>
        %div3A_751 = arith.divf %bitcast3A_684, %add3A_750 : vector<32xbf16>
        %mul3A_752 = arith.mulf %bitcast3A_654, %bitcast3A_726 : vector<32xbf16>
        %add3A_753 = arith.constant 1.000000e+00 : bf16
        %add3A_754 = vector.broadcast %add3A_753 : bf16 to vector<32xbf16>
        %add3A_755 = arith.addf %add3A_754, %mul3A_752 : vector<32xbf16>
        %div3A_756 = arith.divf %bitcast3A_690, %add3A_755 : vector<32xbf16>
        %add3A_757 = arith.addf %bitcast3A_660, %bitcast3A_666 : vector<32xbf16>
        %add3A_758 = arith.addf %bitcast3A_672, %bitcast3A_678 : vector<32xbf16>
        %add3A_759 = arith.addf %add3A_757, %add3A_758 : vector<32xbf16>
        %add3A_760 = arith.addf %bitcast3A_684, %bitcast3A_690 : vector<32xbf16>
        %add3A_761 = arith.addf %add3A_759, %add3A_760 : vector<32xbf16>
        %add3A_762 = arith.addf %div3A_731, %div3A_736 : vector<32xbf16>
        %add3A_763 = arith.addf %div3A_741, %div3A_746 : vector<32xbf16>
        %add3A_764 = arith.addf %add3A_762, %add3A_763 : vector<32xbf16>
        %add3A_765 = arith.addf %div3A_751, %div3A_756 : vector<32xbf16>
        %add3A_766 = arith.addf %add3A_764, %add3A_765 : vector<32xbf16>
        %mul3A_767 = arith.constant 128 : i32
        %mul3A_768 = arith.muli %add3A_645, %mul3A_767 : i32
        %add3A_769 = arith.constant 0 : i32
        %add3A_770 = arith.addi %mul3A_768, %add3A_769 : i32
        %bitcast3A_771 = vector.bitcast %add3A_761 : vector<32xbf16> to vector<16xi32>
        %swap3A_772 = arith.index_cast %add3A_770 : i32 to index
        %swap3A_773 = tpu.vector_load %arg12[%swap3A_772] {strides = array<i32>} : memref<2560xi32, #tpu.memory_space<vmem>>, vector<16xi32>,
        tpu.vector_store %arg12[%swap3A_772], %bitcast3A_771 {strides = array<i32>} : memref<2560xi32, #tpu.memory_space<vmem>>, vector<16xi32>,
        %bitcast3A_774 = vector.bitcast %add3A_766 : vector<32xbf16> to vector<16xi32>
        %add3A_775 = arith.constant 64 : i32
        %add3A_776 = arith.addi %add3A_770, %add3A_775 : i32
        %swap3A_777 = arith.index_cast %add3A_776 : i32 to index
        %swap3A_778 = tpu.vector_load %arg12[%swap3A_777] {strides = array<i32>} : memref<2560xi32, #tpu.memory_space<vmem>>, vector<16xi32>,
        tpu.vector_store %arg12[%swap3A_777], %bitcast3A_774 {strides = array<i32>} : memref<2560xi32, #tpu.memory_space<vmem>>, vector<16xi32>,
        %mul3A_779 = arith.constant 64 : i32
        %mul3A_780 = arith.muli %add3A_645, %mul3A_779 : i32
        %add3A_781 = arith.constant 16 : i32
        %add3A_782 = arith.addi %mul3A_780, %add3A_781 : i32
        %get3A_783 = arith.index_cast %add3A_782 : i32 to index
        %get3A_784 = tpu.vector_load %arg10[%get3A_783] {strides = array<i32>} : memref<1280xi32, #tpu.memory_space<vmem>>, vector<16xi32>,
        %bitcast3A_785 = vector.bitcast %get3A_784 : vector<16xi32> to vector<32xbf16>
        %add3A_786 = arith.constant 0 : i32
        %add3A_787 = arith.addi %mul3A_647, %add3A_786 : i32
        %get3A_788 = arith.index_cast %add3A_787 : i32 to index
        %get3A_789 = arith.constant 16 : index
        %get3A_790 = tpu.vector_load %arg8[%get3A_788, %get3A_789] {strides = array<i32>} : memref<120x128xi32, #tpu.memory_space<vmem>>, vector<16xi32>,
        %bitcast3A_791 = vector.bitcast %get3A_790 : vector<16xi32> to vector<32xbf16>
        %add3A_792 = arith.constant 1 : i32
        %add3A_793 = arith.addi %mul3A_647, %add3A_792 : i32
        %get3A_794 = arith.index_cast %add3A_793 : i32 to index
        %get3A_795 = arith.constant 16 : index
        %get3A_796 = tpu.vector_load %arg8[%get3A_794, %get3A_795] {strides = array<i32>} : memref<120x128xi32, #tpu.memory_space<vmem>>, vector<16xi32>,
        %bitcast3A_797 = vector.bitcast %get3A_796 : vector<16xi32> to vector<32xbf16>
        %add3A_798 = arith.constant 2 : i32
        %add3A_799 = arith.addi %mul3A_647, %add3A_798 : i32
        %get3A_800 = arith.index_cast %add3A_799 : i32 to index
        %get3A_801 = arith.constant 16 : index
        %get3A_802 = tpu.vector_load %arg8[%get3A_800, %get3A_801] {strides = array<i32>} : memref<120x128xi32, #tpu.memory_space<vmem>>, vector<16xi32>,
        %bitcast3A_803 = vector.bitcast %get3A_802 : vector<16xi32> to vector<32xbf16>
        %add3A_804 = arith.constant 3 : i32
        %add3A_805 = arith.addi %mul3A_647, %add3A_804 : i32
        %get3A_806 = arith.index_cast %add3A_805 : i32 to index
        %get3A_807 = arith.constant 16 : index
        %get3A_808 = tpu.vector_load %arg8[%get3A_806, %get3A_807] {strides = array<i32>} : memref<120x128xi32, #tpu.memory_space<vmem>>, vector<16xi32>,
        %bitcast3A_809 = vector.bitcast %get3A_808 : vector<16xi32> to vector<32xbf16>
        %add3A_810 = arith.constant 4 : i32
        %add3A_811 = arith.addi %mul3A_647, %add3A_810 : i32
        %get3A_812 = arith.index_cast %add3A_811 : i32 to index
        %get3A_813 = arith.constant 16 : index
        %get3A_814 = tpu.vector_load %arg8[%get3A_812, %get3A_813] {strides = array<i32>} : memref<120x128xi32, #tpu.memory_space<vmem>>, vector<16xi32>,
        %bitcast3A_815 = vector.bitcast %get3A_814 : vector<16xi32> to vector<32xbf16>
        %add3A_816 = arith.constant 5 : i32
        %add3A_817 = arith.addi %mul3A_647, %add3A_816 : i32
        %get3A_818 = arith.index_cast %add3A_817 : i32 to index
        %get3A_819 = arith.constant 16 : index
        %get3A_820 = tpu.vector_load %arg8[%get3A_818, %get3A_819] {strides = array<i32>} : memref<120x128xi32, #tpu.memory_space<vmem>>, vector<16xi32>,
        %bitcast3A_821 = vector.bitcast %get3A_820 : vector<16xi32> to vector<32xbf16>
        %add3A_822 = arith.constant 0 : i32
        %add3A_823 = arith.addi %mul3A_647, %add3A_822 : i32
        %get3A_824 = arith.index_cast %add3A_823 : i32 to index
        %get3A_825 = arith.constant 80 : index
        %get3A_826 = tpu.vector_load %arg8[%get3A_824, %get3A_825] {strides = array<i32>} : memref<120x128xi32, #tpu.memory_space<vmem>>, vector<16xi32>,
        %bitcast3A_827 = vector.bitcast %get3A_826 : vector<16xi32> to vector<32xbf16>
        %add3A_828 = arith.constant 1 : i32
        %add3A_829 = arith.addi %mul3A_647, %add3A_828 : i32
        %get3A_830 = arith.index_cast %add3A_829 : i32 to index
        %get3A_831 = arith.constant 80 : index
        %get3A_832 = tpu.vector_load %arg8[%get3A_830, %get3A_831] {strides = array<i32>} : memref<120x128xi32, #tpu.memory_space<vmem>>, vector<16xi32>,
        %bitcast3A_833 = vector.bitcast %get3A_832 : vector<16xi32> to vector<32xbf16>
        %add3A_834 = arith.constant 2 : i32
        %add3A_835 = arith.addi %mul3A_647, %add3A_834 : i32
        %get3A_836 = arith.index_cast %add3A_835 : i32 to index
        %get3A_837 = arith.constant 80 : index
        %get3A_838 = tpu.vector_load %arg8[%get3A_836, %get3A_837] {strides = array<i32>} : memref<120x128xi32, #tpu.memory_space<vmem>>, vector<16xi32>,
        %bitcast3A_839 = vector.bitcast %get3A_838 : vector<16xi32> to vector<32xbf16>
        %add3A_840 = arith.constant 3 : i32
        %add3A_841 = arith.addi %mul3A_647, %add3A_840 : i32
        %get3A_842 = arith.index_cast %add3A_841 : i32 to index
        %get3A_843 = arith.constant 80 : index
        %get3A_844 = tpu.vector_load %arg8[%get3A_842, %get3A_843] {strides = array<i32>} : memref<120x128xi32, #tpu.memory_space<vmem>>, vector<16xi32>,
        %bitcast3A_845 = vector.bitcast %get3A_844 : vector<16xi32> to vector<32xbf16>
        %add3A_846 = arith.constant 4 : i32
        %add3A_847 = arith.addi %mul3A_647, %add3A_846 : i32
        %get3A_848 = arith.index_cast %add3A_847 : i32 to index
        %get3A_849 = arith.constant 80 : index
        %get3A_850 = tpu.vector_load %arg8[%get3A_848, %get3A_849] {strides = array<i32>} : memref<120x128xi32, #tpu.memory_space<vmem>>, vector<16xi32>,
        %bitcast3A_851 = vector.bitcast %get3A_850 : vector<16xi32> to vector<32xbf16>
        %add3A_852 = arith.constant 5 : i32
        %add3A_853 = arith.addi %mul3A_647, %add3A_852 : i32
        %get3A_854 = arith.index_cast %add3A_853 : i32 to index
        %get3A_855 = arith.constant 80 : index
        %get3A_856 = tpu.vector_load %arg8[%get3A_854, %get3A_855] {strides = array<i32>} : memref<120x128xi32, #tpu.memory_space<vmem>>, vector<16xi32>,
        %bitcast3A_857 = vector.bitcast %get3A_856 : vector<16xi32> to vector<32xbf16>
        %mul3A_858 = arith.mulf %bitcast3A_785, %bitcast3A_827 : vector<32xbf16>
        %add3A_859 = arith.constant 1.000000e+00 : bf16
        %add3A_860 = vector.broadcast %add3A_859 : bf16 to vector<32xbf16>
        %add3A_861 = arith.addf %add3A_860, %mul3A_858 : vector<32xbf16>
        %div3A_862 = arith.divf %bitcast3A_791, %add3A_861 : vector<32xbf16>
        %mul3A_863 = arith.mulf %bitcast3A_785, %bitcast3A_833 : vector<32xbf16>
        %add3A_864 = arith.constant 1.000000e+00 : bf16
        %add3A_865 = vector.broadcast %add3A_864 : bf16 to vector<32xbf16>
        %add3A_866 = arith.addf %add3A_865, %mul3A_863 : vector<32xbf16>
        %div3A_867 = arith.divf %bitcast3A_797, %add3A_866 : vector<32xbf16>
        %mul3A_868 = arith.mulf %bitcast3A_785, %bitcast3A_839 : vector<32xbf16>
        %add3A_869 = arith.constant 1.000000e+00 : bf16
        %add3A_870 = vector.broadcast %add3A_869 : bf16 to vector<32xbf16>
        %add3A_871 = arith.addf %add3A_870, %mul3A_868 : vector<32xbf16>
        %div3A_872 = arith.divf %bitcast3A_803, %add3A_871 : vector<32xbf16>
        %mul3A_873 = arith.mulf %bitcast3A_785, %bitcast3A_845 : vector<32xbf16>
        %add3A_874 = arith.constant 1.000000e+00 : bf16
        %add3A_875 = vector.broadcast %add3A_874 : bf16 to vector<32xbf16>
        %add3A_876 = arith.addf %add3A_875, %mul3A_873 : vector<32xbf16>
        %div3A_877 = arith.divf %bitcast3A_809, %add3A_876 : vector<32xbf16>
        %mul3A_878 = arith.mulf %bitcast3A_785, %bitcast3A_851 : vector<32xbf16>
        %add3A_879 = arith.constant 1.000000e+00 : bf16
        %add3A_880 = vector.broadcast %add3A_879 : bf16 to vector<32xbf16>
        %add3A_881 = arith.addf %add3A_880, %mul3A_878 : vector<32xbf16>
        %div3A_882 = arith.divf %bitcast3A_815, %add3A_881 : vector<32xbf16>
        %mul3A_883 = arith.mulf %bitcast3A_785, %bitcast3A_857 : vector<32xbf16>
        %add3A_884 = arith.constant 1.000000e+00 : bf16
        %add3A_885 = vector.broadcast %add3A_884 : bf16 to vector<32xbf16>
        %add3A_886 = arith.addf %add3A_885, %mul3A_883 : vector<32xbf16>
        %div3A_887 = arith.divf %bitcast3A_821, %add3A_886 : vector<32xbf16>
        %add3A_888 = arith.addf %bitcast3A_791, %bitcast3A_797 : vector<32xbf16>
        %add3A_889 = arith.addf %bitcast3A_803, %bitcast3A_809 : vector<32xbf16>
        %add3A_890 = arith.addf %add3A_888, %add3A_889 : vector<32xbf16>
        %add3A_891 = arith.addf %bitcast3A_815, %bitcast3A_821 : vector<32xbf16>
        %add3A_892 = arith.addf %add3A_890, %add3A_891 : vector<32xbf16>
        %add3A_893 = arith.addf %div3A_862, %div3A_867 : vector<32xbf16>
        %add3A_894 = arith.addf %div3A_872, %div3A_877 : vector<32xbf16>
        %add3A_895 = arith.addf %add3A_893, %add3A_894 : vector<32xbf16>
        %add3A_896 = arith.addf %div3A_882, %div3A_887 : vector<32xbf16>
        %add3A_897 = arith.addf %add3A_895, %add3A_896 : vector<32xbf16>
        %mul3A_898 = arith.constant 128 : i32
        %mul3A_899 = arith.muli %add3A_645, %mul3A_898 : i32
        %add3A_900 = arith.constant 16 : i32
        %add3A_901 = arith.addi %mul3A_899, %add3A_900 : i32
        %bitcast3A_902 = vector.bitcast %add3A_892 : vector<32xbf16> to vector<16xi32>
        %swap3A_903 = arith.index_cast %add3A_901 : i32 to index
        %swap3A_904 = tpu.vector_load %arg12[%swap3A_903] {strides = array<i32>} : memref<2560xi32, #tpu.memory_space<vmem>>, vector<16xi32>,
        tpu.vector_store %arg12[%swap3A_903], %bitcast3A_902 {strides = array<i32>} : memref<2560xi32, #tpu.memory_space<vmem>>, vector<16xi32>,
        %bitcast3A_905 = vector.bitcast %add3A_897 : vector<32xbf16> to vector<16xi32>
        %add3A_906 = arith.constant 64 : i32
        %add3A_907 = arith.addi %add3A_901, %add3A_906 : i32
        %swap3A_908 = arith.index_cast %add3A_907 : i32 to index
        %swap3A_909 = tpu.vector_load %arg12[%swap3A_908] {strides = array<i32>} : memref<2560xi32, #tpu.memory_space<vmem>>, vector<16xi32>,
        tpu.vector_store %arg12[%swap3A_908], %bitcast3A_905 {strides = array<i32>} : memref<2560xi32, #tpu.memory_space<vmem>>, vector<16xi32>,
        %mul3A_910 = arith.constant 64 : i32
        %mul3A_911 = arith.muli %add3A_645, %mul3A_910 : i32
        %add3A_912 = arith.constant 32 : i32
        %add3A_913 = arith.addi %mul3A_911, %add3A_912 : i32
        %get3A_914 = arith.index_cast %add3A_913 : i32 to index
        %get3A_915 = tpu.vector_load %arg10[%get3A_914] {strides = array<i32>} : memref<1280xi32, #tpu.memory_space<vmem>>, vector<16xi32>,
        %bitcast3A_916 = vector.bitcast %get3A_915 : vector<16xi32> to vector<32xbf16>
        %add3A_917 = arith.constant 0 : i32
        %add3A_918 = arith.addi %mul3A_647, %add3A_917 : i32
        %get3A_919 = arith.index_cast %add3A_918 : i32 to index
        %get3A_920 = arith.constant 32 : index
        %get3A_921 = tpu.vector_load %arg8[%get3A_919, %get3A_920] {strides = array<i32>} : memref<120x128xi32, #tpu.memory_space<vmem>>, vector<16xi32>,
        %bitcast3A_922 = vector.bitcast %get3A_921 : vector<16xi32> to vector<32xbf16>
        %add3A_923 = arith.constant 1 : i32
        %add3A_924 = arith.addi %mul3A_647, %add3A_923 : i32
        %get3A_925 = arith.index_cast %add3A_924 : i32 to index
        %get3A_926 = arith.constant 32 : index
        %get3A_927 = tpu.vector_load %arg8[%get3A_925, %get3A_926] {strides = array<i32>} : memref<120x128xi32, #tpu.memory_space<vmem>>, vector<16xi32>,
        %bitcast3A_928 = vector.bitcast %get3A_927 : vector<16xi32> to vector<32xbf16>
        %add3A_929 = arith.constant 2 : i32
        %add3A_930 = arith.addi %mul3A_647, %add3A_929 : i32
        %get3A_931 = arith.index_cast %add3A_930 : i32 to index
        %get3A_932 = arith.constant 32 : index
        %get3A_933 = tpu.vector_load %arg8[%get3A_931, %get3A_932] {strides = array<i32>} : memref<120x128xi32, #tpu.memory_space<vmem>>, vector<16xi32>,
        %bitcast3A_934 = vector.bitcast %get3A_933 : vector<16xi32> to vector<32xbf16>
        %add3A_935 = arith.constant 3 : i32
        %add3A_936 = arith.addi %mul3A_647, %add3A_935 : i32
        %get3A_937 = arith.index_cast %add3A_936 : i32 to index
        %get3A_938 = arith.constant 32 : index
        %get3A_939 = tpu.vector_load %arg8[%get3A_937, %get3A_938] {strides = array<i32>} : memref<120x128xi32, #tpu.memory_space<vmem>>, vector<16xi32>,
        %bitcast3A_940 = vector.bitcast %get3A_939 : vector<16xi32> to vector<32xbf16>
        %add3A_941 = arith.constant 4 : i32
        %add3A_942 = arith.addi %mul3A_647, %add3A_941 : i32
        %get3A_943 = arith.index_cast %add3A_942 : i32 to index
        %get3A_944 = arith.constant 32 : index
        %get3A_945 = tpu.vector_load %arg8[%get3A_943, %get3A_944] {strides = array<i32>} : memref<120x128xi32, #tpu.memory_space<vmem>>, vector<16xi32>,
        %bitcast3A_946 = vector.bitcast %get3A_945 : vector<16xi32> to vector<32xbf16>
        %add3A_947 = arith.constant 5 : i32
        %add3A_948 = arith.addi %mul3A_647, %add3A_947 : i32
        %get3A_949 = arith.index_cast %add3A_948 : i32 to index
        %get3A_950 = arith.constant 32 : index
        %get3A_951 = tpu.vector_load %arg8[%get3A_949, %get3A_950] {strides = array<i32>} : memref<120x128xi32, #tpu.memory_space<vmem>>, vector<16xi32>,
        %bitcast3A_952 = vector.bitcast %get3A_951 : vector<16xi32> to vector<32xbf16>
        %add3A_953 = arith.constant 0 : i32
        %add3A_954 = arith.addi %mul3A_647, %add3A_953 : i32
        %get3A_955 = arith.index_cast %add3A_954 : i32 to index
        %get3A_956 = arith.constant 96 : index
        %get3A_957 = tpu.vector_load %arg8[%get3A_955, %get3A_956] {strides = array<i32>} : memref<120x128xi32, #tpu.memory_space<vmem>>, vector<16xi32>,
        %bitcast3A_958 = vector.bitcast %get3A_957 : vector<16xi32> to vector<32xbf16>
        %add3A_959 = arith.constant 1 : i32
        %add3A_960 = arith.addi %mul3A_647, %add3A_959 : i32
        %get3A_961 = arith.index_cast %add3A_960 : i32 to index
        %get3A_962 = arith.constant 96 : index
        %get3A_963 = tpu.vector_load %arg8[%get3A_961, %get3A_962] {strides = array<i32>} : memref<120x128xi32, #tpu.memory_space<vmem>>, vector<16xi32>,
        %bitcast3A_964 = vector.bitcast %get3A_963 : vector<16xi32> to vector<32xbf16>
        %add3A_965 = arith.constant 2 : i32
        %add3A_966 = arith.addi %mul3A_647, %add3A_965 : i32
        %get3A_967 = arith.index_cast %add3A_966 : i32 to index
        %get3A_968 = arith.constant 96 : index
        %get3A_969 = tpu.vector_load %arg8[%get3A_967, %get3A_968] {strides = array<i32>} : memref<120x128xi32, #tpu.memory_space<vmem>>, vector<16xi32>,
        %bitcast3A_970 = vector.bitcast %get3A_969 : vector<16xi32> to vector<32xbf16>
        %add3A_971 = arith.constant 3 : i32
        %add3A_972 = arith.addi %mul3A_647, %add3A_971 : i32
        %get3A_973 = arith.index_cast %add3A_972 : i32 to index
        %get3A_974 = arith.constant 96 : index
        %get3A_975 = tpu.vector_load %arg8[%get3A_973, %get3A_974] {strides = array<i32>} : memref<120x128xi32, #tpu.memory_space<vmem>>, vector<16xi32>,
        %bitcast3A_976 = vector.bitcast %get3A_975 : vector<16xi32> to vector<32xbf16>
        %add3A_977 = arith.constant 4 : i32
        %add3A_978 = arith.addi %mul3A_647, %add3A_977 : i32
        %get3A_979 = arith.index_cast %add3A_978 : i32 to index
        %get3A_980 = arith.constant 96 : index
        %get3A_981 = tpu.vector_load %arg8[%get3A_979, %get3A_980] {strides = array<i32>} : memref<120x128xi32, #tpu.memory_space<vmem>>, vector<16xi32>,
        %bitcast3A_982 = vector.bitcast %get3A_981 : vector<16xi32> to vector<32xbf16>
        %add3A_983 = arith.constant 5 : i32
        %add3A_984 = arith.addi %mul3A_647, %add3A_983 : i32
        %get3A_985 = arith.index_cast %add3A_984 : i32 to index
        %get3A_986 = arith.constant 96 : index
        %get3A_987 = tpu.vector_load %arg8[%get3A_985, %get3A_986] {strides = array<i32>} : memref<120x128xi32, #tpu.memory_space<vmem>>, vector<16xi32>,
        %bitcast3A_988 = vector.bitcast %get3A_987 : vector<16xi32> to vector<32xbf16>
        %mul3A_989 = arith.mulf %bitcast3A_916, %bitcast3A_958 : vector<32xbf16>
        %add3A_990 = arith.constant 1.000000e+00 : bf16
        %add3A_991 = vector.broadcast %add3A_990 : bf16 to vector<32xbf16>
        %add3A_992 = arith.addf %add3A_991, %mul3A_989 : vector<32xbf16>
        %div3A_993 = arith.divf %bitcast3A_922, %add3A_992 : vector<32xbf16>
        %mul3A_994 = arith.mulf %bitcast3A_916, %bitcast3A_964 : vector<32xbf16>
        %add3A_995 = arith.constant 1.000000e+00 : bf16
        %add3A_996 = vector.broadcast %add3A_995 : bf16 to vector<32xbf16>
        %add3A_997 = arith.addf %add3A_996, %mul3A_994 : vector<32xbf16>
        %div3A_998 = arith.divf %bitcast3A_928, %add3A_997 : vector<32xbf16>
        %mul3A_999 = arith.mulf %bitcast3A_916, %bitcast3A_970 : vector<32xbf16>
        %add3A_1000 = arith.constant 1.000000e+00 : bf16
        %add3A_1001 = vector.broadcast %add3A_1000 : bf16 to vector<32xbf16>
        %add3A_1002 = arith.addf %add3A_1001, %mul3A_999 : vector<32xbf16>
        %div3A_1003 = arith.divf %bitcast3A_934, %add3A_1002 : vector<32xbf16>
        %mul3A_1004 = arith.mulf %bitcast3A_916, %bitcast3A_976 : vector<32xbf16>
        %add3A_1005 = arith.constant 1.000000e+00 : bf16
        %add3A_1006 = vector.broadcast %add3A_1005 : bf16 to vector<32xbf16>
        %add3A_1007 = arith.addf %add3A_1006, %mul3A_1004 : vector<32xbf16>
        %div3A_1008 = arith.divf %bitcast3A_940, %add3A_1007 : vector<32xbf16>
        %mul3A_1009 = arith.mulf %bitcast3A_916, %bitcast3A_982 : vector<32xbf16>
        %add3A_1010 = arith.constant 1.000000e+00 : bf16
        %add3A_1011 = vector.broadcast %add3A_1010 : bf16 to vector<32xbf16>
        %add3A_1012 = arith.addf %add3A_1011, %mul3A_1009 : vector<32xbf16>
        %div3A_1013 = arith.divf %bitcast3A_946, %add3A_1012 : vector<32xbf16>
        %mul3A_1014 = arith.mulf %bitcast3A_916, %bitcast3A_988 : vector<32xbf16>
        %add3A_1015 = arith.constant 1.000000e+00 : bf16
        %add3A_1016 = vector.broadcast %add3A_1015 : bf16 to vector<32xbf16>
        %add3A_1017 = arith.addf %add3A_1016, %mul3A_1014 : vector<32xbf16>
        %div3A_1018 = arith.divf %bitcast3A_952, %add3A_1017 : vector<32xbf16>
        %add3A_1019 = arith.addf %bitcast3A_922, %bitcast3A_928 : vector<32xbf16>
        %add3A_1020 = arith.addf %bitcast3A_934, %bitcast3A_940 : vector<32xbf16>
        %add3A_1021 = arith.addf %add3A_1019, %add3A_1020 : vector<32xbf16>
        %add3A_1022 = arith.addf %bitcast3A_946, %bitcast3A_952 : vector<32xbf16>
        %add3A_1023 = arith.addf %add3A_1021, %add3A_1022 : vector<32xbf16>
        %add3A_1024 = arith.addf %div3A_993, %div3A_998 : vector<32xbf16>
        %add3A_1025 = arith.addf %div3A_1003, %div3A_1008 : vector<32xbf16>
        %add3A_1026 = arith.addf %add3A_1024, %add3A_1025 : vector<32xbf16>
        %add3A_1027 = arith.addf %div3A_1013, %div3A_1018 : vector<32xbf16>
        %add3A_1028 = arith.addf %add3A_1026, %add3A_1027 : vector<32xbf16>
        %mul3A_1029 = arith.constant 128 : i32
        %mul3A_1030 = arith.muli %add3A_645, %mul3A_1029 : i32
        %add3A_1031 = arith.constant 32 : i32
        %add3A_1032 = arith.addi %mul3A_1030, %add3A_1031 : i32
        %bitcast3A_1033 = vector.bitcast %add3A_1023 : vector<32xbf16> to vector<16xi32>
        %swap3A_1034 = arith.index_cast %add3A_1032 : i32 to index
        %swap3A_1035 = tpu.vector_load %arg12[%swap3A_1034] {strides = array<i32>} : memref<2560xi32, #tpu.memory_space<vmem>>, vector<16xi32>,
        tpu.vector_store %arg12[%swap3A_1034], %bitcast3A_1033 {strides = array<i32>} : memref<2560xi32, #tpu.memory_space<vmem>>, vector<16xi32>,
        %bitcast3A_1036 = vector.bitcast %add3A_1028 : vector<32xbf16> to vector<16xi32>
        %add3A_1037 = arith.constant 64 : i32
        %add3A_1038 = arith.addi %add3A_1032, %add3A_1037 : i32
        %swap3A_1039 = arith.index_cast %add3A_1038 : i32 to index
        %swap3A_1040 = tpu.vector_load %arg12[%swap3A_1039] {strides = array<i32>} : memref<2560xi32, #tpu.memory_space<vmem>>, vector<16xi32>,
        tpu.vector_store %arg12[%swap3A_1039], %bitcast3A_1036 {strides = array<i32>} : memref<2560xi32, #tpu.memory_space<vmem>>, vector<16xi32>,
        %mul3A_1041 = arith.constant 64 : i32
        %mul3A_1042 = arith.muli %add3A_645, %mul3A_1041 : i32
        %add3A_1043 = arith.constant 48 : i32
        %add3A_1044 = arith.addi %mul3A_1042, %add3A_1043 : i32
        %get3A_1045 = arith.index_cast %add3A_1044 : i32 to index
        %get3A_1046 = tpu.vector_load %arg10[%get3A_1045] {strides = array<i32>} : memref<1280xi32, #tpu.memory_space<vmem>>, vector<16xi32>,
        %bitcast3A_1047 = vector.bitcast %get3A_1046 : vector<16xi32> to vector<32xbf16>
        %add3A_1048 = arith.constant 0 : i32
        %add3A_1049 = arith.addi %mul3A_647, %add3A_1048 : i32
        %get3A_1050 = arith.index_cast %add3A_1049 : i32 to index
        %get3A_1051 = arith.constant 48 : index
        %get3A_1052 = tpu.vector_load %arg8[%get3A_1050, %get3A_1051] {strides = array<i32>} : memref<120x128xi32, #tpu.memory_space<vmem>>, vector<16xi32>,
        %bitcast3A_1053 = vector.bitcast %get3A_1052 : vector<16xi32> to vector<32xbf16>
        %add3A_1054 = arith.constant 1 : i32
        %add3A_1055 = arith.addi %mul3A_647, %add3A_1054 : i32
        %get3A_1056 = arith.index_cast %add3A_1055 : i32 to index
        %get3A_1057 = arith.constant 48 : index
        %get3A_1058 = tpu.vector_load %arg8[%get3A_1056, %get3A_1057] {strides = array<i32>} : memref<120x128xi32, #tpu.memory_space<vmem>>, vector<16xi32>,
        %bitcast3A_1059 = vector.bitcast %get3A_1058 : vector<16xi32> to vector<32xbf16>
        %add3A_1060 = arith.constant 2 : i32
        %add3A_1061 = arith.addi %mul3A_647, %add3A_1060 : i32
        %get3A_1062 = arith.index_cast %add3A_1061 : i32 to index
        %get3A_1063 = arith.constant 48 : index
        %get3A_1064 = tpu.vector_load %arg8[%get3A_1062, %get3A_1063] {strides = array<i32>} : memref<120x128xi32, #tpu.memory_space<vmem>>, vector<16xi32>,
        %bitcast3A_1065 = vector.bitcast %get3A_1064 : vector<16xi32> to vector<32xbf16>
        %add3A_1066 = arith.constant 3 : i32
        %add3A_1067 = arith.addi %mul3A_647, %add3A_1066 : i32
        %get3A_1068 = arith.index_cast %add3A_1067 : i32 to index
        %get3A_1069 = arith.constant 48 : index
        %get3A_1070 = tpu.vector_load %arg8[%get3A_1068, %get3A_1069] {strides = array<i32>} : memref<120x128xi32, #tpu.memory_space<vmem>>, vector<16xi32>,
        %bitcast3A_1071 = vector.bitcast %get3A_1070 : vector<16xi32> to vector<32xbf16>
        %add3A_1072 = arith.constant 4 : i32
        %add3A_1073 = arith.addi %mul3A_647, %add3A_1072 : i32
        %get3A_1074 = arith.index_cast %add3A_1073 : i32 to index
        %get3A_1075 = arith.constant 48 : index
        %get3A_1076 = tpu.vector_load %arg8[%get3A_1074, %get3A_1075] {strides = array<i32>} : memref<120x128xi32, #tpu.memory_space<vmem>>, vector<16xi32>,
        %bitcast3A_1077 = vector.bitcast %get3A_1076 : vector<16xi32> to vector<32xbf16>
        %add3A_1078 = arith.constant 5 : i32
        %add3A_1079 = arith.addi %mul3A_647, %add3A_1078 : i32
        %get3A_1080 = arith.index_cast %add3A_1079 : i32 to index
        %get3A_1081 = arith.constant 48 : index
        %get3A_1082 = tpu.vector_load %arg8[%get3A_1080, %get3A_1081] {strides = array<i32>} : memref<120x128xi32, #tpu.memory_space<vmem>>, vector<16xi32>,
        %bitcast3A_1083 = vector.bitcast %get3A_1082 : vector<16xi32> to vector<32xbf16>
        %add3A_1084 = arith.constant 0 : i32
        %add3A_1085 = arith.addi %mul3A_647, %add3A_1084 : i32
        %get3A_1086 = arith.index_cast %add3A_1085 : i32 to index
        %get3A_1087 = arith.constant 112 : index
        %get3A_1088 = tpu.vector_load %arg8[%get3A_1086, %get3A_1087] {strides = array<i32>} : memref<120x128xi32, #tpu.memory_space<vmem>>, vector<16xi32>,
        %bitcast3A_1089 = vector.bitcast %get3A_1088 : vector<16xi32> to vector<32xbf16>
        %add3A_1090 = arith.constant 1 : i32
        %add3A_1091 = arith.addi %mul3A_647, %add3A_1090 : i32
        %get3A_1092 = arith.index_cast %add3A_1091 : i32 to index
        %get3A_1093 = arith.constant 112 : index
        %get3A_1094 = tpu.vector_load %arg8[%get3A_1092, %get3A_1093] {strides = array<i32>} : memref<120x128xi32, #tpu.memory_space<vmem>>, vector<16xi32>,
        %bitcast3A_1095 = vector.bitcast %get3A_1094 : vector<16xi32> to vector<32xbf16>
        %add3A_1096 = arith.constant 2 : i32
        %add3A_1097 = arith.addi %mul3A_647, %add3A_1096 : i32
        %get3A_1098 = arith.index_cast %add3A_1097 : i32 to index
        %get3A_1099 = arith.constant 112 : index
        %get3A_1100 = tpu.vector_load %arg8[%get3A_1098, %get3A_1099] {strides = array<i32>} : memref<120x128xi32, #tpu.memory_space<vmem>>, vector<16xi32>,
        %bitcast3A_1101 = vector.bitcast %get3A_1100 : vector<16xi32> to vector<32xbf16>
        %add3A_1102 = arith.constant 3 : i32
        %add3A_1103 = arith.addi %mul3A_647, %add3A_1102 : i32
        %get3A_1104 = arith.index_cast %add3A_1103 : i32 to index
        %get3A_1105 = arith.constant 112 : index
        %get3A_1106 = tpu.vector_load %arg8[%get3A_1104, %get3A_1105] {strides = array<i32>} : memref<120x128xi32, #tpu.memory_space<vmem>>, vector<16xi32>,
        %bitcast3A_1107 = vector.bitcast %get3A_1106 : vector<16xi32> to vector<32xbf16>
        %add3A_1108 = arith.constant 4 : i32
        %add3A_1109 = arith.addi %mul3A_647, %add3A_1108 : i32
        %get3A_1110 = arith.index_cast %add3A_1109 : i32 to index
        %get3A_1111 = arith.constant 112 : index
        %get3A_1112 = tpu.vector_load %arg8[%get3A_1110, %get3A_1111] {strides = array<i32>} : memref<120x128xi32, #tpu.memory_space<vmem>>, vector<16xi32>,
        %bitcast3A_1113 = vector.bitcast %get3A_1112 : vector<16xi32> to vector<32xbf16>
        %add3A_1114 = arith.constant 5 : i32
        %add3A_1115 = arith.addi %mul3A_647, %add3A_1114 : i32
        %get3A_1116 = arith.index_cast %add3A_1115 : i32 to index
        %get3A_1117 = arith.constant 112 : index
        %get3A_1118 = tpu.vector_load %arg8[%get3A_1116, %get3A_1117] {strides = array<i32>} : memref<120x128xi32, #tpu.memory_space<vmem>>, vector<16xi32>,
        %bitcast3A_1119 = vector.bitcast %get3A_1118 : vector<16xi32> to vector<32xbf16>
        %mul3A_1120 = arith.mulf %bitcast3A_1047, %bitcast3A_1089 : vector<32xbf16>
        %add3A_1121 = arith.constant 1.000000e+00 : bf16
        %add3A_1122 = vector.broadcast %add3A_1121 : bf16 to vector<32xbf16>
        %add3A_1123 = arith.addf %add3A_1122, %mul3A_1120 : vector<32xbf16>
        %div3A_1124 = arith.divf %bitcast3A_1053, %add3A_1123 : vector<32xbf16>
        %mul3A_1125 = arith.mulf %bitcast3A_1047, %bitcast3A_1095 : vector<32xbf16>
        %add3A_1126 = arith.constant 1.000000e+00 : bf16
        %add3A_1127 = vector.broadcast %add3A_1126 : bf16 to vector<32xbf16>
        %add3A_1128 = arith.addf %add3A_1127, %mul3A_1125 : vector<32xbf16>
        %div3A_1129 = arith.divf %bitcast3A_1059, %add3A_1128 : vector<32xbf16>
        %mul3A_1130 = arith.mulf %bitcast3A_1047, %bitcast3A_1101 : vector<32xbf16>
        %add3A_1131 = arith.constant 1.000000e+00 : bf16
        %add3A_1132 = vector.broadcast %add3A_1131 : bf16 to vector<32xbf16>
        %add3A_1133 = arith.addf %add3A_1132, %mul3A_1130 : vector<32xbf16>
        %div3A_1134 = arith.divf %bitcast3A_1065, %add3A_1133 : vector<32xbf16>
        %mul3A_1135 = arith.mulf %bitcast3A_1047, %bitcast3A_1107 : vector<32xbf16>
        %add3A_1136 = arith.constant 1.000000e+00 : bf16
        %add3A_1137 = vector.broadcast %add3A_1136 : bf16 to vector<32xbf16>
        %add3A_1138 = arith.addf %add3A_1137, %mul3A_1135 : vector<32xbf16>
        %div3A_1139 = arith.divf %bitcast3A_1071, %add3A_1138 : vector<32xbf16>
        %mul3A_1140 = arith.mulf %bitcast3A_1047, %bitcast3A_1113 : vector<32xbf16>
        %add3A_1141 = arith.constant 1.000000e+00 : bf16
        %add3A_1142 = vector.broadcast %add3A_1141 : bf16 to vector<32xbf16>
        %add3A_1143 = arith.addf %add3A_1142, %mul3A_1140 : vector<32xbf16>
        %div3A_1144 = arith.divf %bitcast3A_1077, %add3A_1143 : vector<32xbf16>
        %mul3A_1145 = arith.mulf %bitcast3A_1047, %bitcast3A_1119 : vector<32xbf16>
        %add3A_1146 = arith.constant 1.000000e+00 : bf16
        %add3A_1147 = vector.broadcast %add3A_1146 : bf16 to vector<32xbf16>
        %add3A_1148 = arith.addf %add3A_1147, %mul3A_1145 : vector<32xbf16>
        %div3A_1149 = arith.divf %bitcast3A_1083, %add3A_1148 : vector<32xbf16>
        %add3A_1150 = arith.addf %bitcast3A_1053, %bitcast3A_1059 : vector<32xbf16>
        %add3A_1151 = arith.addf %bitcast3A_1065, %bitcast3A_1071 : vector<32xbf16>
        %add3A_1152 = arith.addf %add3A_1150, %add3A_1151 : vector<32xbf16>
        %add3A_1153 = arith.addf %bitcast3A_1077, %bitcast3A_1083 : vector<32xbf16>
        %add3A_1154 = arith.addf %add3A_1152, %add3A_1153 : vector<32xbf16>
        %add3A_1155 = arith.addf %div3A_1124, %div3A_1129 : vector<32xbf16>
        %add3A_1156 = arith.addf %div3A_1134, %div3A_1139 : vector<32xbf16>
        %add3A_1157 = arith.addf %add3A_1155, %add3A_1156 : vector<32xbf16>
        %add3A_1158 = arith.addf %div3A_1144, %div3A_1149 : vector<32xbf16>
        %add3A_1159 = arith.addf %add3A_1157, %add3A_1158 : vector<32xbf16>
        %mul3A_1160 = arith.constant 128 : i32
        %mul3A_1161 = arith.muli %add3A_645, %mul3A_1160 : i32
        %add3A_1162 = arith.constant 48 : i32
        %add3A_1163 = arith.addi %mul3A_1161, %add3A_1162 : i32
        %bitcast3A_1164 = vector.bitcast %add3A_1154 : vector<32xbf16> to vector<16xi32>
        %swap3A_1165 = arith.index_cast %add3A_1163 : i32 to index
        %swap3A_1166 = tpu.vector_load %arg12[%swap3A_1165] {strides = array<i32>} : memref<2560xi32, #tpu.memory_space<vmem>>, vector<16xi32>,
        tpu.vector_store %arg12[%swap3A_1165], %bitcast3A_1164 {strides = array<i32>} : memref<2560xi32, #tpu.memory_space<vmem>>, vector<16xi32>,
        %bitcast3A_1167 = vector.bitcast %add3A_1159 : vector<32xbf16> to vector<16xi32>
        %add3A_1168 = arith.constant 64 : i32
        %add3A_1169 = arith.addi %add3A_1163, %add3A_1168 : i32
        %swap3A_1170 = arith.index_cast %add3A_1169 : i32 to index
        %swap3A_1171 = tpu.vector_load %arg12[%swap3A_1170] {strides = array<i32>} : memref<2560xi32, #tpu.memory_space<vmem>>, vector<16xi32>,
        tpu.vector_store %arg12[%swap3A_1170], %bitcast3A_1167 {strides = array<i32>} : memref<2560xi32, #tpu.memory_space<vmem>>, vector<16xi32>,
      }
      %scan3A_102 = arith.constant 10 : i32
      %mul3A_103 = arith.constant 20 : i32
      %mul3A_104 = arith.muli %add3A_46, %mul3A_103 : i32
      %add3A_105 = arith.addi %mul3A_2, %mul3A_104 : i32
      %mul3A_106 = arith.constant 128 : i32
      %mul3A_107 = arith.muli %add3A_105, %mul3A_106 : i32
      %dma_start3A_108 = tpu.memref_slice %arg5[%mul3A_107] : memref<20480000xi32, #tpu.memory_space<hbm>> -> memref<2560xi32, #tpu.memory_space<hbm>>
      %dma_start3A_109 = tpu.memref_slice %arg5[%mul3A_107] : memref<20480000xi32, #tpu.memory_space<hbm>> -> memref<2560xi32, #tpu.memory_space<hbm>>
      tpu.enqueue_dma source(%arg12 : memref<2560xi32, #tpu.memory_space<vmem>>) target(%dma_start3A_109 : memref<2560xi32, #tpu.memory_space<hbm>>) target_semaphore(%arg18 : memref<!tpu.dma_semaphore, #tpu.memory_space<semaphore_mem>>)
      %lt3A_110 = arith.constant 124 : i32
      %lt3A_111 = arith.cmpi slt, %scan3A_42, %lt3A_110 : i32
      %convert_element_type3A_112 = arith.extui %lt3A_111 : i1 to i32
      %cond3A_113 = arith.constant 0 : i32
      %cond3A_114 = arith.cmpi ne, %convert_element_type3A_112, %cond3A_113 : i32
      scf.if %cond3A_114 {
        %add3A_115 = arith.constant 2 : i32
        %add3A_116 = arith.addi %add3A_46, %add3A_115 : i32
        %mul3A_117 = arith.constant 20 : i32
        %mul3A_118 = arith.muli %add3A_116, %mul3A_117 : i32
        %add3A_119 = arith.addi %mul3A_2, %mul3A_118 : i32
        %mul3A_120 = arith.constant 64 : i32
        %mul3A_121 = arith.muli %add3A_119, %mul3A_120 : i32
        %dma_start3A_122 = tpu.memref_slice %arg3[%mul3A_121] : memref<10240000xi32, #tpu.memory_space<hbm>> -> memref<1280xi32, #tpu.memory_space<hbm>>
        %dma_start3A_123 = tpu.memref_slice %arg3[%mul3A_121] : memref<10240000xi32, #tpu.memory_space<hbm>> -> memref<1280xi32, #tpu.memory_space<hbm>>
        tpu.enqueue_dma source(%dma_start3A_123 : memref<1280xi32, #tpu.memory_space<hbm>>) target(%arg10 : memref<1280xi32, #tpu.memory_space<vmem>>) target_semaphore(%arg16 : memref<!tpu.dma_semaphore, #tpu.memory_space<semaphore_mem>>)
        %mul3A_124 = arith.constant 120 : i32
        %mul3A_125 = arith.muli %add3A_116, %mul3A_124 : i32
        %dma_start3A_126 = tpu.memref_slice %arg6[%mul3A_125] : memref<30000xi32, #tpu.memory_space<vmem>> -> memref<120xi32, #tpu.memory_space<vmem>>
        %dma_start3A_127 = arith.constant 0 : i32
        %dma_start3A_128 = arith.constant 0 : i32
        %dma_start3A_129 = tpu.memref_slice %arg2[%dma_start3A_127, %dma_start3A_128] : memref<160000x128xi32, #tpu.memory_space<hbm>> -> memref<160000x128xi32, #tpu.memory_space<hbm>>
        tpu.enqueue_indirect_dma source(%dma_start3A_129 : memref<160000x128xi32, #tpu.memory_space<hbm>>) target(%arg8 : memref<120x128xi32, #tpu.memory_space<vmem>>) offsets(%dma_start3A_126 : memref<120xi32, #tpu.memory_space<vmem>>) semaphore(%arg14 : memref<!tpu.dma_semaphore, #tpu.memory_space<semaphore_mem>>)
      } else {
      }
    }
    %scan3A_30 = arith.constant 125 : i32
    %add3A_31 = arith.constant 4960 : i32
    %add3A_32 = arith.addi %mul3A_2, %add3A_31 : i32
    %mul3A_33 = arith.constant 128 : i32
    %mul3A_34 = arith.muli %add3A_32, %mul3A_33 : i32
    %dma_wait3A = tpu.memref_slice %arg5[%mul3A_34] : memref<20480000xi32, #tpu.memory_space<hbm>> -> memref<2560xi32, #tpu.memory_space<hbm>>
    %dma_wait3A_35 = tpu.memref_slice %arg5[%mul3A_34] : memref<20480000xi32, #tpu.memory_space<hbm>> -> memref<2560xi32, #tpu.memory_space<hbm>>
    tpu.wait_dma2 semaphore(%arg17 : memref<!tpu.dma_semaphore, #tpu.memory_space<semaphore_mem>>) src(%arg11 : memref<2560xi32, #tpu.memory_space<vmem>>) dst(%dma_wait3A_35 : memref<2560xi32, #tpu.memory_space<hbm>>)
    %add3A_36 = arith.constant 4980 : i32
    %add3A_37 = arith.addi %mul3A_2, %add3A_36 : i32
    %mul3A_38 = arith.constant 128 : i32
    %mul3A_39 = arith.muli %add3A_37, %mul3A_38 : i32
    %dma_wait3A_40 = tpu.memref_slice %arg5[%mul3A_39] : memref<20480000xi32, #tpu.memory_space<hbm>> -> memref<2560xi32, #tpu.memory_space<hbm>>
    %dma_wait3A_41 = tpu.memref_slice %arg5[%mul3A_39] : memref<20480000xi32, #tpu.memory_space<hbm>> -> memref<2560xi32, #tpu.memory_space<hbm>>
    tpu.wait_dma2 semaphore(%arg18 : memref<!tpu.dma_semaphore, #tpu.memory_space<semaphore_mem>>) src(%arg12 : memref<2560xi32, #tpu.memory_space<vmem>>) dst(%dma_wait3A_41 : memref<2560xi32, #tpu.memory_space<hbm>>)
    return
  }
}

module attributes {stable_mosaic.version = 14 : i64} {
  func.func @_pre_body(%arg0: i32, %arg1: memref<2000x128xf32, #tpu.memory_space<vmem>>, %arg2: memref<2000x128xf32, #tpu.memory_space<vmem>>, %arg3: memref<128x256xf32, #tpu.memory_space<vmem>>, %arg4: memref<128x128xf32, #tpu.memory_space<vmem>>, %arg5: memref<128x128xf32, #tpu.memory_space<vmem>>, %arg6: memref<1x128xf32, #tpu.memory_space<vmem>>, %arg7: memref<128x256xf32, #tpu.memory_space<vmem>>, %arg8: memref<2000x64xi32, #tpu.memory_space<vmem>>, %arg9: memref<2000x256xf32, #tpu.memory_space<vmem>>, %arg10: memref<2000x128xi32, #tpu.memory_space<vmem>>) attributes {dimension_semantics = [#tpu.dimension_semantics<arbitrary>], iteration_bounds = array<i64: 80>, scalar_prefetch = 0 : i64, scratch_operands = 0 : i64, tpu.core_type = #tpu.core_type<tc>, window_params = [{transform_indices = @transform_0, window_bounds = array<i64: 2000, 128>}, {transform_indices = @transform_1, window_bounds = array<i64: 2000, 128>}, {pipeline_mode = #tpu.pipeline_mode<synchronous>, transform_indices = @transform_2, window_bounds = array<i64: 128, 256>}, {pipeline_mode = #tpu.pipeline_mode<synchronous>, transform_indices = @transform_3, window_bounds = array<i64: 128, 128>}, {pipeline_mode = #tpu.pipeline_mode<synchronous>, transform_indices = @transform_4, window_bounds = array<i64: 128, 128>}, {pipeline_mode = #tpu.pipeline_mode<synchronous>, transform_indices = @transform_5, window_bounds = array<i64: 1, 128>}, {pipeline_mode = #tpu.pipeline_mode<synchronous>, transform_indices = @transform_6, window_bounds = array<i64: 128, 256>}, {transform_indices = @transform_7, window_bounds = array<i64: 2000, 64>}, {transform_indices = @transform_8, window_bounds = array<i64: 2000, 256>}, {transform_indices = @transform_9, window_bounds = array<i64: 2000, 128>}]} {
    %get3A = arith.constant 0 : index
    %get3A_0 = arith.constant 0 : index
    %get3A_1 = vector.load %arg1[%get3A, %get3A_0] : memref<2000x128xf32, #tpu.memory_space<vmem>>, vector<2000x128xf32>
    %get3A_2 = arith.constant 0 : index
    %get3A_3 = arith.constant 0 : index
    %get3A_4 = vector.load %arg2[%get3A_2, %get3A_3] : memref<2000x128xf32, #tpu.memory_space<vmem>>, vector<2000x128xf32>
    %get3A_5 = arith.constant 0 : index
    %get3A_6 = arith.constant 0 : index
    %get3A_7 = vector.load %arg3[%get3A_5, %get3A_6] : memref<128x256xf32, #tpu.memory_space<vmem>>, vector<128x256xf32>
    %get3A_8 = arith.constant 0 : index
    %get3A_9 = arith.constant 0 : index
    %get3A_10 = vector.load %arg7[%get3A_8, %get3A_9] : memref<128x256xf32, #tpu.memory_space<vmem>>, vector<128x256xf32>
    %get3A_11 = arith.constant 0 : index
    %get3A_12 = arith.constant 0 : index
    %get3A_13 = vector.load %arg4[%get3A_11, %get3A_12] : memref<128x128xf32, #tpu.memory_space<vmem>>, vector<128x128xf32>
    %dot_general3A = arith.constant dense<0.000000e+00> : vector<2000x128xf32>
    %dot_general3A_14 = tpu.matmul %get3A_1, %get3A_13, %dot_general3A {dimension_numbers = #tpu.dot_dimension_numbers<[1], [1], [0], [0], [0, 0, 1, 0], [], []>, transpose_lhs_hint = false} : vector<2000x128xf32>, vector<128x128xf32>, vector<2000x128xf32> -> vector<2000x128xf32>
    %neg3A = arith.constant 0.000000e+00 : f32
    %neg3A_15 = vector.broadcast %neg3A : f32 to vector<2000x128xf32>
    %neg3A_16 = arith.subf %neg3A_15, %dot_general3A_14 : vector<2000x128xf32>
    %min3A = arith.constant 2.000000e+01 : f32
    %min3A_17 = vector.broadcast %min3A : f32 to vector<2000x128xf32>
    %min3A_18 = arith.minimumf %neg3A_16, %min3A_17 : vector<2000x128xf32>
    %exp3A = math.exp %min3A_18 : vector<2000x128xf32>
    %slice3A = vector.extract_strided_slice %exp3A {offsets = [0, 0], sizes = [2000, 64], strides = [1, 1]} : vector<2000x128xf32> to vector<2000x64xf32>
    %convert_element_type3A = arith.truncf %slice3A : vector<2000x64xf32> to vector<2000x64xbf16>
    %convert_element_type3A_19 = arith.extf %convert_element_type3A : vector<2000x64xbf16> to vector<2000x64xf32>
    %slice3A_20 = vector.extract_strided_slice %exp3A {offsets = [0, 64], sizes = [2000, 64], strides = [1, 1]} : vector<2000x128xf32> to vector<2000x64xf32>
    %convert_element_type3A_21 = arith.truncf %slice3A_20 : vector<2000x64xf32> to vector<2000x64xbf16>
    %convert_element_type3A_22 = arith.extf %convert_element_type3A_21 : vector<2000x64xbf16> to vector<2000x64xf32>
    %pack_elementwise3A = tpu.pack_elementwise %convert_element_type3A_19, %convert_element_type3A_22 {target_type = bf16} : vector<2000x64xf32>, vector<2000x64xf32> -> vector<2000x64xi32>
    %swap3A = arith.constant 0 : index
    %swap3A_23 = arith.constant 0 : index
    %swap3A_24 = vector.load %arg8[%swap3A, %swap3A_23] : memref<2000x64xi32, #tpu.memory_space<vmem>>, vector<2000x64xi32>
    tpu.vector_store %arg8[%swap3A, %swap3A_23], %pack_elementwise3A {strides = array<i32>} : memref<2000x64xi32, #tpu.memory_space<vmem>>, vector<2000x64xi32>,
    %slice3A_25 = vector.extract_strided_slice %get3A_7 {offsets = [0, 0], sizes = [128, 128], strides = [1, 1]} : vector<128x256xf32> to vector<128x128xf32>
    %dot_general3A_26 = arith.constant dense<0.000000e+00> : vector<2000x128xf32>
    %dot_general3A_27 = tpu.matmul %get3A_1, %slice3A_25, %dot_general3A_26 {dimension_numbers = #tpu.dot_dimension_numbers<[1], [1], [0], [0], [0, 0, 1, 0], [], []>, transpose_lhs_hint = false} : vector<2000x128xf32>, vector<128x128xf32>, vector<2000x128xf32> -> vector<2000x128xf32>
    %slice3A_28 = vector.extract_strided_slice %get3A_10 {offsets = [0, 0], sizes = [128, 128], strides = [1, 1]} : vector<128x256xf32> to vector<128x128xf32>
    %dot_general3A_29 = arith.constant dense<0.000000e+00> : vector<2000x128xf32>
    %dot_general3A_30 = tpu.matmul %get3A_1, %slice3A_28, %dot_general3A_29 {dimension_numbers = #tpu.dot_dimension_numbers<[1], [1], [0], [0], [0, 0, 1, 0], [], []>, transpose_lhs_hint = false} : vector<2000x128xf32>, vector<128x128xf32>, vector<2000x128xf32> -> vector<2000x128xf32>
    %concatenate3A = tpu.concatenate %dot_general3A_27, %dot_general3A_30 in 1 : vector<2000x128xf32>, vector<2000x128xf32> -> vector<2000x256xf32>
    %swap3A_31 = arith.constant 0 : index
    %swap3A_32 = arith.constant 0 : index
    %swap3A_33 = vector.load %arg9[%swap3A_31, %swap3A_32] : memref<2000x256xf32, #tpu.memory_space<vmem>>, vector<2000x256xf32>
    tpu.vector_store %arg9[%swap3A_31, %swap3A_32], %concatenate3A {strides = array<i32>} : memref<2000x256xf32, #tpu.memory_space<vmem>>, vector<2000x256xf32>,
    %slice3A_34 = vector.extract_strided_slice %get3A_4 {offsets = [0, 0], sizes = [2000, 64], strides = [1, 1]} : vector<2000x128xf32> to vector<2000x64xf32>
    %convert_element_type3A_35 = arith.truncf %slice3A_34 : vector<2000x64xf32> to vector<2000x64xbf16>
    %convert_element_type3A_36 = arith.extf %convert_element_type3A_35 : vector<2000x64xbf16> to vector<2000x64xf32>
    %slice3A_37 = vector.extract_strided_slice %get3A_4 {offsets = [0, 64], sizes = [2000, 64], strides = [1, 1]} : vector<2000x128xf32> to vector<2000x64xf32>
    %convert_element_type3A_38 = arith.truncf %slice3A_37 : vector<2000x64xf32> to vector<2000x64xbf16>
    %convert_element_type3A_39 = arith.extf %convert_element_type3A_38 : vector<2000x64xbf16> to vector<2000x64xf32>
    %pack_elementwise3A_40 = tpu.pack_elementwise %convert_element_type3A_36, %convert_element_type3A_39 {target_type = bf16} : vector<2000x64xf32>, vector<2000x64xf32> -> vector<2000x64xi32>
    %get3A_41 = arith.constant 0 : index
    %get3A_42 = arith.constant 0 : index
    %get3A_43 = vector.load %arg5[%get3A_41, %get3A_42] : memref<128x128xf32, #tpu.memory_space<vmem>>, vector<128x128xf32>
    %dot_general3A_44 = arith.constant dense<0.000000e+00> : vector<2000x128xf32>
    %dot_general3A_45 = tpu.matmul %get3A_4, %get3A_43, %dot_general3A_44 {dimension_numbers = #tpu.dot_dimension_numbers<[1], [1], [0], [0], [0, 0, 1, 0], [], []>, transpose_lhs_hint = false} : vector<2000x128xf32>, vector<128x128xf32>, vector<2000x128xf32> -> vector<2000x128xf32>
    %get3A_46 = arith.constant 0 : index
    %get3A_47 = arith.constant 0 : index
    %get3A_48 = vector.load %arg6[%get3A_46, %get3A_47] : memref<1x128xf32, #tpu.memory_space<vmem>>, vector<1x128xf32>
    %add3A = vector.broadcast %get3A_48 : vector<1x128xf32> to vector<2000x128xf32>
    %add3A_49 = arith.addf %dot_general3A_45, %add3A : vector<2000x128xf32>
    %neg3A_50 = arith.constant 0.000000e+00 : f32
    %neg3A_51 = vector.broadcast %neg3A_50 : f32 to vector<2000x128xf32>
    %neg3A_52 = arith.subf %neg3A_51, %add3A_49 : vector<2000x128xf32>
    %min3A_53 = arith.constant 2.000000e+01 : f32
    %min3A_54 = vector.broadcast %min3A_53 : f32 to vector<2000x128xf32>
    %min3A_55 = arith.minimumf %neg3A_52, %min3A_54 : vector<2000x128xf32>
    %exp3A_56 = math.exp %min3A_55 : vector<2000x128xf32>
    %slice3A_57 = vector.extract_strided_slice %exp3A_56 {offsets = [0, 0], sizes = [2000, 64], strides = [1, 1]} : vector<2000x128xf32> to vector<2000x64xf32>
    %convert_element_type3A_58 = arith.truncf %slice3A_57 : vector<2000x64xf32> to vector<2000x64xbf16>
    %convert_element_type3A_59 = arith.extf %convert_element_type3A_58 : vector<2000x64xbf16> to vector<2000x64xf32>
    %slice3A_60 = vector.extract_strided_slice %exp3A_56 {offsets = [0, 64], sizes = [2000, 64], strides = [1, 1]} : vector<2000x128xf32> to vector<2000x64xf32>
    %convert_element_type3A_61 = arith.truncf %slice3A_60 : vector<2000x64xf32> to vector<2000x64xbf16>
    %convert_element_type3A_62 = arith.extf %convert_element_type3A_61 : vector<2000x64xbf16> to vector<2000x64xf32>
    %pack_elementwise3A_63 = tpu.pack_elementwise %convert_element_type3A_59, %convert_element_type3A_62 {target_type = bf16} : vector<2000x64xf32>, vector<2000x64xf32> -> vector<2000x64xi32>
    %concatenate3A_64 = tpu.concatenate %pack_elementwise3A_40, %pack_elementwise3A_63 in 1 : vector<2000x64xi32>, vector<2000x64xi32> -> vector<2000x128xi32>
    %swap3A_65 = arith.constant 0 : index
    %swap3A_66 = arith.constant 0 : index
    %swap3A_67 = vector.load %arg10[%swap3A_65, %swap3A_66] : memref<2000x128xi32, #tpu.memory_space<vmem>>, vector<2000x128xi32>
    tpu.vector_store %arg10[%swap3A_65, %swap3A_66], %concatenate3A_64 {strides = array<i32>} : memref<2000x128xi32, #tpu.memory_space<vmem>>, vector<2000x128xi32>,
    return
  }
  func.func @transform_0(%arg0: i32) -> (i32, i32) {
    %c0_i32 = arith.constant 0 : i32
    %c0_i32_0 = arith.constant 0 : i32
    return %arg0, %c0_i32 : i32, i32
  }
  func.func @transform_1(%arg0: i32) -> (i32, i32) {
    %c0_i32 = arith.constant 0 : i32
    %c0_i32_0 = arith.constant 0 : i32
    return %arg0, %c0_i32 : i32, i32
  }
  func.func @transform_2(%arg0: i32) -> (i32, i32) {
    %c0_i32 = arith.constant 0 : i32
    %c0_i32_0 = arith.constant 0 : i32
    %c0_i32_1 = arith.constant 0 : i32
    return %c0_i32, %c0_i32_0 : i32, i32
  }
  func.func @transform_3(%arg0: i32) -> (i32, i32) {
    %c0_i32 = arith.constant 0 : i32
    %c0_i32_0 = arith.constant 0 : i32
    %c0_i32_1 = arith.constant 0 : i32
    return %c0_i32, %c0_i32_0 : i32, i32
  }
  func.func @transform_4(%arg0: i32) -> (i32, i32) {
    %c0_i32 = arith.constant 0 : i32
    %c0_i32_0 = arith.constant 0 : i32
    %c0_i32_1 = arith.constant 0 : i32
    return %c0_i32, %c0_i32_0 : i32, i32
  }
  func.func @transform_5(%arg0: i32) -> (i32, i32) {
    %c0_i32 = arith.constant 0 : i32
    %c0_i32_0 = arith.constant 0 : i32
    %c0_i32_1 = arith.constant 0 : i32
    return %c0_i32, %c0_i32_0 : i32, i32
  }
  func.func @transform_6(%arg0: i32) -> (i32, i32) {
    %c0_i32 = arith.constant 0 : i32
    %c0_i32_0 = arith.constant 0 : i32
    %c0_i32_1 = arith.constant 0 : i32
    return %c0_i32, %c0_i32_0 : i32, i32
  }
  func.func @transform_7(%arg0: i32) -> (i32, i32) {
    %c0_i32 = arith.constant 0 : i32
    %c0_i32_0 = arith.constant 0 : i32
    return %arg0, %c0_i32 : i32, i32
  }
  func.func @transform_8(%arg0: i32) -> (i32, i32) {
    %c0_i32 = arith.constant 0 : i32
    %c0_i32_0 = arith.constant 0 : i32
    return %arg0, %c0_i32 : i32, i32
  }
  func.func @transform_9(%arg0: i32) -> (i32, i32) {
    %c0_i32 = arith.constant 0 : i32
    %c0_i32_0 = arith.constant 0 : i32
    return %arg0, %c0_i32 : i32, i32
  }
}

module attributes {stable_mosaic.version = 14 : i64} {
  func.func @_post_body(%arg0: i32, %arg1: memref<2000x128xi32, #tpu.memory_space<vmem>>, %arg2: memref<2000x256xf32, #tpu.memory_space<vmem>>, %arg3: memref<128x256xf32, #tpu.memory_space<vmem>>, %arg4: memref<128x256xf32, #tpu.memory_space<vmem>>, %arg5: memref<128x128xf32, #tpu.memory_space<vmem>>, %arg6: memref<1x128xf32, #tpu.memory_space<vmem>>, %arg7: memref<1x128xf32, #tpu.memory_space<vmem>>, %arg8: memref<1x128xf32, #tpu.memory_space<vmem>>, %arg9: memref<2000x128xi32, #tpu.memory_space<vmem>>) attributes {dimension_semantics = [#tpu.dimension_semantics<arbitrary>], iteration_bounds = array<i64: 80>, scalar_prefetch = 0 : i64, scratch_operands = 0 : i64, tpu.core_type = #tpu.core_type<tc>, window_params = [{transform_indices = @transform_0, window_bounds = array<i64: 2000, 128>}, {transform_indices = @transform_1, window_bounds = array<i64: 2000, 256>}, {pipeline_mode = #tpu.pipeline_mode<synchronous>, transform_indices = @transform_2, window_bounds = array<i64: 128, 256>}, {pipeline_mode = #tpu.pipeline_mode<synchronous>, transform_indices = @transform_3, window_bounds = array<i64: 128, 256>}, {pipeline_mode = #tpu.pipeline_mode<synchronous>, transform_indices = @transform_4, window_bounds = array<i64: 128, 128>}, {pipeline_mode = #tpu.pipeline_mode<synchronous>, transform_indices = @transform_5, window_bounds = array<i64: 1, 128>}, {pipeline_mode = #tpu.pipeline_mode<synchronous>, transform_indices = @transform_6, window_bounds = array<i64: 1, 128>}, {pipeline_mode = #tpu.pipeline_mode<synchronous>, transform_indices = @transform_7, window_bounds = array<i64: 1, 128>}, {transform_indices = @transform_8, window_bounds = array<i64: 2000, 128>}]} {
    %get3A = arith.constant 0 : index
    %get3A_0 = arith.constant 0 : index
    %get3A_1 = vector.load %arg1[%get3A, %get3A_0] : memref<2000x128xi32, #tpu.memory_space<vmem>>, vector<2000x128xi32>
    %slice3A = vector.extract_strided_slice %get3A_1 {offsets = [0, 0], sizes = [2000, 64], strides = [1, 1]} : vector<2000x128xi32> to vector<2000x64xi32>
    %unpack_elementwise3A = tpu.unpack_elementwise %slice3A, 0 {source_type = bf16} : vector<2000x64xi32> -> vector<2000x64xf32>
    %unpack_elementwise3A_2 = tpu.unpack_elementwise %slice3A, 1 {source_type = bf16} : vector<2000x64xi32> -> vector<2000x64xf32>
    %concatenate3A = tpu.concatenate %unpack_elementwise3A, %unpack_elementwise3A_2 in 1 : vector<2000x64xf32>, vector<2000x64xf32> -> vector<2000x128xf32>
    %slice3A_3 = vector.extract_strided_slice %get3A_1 {offsets = [0, 64], sizes = [2000, 64], strides = [1, 1]} : vector<2000x128xi32> to vector<2000x64xi32>
    %unpack_elementwise3A_4 = tpu.unpack_elementwise %slice3A_3, 0 {source_type = bf16} : vector<2000x64xi32> -> vector<2000x64xf32>
    %unpack_elementwise3A_5 = tpu.unpack_elementwise %slice3A_3, 1 {source_type = bf16} : vector<2000x64xi32> -> vector<2000x64xf32>
    %concatenate3A_6 = tpu.concatenate %unpack_elementwise3A_4, %unpack_elementwise3A_5 in 1 : vector<2000x64xf32>, vector<2000x64xf32> -> vector<2000x128xf32>
    %get3A_7 = arith.constant 0 : index
    %get3A_8 = arith.constant 0 : index
    %get3A_9 = vector.load %arg2[%get3A_7, %get3A_8] : memref<2000x256xf32, #tpu.memory_space<vmem>>, vector<2000x256xf32>
    %slice3A_10 = vector.extract_strided_slice %get3A_9 {offsets = [0, 0], sizes = [2000, 128], strides = [1, 1]} : vector<2000x256xf32> to vector<2000x128xf32>
    %get3A_11 = arith.constant 0 : index
    %get3A_12 = arith.constant 0 : index
    %get3A_13 = vector.load %arg3[%get3A_11, %get3A_12] : memref<128x256xf32, #tpu.memory_space<vmem>>, vector<128x256xf32>
    %slice3A_14 = vector.extract_strided_slice %get3A_13 {offsets = [0, 128], sizes = [128, 128], strides = [1, 1]} : vector<128x256xf32> to vector<128x128xf32>
    %dot_general3A = arith.constant dense<0.000000e+00> : vector<2000x128xf32>
    %dot_general3A_15 = tpu.matmul %concatenate3A, %slice3A_14, %dot_general3A {dimension_numbers = #tpu.dot_dimension_numbers<[1], [1], [0], [0], [0, 0, 1, 0], [], []>, transpose_lhs_hint = false} : vector<2000x128xf32>, vector<128x128xf32>, vector<2000x128xf32> -> vector<2000x128xf32>
    %add3A = arith.addf %slice3A_10, %dot_general3A_15 : vector<2000x128xf32>
    %get3A_16 = arith.constant 0 : index
    %get3A_17 = arith.constant 0 : index
    %get3A_18 = vector.load %arg6[%get3A_16, %get3A_17] : memref<1x128xf32, #tpu.memory_space<vmem>>, vector<1x128xf32>
    %add3A_19 = vector.broadcast %get3A_18 : vector<1x128xf32> to vector<2000x128xf32>
    %add3A_20 = arith.addf %add3A, %add3A_19 : vector<2000x128xf32>
    %logistic3A = arith.negf %add3A_20 : vector<2000x128xf32>
    %logistic3A_21 = math.exp %logistic3A : vector<2000x128xf32>
    %logistic3A_22 = arith.constant 1.000000e+00 : f32
    %logistic3A_23 = vector.broadcast %logistic3A_22 : f32 to vector<2000x128xf32>
    %logistic3A_24 = arith.addf %logistic3A_23, %logistic3A_21 : vector<2000x128xf32>
    %logistic3A_25 = arith.divf %logistic3A_23, %logistic3A_24 : vector<2000x128xf32>
    %slice3A_26 = vector.extract_strided_slice %get3A_9 {offsets = [0, 128], sizes = [2000, 128], strides = [1, 1]} : vector<2000x256xf32> to vector<2000x128xf32>
    %get3A_27 = arith.constant 0 : index
    %get3A_28 = arith.constant 0 : index
    %get3A_29 = vector.load %arg4[%get3A_27, %get3A_28] : memref<128x256xf32, #tpu.memory_space<vmem>>, vector<128x256xf32>
    %slice3A_30 = vector.extract_strided_slice %get3A_29 {offsets = [0, 128], sizes = [128, 128], strides = [1, 1]} : vector<128x256xf32> to vector<128x128xf32>
    %dot_general3A_31 = arith.constant dense<0.000000e+00> : vector<2000x128xf32>
    %dot_general3A_32 = tpu.matmul %concatenate3A_6, %slice3A_30, %dot_general3A_31 {dimension_numbers = #tpu.dot_dimension_numbers<[1], [1], [0], [0], [0, 0, 1, 0], [], []>, transpose_lhs_hint = false} : vector<2000x128xf32>, vector<128x128xf32>, vector<2000x128xf32> -> vector<2000x128xf32>
    %add3A_33 = arith.addf %slice3A_26, %dot_general3A_32 : vector<2000x128xf32>
    %get3A_34 = arith.constant 0 : index
    %get3A_35 = arith.constant 0 : index
    %get3A_36 = vector.load %arg7[%get3A_34, %get3A_35] : memref<1x128xf32, #tpu.memory_space<vmem>>, vector<1x128xf32>
    %add3A_37 = vector.broadcast %get3A_36 : vector<1x128xf32> to vector<2000x128xf32>
    %add3A_38 = arith.addf %add3A_33, %add3A_37 : vector<2000x128xf32>
    %tanh3A = math.tanh %add3A_38 : vector<2000x128xf32>
    %sub3A = arith.constant 1.000000e+00 : f32
    %sub3A_39 = vector.broadcast %sub3A : f32 to vector<2000x128xf32>
    %sub3A_40 = arith.subf %sub3A_39, %logistic3A_25 : vector<2000x128xf32>
    %mul3A = arith.mulf %sub3A_40, %concatenate3A : vector<2000x128xf32>
    %mul3A_41 = arith.mulf %logistic3A_25, %tanh3A : vector<2000x128xf32>
    %add3A_42 = arith.addf %mul3A, %mul3A_41 : vector<2000x128xf32>
    %iota3A = tpu.iota {dimensions = array<i32: 0>} : vector<2000x1xi32>
    %eq3A = arith.constant 0 : i32
    %eq3A_43 = arith.cmpi eq, %arg0, %eq3A : i32
    %eq3A_44 = arith.constant 0 : i32
    %eq3A_45 = vector.broadcast %eq3A_44 : i32 to vector<2000x1xi32>
    %eq3A_46 = arith.cmpi eq, %iota3A, %eq3A_45 : vector<2000x1xi32>
    %and3A = vector.broadcast %eq3A_43 : i1 to vector<2000x1xi1>
    %and3A_47 = arith.andi %and3A, %eq3A_46 : vector<2000x1xi1>
    %jit3A = arith.constant 0.000000e+00 : f32
    %broadcast_in_dim3A = vector.shape_cast %and3A_47 : vector<2000x1xi1> to vector<2000x1xi1>
    %broadcast_in_dim3A_48 = vector.broadcast %broadcast_in_dim3A : vector<2000x1xi1> to vector<2000x128xi1>
    %broadcast_in_dim3A_49 = vector.broadcast %jit3A : f32 to vector<2000x128xf32>
    %select_n3A = arith.select %broadcast_in_dim3A_48, %broadcast_in_dim3A_49, %add3A_42 : vector<2000x128xi1>, vector<2000x128xf32>
    %slice3A_50 = vector.extract_strided_slice %select_n3A {offsets = [0, 0], sizes = [2000, 64], strides = [1, 1]} : vector<2000x128xf32> to vector<2000x64xf32>
    %convert_element_type3A = arith.truncf %slice3A_50 : vector<2000x64xf32> to vector<2000x64xbf16>
    %convert_element_type3A_51 = arith.extf %convert_element_type3A : vector<2000x64xbf16> to vector<2000x64xf32>
    %slice3A_52 = vector.extract_strided_slice %select_n3A {offsets = [0, 64], sizes = [2000, 64], strides = [1, 1]} : vector<2000x128xf32> to vector<2000x64xf32>
    %convert_element_type3A_53 = arith.truncf %slice3A_52 : vector<2000x64xf32> to vector<2000x64xbf16>
    %convert_element_type3A_54 = arith.extf %convert_element_type3A_53 : vector<2000x64xbf16> to vector<2000x64xf32>
    %pack_elementwise3A = tpu.pack_elementwise %convert_element_type3A_51, %convert_element_type3A_54 {target_type = bf16} : vector<2000x64xf32>, vector<2000x64xf32> -> vector<2000x64xi32>
    %get3A_55 = arith.constant 0 : index
    %get3A_56 = arith.constant 0 : index
    %get3A_57 = vector.load %arg5[%get3A_55, %get3A_56] : memref<128x128xf32, #tpu.memory_space<vmem>>, vector<128x128xf32>
    %dot_general3A_58 = arith.constant dense<0.000000e+00> : vector<2000x128xf32>
    %dot_general3A_59 = tpu.matmul %select_n3A, %get3A_57, %dot_general3A_58 {dimension_numbers = #tpu.dot_dimension_numbers<[1], [1], [0], [0], [0, 0, 1, 0], [], []>, transpose_lhs_hint = false} : vector<2000x128xf32>, vector<128x128xf32>, vector<2000x128xf32> -> vector<2000x128xf32>
    %get3A_60 = arith.constant 0 : index
    %get3A_61 = arith.constant 0 : index
    %get3A_62 = vector.load %arg8[%get3A_60, %get3A_61] : memref<1x128xf32, #tpu.memory_space<vmem>>, vector<1x128xf32>
    %add3A_63 = vector.broadcast %get3A_62 : vector<1x128xf32> to vector<2000x128xf32>
    %add3A_64 = arith.addf %dot_general3A_59, %add3A_63 : vector<2000x128xf32>
    %neg3A = arith.constant 0.000000e+00 : f32
    %neg3A_65 = vector.broadcast %neg3A : f32 to vector<2000x128xf32>
    %neg3A_66 = arith.subf %neg3A_65, %add3A_64 : vector<2000x128xf32>
    %min3A = arith.constant 2.000000e+01 : f32
    %min3A_67 = vector.broadcast %min3A : f32 to vector<2000x128xf32>
    %min3A_68 = arith.minimumf %neg3A_66, %min3A_67 : vector<2000x128xf32>
    %exp3A = math.exp %min3A_68 : vector<2000x128xf32>
    %slice3A_69 = vector.extract_strided_slice %exp3A {offsets = [0, 0], sizes = [2000, 64], strides = [1, 1]} : vector<2000x128xf32> to vector<2000x64xf32>
    %convert_element_type3A_70 = arith.truncf %slice3A_69 : vector<2000x64xf32> to vector<2000x64xbf16>
    %convert_element_type3A_71 = arith.extf %convert_element_type3A_70 : vector<2000x64xbf16> to vector<2000x64xf32>
    %slice3A_72 = vector.extract_strided_slice %exp3A {offsets = [0, 64], sizes = [2000, 64], strides = [1, 1]} : vector<2000x128xf32> to vector<2000x64xf32>
    %convert_element_type3A_73 = arith.truncf %slice3A_72 : vector<2000x64xf32> to vector<2000x64xbf16>
    %convert_element_type3A_74 = arith.extf %convert_element_type3A_73 : vector<2000x64xbf16> to vector<2000x64xf32>
    %pack_elementwise3A_75 = tpu.pack_elementwise %convert_element_type3A_71, %convert_element_type3A_74 {target_type = bf16} : vector<2000x64xf32>, vector<2000x64xf32> -> vector<2000x64xi32>
    %concatenate3A_76 = tpu.concatenate %pack_elementwise3A, %pack_elementwise3A_75 in 1 : vector<2000x64xi32>, vector<2000x64xi32> -> vector<2000x128xi32>
    %swap3A = arith.constant 0 : index
    %swap3A_77 = arith.constant 0 : index
    %swap3A_78 = vector.load %arg9[%swap3A, %swap3A_77] : memref<2000x128xi32, #tpu.memory_space<vmem>>, vector<2000x128xi32>
    tpu.vector_store %arg9[%swap3A, %swap3A_77], %concatenate3A_76 {strides = array<i32>} : memref<2000x128xi32, #tpu.memory_space<vmem>>, vector<2000x128xi32>,
    return
  }
  func.func @transform_0(%arg0: i32) -> (i32, i32) {
    %c0_i32 = arith.constant 0 : i32
    %c0_i32_0 = arith.constant 0 : i32
    return %arg0, %c0_i32 : i32, i32
  }
  func.func @transform_1(%arg0: i32) -> (i32, i32) {
    %c0_i32 = arith.constant 0 : i32
    %c0_i32_0 = arith.constant 0 : i32
    return %arg0, %c0_i32 : i32, i32
  }
  func.func @transform_2(%arg0: i32) -> (i32, i32) {
    %c0_i32 = arith.constant 0 : i32
    %c0_i32_0 = arith.constant 0 : i32
    %c0_i32_1 = arith.constant 0 : i32
    return %c0_i32, %c0_i32_0 : i32, i32
  }
  func.func @transform_3(%arg0: i32) -> (i32, i32) {
    %c0_i32 = arith.constant 0 : i32
    %c0_i32_0 = arith.constant 0 : i32
    %c0_i32_1 = arith.constant 0 : i32
    return %c0_i32, %c0_i32_0 : i32, i32
  }
  func.func @transform_4(%arg0: i32) -> (i32, i32) {
    %c0_i32 = arith.constant 0 : i32
    %c0_i32_0 = arith.constant 0 : i32
    %c0_i32_1 = arith.constant 0 : i32
    return %c0_i32, %c0_i32_0 : i32, i32
  }
  func.func @transform_5(%arg0: i32) -> (i32, i32) {
    %c0_i32 = arith.constant 0 : i32
    %c0_i32_0 = arith.constant 0 : i32
    %c0_i32_1 = arith.constant 0 : i32
    return %c0_i32, %c0_i32_0 : i32, i32
  }
  func.func @transform_6(%arg0: i32) -> (i32, i32) {
    %c0_i32 = arith.constant 0 : i32
    %c0_i32_0 = arith.constant 0 : i32
    %c0_i32_1 = arith.constant 0 : i32
    return %c0_i32, %c0_i32_0 : i32, i32
  }
  func.func @transform_7(%arg0: i32) -> (i32, i32) {
    %c0_i32 = arith.constant 0 : i32
    %c0_i32_0 = arith.constant 0 : i32
    %c0_i32_1 = arith.constant 0 : i32
    return %c0_i32, %c0_i32_0 : i32, i32
  }
  func.func @transform_8(%arg0: i32) -> (i32, i32) {
    %c0_i32 = arith.constant 0 : i32
    %c0_i32_0 = arith.constant 0 : i32
    return %arg0, %c0_i32 : i32, i32
  }
}

module attributes {stable_mosaic.version = 14 : i64} {
  func.func @_post_body(%arg0: i32, %arg1: memref<2000x128xi32, #tpu.memory_space<vmem>>, %arg2: memref<2000x256xf32, #tpu.memory_space<vmem>>, %arg3: memref<128x256xf32, #tpu.memory_space<vmem>>, %arg4: memref<128x256xf32, #tpu.memory_space<vmem>>, %arg5: memref<128x128xf32, #tpu.memory_space<vmem>>, %arg6: memref<1x128xf32, #tpu.memory_space<vmem>>, %arg7: memref<1x128xf32, #tpu.memory_space<vmem>>, %arg8: memref<1x128xf32, #tpu.memory_space<vmem>>, %arg9: memref<2000x128xf32, #tpu.memory_space<vmem>>) attributes {dimension_semantics = [#tpu.dimension_semantics<arbitrary>], iteration_bounds = array<i64: 80>, scalar_prefetch = 0 : i64, scratch_operands = 0 : i64, tpu.core_type = #tpu.core_type<tc>, window_params = [{transform_indices = @transform_0, window_bounds = array<i64: 2000, 128>}, {transform_indices = @transform_1, window_bounds = array<i64: 2000, 256>}, {pipeline_mode = #tpu.pipeline_mode<synchronous>, transform_indices = @transform_2, window_bounds = array<i64: 128, 256>}, {pipeline_mode = #tpu.pipeline_mode<synchronous>, transform_indices = @transform_3, window_bounds = array<i64: 128, 256>}, {pipeline_mode = #tpu.pipeline_mode<synchronous>, transform_indices = @transform_4, window_bounds = array<i64: 128, 128>}, {pipeline_mode = #tpu.pipeline_mode<synchronous>, transform_indices = @transform_5, window_bounds = array<i64: 1, 128>}, {pipeline_mode = #tpu.pipeline_mode<synchronous>, transform_indices = @transform_6, window_bounds = array<i64: 1, 128>}, {pipeline_mode = #tpu.pipeline_mode<synchronous>, transform_indices = @transform_7, window_bounds = array<i64: 1, 128>}, {transform_indices = @transform_8, window_bounds = array<i64: 2000, 128>}]} {
    %get3A = arith.constant 0 : index
    %get3A_0 = arith.constant 0 : index
    %get3A_1 = vector.load %arg1[%get3A, %get3A_0] : memref<2000x128xi32, #tpu.memory_space<vmem>>, vector<2000x128xi32>
    %slice3A = vector.extract_strided_slice %get3A_1 {offsets = [0, 0], sizes = [2000, 64], strides = [1, 1]} : vector<2000x128xi32> to vector<2000x64xi32>
    %unpack_elementwise3A = tpu.unpack_elementwise %slice3A, 0 {source_type = bf16} : vector<2000x64xi32> -> vector<2000x64xf32>
    %unpack_elementwise3A_2 = tpu.unpack_elementwise %slice3A, 1 {source_type = bf16} : vector<2000x64xi32> -> vector<2000x64xf32>
    %concatenate3A = tpu.concatenate %unpack_elementwise3A, %unpack_elementwise3A_2 in 1 : vector<2000x64xf32>, vector<2000x64xf32> -> vector<2000x128xf32>
    %slice3A_3 = vector.extract_strided_slice %get3A_1 {offsets = [0, 64], sizes = [2000, 64], strides = [1, 1]} : vector<2000x128xi32> to vector<2000x64xi32>
    %unpack_elementwise3A_4 = tpu.unpack_elementwise %slice3A_3, 0 {source_type = bf16} : vector<2000x64xi32> -> vector<2000x64xf32>
    %unpack_elementwise3A_5 = tpu.unpack_elementwise %slice3A_3, 1 {source_type = bf16} : vector<2000x64xi32> -> vector<2000x64xf32>
    %concatenate3A_6 = tpu.concatenate %unpack_elementwise3A_4, %unpack_elementwise3A_5 in 1 : vector<2000x64xf32>, vector<2000x64xf32> -> vector<2000x128xf32>
    %get3A_7 = arith.constant 0 : index
    %get3A_8 = arith.constant 0 : index
    %get3A_9 = vector.load %arg2[%get3A_7, %get3A_8] : memref<2000x256xf32, #tpu.memory_space<vmem>>, vector<2000x256xf32>
    %slice3A_10 = vector.extract_strided_slice %get3A_9 {offsets = [0, 0], sizes = [2000, 128], strides = [1, 1]} : vector<2000x256xf32> to vector<2000x128xf32>
    %get3A_11 = arith.constant 0 : index
    %get3A_12 = arith.constant 0 : index
    %get3A_13 = vector.load %arg3[%get3A_11, %get3A_12] : memref<128x256xf32, #tpu.memory_space<vmem>>, vector<128x256xf32>
    %slice3A_14 = vector.extract_strided_slice %get3A_13 {offsets = [0, 128], sizes = [128, 128], strides = [1, 1]} : vector<128x256xf32> to vector<128x128xf32>
    %dot_general3A = arith.constant dense<0.000000e+00> : vector<2000x128xf32>
    %dot_general3A_15 = tpu.matmul %concatenate3A, %slice3A_14, %dot_general3A {dimension_numbers = #tpu.dot_dimension_numbers<[1], [1], [0], [0], [0, 0, 1, 0], [], []>, transpose_lhs_hint = false} : vector<2000x128xf32>, vector<128x128xf32>, vector<2000x128xf32> -> vector<2000x128xf32>
    %add3A = arith.addf %slice3A_10, %dot_general3A_15 : vector<2000x128xf32>
    %get3A_16 = arith.constant 0 : index
    %get3A_17 = arith.constant 0 : index
    %get3A_18 = vector.load %arg6[%get3A_16, %get3A_17] : memref<1x128xf32, #tpu.memory_space<vmem>>, vector<1x128xf32>
    %add3A_19 = vector.broadcast %get3A_18 : vector<1x128xf32> to vector<2000x128xf32>
    %add3A_20 = arith.addf %add3A, %add3A_19 : vector<2000x128xf32>
    %logistic3A = arith.negf %add3A_20 : vector<2000x128xf32>
    %logistic3A_21 = math.exp %logistic3A : vector<2000x128xf32>
    %logistic3A_22 = arith.constant 1.000000e+00 : f32
    %logistic3A_23 = vector.broadcast %logistic3A_22 : f32 to vector<2000x128xf32>
    %logistic3A_24 = arith.addf %logistic3A_23, %logistic3A_21 : vector<2000x128xf32>
    %logistic3A_25 = arith.divf %logistic3A_23, %logistic3A_24 : vector<2000x128xf32>
    %slice3A_26 = vector.extract_strided_slice %get3A_9 {offsets = [0, 128], sizes = [2000, 128], strides = [1, 1]} : vector<2000x256xf32> to vector<2000x128xf32>
    %get3A_27 = arith.constant 0 : index
    %get3A_28 = arith.constant 0 : index
    %get3A_29 = vector.load %arg4[%get3A_27, %get3A_28] : memref<128x256xf32, #tpu.memory_space<vmem>>, vector<128x256xf32>
    %slice3A_30 = vector.extract_strided_slice %get3A_29 {offsets = [0, 128], sizes = [128, 128], strides = [1, 1]} : vector<128x256xf32> to vector<128x128xf32>
    %dot_general3A_31 = arith.constant dense<0.000000e+00> : vector<2000x128xf32>
    %dot_general3A_32 = tpu.matmul %concatenate3A_6, %slice3A_30, %dot_general3A_31 {dimension_numbers = #tpu.dot_dimension_numbers<[1], [1], [0], [0], [0, 0, 1, 0], [], []>, transpose_lhs_hint = false} : vector<2000x128xf32>, vector<128x128xf32>, vector<2000x128xf32> -> vector<2000x128xf32>
    %add3A_33 = arith.addf %slice3A_26, %dot_general3A_32 : vector<2000x128xf32>
    %get3A_34 = arith.constant 0 : index
    %get3A_35 = arith.constant 0 : index
    %get3A_36 = vector.load %arg7[%get3A_34, %get3A_35] : memref<1x128xf32, #tpu.memory_space<vmem>>, vector<1x128xf32>
    %add3A_37 = vector.broadcast %get3A_36 : vector<1x128xf32> to vector<2000x128xf32>
    %add3A_38 = arith.addf %add3A_33, %add3A_37 : vector<2000x128xf32>
    %tanh3A = math.tanh %add3A_38 : vector<2000x128xf32>
    %sub3A = arith.constant 1.000000e+00 : f32
    %sub3A_39 = vector.broadcast %sub3A : f32 to vector<2000x128xf32>
    %sub3A_40 = arith.subf %sub3A_39, %logistic3A_25 : vector<2000x128xf32>
    %mul3A = arith.mulf %sub3A_40, %concatenate3A : vector<2000x128xf32>
    %mul3A_41 = arith.mulf %logistic3A_25, %tanh3A : vector<2000x128xf32>
    %add3A_42 = arith.addf %mul3A, %mul3A_41 : vector<2000x128xf32>
    %iota3A = tpu.iota {dimensions = array<i32: 0>} : vector<2000x1xi32>
    %eq3A = arith.constant 0 : i32
    %eq3A_43 = arith.cmpi eq, %arg0, %eq3A : i32
    %eq3A_44 = arith.constant 0 : i32
    %eq3A_45 = vector.broadcast %eq3A_44 : i32 to vector<2000x1xi32>
    %eq3A_46 = arith.cmpi eq, %iota3A, %eq3A_45 : vector<2000x1xi32>
    %and3A = vector.broadcast %eq3A_43 : i1 to vector<2000x1xi1>
    %and3A_47 = arith.andi %and3A, %eq3A_46 : vector<2000x1xi1>
    %jit3A = arith.constant 0.000000e+00 : f32
    %broadcast_in_dim3A = vector.shape_cast %and3A_47 : vector<2000x1xi1> to vector<2000x1xi1>
    %broadcast_in_dim3A_48 = vector.broadcast %broadcast_in_dim3A : vector<2000x1xi1> to vector<2000x128xi1>
    %broadcast_in_dim3A_49 = vector.broadcast %jit3A : f32 to vector<2000x128xf32>
    %select_n3A = arith.select %broadcast_in_dim3A_48, %broadcast_in_dim3A_49, %add3A_42 : vector<2000x128xi1>, vector<2000x128xf32>
    %swap3A = arith.constant 0 : index
    %swap3A_50 = arith.constant 0 : index
    %swap3A_51 = vector.load %arg9[%swap3A, %swap3A_50] : memref<2000x128xf32, #tpu.memory_space<vmem>>, vector<2000x128xf32>
    tpu.vector_store %arg9[%swap3A, %swap3A_50], %select_n3A {strides = array<i32>} : memref<2000x128xf32, #tpu.memory_space<vmem>>, vector<2000x128xf32>,
    return
  }
  func.func @transform_0(%arg0: i32) -> (i32, i32) {
    %c0_i32 = arith.constant 0 : i32
    %c0_i32_0 = arith.constant 0 : i32
    return %arg0, %c0_i32 : i32, i32
  }
  func.func @transform_1(%arg0: i32) -> (i32, i32) {
    %c0_i32 = arith.constant 0 : i32
    %c0_i32_0 = arith.constant 0 : i32
    return %arg0, %c0_i32 : i32, i32
  }
  func.func @transform_2(%arg0: i32) -> (i32, i32) {
    %c0_i32 = arith.constant 0 : i32
    %c0_i32_0 = arith.constant 0 : i32
    %c0_i32_1 = arith.constant 0 : i32
    return %c0_i32, %c0_i32_0 : i32, i32
  }
  func.func @transform_3(%arg0: i32) -> (i32, i32) {
    %c0_i32 = arith.constant 0 : i32
    %c0_i32_0 = arith.constant 0 : i32
    %c0_i32_1 = arith.constant 0 : i32
    return %c0_i32, %c0_i32_0 : i32, i32
  }
  func.func @transform_4(%arg0: i32) -> (i32, i32) {
    %c0_i32 = arith.constant 0 : i32
    %c0_i32_0 = arith.constant 0 : i32
    %c0_i32_1 = arith.constant 0 : i32
    return %c0_i32, %c0_i32_0 : i32, i32
  }
  func.func @transform_5(%arg0: i32) -> (i32, i32) {
    %c0_i32 = arith.constant 0 : i32
    %c0_i32_0 = arith.constant 0 : i32
    %c0_i32_1 = arith.constant 0 : i32
    return %c0_i32, %c0_i32_0 : i32, i32
  }
  func.func @transform_6(%arg0: i32) -> (i32, i32) {
    %c0_i32 = arith.constant 0 : i32
    %c0_i32_0 = arith.constant 0 : i32
    %c0_i32_1 = arith.constant 0 : i32
    return %c0_i32, %c0_i32_0 : i32, i32
  }
  func.func @transform_7(%arg0: i32) -> (i32, i32) {
    %c0_i32 = arith.constant 0 : i32
    %c0_i32_0 = arith.constant 0 : i32
    %c0_i32_1 = arith.constant 0 : i32
    return %c0_i32, %c0_i32_0 : i32, i32
  }
  func.func @transform_8(%arg0: i32) -> (i32, i32) {
    %c0_i32 = arith.constant 0 : i32
    %c0_i32_0 = arith.constant 0 : i32
    return %arg0, %c0_i32 : i32, i32
  }
}

</mosaic_0001>

<sc_bundles>
// kernel: kernel.10.cloned.1.call-start
scs
__scs_entry_jumppad:
0x0: {  	(pc) =	sbr.rel $0x88, $3  }
0x1: {  	(tag) =	ssettag $0x0;
	lr =	simm.s32 $0x1  }
0x2: {  	[smem:$0x3F97] =	sst lr;
	_ =	strace $0xD0000000  }
0x3: {  	_ = 	snop  }
0x4: {  	_ = 	snop  }
0x5: {  	_ = 	snop  }
0x6: {  	_ = 	snop  }
0x7: {  	_ = 	snop  }
__scs_overlays_trampoline_lowered:
0x8: {  	[smem:$0x3FA6] =	sst s0  }
0x9: {  	[smem:$0x3FA7] =	sst s1  }
0xa: {  	[smem:$0x3FA8] =	sst s2  }
0xb: {  	[smem:$0x3FA9] =	sst s3  }
0xc: {  	[smem:$0x3FAA] =	sst s4  }
0xd: {  	[smem:$0x3FAB] =	sst s5  }
0xe: {  	[smem:$0x3FAC] =	sst s6  }
0xf: {  	[smem:$0x3FAD] =	sst s7  }
0x10: {  	[smem:$0x3FAE] =	sst s8  }
0x11: {  	[smem:$0x3FAF] =	sst s9;
	s0 =	simm.s32 @!p0 $0x0  }
0x12: {  	s1 =	sld [smem:$0x3F95];
	s0 =	simm.s32 @p0 $0x1  }
0x13: {  	[smem:$0x3FB0] =	sst s0;
	s0 =	simm.s32 @!p1 $0x0  }
0x14: {  	s2 =	sld [smem:$0x3F94];
	s0 =	simm.s32 @p1 $0x1  }
0x15: {  	[smem:$0x3FB1] =	sst s0;
	s0 =	simm.s32 @!p2 $0x0  }
0x16: {  	s3 =	sld [smem:$0x3FDB];
	s0 =	simm.s32 @p2 $0x1  }
0x17: {  	s4 =	simm.s32 $0x1BF5;
	[smem:$0x3FB3] =	sst s0  }
0x18: {  	s0 =	sld [smem:$0x3F96];
	_ =	swait.ge [sflag:s4], $0x0  }
0x19: {  	s7 =	sld [smem:$0x3F97]  }
0x1a: {  	s8 =	sadd.s32 $0xFFFFE003, lr  }
0x1b: {  	s9 =	sadd.s32 $0xFFFFFEF7, lr;
	s5 =	simm.s32 $0xFFFFFFFF;
	p2 =	slt.u32 s8, $0xFFFFF086  }
0x1c: {  	p1 =	slt.u32 s9, $0xF7A;
	s5 =	simm.s32 @!p2 $0x0  }
0x1d: {  	s5 =	simm.s32 @p1 $0x1;
	p0 =	seq.s32 s7, s2  }
0x1e: {  	s7 =	smul.u32 @!p0 $0xF7A, s2;
	p2 =	seq.s32 @!p0 s5, $0x0  }
0x1f: {  	s9 =	smul.u32 $0xF7A, s1;
	s8 =	simm.s32 @!p0 $0x1BF5;
	p2 =	por !p2, p0  }
0x20: {  	[sflag:s8] =	ssyncset.s32 @!p0 $0xFFFFF086;
	s6 =	sadd.s32 @!p0 s3, s7;
	s7 =	simm.s32 @!p0 $0x108  }
0x21: {  	s3 =	sadd.s32 s3, s9;
	s6 =	sadd.s32 @!p0 $0x88, s6;
	s7 =	simm.s32 @p2 $0x1082  }
0x22: {  	[simem:s7], [sflag:s8] =	dma.local @!p0 [hbm:s6], $0xF7A  }
0x23: {  	s9 =	sor.u32 $0xD0000000, s2;
	s6 =	simm.s32 $0x108;
	_ =	swait.ge @!p0 [sflag:s8], $0x0  }
0x24: {  	s3 =	sadd.s32 $0x88, s3;
	s6 =	simm.s32 @!p1 $0x1082;
	[sflag:s4] =	ssyncset.s32 $0xFFFFF086  }
0x25: {  	[simem:s6], [sflag:s4] =	dma.local [hbm:s3], $0xF7A  }
0x26: {  	[smem:$0x3F97] =	sst s1;
	(tag) =	ssettag s2;
	_ =	strace s9  }
0x27: {  	s1 =	sld [smem:$0x3FA7]  }
0x28: {  	s2 =	sld [smem:$0x3FA8]  }
0x29: {  	s4 =	sld [smem:$0x3FAA]  }
0x2a: {  	p0 =	seq.s32 s5, $0x0;
	s5 =	sld [smem:$0x3FAB]  }
0x2b: {  	s6 =	sld [smem:$0x3FAC]  }
0x2c: {  	s7 =	sld [smem:$0x3FAD]  }
0x2d: {  	s3 =	simm.s32 $0x108;
	s8 =	sld [smem:$0x3FAE]  }
0x2e: {  	s3 =	simm.s32 @!p0 $0x1082;
	s9 =	sld [smem:$0x3FAF]  }
0x2f: {  	lr =	sadd.s32 s0, s3;
	s0 =	sld [smem:$0x3FA6]  }
0x30: {  	s3 =	sld [smem:$0x3FA9]  }
0x31: {  	[smem:$0x3FB2] =	sst s10  }
0x32: {  	s10 =	sld [smem:$0x3FB0];
	_ =	sdelay $0x3  }
0x33: {  	p0 =	seq.s32 s10, $0x1;
	s10 =	sld [smem:$0x3FB2];
	_ =	sdelay $0x3  }
0x34: {  	[smem:$0x3FB2] =	sst s10  }
0x35: {  	s10 =	sld [smem:$0x3FB1];
	_ =	sdelay $0x3  }
0x36: {  	p1 =	seq.s32 s10, $0x1;
	s10 =	sld [smem:$0x3FB2];
	_ =	sdelay $0x3  }
0x37: {  	[smem:$0x3FB2] =	sst s10  }
0x38: {  	s10 =	sld [smem:$0x3FB3]  }
0x39: {  	_ = 	snop;
	(pc) =	sbr.ind lr, $3  }
0x3a: {  	_ = 	snop  }
0x3b: {  	_ = 	snop  }
0x3c: {  	p2 =	seq.s32 s10, $0x1;
	s10 =	sld [smem:$0x3FB2]  }
0x3d: {  	_ =	shalt  }
0x3e: {  	_ =	shalt  }
0x3f: {  	_ =	shalt  }
0x40: {  	_ =	shalt  }
0x41: {  	_ =	shalt  }
0x42: {  	_ =	shalt  }
0x43: {  	_ =	shalt  }
0x44: {  	_ =	shalt  }
0x45: {  	_ =	shalt  }
0x46: {  	_ =	shalt  }
0x47: {  	_ =	shalt  }
0x48: {  	_ =	shalt  }
0x49: {  	_ =	shalt  }
0x4a: {  	_ =	shalt  }
0x4b: {  	_ =	shalt  }
0x4c: {  	_ =	shalt  }
0x4d: {  	_ =	shalt  }
0x4e: {  	_ =	shalt  }
0x4f: {  	_ =	shalt  }
0x50: {  	_ =	shalt  }
0x51: {  	_ =	shalt  }
0x52: {  	_ =	shalt  }
0x53: {  	_ =	shalt  }
0x54: {  	_ =	shalt  }
0x55: {  	_ =	shalt  }
0x56: {  	_ =	shalt  }
0x57: {  	_ =	shalt  }
0x58: {  	_ =	shalt  }
0x59: {  	_ =	shalt  }
0x5a: {  	_ =	shalt  }
0x5b: {  	_ =	shalt  }
0x5c: {  	_ =	shalt  }
0x5d: {  	_ =	shalt  }
0x5e: {  	_ =	shalt  }
0x5f: {  	_ =	shalt  }
0x60: {  	_ =	shalt  }
0x61: {  	_ =	shalt  }
0x62: {  	_ =	shalt  }
0x63: {  	_ =	shalt  }
0x64: {  	_ =	shalt  }
0x65: {  	_ =	shalt  }
0x66: {  	_ =	shalt  }
0x67: {  	_ =	shalt  }
0x68: {  	_ =	shalt  }
0x69: {  	_ =	shalt  }
0x6a: {  	_ =	shalt  }
0x6b: {  	_ =	shalt  }
0x6c: {  	_ =	shalt  }
0x6d: {  	_ =	shalt  }
0x6e: {  	_ =	shalt  }
0x6f: {  	_ =	shalt  }
0x70: {  	_ =	shalt  }
0x71: {  	_ =	shalt  }
0x72: {  	_ =	shalt  }
0x73: {  	_ =	shalt  }
0x74: {  	_ =	shalt  }
0x75: {  	_ =	shalt  }
0x76: {  	_ =	shalt  }
0x77: {  	_ =	shalt  }
0x78: {  	_ =	shalt  }
0x79: {  	_ =	shalt  }
0x7a: {  	_ =	shalt  }
0x7b: {  	_ =	shalt  }
0x7c: {  	_ =	shalt  }
0x7d: {  	_ =	shalt  }
0x7e: {  	_ =	shalt  }
0x7f: {  	_ =	shalt  }
0x80: {  	_ =	shalt  }
0x81: {  	_ =	shalt  }
0x82: {  	_ =	shalt  }
0x83: {  	_ =	shalt  }
0x84: {  	_ =	shalt  }
0x85: {  	_ =	shalt  }
0x86: {  	_ =	shalt  }
0x87: {  	_ =	shalt  }
.Lfunc_end0:
.L_simem_size_0:
called_computation.1_lowered:
.L_overlay_start_0:
0x88: {  	s2 =	sld [smem:$0x3FD9]  }
0x89: {  	s3 =	sld [smem:$0x3FFE];
	_ =	sdelay $0x1  }
0x8a: {  	s1 =	srdreg.scid  }
0x8b: {  	s0 =	sand.u32 $0x1, s1  }
0x8c: {  	s17 =	sshll.u32 s0, $0xA;
	s2 =	sadd.s32 s3, s2  }
0x8d: {  	s2 =	sadd.s32 s2, s17  }
0x8e: {  	[smem:$0x3FBE] =	sst s2  }
0x8f: {  	_ = 	snop  }
0x90: {  	s2 =	sld [smem:$0x3FD0];
	(tm) =	ssettm $0x1  }
0x91: {  	s18 =	sld [smem:$0x3FFB];
	_ =	sdelay $0x3  }
0x92: {  	_ =	strace s18  }
0x93: {  	s3 =	sld [smem:$0x3FFC];
	_ =	sdelay $0x3  }
0x94: {  	_ =	strace s3  }
0x95: {  	s3 =	sld [smem:$0x3FFD];
	_ =	sdelay $0x3  }
0x96: {  	_ =	strace s3  }
0x97: {  	_ =	strace $0x8FFFFFFF  }
0x98: {  	s19 =	sld [smem:$0x3FDB];
	_ =	sdelay $0x1  }
0x99: {  	s4 =	simm.s32 $_scs_section_size  }
0x9a: {  	s5 =	simm.s32 $_size__tile_overlayer_lowered;
	s6 =	simm.s32 $_tile_overlayer_lowered  }
0x9b: {  	s22 =	simm.s32 $0x1BFF;
	s21 =	sshll.u32 s6, $0x1;
	s3 =	sadd.s32 s4, s19  }
0x9c: {  	s7 =	simm.s32 $0x0;
	s20 =	sshll.u32 s5, $0x1;
	s5 =	sadd.s32 s21, s3  }
0x9d: {  	[timem:s7], [sflag:s22] =	dma.local [hbm:s5], s20  }
0x9e: {  	_ =	swait.ge [sflag:s22], s20  }
0x9f: {  	s4 =	ssub.s32 $0x0, s20;
	[sflag:s22] =	ssyncset.done $0x0  }
0xa0: {  	[sflag:s22] =	ssyncadd.s32 s4;
	_ =	sdelay $0x1  }
0xa1: {  	s23 =	simm.s32 $0x1B8B  }
0xa2: {  	_ =	swait.ge [sflag:s23], $0x1  }
0xa3: {  	[sflag:s23] =	ssyncset.done $0x0  }
0xa4: {  	s25 =	simm.s32 $0x1B8E;
	s24 =	sld [smem:$0x3FFE];
	[sflag:s23] =	ssyncadd.s32 $0xFFFFFFFF  }
0xa5: {  	s26 =	simm.s32 $execute0_lowered;
	[smem:$0x3FD2] =	sst s25  }
0xa6: {  	s5 =	sshll.u32 s26, $0x1;
	_ =	strace $0x80000049;
	[dreg:$0x1] =	wrdreg $0xFFFFFFFF  }
0xa7: {  	s28 =	simm.s32 $_size_execute0_lowered;
	s3 =	sadd.s32 s3, s5;
	[dreg:$0x0] =	wrdreg $0x0  }
0xa8: {  	s5 =	sshll.u32 s28, $0x1;
	[dreg:$0x2] =	wrdreg s3  }
0xa9: {  	[dreg:$0x3] =	wrdreg s5  }
0xaa: {  	[dreg:$0x4] =	wrdreg $0xC0  }
0xab: {  	_ =	task [dreg:s7], $0x5FFFF  }
0xac: {  	[dreg:$0x1] =	wrdreg $0xFFFFFFFF  }
0xad: {  	[dreg:$0x0] =	wrdreg $0x60  }
0xae: {  	[dreg:$0x2] =	wrdreg s2  }
0xaf: {  	[dreg:$0x3] =	wrdreg s24  }
0xb0: {  	[dreg:$0x4] =	wrdreg $0x9  }
0xb1: {  	_ =	task.clear_ibuf [dreg:s7], $0x5FFFF;
	_ =	strace $0x90000049  }
0xb2: {  	s29 =	simm.s32 $0x9;
	_ =	strace $0x8000004B  }
0xb3: {  	_ =	swait.ge [sflag:s29], $0x1  }
0xb4: {  	[sflag:s29] =	ssyncadd.s32 $0xFFFFFFFF  }
0xb5: {  	_ =	strace $0x9000004B  }
0xb6: {  	_ =	sfence  }
0xb7: {  	s30 =	sld [smem:$0x0];
	_ =	sdelay $0x2  }
0xb8: {  	s31 =	sshll.u32 s1, $0xD;
	s1 =	sshrl.u32 s1, $0x2  }
0xb9: {  	s3 =	sand.u32 $0x4000, s31;
	s1 =	sadd.s32 s1, s30  }
0xba: {  	s0 =	sor.u32 s3, s0;
	s1 =	sshll.u32 s1, $0x11  }
0xbb: {  	s0 =	sor.u32 s1, s0  }
0xbc: {  	s0 =	sadd.s32 $0x8F2B, s0  }
0xbd: {  	[sflag:s0] =	ssyncadd.remote.s32 $0x1  }
0xbe: {  	_ =	sfence.sel $0xFFFF  }
0xbf: {  	[dreg:$0x0] =	wrdreg $0xFFFFFFFF;
	(pc) =	sbr.abs _section_cstart, $3  }
0xc0: {  	[dreg:$0x1] =	wrdreg $0xFFFFFFFF  }
0xc1: {  	_ =	task.clear_ibuf [dreg:s7], $0x2FFFF;
	_ =	strace $0x9FFFFFFF  }
0xc2: {  	(tm) =	ssettm $0x7FFFFFFF  }
0xc3: {  	_ =	shalt  }
tec
execute0_lowered:
.L_overlay_start_1:
0x0: {  	(tag) =	ssettag $0x1  }
0x1: {  	s2 =	rddreg [dreg:$0x0]  }
0x2: {  	s0 =	srdreg.scid;
	s3 =	stileid.u32  }
0x3: {  	s1 =	rddreg [dreg:$0x1];
	s12 =	simm.s32 $0x7;
	s14 =	simm.s32 $0x78  }
0x4: {  	s16 =	simm.s32 $0xF280;
	s17 =	simm.s32 $0xB180;
	s18 =	simm.s32 $0x3  }
0x5: {  	s19 =	simm.s32 $0x1;
	s20 =	simm.s32 $0xF780;
	s21 =	simm.s32 $0x4  }
0x6: {  	s22 =	simm.s32 $0x2;
	s0 =	sand.u32 $0x1, s0;
	s4 =	sshll.u32 s3, $0x1  }
0x7: {  	s23 =	simm.s32 $0x10180;
	s24 =	simm.s32 $0x5;
	s6 =	sor.u32 s0, s4  }
0x8: {  	s25 =	simm.s32 $0x6;
	s3 =	simm.s32 $0x0;
	s5 =	smul.u32 $0xEA6, s6  }
0x9: {  	s26 =	simm.s32 $0x0;
	[smem:$0x7FF] =	sst s3;
	s8 =	smul.u32 $0x4E200, s6  }
0xa: {  	s4 =	sadd.s32 $0x773200, s1;
	s0 =	ssub.s32 $0x2, s0;
	s9 =	smul.u32 $0x9C40, s6  }
.Ltmp0:
0xb: {  	_ =	strace $0x8000004A;
	s30 =	sshrl.u32 s0, $0x1;
	(pc) =	sbr.rel .LBB2_1-.Ltmp0, $4  }
0xc: {  	s6 =	smul.u32 $0x1388, s6;
	s0 =	ssub.s32 s0, s30;
	s7 =	sadd.s32 s5, s1  }
0xd: {  	s5 =	sadd.s32 $0x20200, s1;
	s31 =	sshrl.u32 s8, $0x3;
	s8 =	sadd.s32 s4, s9  }
0xe: {  	s10 =	sadd.s32 $0x14, s6;
	s7 =	sadd.s32 $0x2C00, s7;
	s1 =	sadd.s32 s4, s31  }
0xf: {  	v0 =	vimm.bf16 $1.0000e+00;
	s11 =	smax.u32 s0, $0x1;
	[dreg:$0x3] =	wrdreg s7;
	s9 =	sadd.s32 $0xA0, s1  }
.LBB2_8:
0x10: {  	s26 =	sadd.s32 $0x1, s26  }
0x11: {  	_ =	swait.ge [sflag:s24], $0xA00;
	p0 =	sne.s32 s26, s11  }
.Ltmp1:
0x12: {  	[sflag:s24] =	ssyncset.done $0x0;
	(pc) =	sbr.rel @!p0 .LBB2_9-.Ltmp1, $4  }
0x13: {  	[sflag:s24] =	ssyncadd.s32 $0xFFFFF600  }
0x14: {  	_ =	swait.ge [sflag:s25], $0xA00  }
0x15: {  	[sflag:s25] =	ssyncset.done $0x0  }
0x16: {  	[sflag:s25] =	ssyncadd.s32 $0xFFFFF600  }
.LBB2_1:
0x17: {  	s0 =	rddreg [dreg:$0x3]  }
0x18: {  	[tilespmem:s3], [sflag:$0x7] =	stream.linear.gather [hbm4b:s0+s3], $0x7530, $0x38;
	[tilespmem:$0x10B80] =	vst v63  }
0x19: {  	_ =	swait.ge [sflag:s12], $0x7530  }
0x1a: {  	[sflag:s12] =	ssyncset.done $0x0  }
0x1b: {  	s30 =	simm.s32 $0xED80;
	[sflag:s12] =	ssyncadd.s32 $0xFFFF8AD0  }
0x1c: {  	[tilespmem:s30], [sflag:$0x3] =	stream.linear.gather [hbm4b:s8+s3], $0x500, $0x38;
	[tilespmem:$0x10B80] =	vst v63  }
0x1d: {  	s31 =	simm.s32 $0x7580  }
0x1e: {  	[tilespmem:s31], [sflag:$0x1] =	stream.indirect.gather [hbm4b:s2+s14], $0x80, s3, s14, $0xb8;
	[tilespmem:$0x10B80] =	vst v63  }
0x1f: {  	_ = 	snop  }
0x20: {  	[tilespmem:s16], [sflag:$0x4] =	stream.linear.gather [hbm4b:s9+s3], $0x500, $0x38;
	[tilespmem:$0x10B80] =	vst v63  }
0x21: {  	s28 =	simm.s32 $0x0  }
0x22: {  	[tilespmem:s17], [sflag:$0x2] =	stream.indirect.gather [hbm4b:s2+s14], $0x80, s14, s14, $0xb8;
	[tilespmem:$0x10B80] =	vst v63  }
.LBB2_2:
0x23: {  	_ =	swait.ge [sflag:s18], $0x500  }
0x24: {  	[sflag:s18] =	ssyncset.done $0x0  }
0x25: {  	[sflag:s18] =	ssyncadd.s32 $0xFFFFFB00  }
0x26: {  	_ =	swait.ge [sflag:s19], $0x3C00  }
0x27: {  	p0 =	seq.s32 s28, $0x0;
	[sflag:s19] =	ssyncset.done $0x0  }
0x28: {  	s30 =	smul.u32 $0x28, s28;
	s0 =	simm.s32 @!p0 $0x5;
	[sflag:s19] =	ssyncadd.s32 $0xFFFFC400  }
0x29: {  	s29 =	sshll.u32 s28, $0x1;
	s1 =	simm.s32 $0x40;
	_ =	swait.ge @!p0 [sflag:s0], $0xA00  }
0x2a: {  	s13 =	simm.s32 $0xF800;
	s15 =	simm.s32 $0x7880;
	[sflag:s0] =	ssyncset.done @!p0 $0x0  }
0x2b: {  	s31 =	sadd.s32 s6, s30;
	[sflag:s0] =	ssyncadd.s32 @!p0 $0xFFFFF600;
	s0 =	simm.s32 $0xEDA0  }
.LBB2_3:
0x2c: {  	v1 =	vld [tilespmem:s0+$0xFFFFFFE0]  }
0x2d: {  	v2 =	vld [tilespmem:s15+$0xFFFFFD40];
	_ =	sdelay $0x1  }
0x2e: {  	v3 =	vld [tilespmem:s15+$0xFFFFFDC0];
	_ =	sdelay $0x1  }
0x2f: {  	v4 =	vld [tilespmem:s15+$0xFFFFFE40]  }
0x30: {  	v2 =	vmul.bf16 v2, v1  }
0x31: {  	v5 =	vld [tilespmem:s15+$0xFFFFFEC0]  }
0x32: {  	v3 =	vmul.bf16 v3, v1;
	v2 =	vadd.bf16 v0, v2  }
0x33: {  	v6 =	vld [tilespmem:s15+$0xFFFFFF40]  }
0x34: {  	(erf) = vrcp.bf16 v2;
	v2 =	vadd.bf16 v0, v3;
	v3 =	vmul.bf16 v4, v1  }
0x35: {  	v53 =	vld [tilespmem:s15+$0xFFFFFFC0]  }
0x36: {  	(erf) = vrcp.bf16 v2;
	v2 =	vadd.bf16 v0, v3;
	v3 =	vmul.bf16 v5, v1;
	_ =	sdelay $0x1  }
0x37: {  	(erf) = vrcp.bf16 v2;
	v2 =	vadd.bf16 v0, v3;
	v3 =	vmul.bf16 v6, v1;
	_ =	sdelay $0x1  }
0x38: {  	v1 =	vmul.bf16 v53, v1;
	(erf) = vrcp.bf16 v2;
	v2 =	vadd.bf16 v0, v3;
	_ =	sdelay $0x1  }
0x39: {  	v1 =	vadd.bf16 v0, v1;
	(erf) = vrcp.bf16 v2;
	_ =	sdelay $0x1  }
0x3a: {  	(erf) = vrcp.bf16 v1  }
0x3b: {  	v54 =	vld [tilespmem:s15+$0xFFFFFE80]  }
0x3c: {  	v2 =	vld [tilespmem:s15+$0xFFFFFD80]  }
0x3d: {  	v1 =	vld [tilespmem:s15+$0xFFFFFD00]  }
0x3e: {  	v3 =	vld [tilespmem:s15+$0xFFFFFE00]  }
0x3f: {  	v55 =	vld [tilespmem:s15+$0xFFFFFF00];
	v56 =	vpop (erf)  }
0x40: {  	v7 =	vld [tilespmem:s15+$0xFFFFFF80];
	v8 =	vpop (erf)  }
0x41: {  	v9 =	vpop (erf)  }
0x42: {  	v8 =	vmul.bf16 v8, v2;
	v6 =	vmul.bf16 v56, v1;
	v10 =	vpop (erf)  }
0x43: {  	v9 =	vmul.bf16 v9, v3;
	v1 =	vadd.bf16 v2, v1;
	v10 =	vmul.bf16 v10, v54;
	v11 =	vpop (erf)  }
0x44: {  	v2 =	vadd.bf16 v54, v3;
	v57 =	vadd.bf16 v8, v6;
	v12 =	vpop (erf)  }
0x45: {  	v11 =	vmul.bf16 v11, v55;
	v58 =	vadd.bf16 v10, v9;
	v3 =	vmul.bf16 v12, v7  }
0x46: {  	v1 =	vadd.bf16 v2, v1;
	v2 =	vadd.bf16 v7, v55  }
0x47: {  	v4 =	vadd.bf16 v58, v57;
	v3 =	vadd.bf16 v3, v11  }
0x48: {  	v1 =	vadd.bf16 v2, v1  }
0x49: {  	v2 =	vadd.bf16 v3, v4  }
0x4a: {  	[tilespmem:s13+$0xFFFFFF80] =	vst v1  }
0x4b: {  	[tilespmem:s13+$0xFFFFFFC0] =	vst v2  }
0x4c: {  	v1 =	vld [tilespmem:s0+$0xFFFFFFF0]  }
0x4d: {  	v2 =	vld [tilespmem:s15+$0xFFFFFD50];
	_ =	sdelay $0x1  }
0x4e: {  	v3 =	vld [tilespmem:s15+$0xFFFFFDD0];
	_ =	sdelay $0x1  }
0x4f: {  	v59 =	vld [tilespmem:s15+$0xFFFFFE50]  }
0x50: {  	v2 =	vmul.bf16 v2, v1  }
0x51: {  	v60 =	vld [tilespmem:s15+$0xFFFFFED0]  }
0x52: {  	v3 =	vmul.bf16 v3, v1;
	v2 =	vadd.bf16 v0, v2  }
0x53: {  	v61 =	vld [tilespmem:s15+$0xFFFFFF50]  }
0x54: {  	(erf) = vrcp.bf16 v2;
	v2 =	vadd.bf16 v0, v3;
	v3 =	vmul.bf16 v59, v1  }
0x55: {  	v62 =	vld [tilespmem:s15+$0xFFFFFFD0]  }
0x56: {  	(erf) = vrcp.bf16 v2;
	v2 =	vadd.bf16 v0, v3;
	v3 =	vmul.bf16 v60, v1;
	_ =	sdelay $0x1  }
0x57: {  	(erf) = vrcp.bf16 v2;
	v2 =	vadd.bf16 v0, v3;
	v3 =	vmul.bf16 v61, v1;
	_ =	sdelay $0x1  }
0x58: {  	v1 =	vmul.bf16 v62, v1;
	(erf) = vrcp.bf16 v2;
	v2 =	vadd.bf16 v0, v3;
	_ =	sdelay $0x1  }
0x59: {  	v1 =	vadd.bf16 v0, v1;
	(erf) = vrcp.bf16 v2;
	_ =	sdelay $0x1  }
0x5a: {  	(erf) = vrcp.bf16 v1  }
0x5b: {  	v63 =	vld [tilespmem:s15+$0xFFFFFE90]  }
0x5c: {  	v2 =	vld [tilespmem:s15+$0xFFFFFD90]  }
0x5d: {  	v1 =	vld [tilespmem:s15+$0xFFFFFD10]  }
0x5e: {  	v3 =	vld [tilespmem:s15+$0xFFFFFE10]  }
0x5f: {  	v16 =	vld [tilespmem:s15+$0xFFFFFF10];
	v17 =	vpop (erf)  }
0x60: {  	v18 =	vld [tilespmem:s15+$0xFFFFFF90];
	v19 =	vpop (erf)  }
0x61: {  	v20 =	vpop (erf)  }
0x62: {  	v8 =	vmul.bf16 v19, v2;
	v6 =	vmul.bf16 v17, v1;
	v21 =	vpop (erf)  }
0x63: {  	v9 =	vmul.bf16 v20, v3;
	v1 =	vadd.bf16 v2, v1;
	v10 =	vmul.bf16 v21, v63;
	v22 =	vpop (erf)  }
0x64: {  	v2 =	vadd.bf16 v63, v3;
	v24 =	vadd.bf16 v8, v6;
	v23 =	vpop (erf)  }
0x65: {  	v11 =	vmul.bf16 v22, v16;
	v25 =	vadd.bf16 v10, v9;
	v3 =	vmul.bf16 v23, v18  }
0x66: {  	v1 =	vadd.bf16 v2, v1;
	v2 =	vadd.bf16 v18, v16  }
0x67: {  	v4 =	vadd.bf16 v25, v24;
	v3 =	vadd.bf16 v3, v11  }
0x68: {  	v1 =	vadd.bf16 v2, v1  }
0x69: {  	v2 =	vadd.bf16 v3, v4  }
0x6a: {  	[tilespmem:s13+$0xFFFFFF90] =	vst v1  }
0x6b: {  	[tilespmem:s13+$0xFFFFFFD0] =	vst v2  }
0x6c: {  	v1 =	vld [tilespmem:s0+$0x0]  }
0x6d: {  	v2 =	vld [tilespmem:s15+$0xFFFFFD60];
	_ =	sdelay $0x1  }
0x6e: {  	v3 =	vld [tilespmem:s15+$0xFFFFFDE0];
	_ =	sdelay $0x1  }
0x6f: {  	v26 =	vld [tilespmem:s15+$0xFFFFFE60]  }
0x70: {  	v2 =	vmul.bf16 v2, v1  }
0x71: {  	v27 =	vld [tilespmem:s15+$0xFFFFFEE0]  }
0x72: {  	v3 =	vmul.bf16 v3, v1;
	v2 =	vadd.bf16 v0, v2  }
0x73: {  	v28 =	vld [tilespmem:s15+$0xFFFFFF60]  }
0x74: {  	(erf) = vrcp.bf16 v2;
	v2 =	vadd.bf16 v0, v3;
	v3 =	vmul.bf16 v26, v1  }
0x75: {  	v29 =	vld [tilespmem:s15+$0xFFFFFFE0]  }
0x76: {  	(erf) = vrcp.bf16 v2;
	v2 =	vadd.bf16 v0, v3;
	v3 =	vmul.bf16 v27, v1;
	_ =	sdelay $0x1  }
0x77: {  	(erf) = vrcp.bf16 v2;
	v2 =	vadd.bf16 v0, v3;
	v3 =	vmul.bf16 v28, v1;
	_ =	sdelay $0x1  }
0x78: {  	v1 =	vmul.bf16 v29, v1;
	(erf) = vrcp.bf16 v2;
	v2 =	vadd.bf16 v0, v3;
	_ =	sdelay $0x1  }
0x79: {  	v1 =	vadd.bf16 v0, v1;
	(erf) = vrcp.bf16 v2;
	_ =	sdelay $0x1  }
0x7a: {  	(erf) = vrcp.bf16 v1  }
0x7b: {  	v30 =	vld [tilespmem:s15+$0xFFFFFEA0]  }
0x7c: {  	v2 =	vld [tilespmem:s15+$0xFFFFFDA0]  }
0x7d: {  	v1 =	vld [tilespmem:s15+$0xFFFFFD20]  }
0x7e: {  	v3 =	vld [tilespmem:s15+$0xFFFFFE20]  }
0x7f: {  	v31 =	vld [tilespmem:s15+$0xFFFFFF20];
	v32 =	vpop (erf)  }
0x80: {  	v33 =	vld [tilespmem:s15+$0xFFFFFFA0];
	v34 =	vpop (erf)  }
0x81: {  	v35 =	vpop (erf)  }
0x82: {  	v8 =	vmul.bf16 v34, v2;
	v6 =	vmul.bf16 v32, v1;
	v36 =	vpop (erf)  }
0x83: {  	v9 =	vmul.bf16 v35, v3;
	v1 =	vadd.bf16 v2, v1;
	v10 =	vmul.bf16 v36, v30;
	v37 =	vpop (erf)  }
0x84: {  	v2 =	vadd.bf16 v30, v3;
	v39 =	vadd.bf16 v8, v6;
	v38 =	vpop (erf)  }
0x85: {  	v11 =	vmul.bf16 v37, v31;
	v40 =	vadd.bf16 v10, v9;
	v3 =	vmul.bf16 v38, v33  }
0x86: {  	v1 =	vadd.bf16 v2, v1;
	v2 =	vadd.bf16 v33, v31  }
0x87: {  	v4 =	vadd.bf16 v40, v39;
	v3 =	vadd.bf16 v3, v11  }
0x88: {  	v1 =	vadd.bf16 v2, v1  }
0x89: {  	v2 =	vadd.bf16 v3, v4  }
0x8a: {  	[tilespmem:s13+$0xFFFFFFA0] =	vst v1  }
0x8b: {  	[tilespmem:s13+$0xFFFFFFE0] =	vst v2  }
0x8c: {  	v1 =	vld [tilespmem:s0+$0x10]  }
0x8d: {  	v2 =	vld [tilespmem:s15+$0xFFFFFD70];
	_ =	sdelay $0x1  }
0x8e: {  	v3 =	vld [tilespmem:s15+$0xFFFFFDF0];
	_ =	sdelay $0x1  }
0x8f: {  	v41 =	vld [tilespmem:s15+$0xFFFFFE70]  }
0x90: {  	v2 =	vmul.bf16 v2, v1  }
0x91: {  	v42 =	vld [tilespmem:s15+$0xFFFFFEF0]  }
0x92: {  	v3 =	vmul.bf16 v3, v1;
	v2 =	vadd.bf16 v0, v2  }
0x93: {  	v43 =	vld [tilespmem:s15+$0xFFFFFF70]  }
0x94: {  	(erf) = vrcp.bf16 v2;
	v2 =	vadd.bf16 v0, v3;
	v3 =	vmul.bf16 v41, v1  }
0x95: {  	v44 =	vld [tilespmem:s15+$0xFFFFFFF0]  }
0x96: {  	(erf) = vrcp.bf16 v2;
	v2 =	vadd.bf16 v0, v3;
	v3 =	vmul.bf16 v42, v1;
	_ =	sdelay $0x1  }
0x97: {  	(erf) = vrcp.bf16 v2;
	v2 =	vadd.bf16 v0, v3;
	v3 =	vmul.bf16 v43, v1;
	_ =	sdelay $0x1  }
0x98: {  	v1 =	vmul.bf16 v44, v1;
	(erf) = vrcp.bf16 v2;
	v2 =	vadd.bf16 v0, v3;
	_ =	sdelay $0x1  }
0x99: {  	v1 =	vadd.bf16 v0, v1;
	(erf) = vrcp.bf16 v2;
	_ =	sdelay $0x1  }
0x9a: {  	(erf) = vrcp.bf16 v1  }
0x9b: {  	v45 =	vld [tilespmem:s15+$0xFFFFFEB0]  }
0x9c: {  	v2 =	vld [tilespmem:s15+$0xFFFFFDB0]  }
0x9d: {  	v1 =	vld [tilespmem:s15+$0xFFFFFD30]  }
0x9e: {  	v3 =	vld [tilespmem:s15+$0xFFFFFE30]  }
0x9f: {  	v46 =	vld [tilespmem:s15+$0xFFFFFF30];
	v47 =	vpop (erf)  }
0xa0: {  	v48 =	vld [tilespmem:s15+$0xFFFFFFB0];
	v49 =	vpop (erf)  }
0xa1: {  	v50 =	vpop (erf)  }
0xa2: {  	v8 =	vmul.bf16 v49, v2;
	v6 =	vmul.bf16 v47, v1;
	v51 =	vpop (erf)  }
0xa3: {  	v9 =	vmul.bf16 v50, v3;
	v1 =	vadd.bf16 v2, v1;
	v10 =	vmul.bf16 v51, v45;
	v52 =	vpop (erf)  }
0xa4: {  	v2 =	vadd.bf16 v45, v3;
	v54 =	vadd.bf16 v8, v6;
	v53 =	vpop (erf)  }
0xa5: {  	v11 =	vmul.bf16 v52, v46;
	v55 =	vadd.bf16 v10, v9;
	v3 =	vmul.bf16 v53, v48  }
0xa6: {  	v1 =	vadd.bf16 v2, v1;
	v2 =	vadd.bf16 v48, v46  }
0xa7: {  	v4 =	vadd.bf16 v55, v54;
	v3 =	vadd.bf16 v3, v11  }
0xa8: {  	v1 =	vadd.bf16 v2, v1  }
0xa9: {  	v2 =	vadd.bf16 v3, v4  }
0xaa: {  	[tilespmem:s13+$0xFFFFFFB0] =	vst v1  }
0xab: {  	[tilespmem:s13+$0xFFFFFFF0] =	vst v2  }
0xac: {  	v1 =	vld [tilespmem:s0+$0x20]  }
0xad: {  	v2 =	vld [tilespmem:s15+$0x40];
	_ =	sdelay $0x1  }
0xae: {  	v3 =	vld [tilespmem:s15+$0xC0];
	_ =	sdelay $0x1  }
0xaf: {  	v56 =	vld [tilespmem:s15+$0x140]  }
0xb0: {  	v2 =	vmul.bf16 v2, v1  }
0xb1: {  	v57 =	vld [tilespmem:s15+$0x1C0]  }
0xb2: {  	v3 =	vmul.bf16 v3, v1;
	v2 =	vadd.bf16 v0, v2  }
0xb3: {  	v58 =	vld [tilespmem:s15+$0x240]  }
0xb4: {  	(erf) = vrcp.bf16 v2;
	v2 =	vadd.bf16 v0, v3;
	v3 =	vmul.bf16 v56, v1  }
0xb5: {  	v59 =	vld [tilespmem:s15+$0x2C0]  }
0xb6: {  	(erf) = vrcp.bf16 v2;
	v2 =	vadd.bf16 v0, v3;
	v3 =	vmul.bf16 v57, v1;
	_ =	sdelay $0x1  }
0xb7: {  	(erf) = vrcp.bf16 v2;
	v2 =	vadd.bf16 v0, v3;
	v3 =	vmul.bf16 v58, v1;
	_ =	sdelay $0x1  }
0xb8: {  	v1 =	vmul.bf16 v59, v1;
	(erf) = vrcp.bf16 v2;
	v2 =	vadd.bf16 v0, v3;
	_ =	sdelay $0x1  }
0xb9: {  	v1 =	vadd.bf16 v0, v1;
	(erf) = vrcp.bf16 v2;
	_ =	sdelay $0x1  }
0xba: {  	(erf) = vrcp.bf16 v1  }
0xbb: {  	v60 =	vld [tilespmem:s15+$0x180]  }
0xbc: {  	v2 =	vld [tilespmem:s15+$0x80]  }
0xbd: {  	v1 =	vld [tilespmem:s15+$0x0]  }
0xbe: {  	v3 =	vld [tilespmem:s15+$0x100]  }
0xbf: {  	v61 =	vld [tilespmem:s15+$0x200];
	v62 =	vpop (erf)  }
0xc0: {  	v63 =	vld [tilespmem:s15+$0x280];
	v12 =	vpop (erf)  }
0xc1: {  	v13 =	vpop (erf)  }
0xc2: {  	v8 =	vmul.bf16 v12, v2;
	v6 =	vmul.bf16 v62, v1;
	v14 =	vpop (erf)  }
0xc3: {  	v9 =	vmul.bf16 v13, v3;
	v1 =	vadd.bf16 v2, v1;
	v10 =	vmul.bf16 v14, v60;
	v15 =	vpop (erf)  }
0xc4: {  	v2 =	vadd.bf16 v60, v3;
	v17 =	vadd.bf16 v8, v6;
	v16 =	vpop (erf)  }
0xc5: {  	v11 =	vmul.bf16 v15, v61;
	v18 =	vadd.bf16 v10, v9;
	v3 =	vmul.bf16 v16, v63  }
0xc6: {  	v1 =	vadd.bf16 v2, v1;
	v2 =	vadd.bf16 v63, v61  }
0xc7: {  	v4 =	vadd.bf16 v18, v17;
	v3 =	vadd.bf16 v3, v11  }
0xc8: {  	v1 =	vadd.bf16 v2, v1  }
0xc9: {  	v2 =	vadd.bf16 v3, v4  }
0xca: {  	[tilespmem:s13+$0x0] =	vst v1  }
0xcb: {  	s7 =	sor.u32 $0x50, s1;
	[tilespmem:s13+$0x40] =	vst v2  }
0xcc: {  	v1 =	vld [tilespmem:s7+$0xED80]  }
0xcd: {  	v2 =	vld [tilespmem:s15+$0x50];
	_ =	sdelay $0x1  }
0xce: {  	v3 =	vld [tilespmem:s15+$0xD0];
	_ =	sdelay $0x1  }
0xcf: {  	v19 =	vld [tilespmem:s15+$0x150]  }
0xd0: {  	v2 =	vmul.bf16 v2, v1  }
0xd1: {  	v20 =	vld [tilespmem:s15+$0x1D0]  }
0xd2: {  	v3 =	vmul.bf16 v3, v1;
	v2 =	vadd.bf16 v0, v2  }
0xd3: {  	v21 =	vld [tilespmem:s15+$0x250]  }
0xd4: {  	(erf) = vrcp.bf16 v2;
	v2 =	vadd.bf16 v0, v3;
	v3 =	vmul.bf16 v19, v1  }
0xd5: {  	v22 =	vld [tilespmem:s15+$0x2D0]  }
0xd6: {  	(erf) = vrcp.bf16 v2;
	v2 =	vadd.bf16 v0, v3;
	v3 =	vmul.bf16 v20, v1;
	_ =	sdelay $0x1  }
0xd7: {  	(erf) = vrcp.bf16 v2;
	v2 =	vadd.bf16 v0, v3;
	v3 =	vmul.bf16 v21, v1;
	_ =	sdelay $0x1  }
0xd8: {  	v1 =	vmul.bf16 v22, v1;
	(erf) = vrcp.bf16 v2;
	v2 =	vadd.bf16 v0, v3;
	_ =	sdelay $0x1  }
0xd9: {  	v1 =	vadd.bf16 v0, v1;
	(erf) = vrcp.bf16 v2;
	_ =	sdelay $0x1  }
0xda: {  	(erf) = vrcp.bf16 v1  }
0xdb: {  	v23 =	vld [tilespmem:s15+$0x190]  }
0xdc: {  	v2 =	vld [tilespmem:s15+$0x90]  }
0xdd: {  	v1 =	vld [tilespmem:s15+$0x10]  }
0xde: {  	v3 =	vld [tilespmem:s15+$0x110]  }
0xdf: {  	v24 =	vld [tilespmem:s15+$0x210];
	v25 =	vpop (erf)  }
0xe0: {  	v26 =	vld [tilespmem:s15+$0x290];
	v27 =	vpop (erf)  }
0xe1: {  	v28 =	vpop (erf)  }
0xe2: {  	v8 =	vmul.bf16 v27, v2;
	v6 =	vmul.bf16 v25, v1;
	v29 =	vpop (erf)  }
0xe3: {  	v9 =	vmul.bf16 v28, v3;
	v1 =	vadd.bf16 v2, v1;
	v10 =	vmul.bf16 v29, v23;
	v30 =	vpop (erf)  }
0xe4: {  	v2 =	vadd.bf16 v23, v3;
	v32 =	vadd.bf16 v8, v6;
	v31 =	vpop (erf)  }
0xe5: {  	v11 =	vmul.bf16 v30, v24;
	v33 =	vadd.bf16 v10, v9;
	v3 =	vmul.bf16 v31, v26  }
0xe6: {  	v1 =	vadd.bf16 v2, v1;
	v2 =	vadd.bf16 v26, v24  }
0xe7: {  	v4 =	vadd.bf16 v33, v32;
	v3 =	vadd.bf16 v3, v11  }
0xe8: {  	v1 =	vadd.bf16 v2, v1  }
0xe9: {  	v2 =	vadd.bf16 v3, v4  }
0xea: {  	[tilespmem:s13+$0x10] =	vst v1  }
0xeb: {  	s7 =	sor.u32 $0x60, s1;
	[tilespmem:s13+$0x50] =	vst v2  }
0xec: {  	v1 =	vld [tilespmem:s7+$0xED80]  }
0xed: {  	v2 =	vld [tilespmem:s15+$0x60];
	_ =	sdelay $0x1  }
0xee: {  	v3 =	vld [tilespmem:s15+$0xE0];
	_ =	sdelay $0x1  }
0xef: {  	v34 =	vld [tilespmem:s15+$0x160]  }
0xf0: {  	v2 =	vmul.bf16 v2, v1  }
0xf1: {  	v35 =	vld [tilespmem:s15+$0x1E0]  }
0xf2: {  	v3 =	vmul.bf16 v3, v1;
	v2 =	vadd.bf16 v0, v2  }
0xf3: {  	v36 =	vld [tilespmem:s15+$0x260]  }
0xf4: {  	(erf) = vrcp.bf16 v2;
	v2 =	vadd.bf16 v0, v3;
	v3 =	vmul.bf16 v34, v1  }
0xf5: {  	v37 =	vld [tilespmem:s15+$0x2E0]  }
0xf6: {  	(erf) = vrcp.bf16 v2;
	v2 =	vadd.bf16 v0, v3;
	v3 =	vmul.bf16 v35, v1;
	_ =	sdelay $0x1  }
0xf7: {  	(erf) = vrcp.bf16 v2;
	v2 =	vadd.bf16 v0, v3;
	v3 =	vmul.bf16 v36, v1;
	_ =	sdelay $0x1  }
0xf8: {  	v1 =	vmul.bf16 v37, v1;
	(erf) = vrcp.bf16 v2;
	v2 =	vadd.bf16 v0, v3;
	_ =	sdelay $0x1  }
0xf9: {  	v1 =	vadd.bf16 v0, v1;
	(erf) = vrcp.bf16 v2;
	_ =	sdelay $0x1  }
0xfa: {  	(erf) = vrcp.bf16 v1  }
0xfb: {  	v38 =	vld [tilespmem:s15+$0x1A0]  }
0xfc: {  	v2 =	vld [tilespmem:s15+$0xA0]  }
0xfd: {  	v1 =	vld [tilespmem:s15+$0x20]  }
0xfe: {  	v3 =	vld [tilespmem:s15+$0x120]  }
0xff: {  	v39 =	vld [tilespmem:s15+$0x220];
	v40 =	vpop (erf)  }
0x100: {  	v41 =	vld [tilespmem:s15+$0x2A0];
	v42 =	vpop (erf)  }
0x101: {  	v43 =	vpop (erf)  }
0x102: {  	v8 =	vmul.bf16 v42, v2;
	v6 =	vmul.bf16 v40, v1;
	v44 =	vpop (erf)  }
0x103: {  	v9 =	vmul.bf16 v43, v3;
	v1 =	vadd.bf16 v2, v1;
	v10 =	vmul.bf16 v44, v38;
	v45 =	vpop (erf)  }
0x104: {  	v2 =	vadd.bf16 v38, v3;
	v47 =	vadd.bf16 v8, v6;
	v46 =	vpop (erf)  }
0x105: {  	v11 =	vmul.bf16 v45, v39;
	v48 =	vadd.bf16 v10, v9;
	v3 =	vmul.bf16 v46, v41  }
0x106: {  	v1 =	vadd.bf16 v2, v1;
	v2 =	vadd.bf16 v41, v39  }
0x107: {  	v4 =	vadd.bf16 v48, v47;
	v3 =	vadd.bf16 v3, v11  }
0x108: {  	v1 =	vadd.bf16 v2, v1  }
0x109: {  	v2 =	vadd.bf16 v3, v4  }
0x10a: {  	[tilespmem:s13+$0x20] =	vst v1  }
0x10b: {  	s7 =	sor.u32 $0x70, s1;
	[tilespmem:s13+$0x60] =	vst v2  }
0x10c: {  	v1 =	vld [tilespmem:s7+$0xED80]  }
0x10d: {  	v2 =	vld [tilespmem:s15+$0x70];
	_ =	sdelay $0x1  }
0x10e: {  	v3 =	vld [tilespmem:s15+$0xF0];
	_ =	sdelay $0x1  }
0x10f: {  	v49 =	vld [tilespmem:s15+$0x170]  }
0x110: {  	v2 =	vmul.bf16 v2, v1  }
0x111: {  	v50 =	vld [tilespmem:s15+$0x1F0]  }
0x112: {  	v3 =	vmul.bf16 v3, v1;
	v2 =	vadd.bf16 v0, v2  }
0x113: {  	v51 =	vld [tilespmem:s15+$0x270]  }
0x114: {  	(erf) = vrcp.bf16 v2;
	v2 =	vadd.bf16 v0, v3;
	v3 =	vmul.bf16 v49, v1  }
0x115: {  	v52 =	vld [tilespmem:s15+$0x2F0]  }
0x116: {  	(erf) = vrcp.bf16 v2;
	v2 =	vadd.bf16 v0, v3;
	v3 =	vmul.bf16 v50, v1;
	_ =	sdelay $0x1  }
0x117: {  	(erf) = vrcp.bf16 v2;
	v2 =	vadd.bf16 v0, v3;
	v3 =	vmul.bf16 v51, v1;
	_ =	sdelay $0x1  }
0x118: {  	v1 =	vmul.bf16 v52, v1;
	(erf) = vrcp.bf16 v2;
	v2 =	vadd.bf16 v0, v3;
	_ =	sdelay $0x1  }
0x119: {  	v1 =	vadd.bf16 v0, v1;
	(erf) = vrcp.bf16 v2;
	_ =	sdelay $0x1  }
0x11a: {  	(erf) = vrcp.bf16 v1  }
0x11b: {  	v53 =	vld [tilespmem:s15+$0x1B0]  }
0x11c: {  	v2 =	vld [tilespmem:s15+$0xB0]  }
0x11d: {  	v1 =	vld [tilespmem:s15+$0x30]  }
0x11e: {  	v3 =	vld [tilespmem:s15+$0x130]  }
0x11f: {  	v55 =	vld [tilespmem:s15+$0x230];
	v54 =	vpop (erf)  }
0x120: {  	v57 =	vld [tilespmem:s15+$0x2B0];
	v56 =	vpop (erf)  }
0x121: {  	v58 =	vpop (erf)  }
0x122: {  	v7 =	vmul.bf16 v56, v2;
	v5 =	vmul.bf16 v54, v1;
	v59 =	vpop (erf)  }
0x123: {  	v9 =	vmul.bf16 v58, v3;
	v1 =	vadd.bf16 v2, v1;
	v10 =	vmul.bf16 v59, v53;
	v60 =	vpop (erf)  }
0x124: {  	v2 =	vadd.bf16 v53, v3;
	v62 =	vadd.bf16 v7, v5;
	v61 =	vpop (erf)  }
0x125: {  	v11 =	vmul.bf16 v60, v55;
	v63 =	vadd.bf16 v10, v9;
	v3 =	vmul.bf16 v61, v57  }
0x126: {  	p1 =	sne.s32 s1, $0x4C0;
	v1 =	vadd.bf16 v2, v1;
	v2 =	vadd.bf16 v57, v55  }
.Ltmp2:
0x127: {  	v4 =	vadd.bf16 v63, v62;
	v3 =	vadd.bf16 v3, v11;
	(pc) =	sbr.rel @p1 .LBB2_3-.Ltmp2, $4  }
0x128: {  	v1 =	vadd.bf16 v2, v1  }
0x129: {  	v2 =	vadd.bf16 v3, v4  }
0x12a: {  	s0 =	sadd.s32 $0x80, s0;
	[tilespmem:s13+$0x30] =	vst v1  }
0x12b: {  	s1 =	sadd.s32 $0x80, s1;
	s15 =	sadd.s32 $0x600, s15;
	[tilespmem:s13+$0x70] =	vst v2;
	s13 =	sadd.s32 $0x100, s13  }
0x12c: {  	p1 =	seq.s32 s28, $0x7C  }
0x12d: {  	s0 =	sshll.u32 s31, $0x4;
	s1 =	sadd.s32 @!p1 $0x2, s29  }
0x12e: {  	s0 =	sadd.s32 s5, s0;
	s7 =	smul.u32 @!p1 $0x14, s1  }
0x12f: {  	[hbm4b:s0+s3] =	stream.linear.scatter [tilespmem:s20], [sflag:$0x5], $0xA00, $0x38;
	[tilespmem:$0x10B80] =	vst v63  }
0x130: {  	s0 =	sadd.s32 @!p1 s6, s7  }
0x131: {  	s0 =	sshll.u32 @!p1 s0, $0x3  }
0x132: {  	s13 =	simm.s32 @!p1 $0xED80;
	s0 =	sand.u32 @!p1 $0x1FFFFFC0, s0  }
0x133: {  	s1 =	smul.u32 @!p1 $0x1E0, s1;
	s7 =	simm.s32 @!p1 $0x0;
	s0 =	sadd.s32 @!p1 s4, s0  }
0x134: {  	[tilespmem:s13], [sflag:$0x3] =	stream.linear.gather @!p1 [hbm4b:s0+s7], $0x500, $0x38;
	[tilespmem:$0x10B80] =	vst v63  }
0x135: {  	s0 =	sshra.s32 @!p1 s1, $0x2;
	s1 =	simm.s32 @!p1 $0x78;
	s7 =	simm.s32 @!p1 $0x7580  }
0x136: {  	[tilespmem:s7], [sflag:$0x1] =	stream.indirect.gather @!p1 [hbm4b:s2+s1], $0x80, s0, s1, $0xb8;
	[tilespmem:$0x10B80] =	vst v63  }
0x137: {  	_ =	swait.ge [sflag:s21], $0x500  }
0x138: {  	[sflag:s21] =	ssyncset.done $0x0  }
0x139: {  	[sflag:s21] =	ssyncadd.s32 $0xFFFFFB00  }
0x13a: {  	_ =	swait.ge [sflag:s22], $0x3C00  }
0x13b: {  	[sflag:s22] =	ssyncset.done $0x0  }
0x13c: {  	s0 =	simm.s32 @!p0 $0x6;
	[sflag:s22] =	ssyncadd.s32 $0xFFFFC400  }
0x13d: {  	s30 =	sadd.s32 s30, s10;
	_ =	swait.ge @!p0 [sflag:s0], $0xA00  }
0x13e: {  	s15 =	simm.s32 $0xB480;
	s13 =	simm.s32 $0x10200;
	[sflag:s0] =	ssyncset.done @!p0 $0x0  }
0x13f: {  	s1 =	simm.s32 $0x40;
	[sflag:s0] =	ssyncadd.s32 @!p0 $0xFFFFF600;
	s0 =	simm.s32 $0xF2A0  }
.LBB2_5:
0x140: {  	v1 =	vld [tilespmem:s0+$0xFFFFFFE0]  }
0x141: {  	v2 =	vld [tilespmem:s15+$0xFFFFFD40];
	_ =	sdelay $0x1  }
0x142: {  	v3 =	vld [tilespmem:s15+$0xFFFFFDC0];
	_ =	sdelay $0x1  }
0x143: {  	v4 =	vld [tilespmem:s15+$0xFFFFFE40]  }
0x144: {  	v2 =	vmul.bf16 v2, v1  }
0x145: {  	v5 =	vld [tilespmem:s15+$0xFFFFFEC0]  }
0x146: {  	v3 =	vmul.bf16 v3, v1;
	v2 =	vadd.bf16 v0, v2  }
0x147: {  	v6 =	vld [tilespmem:s15+$0xFFFFFF40]  }
0x148: {  	(erf) = vrcp.bf16 v2;
	v2 =	vadd.bf16 v0, v3;
	v3 =	vmul.bf16 v4, v1  }
0x149: {  	v53 =	vld [tilespmem:s15+$0xFFFFFFC0]  }
0x14a: {  	(erf) = vrcp.bf16 v2;
	v2 =	vadd.bf16 v0, v3;
	v3 =	vmul.bf16 v5, v1;
	_ =	sdelay $0x1  }
0x14b: {  	(erf) = vrcp.bf16 v2;
	v2 =	vadd.bf16 v0, v3;
	v3 =	vmul.bf16 v6, v1;
	_ =	sdelay $0x1  }
0x14c: {  	v1 =	vmul.bf16 v53, v1;
	(erf) = vrcp.bf16 v2;
	v2 =	vadd.bf16 v0, v3;
	_ =	sdelay $0x1  }
0x14d: {  	v1 =	vadd.bf16 v0, v1;
	(erf) = vrcp.bf16 v2;
	_ =	sdelay $0x1  }
0x14e: {  	(erf) = vrcp.bf16 v1  }
0x14f: {  	v54 =	vld [tilespmem:s15+$0xFFFFFE80]  }
0x150: {  	v2 =	vld [tilespmem:s15+$0xFFFFFD80]  }
0x151: {  	v1 =	vld [tilespmem:s15+$0xFFFFFD00]  }
0x152: {  	v3 =	vld [tilespmem:s15+$0xFFFFFE00]  }
0x153: {  	v55 =	vld [tilespmem:s15+$0xFFFFFF00];
	v56 =	vpop (erf)  }
0x154: {  	v7 =	vld [tilespmem:s15+$0xFFFFFF80];
	v8 =	vpop (erf)  }
0x155: {  	v9 =	vpop (erf)  }
0x156: {  	v8 =	vmul.bf16 v8, v2;
	v6 =	vmul.bf16 v56, v1;
	v10 =	vpop (erf)  }
0x157: {  	v9 =	vmul.bf16 v9, v3;
	v1 =	vadd.bf16 v2, v1;
	v10 =	vmul.bf16 v10, v54;
	v11 =	vpop (erf)  }
0x158: {  	v2 =	vadd.bf16 v54, v3;
	v57 =	vadd.bf16 v8, v6;
	v12 =	vpop (erf)  }
0x159: {  	v11 =	vmul.bf16 v11, v55;
	v58 =	vadd.bf16 v10, v9;
	v3 =	vmul.bf16 v12, v7  }
0x15a: {  	v1 =	vadd.bf16 v2, v1;
	v2 =	vadd.bf16 v7, v55  }
0x15b: {  	v4 =	vadd.bf16 v58, v57;
	v3 =	vadd.bf16 v3, v11  }
0x15c: {  	v1 =	vadd.bf16 v2, v1  }
0x15d: {  	v2 =	vadd.bf16 v3, v4  }
0x15e: {  	[tilespmem:s13+$0xFFFFFF80] =	vst v1  }
0x15f: {  	[tilespmem:s13+$0xFFFFFFC0] =	vst v2  }
0x160: {  	v1 =	vld [tilespmem:s0+$0xFFFFFFF0]  }
0x161: {  	v2 =	vld [tilespmem:s15+$0xFFFFFD50];
	_ =	sdelay $0x1  }
0x162: {  	v3 =	vld [tilespmem:s15+$0xFFFFFDD0];
	_ =	sdelay $0x1  }
0x163: {  	v59 =	vld [tilespmem:s15+$0xFFFFFE50]  }
0x164: {  	v2 =	vmul.bf16 v2, v1  }
0x165: {  	v60 =	vld [tilespmem:s15+$0xFFFFFED0]  }
0x166: {  	v3 =	vmul.bf16 v3, v1;
	v2 =	vadd.bf16 v0, v2  }
0x167: {  	v61 =	vld [tilespmem:s15+$0xFFFFFF50]  }
0x168: {  	(erf) = vrcp.bf16 v2;
	v2 =	vadd.bf16 v0, v3;
	v3 =	vmul.bf16 v59, v1  }
0x169: {  	v62 =	vld [tilespmem:s15+$0xFFFFFFD0]  }
0x16a: {  	(erf) = vrcp.bf16 v2;
	v2 =	vadd.bf16 v0, v3;
	v3 =	vmul.bf16 v60, v1;
	_ =	sdelay $0x1  }
0x16b: {  	(erf) = vrcp.bf16 v2;
	v2 =	vadd.bf16 v0, v3;
	v3 =	vmul.bf16 v61, v1;
	_ =	sdelay $0x1  }
0x16c: {  	v1 =	vmul.bf16 v62, v1;
	(erf) = vrcp.bf16 v2;
	v2 =	vadd.bf16 v0, v3;
	_ =	sdelay $0x1  }
0x16d: {  	v1 =	vadd.bf16 v0, v1;
	(erf) = vrcp.bf16 v2;
	_ =	sdelay $0x1  }
0x16e: {  	(erf) = vrcp.bf16 v1  }
0x16f: {  	v63 =	vld [tilespmem:s15+$0xFFFFFE90]  }
0x170: {  	v2 =	vld [tilespmem:s15+$0xFFFFFD90]  }
0x171: {  	v1 =	vld [tilespmem:s15+$0xFFFFFD10]  }
0x172: {  	v3 =	vld [tilespmem:s15+$0xFFFFFE10]  }
0x173: {  	v16 =	vld [tilespmem:s15+$0xFFFFFF10];
	v17 =	vpop (erf)  }
0x174: {  	v18 =	vld [tilespmem:s15+$0xFFFFFF90];
	v19 =	vpop (erf)  }
0x175: {  	v20 =	vpop (erf)  }
0x176: {  	v8 =	vmul.bf16 v19, v2;
	v6 =	vmul.bf16 v17, v1;
	v21 =	vpop (erf)  }
0x177: {  	v9 =	vmul.bf16 v20, v3;
	v1 =	vadd.bf16 v2, v1;
	v10 =	vmul.bf16 v21, v63;
	v22 =	vpop (erf)  }
0x178: {  	v2 =	vadd.bf16 v63, v3;
	v24 =	vadd.bf16 v8, v6;
	v23 =	vpop (erf)  }
0x179: {  	v11 =	vmul.bf16 v22, v16;
	v25 =	vadd.bf16 v10, v9;
	v3 =	vmul.bf16 v23, v18  }
0x17a: {  	v1 =	vadd.bf16 v2, v1;
	v2 =	vadd.bf16 v18, v16  }
0x17b: {  	v4 =	vadd.bf16 v25, v24;
	v3 =	vadd.bf16 v3, v11  }
0x17c: {  	v1 =	vadd.bf16 v2, v1  }
0x17d: {  	v2 =	vadd.bf16 v3, v4  }
0x17e: {  	[tilespmem:s13+$0xFFFFFF90] =	vst v1  }
0x17f: {  	[tilespmem:s13+$0xFFFFFFD0] =	vst v2  }
0x180: {  	v1 =	vld [tilespmem:s0+$0x0]  }
0x181: {  	v2 =	vld [tilespmem:s15+$0xFFFFFD60];
	_ =	sdelay $0x1  }
0x182: {  	v3 =	vld [tilespmem:s15+$0xFFFFFDE0];
	_ =	sdelay $0x1  }
0x183: {  	v26 =	vld [tilespmem:s15+$0xFFFFFE60]  }
0x184: {  	v2 =	vmul.bf16 v2, v1  }
0x185: {  	v27 =	vld [tilespmem:s15+$0xFFFFFEE0]  }
0x186: {  	v3 =	vmul.bf16 v3, v1;
	v2 =	vadd.bf16 v0, v2  }
0x187: {  	v28 =	vld [tilespmem:s15+$0xFFFFFF60]  }
0x188: {  	(erf) = vrcp.bf16 v2;
	v2 =	vadd.bf16 v0, v3;
	v3 =	vmul.bf16 v26, v1  }
0x189: {  	v29 =	vld [tilespmem:s15+$0xFFFFFFE0]  }
0x18a: {  	(erf) = vrcp.bf16 v2;
	v2 =	vadd.bf16 v0, v3;
	v3 =	vmul.bf16 v27, v1;
	_ =	sdelay $0x1  }
0x18b: {  	(erf) = vrcp.bf16 v2;
	v2 =	vadd.bf16 v0, v3;
	v3 =	vmul.bf16 v28, v1;
	_ =	sdelay $0x1  }
0x18c: {  	v1 =	vmul.bf16 v29, v1;
	(erf) = vrcp.bf16 v2;
	v2 =	vadd.bf16 v0, v3;
	_ =	sdelay $0x1  }
0x18d: {  	v1 =	vadd.bf16 v0, v1;
	(erf) = vrcp.bf16 v2;
	_ =	sdelay $0x1  }
0x18e: {  	(erf) = vrcp.bf16 v1  }
0x18f: {  	v30 =	vld [tilespmem:s15+$0xFFFFFEA0]  }
0x190: {  	v2 =	vld [tilespmem:s15+$0xFFFFFDA0]  }
0x191: {  	v1 =	vld [tilespmem:s15+$0xFFFFFD20]  }
0x192: {  	v3 =	vld [tilespmem:s15+$0xFFFFFE20]  }
0x193: {  	v31 =	vld [tilespmem:s15+$0xFFFFFF20];
	v32 =	vpop (erf)  }
0x194: {  	v33 =	vld [tilespmem:s15+$0xFFFFFFA0];
	v34 =	vpop (erf)  }
0x195: {  	v35 =	vpop (erf)  }
0x196: {  	v8 =	vmul.bf16 v34, v2;
	v6 =	vmul.bf16 v32, v1;
	v36 =	vpop (erf)  }
0x197: {  	v9 =	vmul.bf16 v35, v3;
	v1 =	vadd.bf16 v2, v1;
	v10 =	vmul.bf16 v36, v30;
	v37 =	vpop (erf)  }
0x198: {  	v2 =	vadd.bf16 v30, v3;
	v39 =	vadd.bf16 v8, v6;
	v38 =	vpop (erf)  }
0x199: {  	v11 =	vmul.bf16 v37, v31;
	v40 =	vadd.bf16 v10, v9;
	v3 =	vmul.bf16 v38, v33  }
0x19a: {  	v1 =	vadd.bf16 v2, v1;
	v2 =	vadd.bf16 v33, v31  }
0x19b: {  	v4 =	vadd.bf16 v40, v39;
	v3 =	vadd.bf16 v3, v11  }
0x19c: {  	v1 =	vadd.bf16 v2, v1  }
0x19d: {  	v2 =	vadd.bf16 v3, v4  }
0x19e: {  	[tilespmem:s13+$0xFFFFFFA0] =	vst v1  }
0x19f: {  	[tilespmem:s13+$0xFFFFFFE0] =	vst v2  }
0x1a0: {  	v1 =	vld [tilespmem:s0+$0x10]  }
0x1a1: {  	v2 =	vld [tilespmem:s15+$0xFFFFFD70];
	_ =	sdelay $0x1  }
0x1a2: {  	v3 =	vld [tilespmem:s15+$0xFFFFFDF0];
	_ =	sdelay $0x1  }
0x1a3: {  	v41 =	vld [tilespmem:s15+$0xFFFFFE70]  }
0x1a4: {  	v2 =	vmul.bf16 v2, v1  }
0x1a5: {  	v42 =	vld [tilespmem:s15+$0xFFFFFEF0]  }
0x1a6: {  	v3 =	vmul.bf16 v3, v1;
	v2 =	vadd.bf16 v0, v2  }
0x1a7: {  	v43 =	vld [tilespmem:s15+$0xFFFFFF70]  }
0x1a8: {  	(erf) = vrcp.bf16 v2;
	v2 =	vadd.bf16 v0, v3;
	v3 =	vmul.bf16 v41, v1  }
0x1a9: {  	v44 =	vld [tilespmem:s15+$0xFFFFFFF0]  }
0x1aa: {  	(erf) = vrcp.bf16 v2;
	v2 =	vadd.bf16 v0, v3;
	v3 =	vmul.bf16 v42, v1;
	_ =	sdelay $0x1  }
0x1ab: {  	(erf) = vrcp.bf16 v2;
	v2 =	vadd.bf16 v0, v3;
	v3 =	vmul.bf16 v43, v1;
	_ =	sdelay $0x1  }
0x1ac: {  	v1 =	vmul.bf16 v44, v1;
	(erf) = vrcp.bf16 v2;
	v2 =	vadd.bf16 v0, v3;
	_ =	sdelay $0x1  }
0x1ad: {  	v1 =	vadd.bf16 v0, v1;
	(erf) = vrcp.bf16 v2;
	_ =	sdelay $0x1  }
0x1ae: {  	(erf) = vrcp.bf16 v1  }
0x1af: {  	v45 =	vld [tilespmem:s15+$0xFFFFFEB0]  }
0x1b0: {  	v2 =	vld [tilespmem:s15+$0xFFFFFDB0]  }
0x1b1: {  	v1 =	vld [tilespmem:s15+$0xFFFFFD30]  }
0x1b2: {  	v3 =	vld [tilespmem:s15+$0xFFFFFE30]  }
0x1b3: {  	v46 =	vld [tilespmem:s15+$0xFFFFFF30];
	v47 =	vpop (erf)  }
0x1b4: {  	v48 =	vld [tilespmem:s15+$0xFFFFFFB0];
	v49 =	vpop (erf)  }
0x1b5: {  	v50 =	vpop (erf)  }
0x1b6: {  	v8 =	vmul.bf16 v49, v2;
	v6 =	vmul.bf16 v47, v1;
	v51 =	vpop (erf)  }
0x1b7: {  	v9 =	vmul.bf16 v50, v3;
	v1 =	vadd.bf16 v2, v1;
	v10 =	vmul.bf16 v51, v45;
	v52 =	vpop (erf)  }
0x1b8: {  	v2 =	vadd.bf16 v45, v3;
	v54 =	vadd.bf16 v8, v6;
	v53 =	vpop (erf)  }
0x1b9: {  	v11 =	vmul.bf16 v52, v46;
	v55 =	vadd.bf16 v10, v9;
	v3 =	vmul.bf16 v53, v48  }
0x1ba: {  	v1 =	vadd.bf16 v2, v1;
	v2 =	vadd.bf16 v48, v46  }
0x1bb: {  	v4 =	vadd.bf16 v55, v54;
	v3 =	vadd.bf16 v3, v11  }
0x1bc: {  	v1 =	vadd.bf16 v2, v1  }
0x1bd: {  	v2 =	vadd.bf16 v3, v4  }
0x1be: {  	[tilespmem:s13+$0xFFFFFFB0] =	vst v1  }
0x1bf: {  	[tilespmem:s13+$0xFFFFFFF0] =	vst v2  }
0x1c0: {  	v1 =	vld [tilespmem:s0+$0x20]  }
0x1c1: {  	v2 =	vld [tilespmem:s15+$0x40];
	_ =	sdelay $0x1  }
0x1c2: {  	v3 =	vld [tilespmem:s15+$0xC0];
	_ =	sdelay $0x1  }
0x1c3: {  	v56 =	vld [tilespmem:s15+$0x140]  }
0x1c4: {  	v2 =	vmul.bf16 v2, v1  }
0x1c5: {  	v57 =	vld [tilespmem:s15+$0x1C0]  }
0x1c6: {  	v3 =	vmul.bf16 v3, v1;
	v2 =	vadd.bf16 v0, v2  }
0x1c7: {  	v58 =	vld [tilespmem:s15+$0x240]  }
0x1c8: {  	(erf) = vrcp.bf16 v2;
	v2 =	vadd.bf16 v0, v3;
	v3 =	vmul.bf16 v56, v1  }
0x1c9: {  	v59 =	vld [tilespmem:s15+$0x2C0]  }
0x1ca: {  	(erf) = vrcp.bf16 v2;
	v2 =	vadd.bf16 v0, v3;
	v3 =	vmul.bf16 v57, v1;
	_ =	sdelay $0x1  }
0x1cb: {  	(erf) = vrcp.bf16 v2;
	v2 =	vadd.bf16 v0, v3;
	v3 =	vmul.bf16 v58, v1;
	_ =	sdelay $0x1  }
0x1cc: {  	v1 =	vmul.bf16 v59, v1;
	(erf) = vrcp.bf16 v2;
	v2 =	vadd.bf16 v0, v3;
	_ =	sdelay $0x1  }
0x1cd: {  	v1 =	vadd.bf16 v0, v1;
	(erf) = vrcp.bf16 v2;
	_ =	sdelay $0x1  }
0x1ce: {  	(erf) = vrcp.bf16 v1  }
0x1cf: {  	v60 =	vld [tilespmem:s15+$0x180]  }
0x1d0: {  	v2 =	vld [tilespmem:s15+$0x80]  }
0x1d1: {  	v1 =	vld [tilespmem:s15+$0x0]  }
0x1d2: {  	v3 =	vld [tilespmem:s15+$0x100]  }
0x1d3: {  	v61 =	vld [tilespmem:s15+$0x200];
	v62 =	vpop (erf)  }
0x1d4: {  	v63 =	vld [tilespmem:s15+$0x280];
	v12 =	vpop (erf)  }
0x1d5: {  	v13 =	vpop (erf)  }
0x1d6: {  	v8 =	vmul.bf16 v12, v2;
	v6 =	vmul.bf16 v62, v1;
	v14 =	vpop (erf)  }
0x1d7: {  	v9 =	vmul.bf16 v13, v3;
	v1 =	vadd.bf16 v2, v1;
	v10 =	vmul.bf16 v14, v60;
	v15 =	vpop (erf)  }
0x1d8: {  	v2 =	vadd.bf16 v60, v3;
	v17 =	vadd.bf16 v8, v6;
	v16 =	vpop (erf)  }
0x1d9: {  	v11 =	vmul.bf16 v15, v61;
	v18 =	vadd.bf16 v10, v9;
	v3 =	vmul.bf16 v16, v63  }
0x1da: {  	v1 =	vadd.bf16 v2, v1;
	v2 =	vadd.bf16 v63, v61  }
0x1db: {  	v4 =	vadd.bf16 v18, v17;
	v3 =	vadd.bf16 v3, v11  }
0x1dc: {  	v1 =	vadd.bf16 v2, v1  }
0x1dd: {  	v2 =	vadd.bf16 v3, v4  }
0x1de: {  	[tilespmem:s13+$0x0] =	vst v1  }
0x1df: {  	s7 =	sor.u32 $0x50, s1;
	[tilespmem:s13+$0x40] =	vst v2  }
0x1e0: {  	v1 =	vld [tilespmem:s7+$0xF280]  }
0x1e1: {  	v2 =	vld [tilespmem:s15+$0x50];
	_ =	sdelay $0x1  }
0x1e2: {  	v3 =	vld [tilespmem:s15+$0xD0];
	_ =	sdelay $0x1  }
0x1e3: {  	v19 =	vld [tilespmem:s15+$0x150]  }
0x1e4: {  	v2 =	vmul.bf16 v2, v1  }
0x1e5: {  	v20 =	vld [tilespmem:s15+$0x1D0]  }
0x1e6: {  	v3 =	vmul.bf16 v3, v1;
	v2 =	vadd.bf16 v0, v2  }
0x1e7: {  	v21 =	vld [tilespmem:s15+$0x250]  }
0x1e8: {  	(erf) = vrcp.bf16 v2;
	v2 =	vadd.bf16 v0, v3;
	v3 =	vmul.bf16 v19, v1  }
0x1e9: {  	v22 =	vld [tilespmem:s15+$0x2D0]  }
0x1ea: {  	(erf) = vrcp.bf16 v2;
	v2 =	vadd.bf16 v0, v3;
	v3 =	vmul.bf16 v20, v1;
	_ =	sdelay $0x1  }
0x1eb: {  	(erf) = vrcp.bf16 v2;
	v2 =	vadd.bf16 v0, v3;
	v3 =	vmul.bf16 v21, v1;
	_ =	sdelay $0x1  }
0x1ec: {  	v1 =	vmul.bf16 v22, v1;
	(erf) = vrcp.bf16 v2;
	v2 =	vadd.bf16 v0, v3;
	_ =	sdelay $0x1  }
0x1ed: {  	v1 =	vadd.bf16 v0, v1;
	(erf) = vrcp.bf16 v2;
	_ =	sdelay $0x1  }
0x1ee: {  	(erf) = vrcp.bf16 v1  }
0x1ef: {  	v23 =	vld [tilespmem:s15+$0x190]  }
0x1f0: {  	v2 =	vld [tilespmem:s15+$0x90]  }
0x1f1: {  	v1 =	vld [tilespmem:s15+$0x10]  }
0x1f2: {  	v3 =	vld [tilespmem:s15+$0x110]  }
0x1f3: {  	v24 =	vld [tilespmem:s15+$0x210];
	v25 =	vpop (erf)  }
0x1f4: {  	v26 =	vld [tilespmem:s15+$0x290];
	v27 =	vpop (erf)  }
0x1f5: {  	v28 =	vpop (erf)  }
0x1f6: {  	v8 =	vmul.bf16 v27, v2;
	v6 =	vmul.bf16 v25, v1;
	v29 =	vpop (erf)  }
0x1f7: {  	v9 =	vmul.bf16 v28, v3;
	v1 =	vadd.bf16 v2, v1;
	v10 =	vmul.bf16 v29, v23;
	v30 =	vpop (erf)  }
0x1f8: {  	v2 =	vadd.bf16 v23, v3;
	v32 =	vadd.bf16 v8, v6;
	v31 =	vpop (erf)  }
0x1f9: {  	v11 =	vmul.bf16 v30, v24;
	v33 =	vadd.bf16 v10, v9;
	v3 =	vmul.bf16 v31, v26  }
0x1fa: {  	v1 =	vadd.bf16 v2, v1;
	v2 =	vadd.bf16 v26, v24  }
0x1fb: {  	v4 =	vadd.bf16 v33, v32;
	v3 =	vadd.bf16 v3, v11  }
0x1fc: {  	v1 =	vadd.bf16 v2, v1  }
0x1fd: {  	v2 =	vadd.bf16 v3, v4  }
0x1fe: {  	[tilespmem:s13+$0x10] =	vst v1  }
0x1ff: {  	s31 =	sor.u32 $0x60, s1;
	[tilespmem:s13+$0x50] =	vst v2  }
0x200: {  	v1 =	vld [tilespmem:s31+$0xF280]  }
0x201: {  	v2 =	vld [tilespmem:s15+$0x60];
	_ =	sdelay $0x1  }
0x202: {  	v3 =	vld [tilespmem:s15+$0xE0];
	_ =	sdelay $0x1  }
0x203: {  	v34 =	vld [tilespmem:s15+$0x160]  }
0x204: {  	v2 =	vmul.bf16 v2, v1  }
0x205: {  	v35 =	vld [tilespmem:s15+$0x1E0]  }
0x206: {  	v3 =	vmul.bf16 v3, v1;
	v2 =	vadd.bf16 v0, v2  }
0x207: {  	v36 =	vld [tilespmem:s15+$0x260]  }
0x208: {  	(erf) = vrcp.bf16 v2;
	v2 =	vadd.bf16 v0, v3;
	v3 =	vmul.bf16 v34, v1  }
0x209: {  	v37 =	vld [tilespmem:s15+$0x2E0]  }
0x20a: {  	(erf) = vrcp.bf16 v2;
	v2 =	vadd.bf16 v0, v3;
	v3 =	vmul.bf16 v35, v1;
	_ =	sdelay $0x1  }
0x20b: {  	(erf) = vrcp.bf16 v2;
	v2 =	vadd.bf16 v0, v3;
	v3 =	vmul.bf16 v36, v1;
	_ =	sdelay $0x1  }
0x20c: {  	v1 =	vmul.bf16 v37, v1;
	(erf) = vrcp.bf16 v2;
	v2 =	vadd.bf16 v0, v3;
	_ =	sdelay $0x1  }
0x20d: {  	v1 =	vadd.bf16 v0, v1;
	(erf) = vrcp.bf16 v2;
	_ =	sdelay $0x1  }
0x20e: {  	(erf) = vrcp.bf16 v1  }
0x20f: {  	v38 =	vld [tilespmem:s15+$0x1A0]  }
0x210: {  	v2 =	vld [tilespmem:s15+$0xA0]  }
0x211: {  	v1 =	vld [tilespmem:s15+$0x20]  }
0x212: {  	v3 =	vld [tilespmem:s15+$0x120]  }
0x213: {  	v39 =	vld [tilespmem:s15+$0x220];
	v40 =	vpop (erf)  }
0x214: {  	v41 =	vld [tilespmem:s15+$0x2A0];
	v42 =	vpop (erf)  }
0x215: {  	v43 =	vpop (erf)  }
0x216: {  	v8 =	vmul.bf16 v42, v2;
	v6 =	vmul.bf16 v40, v1;
	v44 =	vpop (erf)  }
0x217: {  	v9 =	vmul.bf16 v43, v3;
	v1 =	vadd.bf16 v2, v1;
	v10 =	vmul.bf16 v44, v38;
	v45 =	vpop (erf)  }
0x218: {  	v2 =	vadd.bf16 v38, v3;
	v47 =	vadd.bf16 v8, v6;
	v46 =	vpop (erf)  }
0x219: {  	v11 =	vmul.bf16 v45, v39;
	v48 =	vadd.bf16 v10, v9;
	v3 =	vmul.bf16 v46, v41  }
0x21a: {  	v1 =	vadd.bf16 v2, v1;
	v2 =	vadd.bf16 v41, v39  }
0x21b: {  	v4 =	vadd.bf16 v48, v47;
	v3 =	vadd.bf16 v3, v11  }
0x21c: {  	v1 =	vadd.bf16 v2, v1  }
0x21d: {  	v2 =	vadd.bf16 v3, v4  }
0x21e: {  	[tilespmem:s13+$0x20] =	vst v1  }
0x21f: {  	s31 =	sor.u32 $0x70, s1;
	[tilespmem:s13+$0x60] =	vst v2  }
0x220: {  	v1 =	vld [tilespmem:s31+$0xF280]  }
0x221: {  	v2 =	vld [tilespmem:s15+$0x70];
	_ =	sdelay $0x1  }
0x222: {  	v3 =	vld [tilespmem:s15+$0xF0];
	_ =	sdelay $0x1  }
0x223: {  	v49 =	vld [tilespmem:s15+$0x170]  }
0x224: {  	v2 =	vmul.bf16 v2, v1  }
0x225: {  	v50 =	vld [tilespmem:s15+$0x1F0]  }
0x226: {  	v3 =	vmul.bf16 v3, v1;
	v2 =	vadd.bf16 v0, v2  }
0x227: {  	v51 =	vld [tilespmem:s15+$0x270]  }
0x228: {  	(erf) = vrcp.bf16 v2;
	v2 =	vadd.bf16 v0, v3;
	v3 =	vmul.bf16 v49, v1  }
0x229: {  	v52 =	vld [tilespmem:s15+$0x2F0]  }
0x22a: {  	(erf) = vrcp.bf16 v2;
	v2 =	vadd.bf16 v0, v3;
	v3 =	vmul.bf16 v50, v1;
	_ =	sdelay $0x1  }
0x22b: {  	(erf) = vrcp.bf16 v2;
	v2 =	vadd.bf16 v0, v3;
	v3 =	vmul.bf16 v51, v1;
	_ =	sdelay $0x1  }
0x22c: {  	v1 =	vmul.bf16 v52, v1;
	(erf) = vrcp.bf16 v2;
	v2 =	vadd.bf16 v0, v3;
	_ =	sdelay $0x1  }
0x22d: {  	v1 =	vadd.bf16 v0, v1;
	(erf) = vrcp.bf16 v2;
	_ =	sdelay $0x1  }
0x22e: {  	(erf) = vrcp.bf16 v1  }
0x22f: {  	v53 =	vld [tilespmem:s15+$0x1B0]  }
0x230: {  	v2 =	vld [tilespmem:s15+$0xB0]  }
0x231: {  	v1 =	vld [tilespmem:s15+$0x30]  }
0x232: {  	v3 =	vld [tilespmem:s15+$0x130]  }
0x233: {  	v55 =	vld [tilespmem:s15+$0x230];
	v54 =	vpop (erf)  }
0x234: {  	v57 =	vld [tilespmem:s15+$0x2B0];
	v56 =	vpop (erf)  }
0x235: {  	v58 =	vpop (erf)  }
0x236: {  	v7 =	vmul.bf16 v56, v2;
	v5 =	vmul.bf16 v54, v1;
	v59 =	vpop (erf)  }
0x237: {  	v9 =	vmul.bf16 v58, v3;
	v1 =	vadd.bf16 v2, v1;
	v10 =	vmul.bf16 v59, v53;
	v60 =	vpop (erf)  }
0x238: {  	v2 =	vadd.bf16 v53, v3;
	v62 =	vadd.bf16 v7, v5;
	v61 =	vpop (erf)  }
0x239: {  	v11 =	vmul.bf16 v60, v55;
	v63 =	vadd.bf16 v10, v9;
	v3 =	vmul.bf16 v61, v57  }
0x23a: {  	p0 =	sne.s32 s1, $0x4C0;
	v1 =	vadd.bf16 v2, v1;
	v2 =	vadd.bf16 v57, v55  }
.Ltmp3:
0x23b: {  	v4 =	vadd.bf16 v63, v62;
	v3 =	vadd.bf16 v3, v11;
	(pc) =	sbr.rel @p0 .LBB2_5-.Ltmp3, $4  }
0x23c: {  	v1 =	vadd.bf16 v2, v1  }
0x23d: {  	v2 =	vadd.bf16 v3, v4  }
0x23e: {  	s0 =	sadd.s32 $0x80, s0;
	[tilespmem:s13+$0x30] =	vst v1  }
0x23f: {  	s1 =	sadd.s32 $0x80, s1;
	s15 =	sadd.s32 $0x600, s15;
	[tilespmem:s13+$0x70] =	vst v2;
	s13 =	sadd.s32 $0x100, s13  }
.Ltmp4:
0x240: {  	(pc) =	sbr.rel @p1 .LBB2_8-.Ltmp4, $4  }
0x241: {  	s0 =	sshll.u32 s30, $0x4  }
0x242: {  	s0 =	sand.u32 $0x1FFFFFC0, s0  }
0x243: {  	s0 =	sadd.s32 s5, s0  }
0x244: {  	[hbm4b:s0+s3] =	stream.linear.scatter [tilespmem:s23], [sflag:$0x6], $0xA00, $0x38;
	[tilespmem:$0x10B80] =	vst v63  }
0x245: {  	s0 =	sadd.s32 $0x3, s29  }
0x246: {  	s1 =	smul.u32 $0x14, s0;
	_ =	sdelay $0x1  }
0x247: {  	s1 =	sadd.s32 s6, s1  }
0x248: {  	s1 =	sshll.u32 s1, $0x3  }
.Ltmp5:
0x249: {  	s1 =	sand.u32 $0x1FFFFFE0, s1;
	(pc) =	sbr.rel .LBB2_2-.Ltmp5, $4  }
0x24a: {  	s0 =	smul.u32 $0x1E0, s0;
	s1 =	sadd.s32 s4, s1  }
0x24b: {  	[tilespmem:s16], [sflag:$0x4] =	stream.linear.gather [hbm4b:s1+s3], $0x500, $0x38;
	[tilespmem:$0x10B80] =	vst v63  }
0x24c: {  	s28 =	sadd.s32 $0x1, s28;
	s0 =	sshra.s32 s0, $0x2  }
0x24d: {  	[tilespmem:s17], [sflag:$0x2] =	stream.indirect.gather [hbm4b:s2+s14], $0x80, s0, s14, $0xb8;
	[tilespmem:$0x10B80] =	vst v63  }
.LBB2_9:
0x24e: {  	_ =	sfence.sel $0x180000  }
0x24f: {  	[bflag:$0x0] =	sbarrier.arrive $0xFFFF  }
0x250: {  	_ =	strace $0x9000004A  }
0x251: {  	s0 =	stileid.u32;
	[bflag:$0x2] =	sbarrier.arrive $0xFFFF  }
0x252: {  	p0 =	sne.s32 s0, $0x0;
	s0 =	rddreg [dreg:$0x2]  }
0x253: {  	s0 =	sadd.s32 @!p0 $0x100000, s0  }
0x254: {  	[sflag:s0] =	ssyncadd.tile.s32 @!p0 $0x1;
	_ =	shalt  }
.Lfunc_end2:
_tile_overlayer_lowered:
.L_overlay_start_2:
0x255: {  	(tag) =	ssettag $0x2  }
0x256: {  	s0 =	rddreg [dreg:$0x0];
	s2 =	stileid.u32  }
0x257: {  	s1 =	rddreg [dreg:$0x1];
	p0 =	sne.s32 s2, $0x0  }
0x258: {  	s3 =	rddreg [dreg:$0x2];
	[bflag:$0x3] =	sbarrier.arrive $0xFFFF;
	s2 =	simm.s32 @!p0 $0x1C07  }
0x259: {  	[timem:s3], [sflag:s2] =	dma.local @!p0 [hbm:s0], s1  }
0x25a: {  	s0 =	simm.s32 @!p0 $0x7  }
0x25b: {  	_ =	swait.ge @!p0 [sflag:s0], s1  }
0x25c: {  	s1 =	ssub.s32 @!p0 $0x0, s1;
	[sflag:s0] =	ssyncset.done @!p0 $0x0  }
0x25d: {  	[sflag:s0] =	ssyncadd.s32 @!p0 s1  }
0x25e: {  	[bflag:$0x3] =	sbarrier.arrive $0xFFFF  }
0x25f: {  	_ =	shalt  }

// kernel: kernel.7.cloned.1.call-start
scs
__scs_entry_jumppad:
0x0: {  	(pc) =	sbr.rel $0x88, $3  }
0x1: {  	(tag) =	ssettag $0x0;
	lr =	simm.s32 $0x1  }
0x2: {  	[smem:$0x3F97] =	sst lr;
	_ =	strace $0xD0000000  }
0x3: {  	_ = 	snop  }
0x4: {  	_ = 	snop  }
0x5: {  	_ = 	snop  }
0x6: {  	_ = 	snop  }
0x7: {  	_ = 	snop  }
__scs_overlays_trampoline_lowered:
0x8: {  	[smem:$0x3FA6] =	sst s0  }
0x9: {  	[smem:$0x3FA7] =	sst s1  }
0xa: {  	[smem:$0x3FA8] =	sst s2  }
0xb: {  	[smem:$0x3FA9] =	sst s3  }
0xc: {  	[smem:$0x3FAA] =	sst s4  }
0xd: {  	[smem:$0x3FAB] =	sst s5  }
0xe: {  	[smem:$0x3FAC] =	sst s6  }
0xf: {  	[smem:$0x3FAD] =	sst s7  }
0x10: {  	[smem:$0x3FAE] =	sst s8  }
0x11: {  	[smem:$0x3FAF] =	sst s9;
	s0 =	simm.s32 @!p0 $0x0  }
0x12: {  	s1 =	sld [smem:$0x3F95];
	s0 =	simm.s32 @p0 $0x1  }
0x13: {  	[smem:$0x3FB0] =	sst s0;
	s0 =	simm.s32 @!p1 $0x0  }
0x14: {  	s2 =	sld [smem:$0x3F94];
	s0 =	simm.s32 @p1 $0x1  }
0x15: {  	[smem:$0x3FB1] =	sst s0;
	s0 =	simm.s32 @!p2 $0x0  }
0x16: {  	s3 =	sld [smem:$0x3FDB];
	s0 =	simm.s32 @p2 $0x1  }
0x17: {  	s4 =	simm.s32 $0x1BF5;
	[smem:$0x3FB3] =	sst s0  }
0x18: {  	s0 =	sld [smem:$0x3F96];
	_ =	swait.ge [sflag:s4], $0x0  }
0x19: {  	s7 =	sld [smem:$0x3F97]  }
0x1a: {  	s8 =	sadd.s32 $0xFFFFE003, lr  }
0x1b: {  	s9 =	sadd.s32 $0xFFFFFEF7, lr;
	s5 =	simm.s32 $0xFFFFFFFF;
	p2 =	slt.u32 s8, $0xFFFFF086  }
0x1c: {  	p1 =	slt.u32 s9, $0xF7A;
	s5 =	simm.s32 @!p2 $0x0  }
0x1d: {  	s5 =	simm.s32 @p1 $0x1;
	p0 =	seq.s32 s7, s2  }
0x1e: {  	s7 =	smul.u32 @!p0 $0xF7A, s2;
	p2 =	seq.s32 @!p0 s5, $0x0  }
0x1f: {  	s9 =	smul.u32 $0xF7A, s1;
	s8 =	simm.s32 @!p0 $0x1BF5;
	p2 =	por !p2, p0  }
0x20: {  	[sflag:s8] =	ssyncset.s32 @!p0 $0xFFFFF086;
	s6 =	sadd.s32 @!p0 s3, s7;
	s7 =	simm.s32 @!p0 $0x108  }
0x21: {  	s3 =	sadd.s32 s3, s9;
	s6 =	sadd.s32 @!p0 $0x88, s6;
	s7 =	simm.s32 @p2 $0x1082  }
0x22: {  	[simem:s7], [sflag:s8] =	dma.local @!p0 [hbm:s6], $0xF7A  }
0x23: {  	s9 =	sor.u32 $0xD0000000, s2;
	s6 =	simm.s32 $0x108;
	_ =	swait.ge @!p0 [sflag:s8], $0x0  }
0x24: {  	s3 =	sadd.s32 $0x88, s3;
	s6 =	simm.s32 @!p1 $0x1082;
	[sflag:s4] =	ssyncset.s32 $0xFFFFF086  }
0x25: {  	[simem:s6], [sflag:s4] =	dma.local [hbm:s3], $0xF7A  }
0x26: {  	[smem:$0x3F97] =	sst s1;
	(tag) =	ssettag s2;
	_ =	strace s9  }
0x27: {  	s1 =	sld [smem:$0x3FA7]  }
0x28: {  	s2 =	sld [smem:$0x3FA8]  }
0x29: {  	s4 =	sld [smem:$0x3FAA]  }
0x2a: {  	p0 =	seq.s32 s5, $0x0;
	s5 =	sld [smem:$0x3FAB]  }
0x2b: {  	s6 =	sld [smem:$0x3FAC]  }
0x2c: {  	s7 =	sld [smem:$0x3FAD]  }
0x2d: {  	s3 =	simm.s32 $0x108;
	s8 =	sld [smem:$0x3FAE]  }
0x2e: {  	s3 =	simm.s32 @!p0 $0x1082;
	s9 =	sld [smem:$0x3FAF]  }
0x2f: {  	lr =	sadd.s32 s0, s3;
	s0 =	sld [smem:$0x3FA6]  }
0x30: {  	s3 =	sld [smem:$0x3FA9]  }
0x31: {  	[smem:$0x3FB2] =	sst s10  }
0x32: {  	s10 =	sld [smem:$0x3FB0];
	_ =	sdelay $0x3  }
0x33: {  	p0 =	seq.s32 s10, $0x1;
	s10 =	sld [smem:$0x3FB2];
	_ =	sdelay $0x3  }
0x34: {  	[smem:$0x3FB2] =	sst s10  }
0x35: {  	s10 =	sld [smem:$0x3FB1];
	_ =	sdelay $0x3  }
0x36: {  	p1 =	seq.s32 s10, $0x1;
	s10 =	sld [smem:$0x3FB2];
	_ =	sdelay $0x3  }
0x37: {  	[smem:$0x3FB2] =	sst s10  }
0x38: {  	s10 =	sld [smem:$0x3FB3]  }
0x39: {  	_ = 	snop;
	(pc) =	sbr.ind lr, $3  }
0x3a: {  	_ = 	snop  }
0x3b: {  	_ = 	snop  }
0x3c: {  	p2 =	seq.s32 s10, $0x1;
	s10 =	sld [smem:$0x3FB2]  }
0x3d: {  	_ =	shalt  }
0x3e: {  	_ =	shalt  }
0x3f: {  	_ =	shalt  }
0x40: {  	_ =	shalt  }
0x41: {  	_ =	shalt  }
0x42: {  	_ =	shalt  }
0x43: {  	_ =	shalt  }
0x44: {  	_ =	shalt  }
0x45: {  	_ =	shalt  }
0x46: {  	_ =	shalt  }
0x47: {  	_ =	shalt  }
0x48: {  	_ =	shalt  }
0x49: {  	_ =	shalt  }
0x4a: {  	_ =	shalt  }
0x4b: {  	_ =	shalt  }
0x4c: {  	_ =	shalt  }
0x4d: {  	_ =	shalt  }
0x4e: {  	_ =	shalt  }
0x4f: {  	_ =	shalt  }
0x50: {  	_ =	shalt  }
0x51: {  	_ =	shalt  }
0x52: {  	_ =	shalt  }
0x53: {  	_ =	shalt  }
0x54: {  	_ =	shalt  }
0x55: {  	_ =	shalt  }
0x56: {  	_ =	shalt  }
0x57: {  	_ =	shalt  }
0x58: {  	_ =	shalt  }
0x59: {  	_ =	shalt  }
0x5a: {  	_ =	shalt  }
0x5b: {  	_ =	shalt  }
0x5c: {  	_ =	shalt  }
0x5d: {  	_ =	shalt  }
0x5e: {  	_ =	shalt  }
0x5f: {  	_ =	shalt  }
0x60: {  	_ =	shalt  }
0x61: {  	_ =	shalt  }
0x62: {  	_ =	shalt  }
0x63: {  	_ =	shalt  }
0x64: {  	_ =	shalt  }
0x65: {  	_ =	shalt  }
0x66: {  	_ =	shalt  }
0x67: {  	_ =	shalt  }
0x68: {  	_ =	shalt  }
0x69: {  	_ =	shalt  }
0x6a: {  	_ =	shalt  }
0x6b: {  	_ =	shalt  }
0x6c: {  	_ =	shalt  }
0x6d: {  	_ =	shalt  }
0x6e: {  	_ =	shalt  }
0x6f: {  	_ =	shalt  }
0x70: {  	_ =	shalt  }
0x71: {  	_ =	shalt  }
0x72: {  	_ =	shalt  }
0x73: {  	_ =	shalt  }
0x74: {  	_ =	shalt  }
0x75: {  	_ =	shalt  }
0x76: {  	_ =	shalt  }
0x77: {  	_ =	shalt  }
0x78: {  	_ =	shalt  }
0x79: {  	_ =	shalt  }
0x7a: {  	_ =	shalt  }
0x7b: {  	_ =	shalt  }
0x7c: {  	_ =	shalt  }
0x7d: {  	_ =	shalt  }
0x7e: {  	_ =	shalt  }
0x7f: {  	_ =	shalt  }
0x80: {  	_ =	shalt  }
0x81: {  	_ =	shalt  }
0x82: {  	_ =	shalt  }
0x83: {  	_ =	shalt  }
0x84: {  	_ =	shalt  }
0x85: {  	_ =	shalt  }
0x86: {  	_ =	shalt  }
0x87: {  	_ =	shalt  }
.Lfunc_end0:
.L_simem_size_0:
called_computation_lowered:
.L_overlay_start_0:
0x88: {  	s2 =	sld [smem:$0x3FD9]  }
0x89: {  	s3 =	sld [smem:$0x3FFE];
	_ =	sdelay $0x1  }
0x8a: {  	s1 =	srdreg.scid  }
0x8b: {  	s0 =	sand.u32 $0x1, s1  }
0x8c: {  	s16 =	sshll.u32 s0, $0xA;
	s2 =	sadd.s32 s3, s2  }
0x8d: {  	s2 =	sadd.s32 s2, s16  }
0x8e: {  	[smem:$0x3FBE] =	sst s2  }
0x8f: {  	_ = 	snop  }
0x90: {  	(tm) =	ssettm $0x1  }
0x91: {  	s17 =	sld [smem:$0x3FFB];
	_ =	sdelay $0x3  }
0x92: {  	_ =	strace s17  }
0x93: {  	s2 =	sld [smem:$0x3FFC];
	_ =	sdelay $0x3  }
0x94: {  	_ =	strace s2  }
0x95: {  	s2 =	sld [smem:$0x3FFD];
	_ =	sdelay $0x3  }
0x96: {  	_ =	strace s2  }
0x97: {  	_ =	strace $0x8FFFFFFF  }
0x98: {  	s18 =	sld [smem:$0x3FDB];
	_ =	sdelay $0x1  }
0x99: {  	s19 =	simm.s32 $_scs_section_size  }
0x9a: {  	s4 =	simm.s32 $_size__tile_overlayer_lowered;
	s5 =	simm.s32 $_tile_overlayer_lowered  }
0x9b: {  	s22 =	simm.s32 $0x1BFF;
	s21 =	sshll.u32 s5, $0x1;
	s2 =	sadd.s32 s19, s18  }
0x9c: {  	s6 =	simm.s32 $0x0;
	s20 =	sshll.u32 s4, $0x1;
	s4 =	sadd.s32 s21, s2  }
0x9d: {  	[timem:s6], [sflag:s22] =	dma.local [hbm:s4], s20  }
0x9e: {  	_ =	swait.ge [sflag:s22], s20  }
0x9f: {  	s3 =	ssub.s32 $0x0, s20;
	[sflag:s22] =	ssyncset.done $0x0  }
0xa0: {  	[sflag:s22] =	ssyncadd.s32 s3;
	_ =	sdelay $0x1  }
0xa1: {  	s23 =	simm.s32 $0x1B8B  }
0xa2: {  	_ =	swait.ge [sflag:s23], $0x1  }
0xa3: {  	[sflag:s23] =	ssyncset.done $0x0  }
0xa4: {  	s25 =	simm.s32 $0x1B8E;
	s24 =	sld [smem:$0x3FFE];
	[sflag:s23] =	ssyncadd.s32 $0xFFFFFFFF  }
0xa5: {  	s26 =	simm.s32 $execute0_lowered;
	[smem:$0x3FD2] =	sst s25  }
0xa6: {  	s4 =	sshll.u32 s26, $0x1;
	_ =	strace $0x80000046;
	[dreg:$0x1] =	wrdreg $0xFFFFFFFF  }
0xa7: {  	s28 =	simm.s32 $_size_execute0_lowered;
	s2 =	sadd.s32 s2, s4;
	[dreg:$0x0] =	wrdreg $0x0  }
0xa8: {  	s4 =	sshll.u32 s28, $0x1;
	[dreg:$0x2] =	wrdreg s2  }
0xa9: {  	[dreg:$0x3] =	wrdreg s4  }
0xaa: {  	[dreg:$0x4] =	wrdreg $0xC0  }
0xab: {  	_ =	task [dreg:s6], $0x5FFFF  }
0xac: {  	[dreg:$0x1] =	wrdreg $0xFFFFFFFF  }
0xad: {  	[dreg:$0x0] =	wrdreg $0x60  }
0xae: {  	[dreg:$0x2] =	wrdreg s24  }
0xaf: {  	[dreg:$0x3] =	wrdreg $0x9  }
0xb0: {  	_ =	task.clear_ibuf [dreg:s6], $0x4FFFF;
	_ =	strace $0x90000046  }
0xb1: {  	s29 =	simm.s32 $0x9;
	_ =	strace $0x80000048  }
0xb2: {  	_ =	swait.ge [sflag:s29], $0x1  }
0xb3: {  	[sflag:s29] =	ssyncadd.s32 $0xFFFFFFFF  }
0xb4: {  	_ =	strace $0x90000048  }
0xb5: {  	_ =	sfence  }
0xb6: {  	s30 =	sld [smem:$0x0];
	_ =	sdelay $0x2  }
0xb7: {  	s31 =	sshll.u32 s1, $0xD;
	s1 =	sshrl.u32 s1, $0x2  }
0xb8: {  	s3 =	sand.u32 $0x4000, s31;
	s1 =	sadd.s32 s1, s30  }
0xb9: {  	s0 =	sor.u32 s3, s0;
	s1 =	sshll.u32 s1, $0x11  }
0xba: {  	s0 =	sor.u32 s1, s0  }
0xbb: {  	s0 =	sadd.s32 $0x8F2B, s0  }
0xbc: {  	[sflag:s0] =	ssyncadd.remote.s32 $0x1  }
0xbd: {  	_ =	sfence.sel $0xFFFF  }
0xbe: {  	[dreg:$0x0] =	wrdreg $0xFFFFFFFF;
	(pc) =	sbr.abs _section_cstart, $3  }
0xbf: {  	[dreg:$0x1] =	wrdreg $0xFFFFFFFF  }
0xc0: {  	_ =	task.clear_ibuf [dreg:s6], $0x2FFFF;
	_ =	strace $0x9FFFFFFF  }
0xc1: {  	(tm) =	ssettm $0x7FFFFFFF  }
tec
execute0_lowered:
.L_overlay_start_1:
0x0: {  	(tag) =	ssettag $0x1  }
0x1: {  	s0 =	rddreg [dreg:$0x0]  }
0x2: {  	s1 =	srdreg.scid;
	s3 =	stileid.u32  }
0x3: {  	s2 =	simm.s32 $0x0;
	s12 =	simm.s32 $0x7;
	s14 =	simm.s32 $0x78  }
0x4: {  	s16 =	simm.s32 $0xF280;
	s17 =	simm.s32 $0xB180;
	s18 =	simm.s32 $0x3  }
0x5: {  	s19 =	simm.s32 $0x1;
	s20 =	simm.s32 $0xF780;
	s21 =	simm.s32 $0x4  }
0x6: {  	s22 =	simm.s32 $0x2;
	s1 =	sand.u32 $0x1, s1;
	s3 =	sshll.u32 s3, $0x1  }
0x7: {  	s23 =	simm.s32 $0x10180;
	s24 =	simm.s32 $0x5;
	s6 =	sor.u32 s1, s3  }
0x8: {  	s25 =	simm.s32 $0x6;
	s26 =	simm.s32 $0x0;
	s5 =	smul.u32 $0xEA6, s6  }
0x9: {  	[smem:$0x7FF] =	sst s2;
	s4 =	sadd.s32 $0x773200, s0;
	s8 =	smul.u32 $0x4E200, s6  }
0xa: {  	_ =	strace $0x80000047;
	s1 =	ssub.s32 $0x2, s1;
	s9 =	smul.u32 $0x9C40, s6  }
.Ltmp0:
0xb: {  	s3 =	sadd.s32 $0x20200, s0;
	s30 =	sshrl.u32 s1, $0x1;
	(pc) =	sbr.rel .LBB2_1-.Ltmp0, $4  }
0xc: {  	s6 =	smul.u32 $0x1388, s6;
	s7 =	sadd.s32 s5, s0;
	s5 =	sadd.s32 $0x8ABA00, s0  }
0xd: {  	s0 =	ssub.s32 s1, s30;
	s31 =	sshrl.u32 s8, $0x3;
	s8 =	sadd.s32 s4, s9  }
0xe: {  	s10 =	sadd.s32 $0x14, s6;
	s7 =	sadd.s32 $0x2C00, s7;
	s1 =	sadd.s32 s4, s31  }
0xf: {  	v0 =	vimm.bf16 $1.0000e+00;
	s11 =	smax.u32 s0, $0x1;
	[dreg:$0x2] =	wrdreg s7;
	s9 =	sadd.s32 $0xA0, s1  }
.LBB2_8:
0x10: {  	s26 =	sadd.s32 $0x1, s26  }
0x11: {  	_ =	swait.ge [sflag:s24], $0xA00;
	p0 =	sne.s32 s26, s11  }
.Ltmp1:
0x12: {  	[sflag:s24] =	ssyncset.done $0x0;
	(pc) =	sbr.rel @!p0 .LBB2_9-.Ltmp1, $4  }
0x13: {  	[sflag:s24] =	ssyncadd.s32 $0xFFFFF600  }
0x14: {  	_ =	swait.ge [sflag:s25], $0xA00  }
0x15: {  	[sflag:s25] =	ssyncset.done $0x0  }
0x16: {  	[sflag:s25] =	ssyncadd.s32 $0xFFFFF600  }
.LBB2_1:
0x17: {  	s0 =	rddreg [dreg:$0x2]  }
0x18: {  	[tilespmem:s2], [sflag:$0x7] =	stream.linear.gather [hbm4b:s0+s2], $0x7530, $0x38;
	[tilespmem:$0x10B80] =	vst v63  }
0x19: {  	_ =	swait.ge [sflag:s12], $0x7530  }
0x1a: {  	[sflag:s12] =	ssyncset.done $0x0  }
0x1b: {  	s30 =	simm.s32 $0xED80;
	[sflag:s12] =	ssyncadd.s32 $0xFFFF8AD0  }
0x1c: {  	[tilespmem:s30], [sflag:$0x3] =	stream.linear.gather [hbm4b:s8+s2], $0x500, $0x38;
	[tilespmem:$0x10B80] =	vst v63  }
0x1d: {  	s31 =	simm.s32 $0x7580  }
0x1e: {  	[tilespmem:s31], [sflag:$0x1] =	stream.indirect.gather [hbm4b:s3+s14], $0x80, s2, s14, $0xb8;
	[tilespmem:$0x10B80] =	vst v63  }
0x1f: {  	_ = 	snop  }
0x20: {  	[tilespmem:s16], [sflag:$0x4] =	stream.linear.gather [hbm4b:s9+s2], $0x500, $0x38;
	[tilespmem:$0x10B80] =	vst v63  }
0x21: {  	s28 =	simm.s32 $0x0  }
0x22: {  	[tilespmem:s17], [sflag:$0x2] =	stream.indirect.gather [hbm4b:s3+s14], $0x80, s14, s14, $0xb8;
	[tilespmem:$0x10B80] =	vst v63  }
.LBB2_2:
0x23: {  	_ =	swait.ge [sflag:s18], $0x500  }
0x24: {  	[sflag:s18] =	ssyncset.done $0x0  }
0x25: {  	[sflag:s18] =	ssyncadd.s32 $0xFFFFFB00  }
0x26: {  	_ =	swait.ge [sflag:s19], $0x3C00  }
0x27: {  	p0 =	seq.s32 s28, $0x0;
	[sflag:s19] =	ssyncset.done $0x0  }
0x28: {  	s30 =	smul.u32 $0x28, s28;
	s0 =	simm.s32 @!p0 $0x5;
	[sflag:s19] =	ssyncadd.s32 $0xFFFFC400  }
0x29: {  	s29 =	sshll.u32 s28, $0x1;
	s1 =	simm.s32 $0xEDA0;
	_ =	swait.ge @!p0 [sflag:s0], $0xA00  }
0x2a: {  	s13 =	simm.s32 $0xF800;
	s15 =	simm.s32 $0x7880;
	[sflag:s0] =	ssyncset.done @!p0 $0x0  }
0x2b: {  	s31 =	sadd.s32 s6, s30;
	[sflag:s0] =	ssyncadd.s32 @!p0 $0xFFFFF600;
	s0 =	simm.s32 $0x40  }
.LBB2_3:
0x2c: {  	v1 =	vld [tilespmem:s1+$0xFFFFFFE0]  }
0x2d: {  	v2 =	vld [tilespmem:s15+$0xFFFFFD40];
	_ =	sdelay $0x1  }
0x2e: {  	v3 =	vld [tilespmem:s15+$0xFFFFFDC0];
	_ =	sdelay $0x1  }
0x2f: {  	v4 =	vld [tilespmem:s15+$0xFFFFFE40]  }
0x30: {  	v2 =	vmul.bf16 v2, v1  }
0x31: {  	v5 =	vld [tilespmem:s15+$0xFFFFFEC0]  }
0x32: {  	v3 =	vmul.bf16 v3, v1;
	v2 =	vadd.bf16 v0, v2  }
0x33: {  	v6 =	vld [tilespmem:s15+$0xFFFFFF40]  }
0x34: {  	(erf) = vrcp.bf16 v2;
	v2 =	vadd.bf16 v0, v3;
	v3 =	vmul.bf16 v4, v1  }
0x35: {  	v53 =	vld [tilespmem:s15+$0xFFFFFFC0]  }
0x36: {  	(erf) = vrcp.bf16 v2;
	v2 =	vadd.bf16 v0, v3;
	v3 =	vmul.bf16 v5, v1;
	_ =	sdelay $0x1  }
0x37: {  	(erf) = vrcp.bf16 v2;
	v2 =	vadd.bf16 v0, v3;
	v3 =	vmul.bf16 v6, v1;
	_ =	sdelay $0x1  }
0x38: {  	v1 =	vmul.bf16 v53, v1;
	(erf) = vrcp.bf16 v2;
	v2 =	vadd.bf16 v0, v3;
	_ =	sdelay $0x1  }
0x39: {  	v1 =	vadd.bf16 v0, v1;
	(erf) = vrcp.bf16 v2;
	_ =	sdelay $0x1  }
0x3a: {  	(erf) = vrcp.bf16 v1  }
0x3b: {  	v54 =	vld [tilespmem:s15+$0xFFFFFE80]  }
0x3c: {  	v2 =	vld [tilespmem:s15+$0xFFFFFD80]  }
0x3d: {  	v1 =	vld [tilespmem:s15+$0xFFFFFD00]  }
0x3e: {  	v3 =	vld [tilespmem:s15+$0xFFFFFE00]  }
0x3f: {  	v55 =	vld [tilespmem:s15+$0xFFFFFF00];
	v56 =	vpop (erf)  }
0x40: {  	v7 =	vld [tilespmem:s15+$0xFFFFFF80];
	v8 =	vpop (erf)  }
0x41: {  	v9 =	vpop (erf)  }
0x42: {  	v8 =	vmul.bf16 v8, v2;
	v6 =	vmul.bf16 v56, v1;
	v10 =	vpop (erf)  }
0x43: {  	v9 =	vmul.bf16 v9, v3;
	v1 =	vadd.bf16 v2, v1;
	v10 =	vmul.bf16 v10, v54;
	v11 =	vpop (erf)  }
0x44: {  	v2 =	vadd.bf16 v54, v3;
	v57 =	vadd.bf16 v8, v6;
	v12 =	vpop (erf)  }
0x45: {  	v11 =	vmul.bf16 v11, v55;
	v58 =	vadd.bf16 v10, v9;
	v3 =	vmul.bf16 v12, v7  }
0x46: {  	v1 =	vadd.bf16 v2, v1;
	v2 =	vadd.bf16 v7, v55  }
0x47: {  	v4 =	vadd.bf16 v58, v57;
	v3 =	vadd.bf16 v3, v11  }
0x48: {  	v1 =	vadd.bf16 v2, v1  }
0x49: {  	v2 =	vadd.bf16 v3, v4  }
0x4a: {  	[tilespmem:s13+$0xFFFFFF80] =	vst v1  }
0x4b: {  	[tilespmem:s13+$0xFFFFFFC0] =	vst v2  }
0x4c: {  	v1 =	vld [tilespmem:s1+$0xFFFFFFF0]  }
0x4d: {  	v2 =	vld [tilespmem:s15+$0xFFFFFD50];
	_ =	sdelay $0x1  }
0x4e: {  	v3 =	vld [tilespmem:s15+$0xFFFFFDD0];
	_ =	sdelay $0x1  }
0x4f: {  	v59 =	vld [tilespmem:s15+$0xFFFFFE50]  }
0x50: {  	v2 =	vmul.bf16 v2, v1  }
0x51: {  	v60 =	vld [tilespmem:s15+$0xFFFFFED0]  }
0x52: {  	v3 =	vmul.bf16 v3, v1;
	v2 =	vadd.bf16 v0, v2  }
0x53: {  	v61 =	vld [tilespmem:s15+$0xFFFFFF50]  }
0x54: {  	(erf) = vrcp.bf16 v2;
	v2 =	vadd.bf16 v0, v3;
	v3 =	vmul.bf16 v59, v1  }
0x55: {  	v62 =	vld [tilespmem:s15+$0xFFFFFFD0]  }
0x56: {  	(erf) = vrcp.bf16 v2;
	v2 =	vadd.bf16 v0, v3;
	v3 =	vmul.bf16 v60, v1;
	_ =	sdelay $0x1  }
0x57: {  	(erf) = vrcp.bf16 v2;
	v2 =	vadd.bf16 v0, v3;
	v3 =	vmul.bf16 v61, v1;
	_ =	sdelay $0x1  }
0x58: {  	v1 =	vmul.bf16 v62, v1;
	(erf) = vrcp.bf16 v2;
	v2 =	vadd.bf16 v0, v3;
	_ =	sdelay $0x1  }
0x59: {  	v1 =	vadd.bf16 v0, v1;
	(erf) = vrcp.bf16 v2;
	_ =	sdelay $0x1  }
0x5a: {  	(erf) = vrcp.bf16 v1  }
0x5b: {  	v63 =	vld [tilespmem:s15+$0xFFFFFE90]  }
0x5c: {  	v2 =	vld [tilespmem:s15+$0xFFFFFD90]  }
0x5d: {  	v1 =	vld [tilespmem:s15+$0xFFFFFD10]  }
0x5e: {  	v3 =	vld [tilespmem:s15+$0xFFFFFE10]  }
0x5f: {  	v16 =	vld [tilespmem:s15+$0xFFFFFF10];
	v17 =	vpop (erf)  }
0x60: {  	v18 =	vld [tilespmem:s15+$0xFFFFFF90];
	v19 =	vpop (erf)  }
0x61: {  	v20 =	vpop (erf)  }
0x62: {  	v8 =	vmul.bf16 v19, v2;
	v6 =	vmul.bf16 v17, v1;
	v21 =	vpop (erf)  }
0x63: {  	v9 =	vmul.bf16 v20, v3;
	v1 =	vadd.bf16 v2, v1;
	v10 =	vmul.bf16 v21, v63;
	v22 =	vpop (erf)  }
0x64: {  	v2 =	vadd.bf16 v63, v3;
	v24 =	vadd.bf16 v8, v6;
	v23 =	vpop (erf)  }
0x65: {  	v11 =	vmul.bf16 v22, v16;
	v25 =	vadd.bf16 v10, v9;
	v3 =	vmul.bf16 v23, v18  }
0x66: {  	v1 =	vadd.bf16 v2, v1;
	v2 =	vadd.bf16 v18, v16  }
0x67: {  	v4 =	vadd.bf16 v25, v24;
	v3 =	vadd.bf16 v3, v11  }
0x68: {  	v1 =	vadd.bf16 v2, v1  }
0x69: {  	v2 =	vadd.bf16 v3, v4  }
0x6a: {  	[tilespmem:s13+$0xFFFFFF90] =	vst v1  }
0x6b: {  	[tilespmem:s13+$0xFFFFFFD0] =	vst v2  }
0x6c: {  	v1 =	vld [tilespmem:s1+$0x0]  }
0x6d: {  	v2 =	vld [tilespmem:s15+$0xFFFFFD60];
	_ =	sdelay $0x1  }
0x6e: {  	v3 =	vld [tilespmem:s15+$0xFFFFFDE0];
	_ =	sdelay $0x1  }
0x6f: {  	v26 =	vld [tilespmem:s15+$0xFFFFFE60]  }
0x70: {  	v2 =	vmul.bf16 v2, v1  }
0x71: {  	v27 =	vld [tilespmem:s15+$0xFFFFFEE0]  }
0x72: {  	v3 =	vmul.bf16 v3, v1;
	v2 =	vadd.bf16 v0, v2  }
0x73: {  	v28 =	vld [tilespmem:s15+$0xFFFFFF60]  }
0x74: {  	(erf) = vrcp.bf16 v2;
	v2 =	vadd.bf16 v0, v3;
	v3 =	vmul.bf16 v26, v1  }
0x75: {  	v29 =	vld [tilespmem:s15+$0xFFFFFFE0]  }
0x76: {  	(erf) = vrcp.bf16 v2;
	v2 =	vadd.bf16 v0, v3;
	v3 =	vmul.bf16 v27, v1;
	_ =	sdelay $0x1  }
0x77: {  	(erf) = vrcp.bf16 v2;
	v2 =	vadd.bf16 v0, v3;
	v3 =	vmul.bf16 v28, v1;
	_ =	sdelay $0x1  }
0x78: {  	v1 =	vmul.bf16 v29, v1;
	(erf) = vrcp.bf16 v2;
	v2 =	vadd.bf16 v0, v3;
	_ =	sdelay $0x1  }
0x79: {  	v1 =	vadd.bf16 v0, v1;
	(erf) = vrcp.bf16 v2;
	_ =	sdelay $0x1  }
0x7a: {  	(erf) = vrcp.bf16 v1  }
0x7b: {  	v30 =	vld [tilespmem:s15+$0xFFFFFEA0]  }
0x7c: {  	v2 =	vld [tilespmem:s15+$0xFFFFFDA0]  }
0x7d: {  	v1 =	vld [tilespmem:s15+$0xFFFFFD20]  }
0x7e: {  	v3 =	vld [tilespmem:s15+$0xFFFFFE20]  }
0x7f: {  	v31 =	vld [tilespmem:s15+$0xFFFFFF20];
	v32 =	vpop (erf)  }
0x80: {  	v33 =	vld [tilespmem:s15+$0xFFFFFFA0];
	v34 =	vpop (erf)  }
0x81: {  	v35 =	vpop (erf)  }
0x82: {  	v8 =	vmul.bf16 v34, v2;
	v6 =	vmul.bf16 v32, v1;
	v36 =	vpop (erf)  }
0x83: {  	v9 =	vmul.bf16 v35, v3;
	v1 =	vadd.bf16 v2, v1;
	v10 =	vmul.bf16 v36, v30;
	v37 =	vpop (erf)  }
0x84: {  	v2 =	vadd.bf16 v30, v3;
	v39 =	vadd.bf16 v8, v6;
	v38 =	vpop (erf)  }
0x85: {  	v11 =	vmul.bf16 v37, v31;
	v40 =	vadd.bf16 v10, v9;
	v3 =	vmul.bf16 v38, v33  }
0x86: {  	v1 =	vadd.bf16 v2, v1;
	v2 =	vadd.bf16 v33, v31  }
0x87: {  	v4 =	vadd.bf16 v40, v39;
	v3 =	vadd.bf16 v3, v11  }
0x88: {  	v1 =	vadd.bf16 v2, v1  }
0x89: {  	v2 =	vadd.bf16 v3, v4  }
0x8a: {  	[tilespmem:s13+$0xFFFFFFA0] =	vst v1  }
0x8b: {  	[tilespmem:s13+$0xFFFFFFE0] =	vst v2  }
0x8c: {  	v1 =	vld [tilespmem:s1+$0x10]  }
0x8d: {  	v2 =	vld [tilespmem:s15+$0xFFFFFD70];
	_ =	sdelay $0x1  }
0x8e: {  	v3 =	vld [tilespmem:s15+$0xFFFFFDF0];
	_ =	sdelay $0x1  }
0x8f: {  	v41 =	vld [tilespmem:s15+$0xFFFFFE70]  }
0x90: {  	v2 =	vmul.bf16 v2, v1  }
0x91: {  	v42 =	vld [tilespmem:s15+$0xFFFFFEF0]  }
0x92: {  	v3 =	vmul.bf16 v3, v1;
	v2 =	vadd.bf16 v0, v2  }
0x93: {  	v43 =	vld [tilespmem:s15+$0xFFFFFF70]  }
0x94: {  	(erf) = vrcp.bf16 v2;
	v2 =	vadd.bf16 v0, v3;
	v3 =	vmul.bf16 v41, v1  }
0x95: {  	v44 =	vld [tilespmem:s15+$0xFFFFFFF0]  }
0x96: {  	(erf) = vrcp.bf16 v2;
	v2 =	vadd.bf16 v0, v3;
	v3 =	vmul.bf16 v42, v1;
	_ =	sdelay $0x1  }
0x97: {  	(erf) = vrcp.bf16 v2;
	v2 =	vadd.bf16 v0, v3;
	v3 =	vmul.bf16 v43, v1;
	_ =	sdelay $0x1  }
0x98: {  	v1 =	vmul.bf16 v44, v1;
	(erf) = vrcp.bf16 v2;
	v2 =	vadd.bf16 v0, v3;
	_ =	sdelay $0x1  }
0x99: {  	v1 =	vadd.bf16 v0, v1;
	(erf) = vrcp.bf16 v2;
	_ =	sdelay $0x1  }
0x9a: {  	(erf) = vrcp.bf16 v1  }
0x9b: {  	v45 =	vld [tilespmem:s15+$0xFFFFFEB0]  }
0x9c: {  	v2 =	vld [tilespmem:s15+$0xFFFFFDB0]  }
0x9d: {  	v1 =	vld [tilespmem:s15+$0xFFFFFD30]  }
0x9e: {  	v3 =	vld [tilespmem:s15+$0xFFFFFE30]  }
0x9f: {  	v46 =	vld [tilespmem:s15+$0xFFFFFF30];
	v47 =	vpop (erf)  }
0xa0: {  	v48 =	vld [tilespmem:s15+$0xFFFFFFB0];
	v49 =	vpop (erf)  }
0xa1: {  	v50 =	vpop (erf)  }
0xa2: {  	v8 =	vmul.bf16 v49, v2;
	v6 =	vmul.bf16 v47, v1;
	v51 =	vpop (erf)  }
0xa3: {  	v9 =	vmul.bf16 v50, v3;
	v1 =	vadd.bf16 v2, v1;
	v10 =	vmul.bf16 v51, v45;
	v52 =	vpop (erf)  }
0xa4: {  	v2 =	vadd.bf16 v45, v3;
	v54 =	vadd.bf16 v8, v6;
	v53 =	vpop (erf)  }
0xa5: {  	v11 =	vmul.bf16 v52, v46;
	v55 =	vadd.bf16 v10, v9;
	v3 =	vmul.bf16 v53, v48  }
0xa6: {  	v1 =	vadd.bf16 v2, v1;
	v2 =	vadd.bf16 v48, v46  }
0xa7: {  	v4 =	vadd.bf16 v55, v54;
	v3 =	vadd.bf16 v3, v11  }
0xa8: {  	v1 =	vadd.bf16 v2, v1  }
0xa9: {  	v2 =	vadd.bf16 v3, v4  }
0xaa: {  	[tilespmem:s13+$0xFFFFFFB0] =	vst v1  }
0xab: {  	[tilespmem:s13+$0xFFFFFFF0] =	vst v2  }
0xac: {  	v1 =	vld [tilespmem:s1+$0x20]  }
0xad: {  	v2 =	vld [tilespmem:s15+$0x40];
	_ =	sdelay $0x1  }
0xae: {  	v3 =	vld [tilespmem:s15+$0xC0];
	_ =	sdelay $0x1  }
0xaf: {  	v56 =	vld [tilespmem:s15+$0x140]  }
0xb0: {  	v2 =	vmul.bf16 v2, v1  }
0xb1: {  	v57 =	vld [tilespmem:s15+$0x1C0]  }
0xb2: {  	v3 =	vmul.bf16 v3, v1;
	v2 =	vadd.bf16 v0, v2  }
0xb3: {  	v58 =	vld [tilespmem:s15+$0x240]  }
0xb4: {  	(erf) = vrcp.bf16 v2;
	v2 =	vadd.bf16 v0, v3;
	v3 =	vmul.bf16 v56, v1  }
0xb5: {  	v59 =	vld [tilespmem:s15+$0x2C0]  }
0xb6: {  	(erf) = vrcp.bf16 v2;
	v2 =	vadd.bf16 v0, v3;
	v3 =	vmul.bf16 v57, v1;
	_ =	sdelay $0x1  }
0xb7: {  	(erf) = vrcp.bf16 v2;
	v2 =	vadd.bf16 v0, v3;
	v3 =	vmul.bf16 v58, v1;
	_ =	sdelay $0x1  }
0xb8: {  	v1 =	vmul.bf16 v59, v1;
	(erf) = vrcp.bf16 v2;
	v2 =	vadd.bf16 v0, v3;
	_ =	sdelay $0x1  }
0xb9: {  	v1 =	vadd.bf16 v0, v1;
	(erf) = vrcp.bf16 v2;
	_ =	sdelay $0x1  }
0xba: {  	(erf) = vrcp.bf16 v1  }
0xbb: {  	v60 =	vld [tilespmem:s15+$0x180]  }
0xbc: {  	v2 =	vld [tilespmem:s15+$0x80]  }
0xbd: {  	v1 =	vld [tilespmem:s15+$0x0]  }
0xbe: {  	v3 =	vld [tilespmem:s15+$0x100]  }
0xbf: {  	v61 =	vld [tilespmem:s15+$0x200];
	v62 =	vpop (erf)  }
0xc0: {  	v63 =	vld [tilespmem:s15+$0x280];
	v12 =	vpop (erf)  }
0xc1: {  	v13 =	vpop (erf)  }
0xc2: {  	v8 =	vmul.bf16 v12, v2;
	v6 =	vmul.bf16 v62, v1;
	v14 =	vpop (erf)  }
0xc3: {  	v9 =	vmul.bf16 v13, v3;
	v1 =	vadd.bf16 v2, v1;
	v10 =	vmul.bf16 v14, v60;
	v15 =	vpop (erf)  }
0xc4: {  	v2 =	vadd.bf16 v60, v3;
	v17 =	vadd.bf16 v8, v6;
	v16 =	vpop (erf)  }
0xc5: {  	v11 =	vmul.bf16 v15, v61;
	v18 =	vadd.bf16 v10, v9;
	v3 =	vmul.bf16 v16, v63  }
0xc6: {  	v1 =	vadd.bf16 v2, v1;
	v2 =	vadd.bf16 v63, v61  }
0xc7: {  	v4 =	vadd.bf16 v18, v17;
	v3 =	vadd.bf16 v3, v11  }
0xc8: {  	v1 =	vadd.bf16 v2, v1  }
0xc9: {  	v2 =	vadd.bf16 v3, v4  }
0xca: {  	[tilespmem:s13+$0x0] =	vst v1  }
0xcb: {  	s7 =	sor.u32 $0x50, s0;
	[tilespmem:s13+$0x40] =	vst v2  }
0xcc: {  	v1 =	vld [tilespmem:s7+$0xED80]  }
0xcd: {  	v2 =	vld [tilespmem:s15+$0x50];
	_ =	sdelay $0x1  }
0xce: {  	v3 =	vld [tilespmem:s15+$0xD0];
	_ =	sdelay $0x1  }
0xcf: {  	v19 =	vld [tilespmem:s15+$0x150]  }
0xd0: {  	v2 =	vmul.bf16 v2, v1  }
0xd1: {  	v20 =	vld [tilespmem:s15+$0x1D0]  }
0xd2: {  	v3 =	vmul.bf16 v3, v1;
	v2 =	vadd.bf16 v0, v2  }
0xd3: {  	v21 =	vld [tilespmem:s15+$0x250]  }
0xd4: {  	(erf) = vrcp.bf16 v2;
	v2 =	vadd.bf16 v0, v3;
	v3 =	vmul.bf16 v19, v1  }
0xd5: {  	v22 =	vld [tilespmem:s15+$0x2D0]  }
0xd6: {  	(erf) = vrcp.bf16 v2;
	v2 =	vadd.bf16 v0, v3;
	v3 =	vmul.bf16 v20, v1;
	_ =	sdelay $0x1  }
0xd7: {  	(erf) = vrcp.bf16 v2;
	v2 =	vadd.bf16 v0, v3;
	v3 =	vmul.bf16 v21, v1;
	_ =	sdelay $0x1  }
0xd8: {  	v1 =	vmul.bf16 v22, v1;
	(erf) = vrcp.bf16 v2;
	v2 =	vadd.bf16 v0, v3;
	_ =	sdelay $0x1  }
0xd9: {  	v1 =	vadd.bf16 v0, v1;
	(erf) = vrcp.bf16 v2;
	_ =	sdelay $0x1  }
0xda: {  	(erf) = vrcp.bf16 v1  }
0xdb: {  	v23 =	vld [tilespmem:s15+$0x190]  }
0xdc: {  	v2 =	vld [tilespmem:s15+$0x90]  }
0xdd: {  	v1 =	vld [tilespmem:s15+$0x10]  }
0xde: {  	v3 =	vld [tilespmem:s15+$0x110]  }
0xdf: {  	v24 =	vld [tilespmem:s15+$0x210];
	v25 =	vpop (erf)  }
0xe0: {  	v26 =	vld [tilespmem:s15+$0x290];
	v27 =	vpop (erf)  }
0xe1: {  	v28 =	vpop (erf)  }
0xe2: {  	v8 =	vmul.bf16 v27, v2;
	v6 =	vmul.bf16 v25, v1;
	v29 =	vpop (erf)  }
0xe3: {  	v9 =	vmul.bf16 v28, v3;
	v1 =	vadd.bf16 v2, v1;
	v10 =	vmul.bf16 v29, v23;
	v30 =	vpop (erf)  }
0xe4: {  	v2 =	vadd.bf16 v23, v3;
	v32 =	vadd.bf16 v8, v6;
	v31 =	vpop (erf)  }
0xe5: {  	v11 =	vmul.bf16 v30, v24;
	v33 =	vadd.bf16 v10, v9;
	v3 =	vmul.bf16 v31, v26  }
0xe6: {  	v1 =	vadd.bf16 v2, v1;
	v2 =	vadd.bf16 v26, v24  }
0xe7: {  	v4 =	vadd.bf16 v33, v32;
	v3 =	vadd.bf16 v3, v11  }
0xe8: {  	v1 =	vadd.bf16 v2, v1  }
0xe9: {  	v2 =	vadd.bf16 v3, v4  }
0xea: {  	[tilespmem:s13+$0x10] =	vst v1  }
0xeb: {  	s7 =	sor.u32 $0x60, s0;
	[tilespmem:s13+$0x50] =	vst v2  }
0xec: {  	v1 =	vld [tilespmem:s7+$0xED80]  }
0xed: {  	v2 =	vld [tilespmem:s15+$0x60];
	_ =	sdelay $0x1  }
0xee: {  	v3 =	vld [tilespmem:s15+$0xE0];
	_ =	sdelay $0x1  }
0xef: {  	v34 =	vld [tilespmem:s15+$0x160]  }
0xf0: {  	v2 =	vmul.bf16 v2, v1  }
0xf1: {  	v35 =	vld [tilespmem:s15+$0x1E0]  }
0xf2: {  	v3 =	vmul.bf16 v3, v1;
	v2 =	vadd.bf16 v0, v2  }
0xf3: {  	v36 =	vld [tilespmem:s15+$0x260]  }
0xf4: {  	(erf) = vrcp.bf16 v2;
	v2 =	vadd.bf16 v0, v3;
	v3 =	vmul.bf16 v34, v1  }
0xf5: {  	v37 =	vld [tilespmem:s15+$0x2E0]  }
0xf6: {  	(erf) = vrcp.bf16 v2;
	v2 =	vadd.bf16 v0, v3;
	v3 =	vmul.bf16 v35, v1;
	_ =	sdelay $0x1  }
0xf7: {  	(erf) = vrcp.bf16 v2;
	v2 =	vadd.bf16 v0, v3;
	v3 =	vmul.bf16 v36, v1;
	_ =	sdelay $0x1  }
0xf8: {  	v1 =	vmul.bf16 v37, v1;
	(erf) = vrcp.bf16 v2;
	v2 =	vadd.bf16 v0, v3;
	_ =	sdelay $0x1  }
0xf9: {  	v1 =	vadd.bf16 v0, v1;
	(erf) = vrcp.bf16 v2;
	_ =	sdelay $0x1  }
0xfa: {  	(erf) = vrcp.bf16 v1  }
0xfb: {  	v38 =	vld [tilespmem:s15+$0x1A0]  }
0xfc: {  	v2 =	vld [tilespmem:s15+$0xA0]  }
0xfd: {  	v1 =	vld [tilespmem:s15+$0x20]  }
0xfe: {  	v3 =	vld [tilespmem:s15+$0x120]  }
0xff: {  	v39 =	vld [tilespmem:s15+$0x220];
	v40 =	vpop (erf)  }
0x100: {  	v41 =	vld [tilespmem:s15+$0x2A0];
	v42 =	vpop (erf)  }
0x101: {  	v43 =	vpop (erf)  }
0x102: {  	v8 =	vmul.bf16 v42, v2;
	v6 =	vmul.bf16 v40, v1;
	v44 =	vpop (erf)  }
0x103: {  	v9 =	vmul.bf16 v43, v3;
	v1 =	vadd.bf16 v2, v1;
	v10 =	vmul.bf16 v44, v38;
	v45 =	vpop (erf)  }
0x104: {  	v2 =	vadd.bf16 v38, v3;
	v47 =	vadd.bf16 v8, v6;
	v46 =	vpop (erf)  }
0x105: {  	v11 =	vmul.bf16 v45, v39;
	v48 =	vadd.bf16 v10, v9;
	v3 =	vmul.bf16 v46, v41  }
0x106: {  	v1 =	vadd.bf16 v2, v1;
	v2 =	vadd.bf16 v41, v39  }
0x107: {  	v4 =	vadd.bf16 v48, v47;
	v3 =	vadd.bf16 v3, v11  }
0x108: {  	v1 =	vadd.bf16 v2, v1  }
0x109: {  	v2 =	vadd.bf16 v3, v4  }
0x10a: {  	[tilespmem:s13+$0x20] =	vst v1  }
0x10b: {  	s7 =	sor.u32 $0x70, s0;
	[tilespmem:s13+$0x60] =	vst v2  }
0x10c: {  	v1 =	vld [tilespmem:s7+$0xED80]  }
0x10d: {  	v2 =	vld [tilespmem:s15+$0x70];
	_ =	sdelay $0x1  }
0x10e: {  	v3 =	vld [tilespmem:s15+$0xF0];
	_ =	sdelay $0x1  }
0x10f: {  	v49 =	vld [tilespmem:s15+$0x170]  }
0x110: {  	v2 =	vmul.bf16 v2, v1  }
0x111: {  	v50 =	vld [tilespmem:s15+$0x1F0]  }
0x112: {  	v3 =	vmul.bf16 v3, v1;
	v2 =	vadd.bf16 v0, v2  }
0x113: {  	v51 =	vld [tilespmem:s15+$0x270]  }
0x114: {  	(erf) = vrcp.bf16 v2;
	v2 =	vadd.bf16 v0, v3;
	v3 =	vmul.bf16 v49, v1  }
0x115: {  	v52 =	vld [tilespmem:s15+$0x2F0]  }
0x116: {  	(erf) = vrcp.bf16 v2;
	v2 =	vadd.bf16 v0, v3;
	v3 =	vmul.bf16 v50, v1;
	_ =	sdelay $0x1  }
0x117: {  	(erf) = vrcp.bf16 v2;
	v2 =	vadd.bf16 v0, v3;
	v3 =	vmul.bf16 v51, v1;
	_ =	sdelay $0x1  }
0x118: {  	v1 =	vmul.bf16 v52, v1;
	(erf) = vrcp.bf16 v2;
	v2 =	vadd.bf16 v0, v3;
	_ =	sdelay $0x1  }
0x119: {  	v1 =	vadd.bf16 v0, v1;
	(erf) = vrcp.bf16 v2;
	_ =	sdelay $0x1  }
0x11a: {  	(erf) = vrcp.bf16 v1  }
0x11b: {  	v53 =	vld [tilespmem:s15+$0x1B0]  }
0x11c: {  	v2 =	vld [tilespmem:s15+$0xB0]  }
0x11d: {  	v1 =	vld [tilespmem:s15+$0x30]  }
0x11e: {  	v3 =	vld [tilespmem:s15+$0x130]  }
0x11f: {  	v55 =	vld [tilespmem:s15+$0x230];
	v54 =	vpop (erf)  }
0x120: {  	v57 =	vld [tilespmem:s15+$0x2B0];
	v56 =	vpop (erf)  }
0x121: {  	v58 =	vpop (erf)  }
0x122: {  	v7 =	vmul.bf16 v56, v2;
	v5 =	vmul.bf16 v54, v1;
	v59 =	vpop (erf)  }
0x123: {  	v9 =	vmul.bf16 v58, v3;
	v1 =	vadd.bf16 v2, v1;
	v10 =	vmul.bf16 v59, v53;
	v60 =	vpop (erf)  }
0x124: {  	v2 =	vadd.bf16 v53, v3;
	v62 =	vadd.bf16 v7, v5;
	v61 =	vpop (erf)  }
0x125: {  	v11 =	vmul.bf16 v60, v55;
	v63 =	vadd.bf16 v10, v9;
	v3 =	vmul.bf16 v61, v57  }
0x126: {  	p1 =	sne.s32 s0, $0x4C0;
	v1 =	vadd.bf16 v2, v1;
	v2 =	vadd.bf16 v57, v55  }
.Ltmp2:
0x127: {  	v4 =	vadd.bf16 v63, v62;
	v3 =	vadd.bf16 v3, v11;
	(pc) =	sbr.rel @p1 .LBB2_3-.Ltmp2, $4  }
0x128: {  	v1 =	vadd.bf16 v2, v1  }
0x129: {  	v2 =	vadd.bf16 v3, v4  }
0x12a: {  	s1 =	sadd.s32 $0x80, s1;
	[tilespmem:s13+$0x30] =	vst v1  }
0x12b: {  	s0 =	sadd.s32 $0x80, s0;
	s15 =	sadd.s32 $0x600, s15;
	[tilespmem:s13+$0x70] =	vst v2;
	s13 =	sadd.s32 $0x100, s13  }
0x12c: {  	p1 =	seq.s32 s28, $0x7C  }
0x12d: {  	s0 =	sshll.u32 s31, $0x4;
	s1 =	sadd.s32 @!p1 $0x2, s29  }
0x12e: {  	s0 =	sadd.s32 s5, s0;
	s7 =	smul.u32 @!p1 $0x14, s1  }
0x12f: {  	[hbm4b:s0+s2] =	stream.linear.scatter [tilespmem:s20], [sflag:$0x5], $0xA00, $0x38;
	[tilespmem:$0x10B80] =	vst v63  }
0x130: {  	s0 =	sadd.s32 @!p1 s6, s7  }
0x131: {  	s0 =	sshll.u32 @!p1 s0, $0x3  }
0x132: {  	s13 =	simm.s32 @!p1 $0xED80;
	s0 =	sand.u32 @!p1 $0x1FFFFFC0, s0  }
0x133: {  	s1 =	smul.u32 @!p1 $0x1E0, s1;
	s7 =	simm.s32 @!p1 $0x0;
	s0 =	sadd.s32 @!p1 s4, s0  }
0x134: {  	[tilespmem:s13], [sflag:$0x3] =	stream.linear.gather @!p1 [hbm4b:s0+s7], $0x500, $0x38;
	[tilespmem:$0x10B80] =	vst v63  }
0x135: {  	s0 =	sshra.s32 @!p1 s1, $0x2;
	s1 =	simm.s32 @!p1 $0x78;
	s7 =	simm.s32 @!p1 $0x7580  }
0x136: {  	[tilespmem:s7], [sflag:$0x1] =	stream.indirect.gather @!p1 [hbm4b:s3+s1], $0x80, s0, s1, $0xb8;
	[tilespmem:$0x10B80] =	vst v63  }
0x137: {  	_ =	swait.ge [sflag:s21], $0x500  }
0x138: {  	[sflag:s21] =	ssyncset.done $0x0  }
0x139: {  	[sflag:s21] =	ssyncadd.s32 $0xFFFFFB00  }
0x13a: {  	_ =	swait.ge [sflag:s22], $0x3C00  }
0x13b: {  	[sflag:s22] =	ssyncset.done $0x0  }
0x13c: {  	s0 =	simm.s32 @!p0 $0x6;
	[sflag:s22] =	ssyncadd.s32 $0xFFFFC400  }
0x13d: {  	s30 =	sadd.s32 s30, s10;
	_ =	swait.ge @!p0 [sflag:s0], $0xA00  }
0x13e: {  	s15 =	simm.s32 $0xB480;
	s13 =	simm.s32 $0x10200;
	[sflag:s0] =	ssyncset.done @!p0 $0x0  }
0x13f: {  	s1 =	simm.s32 $0xF2A0;
	[sflag:s0] =	ssyncadd.s32 @!p0 $0xFFFFF600;
	s0 =	simm.s32 $0x40  }
.LBB2_5:
0x140: {  	v1 =	vld [tilespmem:s1+$0xFFFFFFE0]  }
0x141: {  	v2 =	vld [tilespmem:s15+$0xFFFFFD40];
	_ =	sdelay $0x1  }
0x142: {  	v3 =	vld [tilespmem:s15+$0xFFFFFDC0];
	_ =	sdelay $0x1  }
0x143: {  	v4 =	vld [tilespmem:s15+$0xFFFFFE40]  }
0x144: {  	v2 =	vmul.bf16 v2, v1  }
0x145: {  	v5 =	vld [tilespmem:s15+$0xFFFFFEC0]  }
0x146: {  	v3 =	vmul.bf16 v3, v1;
	v2 =	vadd.bf16 v0, v2  }
0x147: {  	v6 =	vld [tilespmem:s15+$0xFFFFFF40]  }
0x148: {  	(erf) = vrcp.bf16 v2;
	v2 =	vadd.bf16 v0, v3;
	v3 =	vmul.bf16 v4, v1  }
0x149: {  	v53 =	vld [tilespmem:s15+$0xFFFFFFC0]  }
0x14a: {  	(erf) = vrcp.bf16 v2;
	v2 =	vadd.bf16 v0, v3;
	v3 =	vmul.bf16 v5, v1;
	_ =	sdelay $0x1  }
0x14b: {  	(erf) = vrcp.bf16 v2;
	v2 =	vadd.bf16 v0, v3;
	v3 =	vmul.bf16 v6, v1;
	_ =	sdelay $0x1  }
0x14c: {  	v1 =	vmul.bf16 v53, v1;
	(erf) = vrcp.bf16 v2;
	v2 =	vadd.bf16 v0, v3;
	_ =	sdelay $0x1  }
0x14d: {  	v1 =	vadd.bf16 v0, v1;
	(erf) = vrcp.bf16 v2;
	_ =	sdelay $0x1  }
0x14e: {  	(erf) = vrcp.bf16 v1  }
0x14f: {  	v54 =	vld [tilespmem:s15+$0xFFFFFE80]  }
0x150: {  	v2 =	vld [tilespmem:s15+$0xFFFFFD80]  }
0x151: {  	v1 =	vld [tilespmem:s15+$0xFFFFFD00]  }
0x152: {  	v3 =	vld [tilespmem:s15+$0xFFFFFE00]  }
0x153: {  	v55 =	vld [tilespmem:s15+$0xFFFFFF00];
	v56 =	vpop (erf)  }
0x154: {  	v7 =	vld [tilespmem:s15+$0xFFFFFF80];
	v8 =	vpop (erf)  }
0x155: {  	v9 =	vpop (erf)  }
0x156: {  	v8 =	vmul.bf16 v8, v2;
	v6 =	vmul.bf16 v56, v1;
	v10 =	vpop (erf)  }
0x157: {  	v9 =	vmul.bf16 v9, v3;
	v1 =	vadd.bf16 v2, v1;
	v10 =	vmul.bf16 v10, v54;
	v11 =	vpop (erf)  }
0x158: {  	v2 =	vadd.bf16 v54, v3;
	v57 =	vadd.bf16 v8, v6;
	v12 =	vpop (erf)  }
0x159: {  	v11 =	vmul.bf16 v11, v55;
	v58 =	vadd.bf16 v10, v9;
	v3 =	vmul.bf16 v12, v7  }
0x15a: {  	v1 =	vadd.bf16 v2, v1;
	v2 =	vadd.bf16 v7, v55  }
0x15b: {  	v4 =	vadd.bf16 v58, v57;
	v3 =	vadd.bf16 v3, v11  }
0x15c: {  	v1 =	vadd.bf16 v2, v1  }
0x15d: {  	v2 =	vadd.bf16 v3, v4  }
0x15e: {  	[tilespmem:s13+$0xFFFFFF80] =	vst v1  }
0x15f: {  	[tilespmem:s13+$0xFFFFFFC0] =	vst v2  }
0x160: {  	v1 =	vld [tilespmem:s1+$0xFFFFFFF0]  }
0x161: {  	v2 =	vld [tilespmem:s15+$0xFFFFFD50];
	_ =	sdelay $0x1  }
0x162: {  	v3 =	vld [tilespmem:s15+$0xFFFFFDD0];
	_ =	sdelay $0x1  }
0x163: {  	v59 =	vld [tilespmem:s15+$0xFFFFFE50]  }
0x164: {  	v2 =	vmul.bf16 v2, v1  }
0x165: {  	v60 =	vld [tilespmem:s15+$0xFFFFFED0]  }
0x166: {  	v3 =	vmul.bf16 v3, v1;
	v2 =	vadd.bf16 v0, v2  }
0x167: {  	v61 =	vld [tilespmem:s15+$0xFFFFFF50]  }
0x168: {  	(erf) = vrcp.bf16 v2;
	v2 =	vadd.bf16 v0, v3;
	v3 =	vmul.bf16 v59, v1  }
0x169: {  	v62 =	vld [tilespmem:s15+$0xFFFFFFD0]  }
0x16a: {  	(erf) = vrcp.bf16 v2;
	v2 =	vadd.bf16 v0, v3;
	v3 =	vmul.bf16 v60, v1;
	_ =	sdelay $0x1  }
0x16b: {  	(erf) = vrcp.bf16 v2;
	v2 =	vadd.bf16 v0, v3;
	v3 =	vmul.bf16 v61, v1;
	_ =	sdelay $0x1  }
0x16c: {  	v1 =	vmul.bf16 v62, v1;
	(erf) = vrcp.bf16 v2;
	v2 =	vadd.bf16 v0, v3;
	_ =	sdelay $0x1  }
0x16d: {  	v1 =	vadd.bf16 v0, v1;
	(erf) = vrcp.bf16 v2;
	_ =	sdelay $0x1  }
0x16e: {  	(erf) = vrcp.bf16 v1  }
0x16f: {  	v63 =	vld [tilespmem:s15+$0xFFFFFE90]  }
0x170: {  	v2 =	vld [tilespmem:s15+$0xFFFFFD90]  }
0x171: {  	v1 =	vld [tilespmem:s15+$0xFFFFFD10]  }
0x172: {  	v3 =	vld [tilespmem:s15+$0xFFFFFE10]  }
0x173: {  	v16 =	vld [tilespmem:s15+$0xFFFFFF10];
	v17 =	vpop (erf)  }
0x174: {  	v18 =	vld [tilespmem:s15+$0xFFFFFF90];
	v19 =	vpop (erf)  }
0x175: {  	v20 =	vpop (erf)  }
0x176: {  	v8 =	vmul.bf16 v19, v2;
	v6 =	vmul.bf16 v17, v1;
	v21 =	vpop (erf)  }
0x177: {  	v9 =	vmul.bf16 v20, v3;
	v1 =	vadd.bf16 v2, v1;
	v10 =	vmul.bf16 v21, v63;
	v22 =	vpop (erf)  }
0x178: {  	v2 =	vadd.bf16 v63, v3;
	v24 =	vadd.bf16 v8, v6;
	v23 =	vpop (erf)  }
0x179: {  	v11 =	vmul.bf16 v22, v16;
	v25 =	vadd.bf16 v10, v9;
	v3 =	vmul.bf16 v23, v18  }
0x17a: {  	v1 =	vadd.bf16 v2, v1;
	v2 =	vadd.bf16 v18, v16  }
0x17b: {  	v4 =	vadd.bf16 v25, v24;
	v3 =	vadd.bf16 v3, v11  }
0x17c: {  	v1 =	vadd.bf16 v2, v1  }
0x17d: {  	v2 =	vadd.bf16 v3, v4  }
0x17e: {  	[tilespmem:s13+$0xFFFFFF90] =	vst v1  }
0x17f: {  	[tilespmem:s13+$0xFFFFFFD0] =	vst v2  }
0x180: {  	v1 =	vld [tilespmem:s1+$0x0]  }
0x181: {  	v2 =	vld [tilespmem:s15+$0xFFFFFD60];
	_ =	sdelay $0x1  }
0x182: {  	v3 =	vld [tilespmem:s15+$0xFFFFFDE0];
	_ =	sdelay $0x1  }
0x183: {  	v26 =	vld [tilespmem:s15+$0xFFFFFE60]  }
0x184: {  	v2 =	vmul.bf16 v2, v1  }
0x185: {  	v27 =	vld [tilespmem:s15+$0xFFFFFEE0]  }
0x186: {  	v3 =	vmul.bf16 v3, v1;
	v2 =	vadd.bf16 v0, v2  }
0x187: {  	v28 =	vld [tilespmem:s15+$0xFFFFFF60]  }
0x188: {  	(erf) = vrcp.bf16 v2;
	v2 =	vadd.bf16 v0, v3;
	v3 =	vmul.bf16 v26, v1  }
0x189: {  	v29 =	vld [tilespmem:s15+$0xFFFFFFE0]  }
0x18a: {  	(erf) = vrcp.bf16 v2;
	v2 =	vadd.bf16 v0, v3;
	v3 =	vmul.bf16 v27, v1;
	_ =	sdelay $0x1  }
0x18b: {  	(erf) = vrcp.bf16 v2;
	v2 =	vadd.bf16 v0, v3;
	v3 =	vmul.bf16 v28, v1;
	_ =	sdelay $0x1  }
0x18c: {  	v1 =	vmul.bf16 v29, v1;
	(erf) = vrcp.bf16 v2;
	v2 =	vadd.bf16 v0, v3;
	_ =	sdelay $0x1  }
0x18d: {  	v1 =	vadd.bf16 v0, v1;
	(erf) = vrcp.bf16 v2;
	_ =	sdelay $0x1  }
0x18e: {  	(erf) = vrcp.bf16 v1  }
0x18f: {  	v30 =	vld [tilespmem:s15+$0xFFFFFEA0]  }
0x190: {  	v2 =	vld [tilespmem:s15+$0xFFFFFDA0]  }
0x191: {  	v1 =	vld [tilespmem:s15+$0xFFFFFD20]  }
0x192: {  	v3 =	vld [tilespmem:s15+$0xFFFFFE20]  }
0x193: {  	v31 =	vld [tilespmem:s15+$0xFFFFFF20];
	v32 =	vpop (erf)  }
0x194: {  	v33 =	vld [tilespmem:s15+$0xFFFFFFA0];
	v34 =	vpop (erf)  }
0x195: {  	v35 =	vpop (erf)  }
0x196: {  	v8 =	vmul.bf16 v34, v2;
	v6 =	vmul.bf16 v32, v1;
	v36 =	vpop (erf)  }
0x197: {  	v9 =	vmul.bf16 v35, v3;
	v1 =	vadd.bf16 v2, v1;
	v10 =	vmul.bf16 v36, v30;
	v37 =	vpop (erf)  }
0x198: {  	v2 =	vadd.bf16 v30, v3;
	v39 =	vadd.bf16 v8, v6;
	v38 =	vpop (erf)  }
0x199: {  	v11 =	vmul.bf16 v37, v31;
	v40 =	vadd.bf16 v10, v9;
	v3 =	vmul.bf16 v38, v33  }
0x19a: {  	v1 =	vadd.bf16 v2, v1;
	v2 =	vadd.bf16 v33, v31  }
0x19b: {  	v4 =	vadd.bf16 v40, v39;
	v3 =	vadd.bf16 v3, v11  }
0x19c: {  	v1 =	vadd.bf16 v2, v1  }
0x19d: {  	v2 =	vadd.bf16 v3, v4  }
0x19e: {  	[tilespmem:s13+$0xFFFFFFA0] =	vst v1  }
0x19f: {  	[tilespmem:s13+$0xFFFFFFE0] =	vst v2  }
0x1a0: {  	v1 =	vld [tilespmem:s1+$0x10]  }
0x1a1: {  	v2 =	vld [tilespmem:s15+$0xFFFFFD70];
	_ =	sdelay $0x1  }
0x1a2: {  	v3 =	vld [tilespmem:s15+$0xFFFFFDF0];
	_ =	sdelay $0x1  }
0x1a3: {  	v41 =	vld [tilespmem:s15+$0xFFFFFE70]  }
0x1a4: {  	v2 =	vmul.bf16 v2, v1  }
0x1a5: {  	v42 =	vld [tilespmem:s15+$0xFFFFFEF0]  }
0x1a6: {  	v3 =	vmul.bf16 v3, v1;
	v2 =	vadd.bf16 v0, v2  }
0x1a7: {  	v43 =	vld [tilespmem:s15+$0xFFFFFF70]  }
0x1a8: {  	(erf) = vrcp.bf16 v2;
	v2 =	vadd.bf16 v0, v3;
	v3 =	vmul.bf16 v41, v1  }
0x1a9: {  	v44 =	vld [tilespmem:s15+$0xFFFFFFF0]  }
0x1aa: {  	(erf) = vrcp.bf16 v2;
	v2 =	vadd.bf16 v0, v3;
	v3 =	vmul.bf16 v42, v1;
	_ =	sdelay $0x1  }
0x1ab: {  	(erf) = vrcp.bf16 v2;
	v2 =	vadd.bf16 v0, v3;
	v3 =	vmul.bf16 v43, v1;
	_ =	sdelay $0x1  }
0x1ac: {  	v1 =	vmul.bf16 v44, v1;
	(erf) = vrcp.bf16 v2;
	v2 =	vadd.bf16 v0, v3;
	_ =	sdelay $0x1  }
0x1ad: {  	v1 =	vadd.bf16 v0, v1;
	(erf) = vrcp.bf16 v2;
	_ =	sdelay $0x1  }
0x1ae: {  	(erf) = vrcp.bf16 v1  }
0x1af: {  	v45 =	vld [tilespmem:s15+$0xFFFFFEB0]  }
0x1b0: {  	v2 =	vld [tilespmem:s15+$0xFFFFFDB0]  }
0x1b1: {  	v1 =	vld [tilespmem:s15+$0xFFFFFD30]  }
0x1b2: {  	v3 =	vld [tilespmem:s15+$0xFFFFFE30]  }
0x1b3: {  	v46 =	vld [tilespmem:s15+$0xFFFFFF30];
	v47 =	vpop (erf)  }
0x1b4: {  	v48 =	vld [tilespmem:s15+$0xFFFFFFB0];
	v49 =	vpop (erf)  }
0x1b5: {  	v50 =	vpop (erf)  }
0x1b6: {  	v8 =	vmul.bf16 v49, v2;
	v6 =	vmul.bf16 v47, v1;
	v51 =	vpop (erf)  }
0x1b7: {  	v9 =	vmul.bf16 v50, v3;
	v1 =	vadd.bf16 v2, v1;
	v10 =	vmul.bf16 v51, v45;
	v52 =	vpop (erf)  }
0x1b8: {  	v2 =	vadd.bf16 v45, v3;
	v54 =	vadd.bf16 v8, v6;
	v53 =	vpop (erf)  }
0x1b9: {  	v11 =	vmul.bf16 v52, v46;
	v55 =	vadd.bf16 v10, v9;
	v3 =	vmul.bf16 v53, v48  }
0x1ba: {  	v1 =	vadd.bf16 v2, v1;
	v2 =	vadd.bf16 v48, v46  }
0x1bb: {  	v4 =	vadd.bf16 v55, v54;
	v3 =	vadd.bf16 v3, v11  }
0x1bc: {  	v1 =	vadd.bf16 v2, v1  }
0x1bd: {  	v2 =	vadd.bf16 v3, v4  }
0x1be: {  	[tilespmem:s13+$0xFFFFFFB0] =	vst v1  }
0x1bf: {  	[tilespmem:s13+$0xFFFFFFF0] =	vst v2  }
0x1c0: {  	v1 =	vld [tilespmem:s1+$0x20]  }
0x1c1: {  	v2 =	vld [tilespmem:s15+$0x40];
	_ =	sdelay $0x1  }
0x1c2: {  	v3 =	vld [tilespmem:s15+$0xC0];
	_ =	sdelay $0x1  }
0x1c3: {  	v56 =	vld [tilespmem:s15+$0x140]  }
0x1c4: {  	v2 =	vmul.bf16 v2, v1  }
0x1c5: {  	v57 =	vld [tilespmem:s15+$0x1C0]  }
0x1c6: {  	v3 =	vmul.bf16 v3, v1;
	v2 =	vadd.bf16 v0, v2  }
0x1c7: {  	v58 =	vld [tilespmem:s15+$0x240]  }
0x1c8: {  	(erf) = vrcp.bf16 v2;
	v2 =	vadd.bf16 v0, v3;
	v3 =	vmul.bf16 v56, v1  }
0x1c9: {  	v59 =	vld [tilespmem:s15+$0x2C0]  }
0x1ca: {  	(erf) = vrcp.bf16 v2;
	v2 =	vadd.bf16 v0, v3;
	v3 =	vmul.bf16 v57, v1;
	_ =	sdelay $0x1  }
0x1cb: {  	(erf) = vrcp.bf16 v2;
	v2 =	vadd.bf16 v0, v3;
	v3 =	vmul.bf16 v58, v1;
	_ =	sdelay $0x1  }
0x1cc: {  	v1 =	vmul.bf16 v59, v1;
	(erf) = vrcp.bf16 v2;
	v2 =	vadd.bf16 v0, v3;
	_ =	sdelay $0x1  }
0x1cd: {  	v1 =	vadd.bf16 v0, v1;
	(erf) = vrcp.bf16 v2;
	_ =	sdelay $0x1  }
0x1ce: {  	(erf) = vrcp.bf16 v1  }
0x1cf: {  	v60 =	vld [tilespmem:s15+$0x180]  }
0x1d0: {  	v2 =	vld [tilespmem:s15+$0x80]  }
0x1d1: {  	v1 =	vld [tilespmem:s15+$0x0]  }
0x1d2: {  	v3 =	vld [tilespmem:s15+$0x100]  }
0x1d3: {  	v61 =	vld [tilespmem:s15+$0x200];
	v62 =	vpop (erf)  }
0x1d4: {  	v63 =	vld [tilespmem:s15+$0x280];
	v12 =	vpop (erf)  }
0x1d5: {  	v13 =	vpop (erf)  }
0x1d6: {  	v8 =	vmul.bf16 v12, v2;
	v6 =	vmul.bf16 v62, v1;
	v14 =	vpop (erf)  }
0x1d7: {  	v9 =	vmul.bf16 v13, v3;
	v1 =	vadd.bf16 v2, v1;
	v10 =	vmul.bf16 v14, v60;
	v15 =	vpop (erf)  }
0x1d8: {  	v2 =	vadd.bf16 v60, v3;
	v17 =	vadd.bf16 v8, v6;
	v16 =	vpop (erf)  }
0x1d9: {  	v11 =	vmul.bf16 v15, v61;
	v18 =	vadd.bf16 v10, v9;
	v3 =	vmul.bf16 v16, v63  }
0x1da: {  	v1 =	vadd.bf16 v2, v1;
	v2 =	vadd.bf16 v63, v61  }
0x1db: {  	v4 =	vadd.bf16 v18, v17;
	v3 =	vadd.bf16 v3, v11  }
0x1dc: {  	v1 =	vadd.bf16 v2, v1  }
0x1dd: {  	v2 =	vadd.bf16 v3, v4  }
0x1de: {  	[tilespmem:s13+$0x0] =	vst v1  }
0x1df: {  	s7 =	sor.u32 $0x50, s0;
	[tilespmem:s13+$0x40] =	vst v2  }
0x1e0: {  	v1 =	vld [tilespmem:s7+$0xF280]  }
0x1e1: {  	v2 =	vld [tilespmem:s15+$0x50];
	_ =	sdelay $0x1  }
0x1e2: {  	v3 =	vld [tilespmem:s15+$0xD0];
	_ =	sdelay $0x1  }
0x1e3: {  	v19 =	vld [tilespmem:s15+$0x150]  }
0x1e4: {  	v2 =	vmul.bf16 v2, v1  }
0x1e5: {  	v20 =	vld [tilespmem:s15+$0x1D0]  }
0x1e6: {  	v3 =	vmul.bf16 v3, v1;
	v2 =	vadd.bf16 v0, v2  }
0x1e7: {  	v21 =	vld [tilespmem:s15+$0x250]  }
0x1e8: {  	(erf) = vrcp.bf16 v2;
	v2 =	vadd.bf16 v0, v3;
	v3 =	vmul.bf16 v19, v1  }
0x1e9: {  	v22 =	vld [tilespmem:s15+$0x2D0]  }
0x1ea: {  	(erf) = vrcp.bf16 v2;
	v2 =	vadd.bf16 v0, v3;
	v3 =	vmul.bf16 v20, v1;
	_ =	sdelay $0x1  }
0x1eb: {  	(erf) = vrcp.bf16 v2;
	v2 =	vadd.bf16 v0, v3;
	v3 =	vmul.bf16 v21, v1;
	_ =	sdelay $0x1  }
0x1ec: {  	v1 =	vmul.bf16 v22, v1;
	(erf) = vrcp.bf16 v2;
	v2 =	vadd.bf16 v0, v3;
	_ =	sdelay $0x1  }
0x1ed: {  	v1 =	vadd.bf16 v0, v1;
	(erf) = vrcp.bf16 v2;
	_ =	sdelay $0x1  }
0x1ee: {  	(erf) = vrcp.bf16 v1  }
0x1ef: {  	v23 =	vld [tilespmem:s15+$0x190]  }
0x1f0: {  	v2 =	vld [tilespmem:s15+$0x90]  }
0x1f1: {  	v1 =	vld [tilespmem:s15+$0x10]  }
0x1f2: {  	v3 =	vld [tilespmem:s15+$0x110]  }
0x1f3: {  	v24 =	vld [tilespmem:s15+$0x210];
	v25 =	vpop (erf)  }
0x1f4: {  	v26 =	vld [tilespmem:s15+$0x290];
	v27 =	vpop (erf)  }
0x1f5: {  	v28 =	vpop (erf)  }
0x1f6: {  	v8 =	vmul.bf16 v27, v2;
	v6 =	vmul.bf16 v25, v1;
	v29 =	vpop (erf)  }
0x1f7: {  	v9 =	vmul.bf16 v28, v3;
	v1 =	vadd.bf16 v2, v1;
	v10 =	vmul.bf16 v29, v23;
	v30 =	vpop (erf)  }
0x1f8: {  	v2 =	vadd.bf16 v23, v3;
	v32 =	vadd.bf16 v8, v6;
	v31 =	vpop (erf)  }
0x1f9: {  	v11 =	vmul.bf16 v30, v24;
	v33 =	vadd.bf16 v10, v9;
	v3 =	vmul.bf16 v31, v26  }
0x1fa: {  	v1 =	vadd.bf16 v2, v1;
	v2 =	vadd.bf16 v26, v24  }
0x1fb: {  	v4 =	vadd.bf16 v33, v32;
	v3 =	vadd.bf16 v3, v11  }
0x1fc: {  	v1 =	vadd.bf16 v2, v1  }
0x1fd: {  	v2 =	vadd.bf16 v3, v4  }
0x1fe: {  	[tilespmem:s13+$0x10] =	vst v1  }
0x1ff: {  	s31 =	sor.u32 $0x60, s0;
	[tilespmem:s13+$0x50] =	vst v2  }
0x200: {  	v1 =	vld [tilespmem:s31+$0xF280]  }
0x201: {  	v2 =	vld [tilespmem:s15+$0x60];
	_ =	sdelay $0x1  }
0x202: {  	v3 =	vld [tilespmem:s15+$0xE0];
	_ =	sdelay $0x1  }
0x203: {  	v34 =	vld [tilespmem:s15+$0x160]  }
0x204: {  	v2 =	vmul.bf16 v2, v1  }
0x205: {  	v35 =	vld [tilespmem:s15+$0x1E0]  }
0x206: {  	v3 =	vmul.bf16 v3, v1;
	v2 =	vadd.bf16 v0, v2  }
0x207: {  	v36 =	vld [tilespmem:s15+$0x260]  }
0x208: {  	(erf) = vrcp.bf16 v2;
	v2 =	vadd.bf16 v0, v3;
	v3 =	vmul.bf16 v34, v1  }
0x209: {  	v37 =	vld [tilespmem:s15+$0x2E0]  }
0x20a: {  	(erf) = vrcp.bf16 v2;
	v2 =	vadd.bf16 v0, v3;
	v3 =	vmul.bf16 v35, v1;
	_ =	sdelay $0x1  }
0x20b: {  	(erf) = vrcp.bf16 v2;
	v2 =	vadd.bf16 v0, v3;
	v3 =	vmul.bf16 v36, v1;
	_ =	sdelay $0x1  }
0x20c: {  	v1 =	vmul.bf16 v37, v1;
	(erf) = vrcp.bf16 v2;
	v2 =	vadd.bf16 v0, v3;
	_ =	sdelay $0x1  }
0x20d: {  	v1 =	vadd.bf16 v0, v1;
	(erf) = vrcp.bf16 v2;
	_ =	sdelay $0x1  }
0x20e: {  	(erf) = vrcp.bf16 v1  }
0x20f: {  	v38 =	vld [tilespmem:s15+$0x1A0]  }
0x210: {  	v2 =	vld [tilespmem:s15+$0xA0]  }
0x211: {  	v1 =	vld [tilespmem:s15+$0x20]  }
0x212: {  	v3 =	vld [tilespmem:s15+$0x120]  }
0x213: {  	v39 =	vld [tilespmem:s15+$0x220];
	v40 =	vpop (erf)  }
0x214: {  	v41 =	vld [tilespmem:s15+$0x2A0];
	v42 =	vpop (erf)  }
0x215: {  	v43 =	vpop (erf)  }
0x216: {  	v8 =	vmul.bf16 v42, v2;
	v6 =	vmul.bf16 v40, v1;
	v44 =	vpop (erf)  }
0x217: {  	v9 =	vmul.bf16 v43, v3;
	v1 =	vadd.bf16 v2, v1;
	v10 =	vmul.bf16 v44, v38;
	v45 =	vpop (erf)  }
0x218: {  	v2 =	vadd.bf16 v38, v3;
	v47 =	vadd.bf16 v8, v6;
	v46 =	vpop (erf)  }
0x219: {  	v11 =	vmul.bf16 v45, v39;
	v48 =	vadd.bf16 v10, v9;
	v3 =	vmul.bf16 v46, v41  }
0x21a: {  	v1 =	vadd.bf16 v2, v1;
	v2 =	vadd.bf16 v41, v39  }
0x21b: {  	v4 =	vadd.bf16 v48, v47;
	v3 =	vadd.bf16 v3, v11  }
0x21c: {  	v1 =	vadd.bf16 v2, v1  }
0x21d: {  	v2 =	vadd.bf16 v3, v4  }
0x21e: {  	[tilespmem:s13+$0x20] =	vst v1  }
0x21f: {  	s31 =	sor.u32 $0x70, s0;
	[tilespmem:s13+$0x60] =	vst v2  }
0x220: {  	v1 =	vld [tilespmem:s31+$0xF280]  }
0x221: {  	v2 =	vld [tilespmem:s15+$0x70];
	_ =	sdelay $0x1  }
0x222: {  	v3 =	vld [tilespmem:s15+$0xF0];
	_ =	sdelay $0x1  }
0x223: {  	v49 =	vld [tilespmem:s15+$0x170]  }
0x224: {  	v2 =	vmul.bf16 v2, v1  }
0x225: {  	v50 =	vld [tilespmem:s15+$0x1F0]  }
0x226: {  	v3 =	vmul.bf16 v3, v1;
	v2 =	vadd.bf16 v0, v2  }
0x227: {  	v51 =	vld [tilespmem:s15+$0x270]  }
0x228: {  	(erf) = vrcp.bf16 v2;
	v2 =	vadd.bf16 v0, v3;
	v3 =	vmul.bf16 v49, v1  }
0x229: {  	v52 =	vld [tilespmem:s15+$0x2F0]  }
0x22a: {  	(erf) = vrcp.bf16 v2;
	v2 =	vadd.bf16 v0, v3;
	v3 =	vmul.bf16 v50, v1;
	_ =	sdelay $0x1  }
0x22b: {  	(erf) = vrcp.bf16 v2;
	v2 =	vadd.bf16 v0, v3;
	v3 =	vmul.bf16 v51, v1;
	_ =	sdelay $0x1  }
0x22c: {  	v1 =	vmul.bf16 v52, v1;
	(erf) = vrcp.bf16 v2;
	v2 =	vadd.bf16 v0, v3;
	_ =	sdelay $0x1  }
0x22d: {  	v1 =	vadd.bf16 v0, v1;
	(erf) = vrcp.bf16 v2;
	_ =	sdelay $0x1  }
0x22e: {  	(erf) = vrcp.bf16 v1  }
0x22f: {  	v53 =	vld [tilespmem:s15+$0x1B0]  }
0x230: {  	v2 =	vld [tilespmem:s15+$0xB0]  }
0x231: {  	v1 =	vld [tilespmem:s15+$0x30]  }
0x232: {  	v3 =	vld [tilespmem:s15+$0x130]  }
0x233: {  	v55 =	vld [tilespmem:s15+$0x230];
	v54 =	vpop (erf)  }
0x234: {  	v57 =	vld [tilespmem:s15+$0x2B0];
	v56 =	vpop (erf)  }
0x235: {  	v58 =	vpop (erf)  }
0x236: {  	v7 =	vmul.bf16 v56, v2;
	v5 =	vmul.bf16 v54, v1;
	v59 =	vpop (erf)  }
0x237: {  	v9 =	vmul.bf16 v58, v3;
	v1 =	vadd.bf16 v2, v1;
	v10 =	vmul.bf16 v59, v53;
	v60 =	vpop (erf)  }
0x238: {  	v2 =	vadd.bf16 v53, v3;
	v62 =	vadd.bf16 v7, v5;
	v61 =	vpop (erf)  }
0x239: {  	v11 =	vmul.bf16 v60, v55;
	v63 =	vadd.bf16 v10, v9;
	v3 =	vmul.bf16 v61, v57  }
0x23a: {  	p0 =	sne.s32 s0, $0x4C0;
	v1 =	vadd.bf16 v2, v1;
	v2 =	vadd.bf16 v57, v55  }
.Ltmp3:
0x23b: {  	v4 =	vadd.bf16 v63, v62;
	v3 =	vadd.bf16 v3, v11;
	(pc) =	sbr.rel @p0 .LBB2_5-.Ltmp3, $4  }
0x23c: {  	v1 =	vadd.bf16 v2, v1  }
0x23d: {  	v2 =	vadd.bf16 v3, v4  }
0x23e: {  	s1 =	sadd.s32 $0x80, s1;
	[tilespmem:s13+$0x30] =	vst v1  }
0x23f: {  	s0 =	sadd.s32 $0x80, s0;
	s15 =	sadd.s32 $0x600, s15;
	[tilespmem:s13+$0x70] =	vst v2;
	s13 =	sadd.s32 $0x100, s13  }
.Ltmp4:
0x240: {  	(pc) =	sbr.rel @p1 .LBB2_8-.Ltmp4, $4  }
0x241: {  	s0 =	sshll.u32 s30, $0x4  }
0x242: {  	s0 =	sand.u32 $0x1FFFFFC0, s0  }
0x243: {  	s0 =	sadd.s32 s5, s0  }
0x244: {  	[hbm4b:s0+s2] =	stream.linear.scatter [tilespmem:s23], [sflag:$0x6], $0xA00, $0x38;
	[tilespmem:$0x10B80] =	vst v63  }
0x245: {  	s0 =	sadd.s32 $0x3, s29  }
0x246: {  	s1 =	smul.u32 $0x14, s0;
	_ =	sdelay $0x1  }
0x247: {  	s1 =	sadd.s32 s6, s1  }
0x248: {  	s1 =	sshll.u32 s1, $0x3  }
.Ltmp5:
0x249: {  	s1 =	sand.u32 $0x1FFFFFE0, s1;
	(pc) =	sbr.rel .LBB2_2-.Ltmp5, $4  }
0x24a: {  	s0 =	smul.u32 $0x1E0, s0;
	s1 =	sadd.s32 s4, s1  }
0x24b: {  	[tilespmem:s16], [sflag:$0x4] =	stream.linear.gather [hbm4b:s1+s2], $0x500, $0x38;
	[tilespmem:$0x10B80] =	vst v63  }
0x24c: {  	s28 =	sadd.s32 $0x1, s28;
	s0 =	sshra.s32 s0, $0x2  }
0x24d: {  	[tilespmem:s17], [sflag:$0x2] =	stream.indirect.gather [hbm4b:s3+s14], $0x80, s0, s14, $0xb8;
	[tilespmem:$0x10B80] =	vst v63  }
.LBB2_9:
0x24e: {  	_ =	sfence.sel $0x180000  }
0x24f: {  	[bflag:$0x0] =	sbarrier.arrive $0xFFFF  }
0x250: {  	_ =	strace $0x90000047  }
0x251: {  	s0 =	stileid.u32;
	[bflag:$0x2] =	sbarrier.arrive $0xFFFF  }
0x252: {  	p0 =	sne.s32 s0, $0x0;
	s0 =	rddreg [dreg:$0x1]  }
0x253: {  	s0 =	sadd.s32 @!p0 $0x100000, s0  }
0x254: {  	[sflag:s0] =	ssyncadd.tile.s32 @!p0 $0x1;
	_ =	shalt  }
.Lfunc_end2:
_tile_overlayer_lowered:
.L_overlay_start_2:
0x255: {  	(tag) =	ssettag $0x2  }
0x256: {  	s0 =	rddreg [dreg:$0x0];
	s2 =	stileid.u32  }
0x257: {  	s1 =	rddreg [dreg:$0x1];
	p0 =	sne.s32 s2, $0x0  }
0x258: {  	s3 =	rddreg [dreg:$0x2];
	[bflag:$0x3] =	sbarrier.arrive $0xFFFF;
	s2 =	simm.s32 @!p0 $0x1C07  }
0x259: {  	[timem:s3], [sflag:s2] =	dma.local @!p0 [hbm:s0], s1  }
0x25a: {  	s0 =	simm.s32 @!p0 $0x7  }
0x25b: {  	_ =	swait.ge @!p0 [sflag:s0], s1  }
0x25c: {  	s1 =	ssub.s32 @!p0 $0x0, s1;
	[sflag:s0] =	ssyncset.done @!p0 $0x0  }
0x25d: {  	[sflag:s0] =	ssyncadd.s32 @!p0 s1  }
0x25e: {  	[bflag:$0x3] =	sbarrier.arrive $0xFFFF  }
0x25f: {  	_ =	shalt  }

</sc_bundles>
